<compile_context>
chip_gen: v7x
topology: tpu7x:2x2x1
jax: 0.10.2.dev20260603
libtpu: 0.0.44.dev20260713+nightly
codegen_flags: <defaults>
</compile_context>

<pallas_src>
import functools

import jax
import jax.numpy as jnp
from jax import lax
from jax.experimental import pallas as pl
from jax.experimental.pallas import tpu as pltpu
from jax.experimental.pallas import tpu_sc as plsc

NC = 2
NS = 16
NW = NC * NS
L = 16

CH_GIN = 128
CH_GAT = 64
ZR = 128
F = 128


def _ceil_div(a, b):
    return (a + b - 1) // b


G = 16


def _make_segsum(n_rows, n_acc, nchunks_per_tile, ch):
    mesh = plsc.VectorSubcoreMesh(core_axis_name="c", subcore_axis_name="s")
    nzb = _ceil_div(n_acc, ch)
    nob = _ceil_div(n_acc, ZR)
    assert nchunks_per_tile % G == 0

    @functools.partial(
        pl.kernel,
        out_type=jax.ShapeDtypeStruct((NC, n_acc, F), jnp.float32),
        mesh=mesh,
        compiler_params=pltpu.CompilerParams(needs_layout_passes=False),
        scratch_types=[
            pltpu.VMEM((G, ch), jnp.int32),
            pltpu.VMEM((G, ch), jnp.int32),
            pltpu.VMEM((2, ch, F), jnp.float32),
            pltpu.VMEM_SHARED((n_rows, F), jnp.float32),
            pltpu.SemaphoreType.DMA,
            pltpu.SemaphoreType.DMA,
        ],
    )
    def segsum(x_hbm, eidx_hbm, out_hbm, sibuf, dibuf, rows, acc, gs0, gs1):
        core = lax.axis_index("c")
        sub = lax.axis_index("s")
        wid = sub * NC + core

        z16 = jnp.zeros((L,), jnp.float32)

        def zrow(i, _):
            for j in range(F // L):
                rows[0, i, pl.ds(j * L, L)] = z16
            return 0

        lax.fori_loop(0, ch, zrow, 0)

        def zdesc(z):
            bz = sub + z * NS
            off = jnp.minimum(bz * ch, n_acc - ch)
            return pltpu.make_async_copy(rows.at[0], acc.at[pl.ds(off, ch), :], gs1)

        nz = (nzb - sub + NS - 1) // NS
        lax.fori_loop(0, nz, lambda z, _: (zdesc(z).start(), 0)[1], 0)
        lax.fori_loop(0, nz, lambda z, _: (zdesc(z).wait(), 0)[1], 0)
        if n_rows > n_acc:

            @pl.when(sub == 0)
            def _():
                pltpu.sync_copy(
                    rows.at[0, pl.ds(0, n_rows - n_acc), :],
                    acc.at[pl.ds(n_acc, n_rows - n_acc), :],
                )

        plsc.subcore_barrier()

        def gather(kk, b, sem):
            return pltpu.make_async_copy(
                x_hbm.at[sibuf.at[kk]], rows.at[b], sem
            )

        def scat(kk, b):
            pltpu.sync_copy(rows.at[b], acc.at[dibuf.at[kk]], add=True)

        def grp(g, _):
            pltpu.sync_copy(eidx_hbm.at[0, wid, pl.ds(g * G, G)], sibuf)
            pltpu.sync_copy(eidx_hbm.at[1, wid, pl.ds(g * G, G)], dibuf)
            gather(0, 0, gs0).start()

            def pair(p, _):
                k0 = 2 * p
                k1 = k0 + 1
                gather(k1, 1, gs1).start()
                gather(k0, 0, gs0).wait()
                scat(k0, 0)

                @pl.when(k1 + 1 < G)
                def _():
                    gather(k1 + 1, 0, gs0).start()

                gather(k1, 1, gs1).wait()
                scat(k1, 1)
                return 0

            lax.fori_loop(0, G // 2, pair, 0)
            return 0

        lax.fori_loop(0, nchunks_per_tile // G, grp, 0)

        plsc.subcore_barrier()

        def odesc(z):
            bz = sub + z * NS
            off = jnp.minimum(bz * ZR, n_acc - ZR)
            return pltpu.make_async_copy(
                acc.at[pl.ds(off, ZR), :], out_hbm.at[core, pl.ds(off, ZR), :],
                gs1,
            )

        no = (nob - sub + NS - 1) // NS
        lax.fori_loop(0, no, lambda z, _: (odesc(z).start(), 0)[1], 0)
        lax.fori_loop(0, no, lambda z, _: (odesc(z).wait(), 0)[1], 0)

    return segsum


def _make_gat_edges(n_rows, n_acc, nchunks_per_tile, ch):
    mesh = plsc.VectorSubcoreMesh(core_axis_name="c", subcore_axis_name="s")
    nzb = _ceil_div(n_acc, ch)
    nob = _ceil_div(n_acc, ZR)
    assert nchunks_per_tile % G == 0

    @functools.partial(
        pl.kernel,
        out_type=(
            jax.ShapeDtypeStruct((NC, n_acc, F), jnp.float32),
            jax.ShapeDtypeStruct((NC * n_acc,), jnp.float32),
        ),
        mesh=mesh,
        compiler_params=pltpu.CompilerParams(needs_layout_passes=False),
        scratch_types=[
            pltpu.VMEM((G, ch), jnp.int32),
            pltpu.VMEM((G, ch), jnp.int32),
            pltpu.VMEM((n_acc,), jnp.float32),
            pltpu.VMEM((n_acc,), jnp.float32),
            pltpu.VMEM((L,), jnp.float32),
            pltpu.VMEM((L,), jnp.float32),
            pltpu.VMEM((2, ch, F), jnp.float32),
            pltpu.VMEM((ch,), jnp.float32),
            pltpu.VMEM_SHARED((n_rows, F), jnp.float32),
            pltpu.VMEM_SHARED((n_rows,), jnp.float32),
            pltpu.SemaphoreType.DMA,
            pltpu.SemaphoreType.DMA,
        ],
    )
    def gat(h_hbm, s_hbm, t_hbm, smax_hbm, tmax_hbm, eidx_hbm,
            num_hbm, den_hbm, sibuf, dibuf, sv, tv, smv, tmv, rows, ee,
            accn, accd, gs0, gs1):
        core = lax.axis_index("c")
        sub = lax.axis_index("s")
        wid = sub * NC + core

        z16 = jnp.zeros((L,), jnp.float32)

        def zrow(i, _):
            for j in range(F // L):
                rows[0, i, pl.ds(j * L, L)] = z16
            return 0

        lax.fori_loop(0, ch, zrow, 0)
        for j in range(ch // L):
            ee[pl.ds(j * L, L)] = z16

        def zdescn(z):
            bz = sub + z * NS
            off = jnp.minimum(bz * ch, n_acc - ch)
            return pltpu.make_async_copy(rows.at[0], accn.at[pl.ds(off, ch), :], gs0)

        def zdescd(z):
            bz = sub + z * NS
            off = jnp.minimum(bz * ch, n_acc - ch)
            return pltpu.make_async_copy(ee, accd.at[pl.ds(off, ch)], gs1)

        nz = (nzb - sub + NS - 1) // NS
        lax.fori_loop(0, nz, lambda z, _: (zdescn(z).start(), zdescd(z).start(), 0)[2], 0)
        lax.fori_loop(0, nz, lambda z, _: (zdescn(z).wait(), zdescd(z).wait(), 0)[2], 0)

        if n_rows > n_acc:

            @pl.when(sub == 0)
            def _():
                pltpu.sync_copy(
                    rows.at[0, pl.ds(0, n_rows - n_acc), :],
                    accn.at[pl.ds(n_acc, n_rows - n_acc), :],
                )
                pltpu.sync_copy(
                    ee.at[pl.ds(0, n_rows - n_acc)],
                    accd.at[pl.ds(n_acc, n_rows - n_acc)],
                )

        pltpu.sync_copy(s_hbm, sv)
        pltpu.sync_copy(t_hbm, tv)
        pltpu.sync_copy(smax_hbm, smv)
        pltpu.sync_copy(tmax_hbm, tmv)

        plsc.subcore_barrier()

        cbound = jnp.maximum(smv[...] + tmv[...], 0.0)

        def gather(kk, b, sem):
            return pltpu.make_async_copy(
                h_hbm.at[sibuf.at[kk]], rows.at[b], sem
            )

        def process(kk, b):
            for j in range(ch // L):
                si = sibuf[kk, pl.ds(j * L, L)]
                di = dibuf[kk, pl.ds(j * L, L)]
                svv = plsc.load_gather(sv, [si])
                tvv = plsc.load_gather(tv, [di])
                e = svv + tvv
                e = jnp.maximum(e, 0.2 * e)
                ee[pl.ds(j * L, L)] = jnp.exp(e - cbound)

            def scale(i, _):
                w = plsc.load_gather(ee, [jnp.full((L,), 0, jnp.int32) + i])
                for j in range(F // L):
                    rows[b, i, pl.ds(j * L, L)] = rows[b, i, pl.ds(j * L, L)] * w
                return 0

            lax.fori_loop(0, ch, scale, 0)
            pltpu.sync_copy(rows.at[b], accn.at[dibuf.at[kk]], add=True)
            pltpu.sync_copy(ee, accd.at[dibuf.at[kk]], add=True)

        def grp(g, _):
            pltpu.sync_copy(eidx_hbm.at[0, wid, pl.ds(g * G, G)], sibuf)
            pltpu.sync_copy(eidx_hbm.at[1, wid, pl.ds(g * G, G)], dibuf)
            gather(0, 0, gs0).start()

            def pair(p, _):
                k0 = 2 * p
                k1 = k0 + 1
                gather(k1, 1, gs1).start()
                gather(k0, 0, gs0).wait()
                process(k0, 0)

                @pl.when(k1 + 1 < G)
                def _():
                    gather(k1 + 1, 0, gs0).start()

                gather(k1, 1, gs1).wait()
                process(k1, 1)
                return 0

            lax.fori_loop(0, G // 2, pair, 0)
            return 0

        lax.fori_loop(0, nchunks_per_tile // G, grp, 0)

        plsc.subcore_barrier()

        def odescn(z):
            bz = sub + z * NS
            off = jnp.minimum(bz * ZR, n_acc - ZR)
            return pltpu.make_async_copy(
                accn.at[pl.ds(off, ZR), :], num_hbm.at[core, pl.ds(off, ZR), :],
                gs0,
            )

        def odescd1(z):
            bz = sub + z * NS
            off = jnp.minimum(bz * ch, n_acc - ch)
            return pltpu.make_async_copy(
                accd.at[pl.ds(off, ch)],
                rows.at[0, lax.rem(z, ch), pl.ds(0, ch)], gs1,
            )

        def odescd2(z):
            bz = sub + z * NS
            off = jnp.minimum(bz * ch, n_acc - ch)
            return pltpu.make_async_copy(
                rows.at[0, lax.rem(z, ch), pl.ds(0, ch)],
                den_hbm.at[pl.ds(core * n_acc + off, ch)], gs1,
            )

        no = (nob - sub + NS - 1) // NS
        lax.fori_loop(0, no, lambda z, _: (odescn(z).start(), 0)[1], 0)
        lax.fori_loop(0, nz, lambda z, _: (odescd1(z).start(), 0)[1], 0)
        lax.fori_loop(0, no, lambda z, _: (odescn(z).wait(), 0)[1], 0)
        lax.fori_loop(0, nz, lambda z, _: (odescd1(z).wait(), 0)[1], 0)
        lax.fori_loop(0, nz, lambda z, _: (odescd2(z).start(), 0)[1], 0)
        lax.fori_loop(0, nz, lambda z, _: (odescd2(z).wait(), 0)[1], 0)

    return gat


def _gin_mlp(x, agg, wq1, bq1, wq2, bq2, wd1, bd1, wd2, bd2, nq, outer_relu):
    n = x.shape[0]
    B = nq
    grid = _ceil_div(n, B)

    def body(x_ref, a_ref, wq1_ref, bq1_ref, wq2_ref, bq2_ref,
             wd1_ref, bd1_ref, wd2_ref, bd2_ref, o_ref):
        i = pl.program_id(0)
        isq = i == 0
        w1 = jnp.where(isq, wq1_ref[...], wd1_ref[...])
        b1 = jnp.where(isq, bq1_ref[...], bd1_ref[...])
        w2 = jnp.where(isq, wq2_ref[...], wd2_ref[...])
        b2 = jnp.where(isq, bq2_ref[...], bd2_ref[...])
        a = a_ref[...]
        xa = x_ref[...] + a[0] + a[1]
        h = jnp.maximum(
            jnp.dot(xa, w1, preferred_element_type=jnp.float32) + b1[None, :],
            0.0,
        )
        h = jnp.dot(h, w2, preferred_element_type=jnp.float32) + b2[None, :]
        if outer_relu:
            h = jnp.maximum(h, 0.0)
        o_ref[...] = h

    wspec = pl.BlockSpec((F, F), lambda i: (0, 0))
    bspec = pl.BlockSpec((F,), lambda i: (0,))
    return pl.pallas_call(
        body,
        grid=(grid,),
        in_specs=[
            pl.BlockSpec((B, F), lambda i: (i, 0)),
            pl.BlockSpec((NC, B, F), lambda i: (0, i, 0)),
            wspec, bspec, wspec, bspec, wspec, bspec, wspec, bspec,
        ],
        out_specs=pl.BlockSpec((B, F), lambda i: (i, 0)),
        out_shape=jax.ShapeDtypeStruct((n, F), jnp.float32),
    )(x, agg, wq1, bq1, wq2, bq2, wd1, bd1, wd2, bd2)


def _gat_pre(x, w, a_src, a_dst):
    n = x.shape[0]
    B = 1024
    grid = _ceil_div(n, B)
    neg = -3.0e38

    def body(x_ref, w_ref, as_ref, ad_ref, h_ref, s_ref, t_ref, sm_ref, tm_ref):
        i = pl.program_id(0)
        h = jnp.dot(x_ref[...], w_ref[...], preferred_element_type=jnp.float32)
        h_ref[...] = h
        s = jnp.dot(h, as_ref[...][:, None], preferred_element_type=jnp.float32)
        t = jnp.dot(h, ad_ref[...][:, None], preferred_element_type=jnp.float32)
        s_ref[...] = s
        t_ref[...] = t
        rows = i * B + lax.broadcasted_iota(jnp.int32, (B, 1), 0)
        valid = rows < n
        sm = jnp.max(jnp.where(valid, s, neg))
        tm = jnp.max(jnp.where(valid, t, neg))

        @pl.when(i == 0)
        def _():
            sm_ref[...] = jnp.full((L,), neg, jnp.float32)
            tm_ref[...] = jnp.full((L,), neg, jnp.float32)

        sm_ref[...] = jnp.maximum(sm_ref[...], sm)
        tm_ref[...] = jnp.maximum(tm_ref[...], tm)

    return pl.pallas_call(
        body,
        grid=(grid,),
        in_specs=[
            pl.BlockSpec((B, F), lambda i: (i, 0)),
            pl.BlockSpec((F, F), lambda i: (0, 0)),
            pl.BlockSpec((F,), lambda i: (0,)),
            pl.BlockSpec((F,), lambda i: (0,)),
        ],
        out_specs=[
            pl.BlockSpec((B, F), lambda i: (i, 0)),
            pl.BlockSpec((B, 1), lambda i: (i, 0)),
            pl.BlockSpec((B, 1), lambda i: (i, 0)),
            pl.BlockSpec((L,), lambda i: (0,)),
            pl.BlockSpec((L,), lambda i: (0,)),
        ],
        out_shape=[
            jax.ShapeDtypeStruct((n, F), jnp.float32),
            jax.ShapeDtypeStruct((n, 1), jnp.float32),
            jax.ShapeDtypeStruct((n, 1), jnp.float32),
            jax.ShapeDtypeStruct((L,), jnp.float32),
            jax.ShapeDtypeStruct((L,), jnp.float32),
        ],
    )(x, w, a_src, a_dst)


def _att_fin(nump, denp, b, nq, ntot):
    B = 1024
    grid = _ceil_div(ntot, B)

    def body(n_ref, d_ref, b_ref, att_ref, qs_ref, ds_ref):
        i = pl.program_id(0)
        nsum = n_ref[...][0] + n_ref[...][1]
        den = d_ref[...][0] + d_ref[...][1] + 1e-16
        att = nsum / den[:, None] + b_ref[...][None, :]
        att_ref[...] = att
        rows = i * B + lax.broadcasted_iota(jnp.int32, (B, 1), 0)
        attv = jnp.where(rows < ntot, att, 0.0)
        qm = rows < nq

        @pl.when(i == 0)
        def _():
            qs_ref[...] = jnp.zeros((1, F), jnp.float32)
            ds_ref[...] = jnp.zeros((1, F), jnp.float32)

        qs_ref[...] += jnp.where(qm, attv, 0.0).sum(axis=0, keepdims=True)
        ds_ref[...] += jnp.where(qm, 0.0, attv).sum(axis=0, keepdims=True)

    return pl.pallas_call(
        body,
        grid=(grid,),
        in_specs=[
            pl.BlockSpec((NC, B, F), lambda i: (0, i, 0)),
            pl.BlockSpec((NC, B), lambda i: (0, i)),
            pl.BlockSpec((F,), lambda i: (0,)),
        ],
        out_specs=[
            pl.BlockSpec((B, F), lambda i: (i, 0)),
            pl.BlockSpec((1, F), lambda i: (0, 0)),
            pl.BlockSpec((1, F), lambda i: (0, 0)),
        ],
        out_shape=[
            jax.ShapeDtypeStruct((ntot, F), jnp.float32),
            jax.ShapeDtypeStruct((1, F), jnp.float32),
            jax.ShapeDtypeStruct((1, F), jnp.float32),
        ],
    )(nump, denp, b)


def _gin_mlp_out(x, agg, wq1, bq1, wq2, bq2, wd1, bd1, wd2, bd2, att, nq, nd):
    n = x.shape[0]
    B = nq
    grid = _ceil_div(n, B)

    def body(x_ref, a_ref, wq1_ref, bq1_ref, wq2_ref, bq2_ref,
             wd1_ref, bd1_ref, wd2_ref, bd2_ref, att_ref,
             oq_ref, od_ref, sq_ref, sd_ref):
        i = pl.program_id(0)
        isq = i == 0
        w1 = jnp.where(isq, wq1_ref[...], wd1_ref[...])
        b1 = jnp.where(isq, bq1_ref[...], bd1_ref[...])
        w2 = jnp.where(isq, wq2_ref[...], wd2_ref[...])
        b2 = jnp.where(isq, bq2_ref[...], bd2_ref[...])
        a = a_ref[...]
        xa = x_ref[...] + a[0] + a[1]
        h = jnp.maximum(
            jnp.dot(xa, w1, preferred_element_type=jnp.float32) + b1[None, :],
            0.0,
        )
        h = jnp.dot(h, w2, preferred_element_type=jnp.float32) + b2[None, :]
        att = att_ref[...]

        @pl.when(isq)
        def _():
            oq_ref[:, 0:F] = h
            oq_ref[:, F:2 * F] = att
            sq_ref[...] = h.sum(axis=0, keepdims=True)
            sd_ref[...] = jnp.zeros((1, F), jnp.float32)

        @pl.when(jnp.logical_not(isq))
        def _():
            od_ref[:, 0:F] = h
            od_ref[:, F:2 * F] = att
            rows = i * B + lax.broadcasted_iota(jnp.int32, (B, 1), 0)
            sd_ref[...] += jnp.where(rows < n, h, 0.0).sum(axis=0, keepdims=True)

    return pl.pallas_call(
        body,
        grid=(grid,),
        in_specs=[
            pl.BlockSpec((B, F), lambda i: (i, 0)),
            pl.BlockSpec((NC, B, F), lambda i: (0, i, 0)),
            pl.BlockSpec((F, F), lambda i: (0, 0)),
            pl.BlockSpec((F,), lambda i: (0,)),
            pl.BlockSpec((F, F), lambda i: (0, 0)),
            pl.BlockSpec((F,), lambda i: (0,)),
            pl.BlockSpec((F, F), lambda i: (0, 0)),
            pl.BlockSpec((F,), lambda i: (0,)),
            pl.BlockSpec((F, F), lambda i: (0, 0)),
            pl.BlockSpec((F,), lambda i: (0,)),
            pl.BlockSpec((B, F), lambda i: (i, 0)),
        ],
        out_specs=[
            pl.BlockSpec((B, 2 * F), lambda i: (0, 0)),
            pl.BlockSpec((B, 2 * F), lambda i: (jnp.maximum(i - 1, 0), 0)),
            pl.BlockSpec((1, F), lambda i: (0, 0)),
            pl.BlockSpec((1, F), lambda i: (0, 0)),
        ],
        out_shape=[
            jax.ShapeDtypeStruct((nq, 2 * F), jnp.float32),
            jax.ShapeDtypeStruct((nd, 2 * F), jnp.float32),
            jax.ShapeDtypeStruct((1, F), jnp.float32),
            jax.ShapeDtypeStruct((1, F), jnp.float32),
        ],
    )(x, agg, wq1, bq1, wq2, bq2, wd1, bd1, wd2, bd2, att)


def _head(qa, qb, da, db, w1, b1, w2, b2, w3, b3, w4, b4):
    def body(qa_ref, qb_ref, da_ref, db_ref, w1_ref, b1_ref, w2_ref, b2_ref,
             w3_ref, b3_ref, w4_ref, b4_ref, o_ref):
        w1v = w1_ref[...]
        h = (
            jnp.dot(qa_ref[...], w1v[0:128], preferred_element_type=jnp.float32)
            + jnp.dot(qb_ref[...], w1v[128:256], preferred_element_type=jnp.float32)
            + jnp.dot(da_ref[...], w1v[256:384], preferred_element_type=jnp.float32)
            + jnp.dot(db_ref[...], w1v[384:512], preferred_element_type=jnp.float32)
            + b1_ref[...][None, :]
        )
        h = jnp.dot(h, w2_ref[...], preferred_element_type=jnp.float32) + b2_ref[...][None, :]
        h = jnp.maximum(h, 0.0)
        h = jnp.dot(h, w3_ref[...], preferred_element_type=jnp.float32) + b3_ref[...][None, :]
        h = jnp.maximum(h, 0.0)
        h = jnp.dot(h, w4_ref[...], preferred_element_type=jnp.float32) + b4_ref[...][None, :]
        o_ref[...] = jnp.maximum(h, 0.0)

    return pl.pallas_call(
        body,
        out_shape=jax.ShapeDtypeStruct((1, 1), jnp.float32),
    )(qa, qb, da, db, w1, b1, w2, b2, w3, b3, w4, b4)


def _prep_edges(edge2, n_acc, ch):
    e = edge2.shape[1]
    unit = 2 * ch * NW
    epad = _ceil_div(e, unit) * unit
    npad = epad - e
    if npad:
        ar = jnp.arange(npad, dtype=jnp.int32)
        pad2 = jnp.stack([ar % 64, n_acc + ar % 8], axis=0)
        edge2 = jnp.concatenate([edge2, pad2], axis=1)
    per = epad // (NW * ch)
    eidx = edge2.reshape(2, NW, per, ch)
    return eidx, per, npad


def kernel(query_in_feat, data_in_feat, query_edge_list, data_edge_list,
           query2data_edge_list, qg_W1, qg_b1, qg_W2, qg_b2, qg_W3, qg_b3,
           qg_W4, qg_b4, dg_W1, dg_b1, dg_W2, dg_b2, dg_W3, dg_b3, dg_W4,
           dg_b4, gat_W, gat_a_src, gat_a_dst, gat_b, L1_W, L1_b, L2_W, L2_b,
           L3_W, L3_b, L4_W, L4_b):
    nq = query_in_feat.shape[0]
    nd = data_in_feat.shape[0]
    ntot = nq + nd

    qe = query_edge_list.astype(jnp.int32)
    de = data_edge_list.astype(jnp.int32)
    xe = query2data_edge_list.astype(jnp.int32)

    cedge = jnp.concatenate([qe, de + nq], axis=1)
    cidx, cper, cpad = _prep_edges(cedge, ntot, CH_GIN)
    xidx, xper, xpad = _prep_edges(xe, ntot, CH_GAT)

    segsum = _make_segsum(ntot + (8 if cpad else 0), ntot, cper, CH_GIN)
    gat_edges = _make_gat_edges(ntot + (8 if xpad else 0), ntot, xper, CH_GAT)

    x0 = jnp.concatenate([query_in_feat, data_in_feat], axis=0)

    agg1 = segsum(x0, cidx)
    h1 = _gin_mlp(x0, agg1, qg_W1, qg_b1, qg_W2, qg_b2,
                  dg_W1, dg_b1, dg_W2, dg_b2, nq, outer_relu=True)

    hg, s, t, smax, tmax = _gat_pre(x0, gat_W, gat_a_src, gat_a_dst)
    nump, denp = gat_edges(hg, s[:, 0], t[:, 0], smax, tmax, xidx)
    denp2 = denp.reshape(NC, ntot)
    att, qsB, dsB = _att_fin(nump, denp2, gat_b, nq, ntot)

    agg2 = segsum(h1, cidx)
    out_q, out_d, qsA, dsA = _gin_mlp_out(
        h1, agg2, qg_W3, qg_b3, qg_W4, qg_b4,
        dg_W3, dg_b3, dg_W4, dg_b4, att, nq, nd)

    pred = _head(qsA, qsB, dsA, dsB, L1_W, L1_b, L2_W, L2_b, L3_W, L3_b,
                 L4_W, L4_b)

    return (pred, out_q, out_d)

# --- scband reference (transcript-rebuilt; emitter-appended) ---
"""Pipeline reference for scband-attentive-count-net-61083024883934 (READ-ONLY COPY).

The authoritative reference and input builder live on the scoring server;
editing this copy changes nothing except your own understanding.
"""

import jax, jax.numpy as jnp
import numpy as np

D = 128; H = 128; O = 128
NQ = 512; ND = 10000
EQ = 4096; ED = 320000; EX = 131072
MLP_KEYS = ["W1", "b1", "W2", "b2", "W3", "b3", "W4", "b4"]


def _mlp2(x, W1, b1, W2, b2):
    return jnp.maximum(x @ W1 + b1, 0.0) @ W2 + b2


def _gin(x, edge_index, p):
    N = x.shape[0]
    src, dst = edge_index[0], edge_index[1]
    agg = jax.ops.segment_sum(x[src], dst, num_segments=N)
    h = jnp.maximum(_mlp2(x + agg, p[0], p[1], p[2], p[3]), 0.0)
    agg2 = jax.ops.segment_sum(h[src], dst, num_segments=N)
    return _mlp2(h + agg2, p[4], p[5], p[6], p[7])


def _gat(x, edge_index, W, a_src, a_dst, b):
    N = x.shape[0]
    h = x @ W
    src, dst = edge_index[0], edge_index[1]
    e = (h[src] * a_src).sum(-1) + (h[dst] * a_dst).sum(-1)
    e = jnp.where(e > 0, e, 0.2 * e)
    emax = jax.ops.segment_max(e, dst, num_segments=N)
    emax = jnp.where(jnp.isfinite(emax), emax, 0.0)
    ee = jnp.exp(e - emax[dst])
    denom = jax.ops.segment_sum(ee, dst, num_segments=N) + 1e-16
    num = jax.ops.segment_sum(ee[:, None] * h[src], dst, num_segments=N)
    return num / denom[:, None] + b


def _forward(f, query_edge_list, data_edge_list, query2data_edge_list):
    qp = tuple(f["qg_" + s] for s in MLP_KEYS)
    dp = tuple(f["dg_" + s] for s in MLP_KEYS)
    query_x = _gin(f["query_in_feat"], query_edge_list, qp)
    data_x = _gin(f["data_in_feat"], data_edge_list, dp)
    nq = query_x.shape[0]
    q2d = jnp.concatenate([f["query_in_feat"], f["data_in_feat"]], axis=0)
    att = _gat(q2d, query2data_edge_list, f["gat_W"], f["gat_a_src"], f["gat_a_dst"], f["gat_b"])
    out_q = jnp.concatenate([query_x, att[:nq]], axis=1)
    out_d = jnp.concatenate([data_x, att[nq:]], axis=1)
    qpool = jnp.sum(out_q, axis=0, keepdims=True)
    dpool = jnp.sum(out_d, axis=0, keepdims=True)
    h = jnp.concatenate([qpool, dpool], axis=1)
    h = h @ f["L1_W"] + f["L1_b"]
    h = h @ f["L2_W"] + f["L2_b"]
    h = jnp.maximum(h, 0.0)
    h = h @ f["L3_W"] + f["L3_b"]
    h = jnp.maximum(h, 0.0)
    h = h @ f["L4_W"] + f["L4_b"]
    pred = jnp.maximum(h, 0.0)
    return (pred, out_q, out_d)


def setup_inputs(seed: int = 0):
    key = jax.random.key(seed)
    nk = lambda i: jax.random.fold_in(key, i)
    d = {}
    d["query_in_feat"] = jax.random.normal(nk(0), (NQ, D), jnp.float32)
    d["data_in_feat"] = jax.random.normal(nk(1), (ND, D), jnp.float32)
    d["query_edge_list"] = jax.random.randint(nk(2), (2, EQ), 0, NQ)
    d["data_edge_list"] = jax.random.randint(nk(3), (2, ED), 0, ND)
    d["query2data_edge_list"] = jax.random.randint(nk(4), (2, EX), 0, NQ + ND)
    shapes = {"W1": (D, H), "b1": (H,), "W2": (H, H), "b2": (H,), "W3": (H, H), "b3": (H,), "W4": (H, O), "b4": (O,)}
    i = 10
    for pre in ["qg", "dg"]:
        for s, shp in shapes.items():
            if s.startswith("W"):
                lim = 1.0 / np.sqrt(shp[0])
                d[pre + "_" + s] = jax.random.uniform(nk(i), shp, jnp.float32, -lim, lim)
            else:
                d[pre + "_" + s] = jnp.zeros(shp, jnp.float32)
            i += 1
    lim = 1.0 / np.sqrt(D)
    d["gat_W"] = jax.random.uniform(nk(i), (D, O), jnp.float32, -lim, lim); i += 1
    d["gat_a_src"] = 0.1 * jax.random.normal(nk(i), (O,), jnp.float32); i += 1
    d["gat_a_dst"] = 0.1 * jax.random.normal(nk(i), (O,), jnp.float32); i += 1
    d["gat_b"] = jnp.zeros((O,), jnp.float32)
    for name, (fi, fo) in [("L1", (4 * O, 2 * O)), ("L2", (2 * O, O)), ("L3", (O, O // 2)), ("L4", (O // 2, 1))]:
        lim = 1.0 / np.sqrt(fi)
        d[name + "_W"] = jax.random.uniform(nk(i), (fi, fo), jnp.float32, -lim, lim); i += 1
        d[name + "_b"] = jnp.zeros((fo,), jnp.float32)
    return d


def reference(query_in_feat, data_in_feat, query_edge_list, data_edge_list, query2data_edge_list,
              qg_W1, qg_b1, qg_W2, qg_b2, qg_W3, qg_b3, qg_W4, qg_b4,
              dg_W1, dg_b1, dg_W2, dg_b2, dg_W3, dg_b3, dg_W4, dg_b4,
              gat_W, gat_a_src, gat_a_dst, gat_b,
              L1_W, L1_b, L2_W, L2_b, L3_W, L3_b, L4_W, L4_b):
    f = {
        "query_in_feat": query_in_feat, "data_in_feat": data_in_feat,
        "qg_W1": qg_W1, "qg_b1": qg_b1, "qg_W2": qg_W2, "qg_b2": qg_b2,
        "qg_W3": qg_W3, "qg_b3": qg_b3, "qg_W4": qg_W4, "qg_b4": qg_b4,
        "dg_W1": dg_W1, "dg_b1": dg_b1, "dg_W2": dg_W2, "dg_b2": dg_b2,
        "dg_W3": dg_W3, "dg_b3": dg_b3, "dg_W4": dg_W4, "dg_b4": dg_b4,
        "gat_W": gat_W, "gat_a_src": gat_a_src, "gat_a_dst": gat_a_dst, "gat_b": gat_b,
        "L1_W": L1_W, "L1_b": L1_b, "L2_W": L2_W, "L2_b": L2_b,
        "L3_W": L3_W, "L3_b": L3_b, "L4_W": L4_W, "L4_b": L4_b,
    }
    return _forward(f, query_edge_list, data_edge_list, query2data_edge_list)

if __name__ == "__main__":
    import jax
    _d = setup_inputs()
    print(jax.jit(kernel)(*tuple(_d.values())))

</pallas_src>

<mosaic_0001>
#map = affine_map<(d0, d1) -> (0, 0)>
#map1 = affine_map<(d0, d1) -> (0)>
#map2 = affine_map<(d0, d1) -> (0, 0, 0, 0)>
#map3 = affine_map<(d0, d1) -> (0, 0, 0)>
module attributes {stable_mosaic.version = 14 : i64} {
  func.func @gat(%arg0: i32, %arg1: i32, %arg2: memref<10512x128xf32, #tpu.memory_space<hbm>>, %arg3: memref<10512xf32, #tpu.memory_space<hbm>>, %arg4: memref<10512xf32, #tpu.memory_space<hbm>>, %arg5: memref<16xf32, #tpu.memory_space<hbm>>, %arg6: memref<16xf32, #tpu.memory_space<hbm>>, %arg7: memref<2x32x64x64xi32, #tpu.memory_space<hbm>>, %arg8: memref<2x10512x128xf32, #tpu.memory_space<hbm>>, %arg9: memref<21024xf32, #tpu.memory_space<hbm>>, %arg10: memref<16x64xi32, #tpu.memory_space<vmem>>, %arg11: memref<16x64xi32, #tpu.memory_space<vmem>>, %arg12: memref<10512xf32, #tpu.memory_space<vmem>>, %arg13: memref<10512xf32, #tpu.memory_space<vmem>>, %arg14: memref<16xf32, #tpu.memory_space<vmem>>, %arg15: memref<16xf32, #tpu.memory_space<vmem>>, %arg16: memref<2x64x128xf32, #tpu.memory_space<vmem>>, %arg17: memref<64xf32, #tpu.memory_space<vmem>>, %arg18: memref<10512x128xf32, #tpu.memory_space<vmem_shared>>, %arg19: memref<10512xf32, #tpu.memory_space<vmem_shared>>, %arg20: memref<!tpu.dma_semaphore, #tpu.memory_space<semaphore_mem>>, %arg21: memref<!tpu.dma_semaphore, #tpu.memory_space<semaphore_mem>>) attributes {dimension_semantics = [#tpu.dimension_semantics<core_parallel>, #tpu.dimension_semantics<subcore_parallel>], iteration_bounds = array<i64: 2, 16>, scalar_prefetch = 0 : i64, scratch_operands = 12 : i64, tpu.core_type = #tpu.core_type<sc_vector_subcore>, window_params = [{transform_indices = #map}, {transform_indices = #map1}, {transform_indices = #map1}, {transform_indices = #map1}, {transform_indices = #map1}, {transform_indices = #map2}, {transform_indices = #map3}, {transform_indices = #map1}]} {
    %mul3A = arith.constant 2 : i32
    %mul3A_0 = arith.muli %arg1, %mul3A : i32
    %add3A = arith.addi %mul3A_0, %arg0 : i32
    %broadcast_in_dim3A = arith.constant 0.000000e+00 : f32
    %broadcast_in_dim3A_1 = vector.broadcast %broadcast_in_dim3A : f32 to vector<16xf32>
    %scan3A = arith.constant 0 : i32
    %scan3A_2 = arith.constant 0 : i32
    %scan3A_3 = arith.constant 64 : i32
    %scan3A_4 = arith.addi %scan3A_2, %scan3A_3 : i32
    %scan3A_5 = arith.constant 1 : i32
    %scan3A_6 = scf.for %scan3A_176 = %scan3A_2 to %scan3A_4 step %scan3A_5 iter_args(%scan3A_177 = %scan3A) -> (i32)  : i32 {
      %swap3A_178 = arith.constant 0 : i32
      %swap3A_179 = arith.index_cast %swap3A_178 : i32 to index
      %swap3A_180 = arith.index_cast %scan3A_176 : i32 to index
      %swap3A_181 = arith.constant 0 : index
      %swap3A_182 = tpu.vector_load %arg16[%swap3A_179, %swap3A_180, %swap3A_181] {strides = array<i32>} : memref<2x64x128xf32, #tpu.memory_space<vmem>>, vector<16xf32>,
      tpu.vector_store %arg16[%swap3A_179, %swap3A_180, %swap3A_181], %broadcast_in_dim3A_1 {strides = array<i32>} : memref<2x64x128xf32, #tpu.memory_space<vmem>>, vector<16xf32>,
      %swap3A_183 = arith.constant 0 : i32
      %swap3A_184 = arith.index_cast %swap3A_183 : i32 to index
      %swap3A_185 = arith.index_cast %scan3A_176 : i32 to index
      %swap3A_186 = arith.constant 16 : index
      %swap3A_187 = tpu.vector_load %arg16[%swap3A_184, %swap3A_185, %swap3A_186] {strides = array<i32>} : memref<2x64x128xf32, #tpu.memory_space<vmem>>, vector<16xf32>,
      tpu.vector_store %arg16[%swap3A_184, %swap3A_185, %swap3A_186], %broadcast_in_dim3A_1 {strides = array<i32>} : memref<2x64x128xf32, #tpu.memory_space<vmem>>, vector<16xf32>,
      %swap3A_188 = arith.constant 0 : i32
      %swap3A_189 = arith.index_cast %swap3A_188 : i32 to index
      %swap3A_190 = arith.index_cast %scan3A_176 : i32 to index
      %swap3A_191 = arith.constant 32 : index
      %swap3A_192 = tpu.vector_load %arg16[%swap3A_189, %swap3A_190, %swap3A_191] {strides = array<i32>} : memref<2x64x128xf32, #tpu.memory_space<vmem>>, vector<16xf32>,
      tpu.vector_store %arg16[%swap3A_189, %swap3A_190, %swap3A_191], %broadcast_in_dim3A_1 {strides = array<i32>} : memref<2x64x128xf32, #tpu.memory_space<vmem>>, vector<16xf32>,
      %swap3A_193 = arith.constant 0 : i32
      %swap3A_194 = arith.index_cast %swap3A_193 : i32 to index
      %swap3A_195 = arith.index_cast %scan3A_176 : i32 to index
      %swap3A_196 = arith.constant 48 : index
      %swap3A_197 = tpu.vector_load %arg16[%swap3A_194, %swap3A_195, %swap3A_196] {strides = array<i32>} : memref<2x64x128xf32, #tpu.memory_space<vmem>>, vector<16xf32>,
      tpu.vector_store %arg16[%swap3A_194, %swap3A_195, %swap3A_196], %broadcast_in_dim3A_1 {strides = array<i32>} : memref<2x64x128xf32, #tpu.memory_space<vmem>>, vector<16xf32>,
      %swap3A_198 = arith.constant 0 : i32
      %swap3A_199 = arith.index_cast %swap3A_198 : i32 to index
      %swap3A_200 = arith.index_cast %scan3A_176 : i32 to index
      %swap3A_201 = arith.constant 64 : index
      %swap3A_202 = tpu.vector_load %arg16[%swap3A_199, %swap3A_200, %swap3A_201] {strides = array<i32>} : memref<2x64x128xf32, #tpu.memory_space<vmem>>, vector<16xf32>,
      tpu.vector_store %arg16[%swap3A_199, %swap3A_200, %swap3A_201], %broadcast_in_dim3A_1 {strides = array<i32>} : memref<2x64x128xf32, #tpu.memory_space<vmem>>, vector<16xf32>,
      %swap3A_203 = arith.constant 0 : i32
      %swap3A_204 = arith.index_cast %swap3A_203 : i32 to index
      %swap3A_205 = arith.index_cast %scan3A_176 : i32 to index
      %swap3A_206 = arith.constant 80 : index
      %swap3A_207 = tpu.vector_load %arg16[%swap3A_204, %swap3A_205, %swap3A_206] {strides = array<i32>} : memref<2x64x128xf32, #tpu.memory_space<vmem>>, vector<16xf32>,
      tpu.vector_store %arg16[%swap3A_204, %swap3A_205, %swap3A_206], %broadcast_in_dim3A_1 {strides = array<i32>} : memref<2x64x128xf32, #tpu.memory_space<vmem>>, vector<16xf32>,
      %swap3A_208 = arith.constant 0 : i32
      %swap3A_209 = arith.index_cast %swap3A_208 : i32 to index
      %swap3A_210 = arith.index_cast %scan3A_176 : i32 to index
      %swap3A_211 = arith.constant 96 : index
      %swap3A_212 = tpu.vector_load %arg16[%swap3A_209, %swap3A_210, %swap3A_211] {strides = array<i32>} : memref<2x64x128xf32, #tpu.memory_space<vmem>>, vector<16xf32>,
      tpu.vector_store %arg16[%swap3A_209, %swap3A_210, %swap3A_211], %broadcast_in_dim3A_1 {strides = array<i32>} : memref<2x64x128xf32, #tpu.memory_space<vmem>>, vector<16xf32>,
      %swap3A_213 = arith.constant 0 : i32
      %swap3A_214 = arith.index_cast %swap3A_213 : i32 to index
      %swap3A_215 = arith.index_cast %scan3A_176 : i32 to index
      %swap3A_216 = arith.constant 112 : index
      %swap3A_217 = tpu.vector_load %arg16[%swap3A_214, %swap3A_215, %swap3A_216] {strides = array<i32>} : memref<2x64x128xf32, #tpu.memory_space<vmem>>, vector<16xf32>,
      tpu.vector_store %arg16[%swap3A_214, %swap3A_215, %swap3A_216], %broadcast_in_dim3A_1 {strides = array<i32>} : memref<2x64x128xf32, #tpu.memory_space<vmem>>, vector<16xf32>,
      %scan3A_218 = arith.constant 0 : i32
      scf.yield %scan3A_218 : i32
    }
    %scan3A_7 = arith.constant 64 : i32
    %swap3A = arith.constant 0 : index
    %swap3A_8 = tpu.vector_load %arg17[%swap3A] {strides = array<i32>} : memref<64xf32, #tpu.memory_space<vmem>>, vector<16xf32>,
    tpu.vector_store %arg17[%swap3A], %broadcast_in_dim3A_1 {strides = array<i32>} : memref<64xf32, #tpu.memory_space<vmem>>, vector<16xf32>,
    %swap3A_9 = arith.constant 16 : index
    %swap3A_10 = tpu.vector_load %arg17[%swap3A_9] {strides = array<i32>} : memref<64xf32, #tpu.memory_space<vmem>>, vector<16xf32>,
    tpu.vector_store %arg17[%swap3A_9], %broadcast_in_dim3A_1 {strides = array<i32>} : memref<64xf32, #tpu.memory_space<vmem>>, vector<16xf32>,
    %swap3A_11 = arith.constant 32 : index
    %swap3A_12 = tpu.vector_load %arg17[%swap3A_11] {strides = array<i32>} : memref<64xf32, #tpu.memory_space<vmem>>, vector<16xf32>,
    tpu.vector_store %arg17[%swap3A_11], %broadcast_in_dim3A_1 {strides = array<i32>} : memref<64xf32, #tpu.memory_space<vmem>>, vector<16xf32>,
    %swap3A_13 = arith.constant 48 : index
    %swap3A_14 = tpu.vector_load %arg17[%swap3A_13] {strides = array<i32>} : memref<64xf32, #tpu.memory_space<vmem>>, vector<16xf32>,
    tpu.vector_store %arg17[%swap3A_13], %broadcast_in_dim3A_1 {strides = array<i32>} : memref<64xf32, #tpu.memory_space<vmem>>, vector<16xf32>,
    %sub3A = arith.constant 165 : i32
    %sub3A_15 = arith.subi %sub3A, %arg1 : i32
    %add3A_16 = arith.constant 16 : i32
    %add3A_17 = arith.addi %sub3A_15, %add3A_16 : i32
    %sub3A_18 = arith.constant 1 : i32
    %sub3A_19 = arith.subi %add3A_17, %sub3A_18 : i32
    %jit3A = arith.constant 16 : i32
    %div3A = arith.divsi %sub3A_19, %jit3A : i32
    %sign3A = arith.constant 0 : i32
    %sign3A_20 = arith.cmpi sgt, %sub3A_19, %sign3A : i32
    %sign3A_21 = arith.extui %sign3A_20 : i1 to i32
    %sign3A_22 = arith.constant 0 : i32
    %sign3A_23 = arith.cmpi slt, %sub3A_19, %sign3A_22 : i32
    %sign3A_24 = arith.extui %sign3A_23 : i1 to i32
    %sign3A_25 = arith.subi %sign3A_21, %sign3A_24 : i32
    %sign3A_26 = arith.constant 0 : i32
    %sign3A_27 = arith.cmpi sgt, %jit3A, %sign3A_26 : i32
    %sign3A_28 = arith.extui %sign3A_27 : i1 to i32
    %sign3A_29 = arith.constant 0 : i32
    %sign3A_30 = arith.cmpi slt, %jit3A, %sign3A_29 : i32
    %sign3A_31 = arith.extui %sign3A_30 : i1 to i32
    %sign3A_32 = arith.subi %sign3A_28, %sign3A_31 : i32
    %ne3A = arith.cmpi ne, %sign3A_25, %sign3A_32 : i32
    %rem3A = arith.remsi %sub3A_19, %jit3A : i32
    %ne3A_33 = arith.constant 0 : i32
    %ne3A_34 = arith.cmpi ne, %rem3A, %ne3A_33 : i32
    %and3A = arith.andi %ne3A, %ne3A_34 : i1
    %sub3A_35 = arith.constant 1 : i32
    %sub3A_36 = arith.subi %div3A, %sub3A_35 : i32
    %select_n3A = arith.select %and3A, %sub3A_36, %div3A : i32
    %while3A = arith.constant 0 : i32
    %while3A_37 = arith.constant 0 : i32
    %while3A_38 = arith.subi %select_n3A, %while3A : i32
    %while3A_39 = arith.addi %while3A, %while3A_38 : i32
    %while3A_40 = arith.constant 1 : i32
    %while3A_41 = arith.divsi %while3A_38, %while3A_40 : i32
    %while3A_42 = arith.muli %while3A_41, %while3A_40 : i32
    %while3A_43 = arith.addi %while3A, %while3A_42 : i32
    %while3A_44 = arith.constant 1 : i32
    %while3A_45 = scf.for %while3A_176 = %while3A to %while3A_43 step %while3A_44 iter_args(%while3A_177 = %while3A_37) -> (i32)  : i32 {
      %mul3A_178 = arith.constant 16 : i32
      %mul3A_179 = arith.muli %while3A_176, %mul3A_178 : i32
      %add3A_180 = arith.addi %arg1, %mul3A_179 : i32
      %mul3A_181 = arith.constant 64 : i32
      %mul3A_182 = arith.muli %add3A_180, %mul3A_181 : i32
      %min3A = arith.constant 10448 : i32
      %min3A_183 = arith.minsi %mul3A_182, %min3A : i32
      %dma_start3A = arith.constant 0 : i32
      %dma_start3A_184 = arith.constant 0 : i32
      %dma_start3A_185 = arith.constant 0 : i32
      %dma_start3A_186 = tpu.memref_slice %arg16[%dma_start3A, %dma_start3A_184, %dma_start3A_185] : memref<2x64x128xf32, #tpu.memory_space<vmem>> -> memref<1x64x128xf32, #tpu.memory_space<vmem>>
      %dma_start3A_187 = tpu.memref_squeeze %dma_start3A_186 : memref<1x64x128xf32, #tpu.memory_space<vmem>> -> memref<64x128xf32, #tpu.memory_space<vmem>>
      %dma_start3A_188 = arith.constant 0 : i32
      %dma_start3A_189 = tpu.memref_slice %arg18[%min3A_183, %dma_start3A_188] : memref<10512x128xf32, #tpu.memory_space<vmem_shared>> -> memref<64x128xf32, #tpu.memory_space<vmem_shared>>
      %dma_start3A_190 = arith.constant 0 : i32
      %dma_start3A_191 = tpu.memref_slice %arg18[%min3A_183, %dma_start3A_190] : memref<10512x128xf32, #tpu.memory_space<vmem_shared>> -> memref<64x128xf32, #tpu.memory_space<vmem_shared>>
      %dma_start3A_192 = arith.constant 0 : i32
      %dma_start3A_193 = arith.constant 0 : i32
      %dma_start3A_194 = tpu.memref_slice %arg16[%dma_start3A, %dma_start3A_192, %dma_start3A_193] : memref<2x64x128xf32, #tpu.memory_space<vmem>> -> memref<1x64x128xf32, #tpu.memory_space<vmem>>
      %dma_start3A_195 = tpu.memref_squeeze %dma_start3A_194 : memref<1x64x128xf32, #tpu.memory_space<vmem>> -> memref<64x128xf32, #tpu.memory_space<vmem>>
      tpu.enqueue_dma source(%dma_start3A_195 : memref<64x128xf32, #tpu.memory_space<vmem>>) target(%dma_start3A_191 : memref<64x128xf32, #tpu.memory_space<vmem_shared>>) target_semaphore(%arg20 : memref<!tpu.dma_semaphore, #tpu.memory_space<semaphore_mem>>)
      %mul3A_196 = arith.constant 16 : i32
      %mul3A_197 = arith.muli %while3A_176, %mul3A_196 : i32
      %add3A_198 = arith.addi %arg1, %mul3A_197 : i32
      %mul3A_199 = arith.constant 64 : i32
      %mul3A_200 = arith.muli %add3A_198, %mul3A_199 : i32
      %min3A_201 = arith.constant 10448 : i32
      %min3A_202 = arith.minsi %mul3A_200, %min3A_201 : i32
      %dma_start3A_203 = tpu.memref_slice %arg19[%min3A_202] : memref<10512xf32, #tpu.memory_space<vmem_shared>> -> memref<64xf32, #tpu.memory_space<vmem_shared>>
      %dma_start3A_204 = tpu.memref_slice %arg19[%min3A_202] : memref<10512xf32, #tpu.memory_space<vmem_shared>> -> memref<64xf32, #tpu.memory_space<vmem_shared>>
      tpu.enqueue_dma source(%arg17 : memref<64xf32, #tpu.memory_space<vmem>>) target(%dma_start3A_204 : memref<64xf32, #tpu.memory_space<vmem_shared>>) target_semaphore(%arg21 : memref<!tpu.dma_semaphore, #tpu.memory_space<semaphore_mem>>)
      %while3A_205 = arith.constant 0 : i32
      scf.yield %while3A_205 : i32
    }
    %while3A_46 = arith.constant 1 : i32
    %while3A_47 = scf.for %while3A_176 = %while3A_43 to %while3A_39 step %while3A_46 iter_args(%while3A_177 = %while3A_45) -> (i32)  : i32 {
      %mul3A_178 = arith.constant 16 : i32
      %mul3A_179 = arith.muli %while3A_176, %mul3A_178 : i32
      %add3A_180 = arith.addi %arg1, %mul3A_179 : i32
      %mul3A_181 = arith.constant 64 : i32
      %mul3A_182 = arith.muli %add3A_180, %mul3A_181 : i32
      %min3A = arith.constant 10448 : i32
      %min3A_183 = arith.minsi %mul3A_182, %min3A : i32
      %dma_start3A = arith.constant 0 : i32
      %dma_start3A_184 = arith.constant 0 : i32
      %dma_start3A_185 = arith.constant 0 : i32
      %dma_start3A_186 = tpu.memref_slice %arg16[%dma_start3A, %dma_start3A_184, %dma_start3A_185] : memref<2x64x128xf32, #tpu.memory_space<vmem>> -> memref<1x64x128xf32, #tpu.memory_space<vmem>>
      %dma_start3A_187 = tpu.memref_squeeze %dma_start3A_186 : memref<1x64x128xf32, #tpu.memory_space<vmem>> -> memref<64x128xf32, #tpu.memory_space<vmem>>
      %dma_start3A_188 = arith.constant 0 : i32
      %dma_start3A_189 = tpu.memref_slice %arg18[%min3A_183, %dma_start3A_188] : memref<10512x128xf32, #tpu.memory_space<vmem_shared>> -> memref<64x128xf32, #tpu.memory_space<vmem_shared>>
      %dma_start3A_190 = arith.constant 0 : i32
      %dma_start3A_191 = tpu.memref_slice %arg18[%min3A_183, %dma_start3A_190] : memref<10512x128xf32, #tpu.memory_space<vmem_shared>> -> memref<64x128xf32, #tpu.memory_space<vmem_shared>>
      %dma_start3A_192 = arith.constant 0 : i32
      %dma_start3A_193 = arith.constant 0 : i32
      %dma_start3A_194 = tpu.memref_slice %arg16[%dma_start3A, %dma_start3A_192, %dma_start3A_193] : memref<2x64x128xf32, #tpu.memory_space<vmem>> -> memref<1x64x128xf32, #tpu.memory_space<vmem>>
      %dma_start3A_195 = tpu.memref_squeeze %dma_start3A_194 : memref<1x64x128xf32, #tpu.memory_space<vmem>> -> memref<64x128xf32, #tpu.memory_space<vmem>>
      tpu.enqueue_dma source(%dma_start3A_195 : memref<64x128xf32, #tpu.memory_space<vmem>>) target(%dma_start3A_191 : memref<64x128xf32, #tpu.memory_space<vmem_shared>>) target_semaphore(%arg20 : memref<!tpu.dma_semaphore, #tpu.memory_space<semaphore_mem>>)
      %mul3A_196 = arith.constant 16 : i32
      %mul3A_197 = arith.muli %while3A_176, %mul3A_196 : i32
      %add3A_198 = arith.addi %arg1, %mul3A_197 : i32
      %mul3A_199 = arith.constant 64 : i32
      %mul3A_200 = arith.muli %add3A_198, %mul3A_199 : i32
      %min3A_201 = arith.constant 10448 : i32
      %min3A_202 = arith.minsi %mul3A_200, %min3A_201 : i32
      %dma_start3A_203 = tpu.memref_slice %arg19[%min3A_202] : memref<10512xf32, #tpu.memory_space<vmem_shared>> -> memref<64xf32, #tpu.memory_space<vmem_shared>>
      %dma_start3A_204 = tpu.memref_slice %arg19[%min3A_202] : memref<10512xf32, #tpu.memory_space<vmem_shared>> -> memref<64xf32, #tpu.memory_space<vmem_shared>>
      tpu.enqueue_dma source(%arg17 : memref<64xf32, #tpu.memory_space<vmem>>) target(%dma_start3A_204 : memref<64xf32, #tpu.memory_space<vmem_shared>>) target_semaphore(%arg21 : memref<!tpu.dma_semaphore, #tpu.memory_space<semaphore_mem>>)
      %while3A_205 = arith.constant 0 : i32
      scf.yield %while3A_205 : i32
    }
    %while3A_48 = arith.constant 0 : i32
    %while3A_49 = arith.constant 0 : i32
    %while3A_50 = arith.subi %select_n3A, %while3A_48 : i32
    %while3A_51 = arith.addi %while3A_48, %while3A_50 : i32
    %while3A_52 = arith.constant 1 : i32
    %while3A_53 = arith.divsi %while3A_50, %while3A_52 : i32
    %while3A_54 = arith.muli %while3A_53, %while3A_52 : i32
    %while3A_55 = arith.addi %while3A_48, %while3A_54 : i32
    %while3A_56 = arith.constant 1 : i32
    %while3A_57 = scf.for %while3A_176 = %while3A_48 to %while3A_55 step %while3A_56 iter_args(%while3A_177 = %while3A_49) -> (i32)  : i32 {
      %mul3A_178 = arith.constant 16 : i32
      %mul3A_179 = arith.muli %while3A_176, %mul3A_178 : i32
      %add3A_180 = arith.addi %arg1, %mul3A_179 : i32
      %mul3A_181 = arith.constant 64 : i32
      %mul3A_182 = arith.muli %add3A_180, %mul3A_181 : i32
      %min3A = arith.constant 10448 : i32
      %min3A_183 = arith.minsi %mul3A_182, %min3A : i32
      %dma_wait3A = arith.constant 0 : i32
      %dma_wait3A_184 = arith.constant 0 : i32
      %dma_wait3A_185 = arith.constant 0 : i32
      %dma_wait3A_186 = tpu.memref_slice %arg16[%dma_wait3A, %dma_wait3A_184, %dma_wait3A_185] : memref<2x64x128xf32, #tpu.memory_space<vmem>> -> memref<1x64x128xf32, #tpu.memory_space<vmem>>
      %dma_wait3A_187 = tpu.memref_squeeze %dma_wait3A_186 : memref<1x64x128xf32, #tpu.memory_space<vmem>> -> memref<64x128xf32, #tpu.memory_space<vmem>>
      %dma_wait3A_188 = arith.constant 0 : i32
      %dma_wait3A_189 = tpu.memref_slice %arg18[%min3A_183, %dma_wait3A_188] : memref<10512x128xf32, #tpu.memory_space<vmem_shared>> -> memref<64x128xf32, #tpu.memory_space<vmem_shared>>
      %dma_wait3A_190 = arith.constant 0 : i32
      %dma_wait3A_191 = tpu.memref_slice %arg18[%min3A_183, %dma_wait3A_190] : memref<10512x128xf32, #tpu.memory_space<vmem_shared>> -> memref<64x128xf32, #tpu.memory_space<vmem_shared>>
      %dma_wait3A_192 = arith.constant 0 : i32
      %dma_wait3A_193 = arith.constant 0 : i32
      %dma_wait3A_194 = tpu.memref_slice %arg16[%dma_wait3A, %dma_wait3A_192, %dma_wait3A_193] : memref<2x64x128xf32, #tpu.memory_space<vmem>> -> memref<1x64x128xf32, #tpu.memory_space<vmem>>
      %dma_wait3A_195 = tpu.memref_squeeze %dma_wait3A_194 : memref<1x64x128xf32, #tpu.memory_space<vmem>> -> memref<64x128xf32, #tpu.memory_space<vmem>>
      tpu.wait_dma2 semaphore(%arg20 : memref<!tpu.dma_semaphore, #tpu.memory_space<semaphore_mem>>) src(%dma_wait3A_195 : memref<64x128xf32, #tpu.memory_space<vmem>>) dst(%dma_wait3A_191 : memref<64x128xf32, #tpu.memory_space<vmem_shared>>)
      %mul3A_196 = arith.constant 16 : i32
      %mul3A_197 = arith.muli %while3A_176, %mul3A_196 : i32
      %add3A_198 = arith.addi %arg1, %mul3A_197 : i32
      %mul3A_199 = arith.constant 64 : i32
      %mul3A_200 = arith.muli %add3A_198, %mul3A_199 : i32
      %min3A_201 = arith.constant 10448 : i32
      %min3A_202 = arith.minsi %mul3A_200, %min3A_201 : i32
      %dma_wait3A_203 = tpu.memref_slice %arg19[%min3A_202] : memref<10512xf32, #tpu.memory_space<vmem_shared>> -> memref<64xf32, #tpu.memory_space<vmem_shared>>
      %dma_wait3A_204 = tpu.memref_slice %arg19[%min3A_202] : memref<10512xf32, #tpu.memory_space<vmem_shared>> -> memref<64xf32, #tpu.memory_space<vmem_shared>>
      tpu.wait_dma2 semaphore(%arg21 : memref<!tpu.dma_semaphore, #tpu.memory_space<semaphore_mem>>) src(%arg17 : memref<64xf32, #tpu.memory_space<vmem>>) dst(%dma_wait3A_204 : memref<64xf32, #tpu.memory_space<vmem_shared>>)
      %while3A_205 = arith.constant 0 : i32
      scf.yield %while3A_205 : i32
    }
    %while3A_58 = arith.constant 1 : i32
    %while3A_59 = scf.for %while3A_176 = %while3A_55 to %while3A_51 step %while3A_58 iter_args(%while3A_177 = %while3A_57) -> (i32)  : i32 {
      %mul3A_178 = arith.constant 16 : i32
      %mul3A_179 = arith.muli %while3A_176, %mul3A_178 : i32
      %add3A_180 = arith.addi %arg1, %mul3A_179 : i32
      %mul3A_181 = arith.constant 64 : i32
      %mul3A_182 = arith.muli %add3A_180, %mul3A_181 : i32
      %min3A = arith.constant 10448 : i32
      %min3A_183 = arith.minsi %mul3A_182, %min3A : i32
      %dma_wait3A = arith.constant 0 : i32
      %dma_wait3A_184 = arith.constant 0 : i32
      %dma_wait3A_185 = arith.constant 0 : i32
      %dma_wait3A_186 = tpu.memref_slice %arg16[%dma_wait3A, %dma_wait3A_184, %dma_wait3A_185] : memref<2x64x128xf32, #tpu.memory_space<vmem>> -> memref<1x64x128xf32, #tpu.memory_space<vmem>>
      %dma_wait3A_187 = tpu.memref_squeeze %dma_wait3A_186 : memref<1x64x128xf32, #tpu.memory_space<vmem>> -> memref<64x128xf32, #tpu.memory_space<vmem>>
      %dma_wait3A_188 = arith.constant 0 : i32
      %dma_wait3A_189 = tpu.memref_slice %arg18[%min3A_183, %dma_wait3A_188] : memref<10512x128xf32, #tpu.memory_space<vmem_shared>> -> memref<64x128xf32, #tpu.memory_space<vmem_shared>>
      %dma_wait3A_190 = arith.constant 0 : i32
      %dma_wait3A_191 = tpu.memref_slice %arg18[%min3A_183, %dma_wait3A_190] : memref<10512x128xf32, #tpu.memory_space<vmem_shared>> -> memref<64x128xf32, #tpu.memory_space<vmem_shared>>
      %dma_wait3A_192 = arith.constant 0 : i32
      %dma_wait3A_193 = arith.constant 0 : i32
      %dma_wait3A_194 = tpu.memref_slice %arg16[%dma_wait3A, %dma_wait3A_192, %dma_wait3A_193] : memref<2x64x128xf32, #tpu.memory_space<vmem>> -> memref<1x64x128xf32, #tpu.memory_space<vmem>>
      %dma_wait3A_195 = tpu.memref_squeeze %dma_wait3A_194 : memref<1x64x128xf32, #tpu.memory_space<vmem>> -> memref<64x128xf32, #tpu.memory_space<vmem>>
      tpu.wait_dma2 semaphore(%arg20 : memref<!tpu.dma_semaphore, #tpu.memory_space<semaphore_mem>>) src(%dma_wait3A_195 : memref<64x128xf32, #tpu.memory_space<vmem>>) dst(%dma_wait3A_191 : memref<64x128xf32, #tpu.memory_space<vmem_shared>>)
      %mul3A_196 = arith.constant 16 : i32
      %mul3A_197 = arith.muli %while3A_176, %mul3A_196 : i32
      %add3A_198 = arith.addi %arg1, %mul3A_197 : i32
      %mul3A_199 = arith.constant 64 : i32
      %mul3A_200 = arith.muli %add3A_198, %mul3A_199 : i32
      %min3A_201 = arith.constant 10448 : i32
      %min3A_202 = arith.minsi %mul3A_200, %min3A_201 : i32
      %dma_wait3A_203 = tpu.memref_slice %arg19[%min3A_202] : memref<10512xf32, #tpu.memory_space<vmem_shared>> -> memref<64xf32, #tpu.memory_space<vmem_shared>>
      %dma_wait3A_204 = tpu.memref_slice %arg19[%min3A_202] : memref<10512xf32, #tpu.memory_space<vmem_shared>> -> memref<64xf32, #tpu.memory_space<vmem_shared>>
      tpu.wait_dma2 semaphore(%arg21 : memref<!tpu.dma_semaphore, #tpu.memory_space<semaphore_mem>>) src(%arg17 : memref<64xf32, #tpu.memory_space<vmem>>) dst(%dma_wait3A_204 : memref<64xf32, #tpu.memory_space<vmem_shared>>)
      %while3A_205 = arith.constant 0 : i32
      scf.yield %while3A_205 : i32
    }
    "tpu.region"() ({
      %run_scoped3A = tpu.sem_alloc : memref<!tpu.dma_semaphore, #tpu.memory_space<semaphore_mem>>
      tpu.enqueue_dma source(%arg3 : memref<10512xf32, #tpu.memory_space<hbm>>) target(%arg12 : memref<10512xf32, #tpu.memory_space<vmem>>) target_semaphore(%run_scoped3A : memref<!tpu.dma_semaphore, #tpu.memory_space<semaphore_mem>>)
      tpu.wait_dma2 semaphore(%run_scoped3A : memref<!tpu.dma_semaphore, #tpu.memory_space<semaphore_mem>>) src(%arg3 : memref<10512xf32, #tpu.memory_space<hbm>>) dst(%arg12 : memref<10512xf32, #tpu.memory_space<vmem>>)
      tpu.yield
    }) : () -> ()
    "tpu.region"() ({
      %run_scoped3A = tpu.sem_alloc : memref<!tpu.dma_semaphore, #tpu.memory_space<semaphore_mem>>
      tpu.enqueue_dma source(%arg4 : memref<10512xf32, #tpu.memory_space<hbm>>) target(%arg13 : memref<10512xf32, #tpu.memory_space<vmem>>) target_semaphore(%run_scoped3A : memref<!tpu.dma_semaphore, #tpu.memory_space<semaphore_mem>>)
      tpu.wait_dma2 semaphore(%run_scoped3A : memref<!tpu.dma_semaphore, #tpu.memory_space<semaphore_mem>>) src(%arg4 : memref<10512xf32, #tpu.memory_space<hbm>>) dst(%arg13 : memref<10512xf32, #tpu.memory_space<vmem>>)
      tpu.yield
    }) : () -> ()
    "tpu.region"() ({
      %run_scoped3A = tpu.sem_alloc : memref<!tpu.dma_semaphore, #tpu.memory_space<semaphore_mem>>
      tpu.enqueue_dma source(%arg5 : memref<16xf32, #tpu.memory_space<hbm>>) target(%arg14 : memref<16xf32, #tpu.memory_space<vmem>>) target_semaphore(%run_scoped3A : memref<!tpu.dma_semaphore, #tpu.memory_space<semaphore_mem>>)
      tpu.wait_dma2 semaphore(%run_scoped3A : memref<!tpu.dma_semaphore, #tpu.memory_space<semaphore_mem>>) src(%arg5 : memref<16xf32, #tpu.memory_space<hbm>>) dst(%arg14 : memref<16xf32, #tpu.memory_space<vmem>>)
      tpu.yield
    }) : () -> ()
    "tpu.region"() ({
      %run_scoped3A = tpu.sem_alloc : memref<!tpu.dma_semaphore, #tpu.memory_space<semaphore_mem>>
      tpu.enqueue_dma source(%arg6 : memref<16xf32, #tpu.memory_space<hbm>>) target(%arg15 : memref<16xf32, #tpu.memory_space<vmem>>) target_semaphore(%run_scoped3A : memref<!tpu.dma_semaphore, #tpu.memory_space<semaphore_mem>>)
      tpu.wait_dma2 semaphore(%run_scoped3A : memref<!tpu.dma_semaphore, #tpu.memory_space<semaphore_mem>>) src(%arg6 : memref<16xf32, #tpu.memory_space<hbm>>) dst(%arg15 : memref<16xf32, #tpu.memory_space<vmem>>)
      tpu.yield
    }) : () -> ()
    %barrier3A = arith.constant 0 : index
    tpu.barrier barrier_id(%barrier3A)
    %get3A = arith.constant 0 : index
    %get3A_60 = tpu.vector_load %arg14[%get3A] {strides = array<i32>} : memref<16xf32, #tpu.memory_space<vmem>>, vector<16xf32>,
    %get3A_61 = arith.constant 0 : index
    %get3A_62 = tpu.vector_load %arg15[%get3A_61] {strides = array<i32>} : memref<16xf32, #tpu.memory_space<vmem>>, vector<16xf32>,
    %add3A_63 = arith.addf %get3A_60, %get3A_62 : vector<16xf32>
    %max3A = arith.constant 0.000000e+00 : f32
    %max3A_64 = vector.broadcast %max3A : f32 to vector<16xf32>
    %max3A_65 = arith.maximumf %add3A_63, %max3A_64 : vector<16xf32>
    %scan3A_66 = arith.constant 0 : i32
    %scan3A_67 = arith.constant 0 : i32
    %scan3A_68 = arith.constant 4 : i32
    %scan3A_69 = arith.addi %scan3A_67, %scan3A_68 : i32
    %scan3A_70 = arith.constant 1 : i32
    %scan3A_71 = scf.for %scan3A_176 = %scan3A_67 to %scan3A_69 step %scan3A_70 iter_args(%scan3A_177 = %scan3A_66) -> (i32)  : i32 {
      %mul3A_178 = arith.constant 16 : i32
      %mul3A_179 = arith.muli %scan3A_176, %mul3A_178 : i32
      %run_scoped3A = arith.constant 0 : i32
      "tpu.region"() ({
        %run_scoped3A_202 = tpu.sem_alloc : memref<!tpu.dma_semaphore, #tpu.memory_space<semaphore_mem>>
        %dma_start3A_203 = arith.constant 0 : i32
        %dma_start3A_204 = tpu.memref_slice %arg7[%run_scoped3A, %add3A, %mul3A_179, %dma_start3A_203] : memref<2x32x64x64xi32, #tpu.memory_space<hbm>> -> memref<1x1x16x64xi32, #tpu.memory_space<hbm>>
        %dma_start3A_205 = tpu.memref_squeeze %dma_start3A_204 : memref<1x1x16x64xi32, #tpu.memory_space<hbm>> -> memref<16x64xi32, #tpu.memory_space<hbm>>
        %dma_start3A_206 = arith.constant 0 : i32
        %dma_start3A_207 = tpu.memref_slice %arg7[%run_scoped3A, %add3A, %mul3A_179, %dma_start3A_206] : memref<2x32x64x64xi32, #tpu.memory_space<hbm>> -> memref<1x1x16x64xi32, #tpu.memory_space<hbm>>
        %dma_start3A_208 = tpu.memref_squeeze %dma_start3A_207 : memref<1x1x16x64xi32, #tpu.memory_space<hbm>> -> memref<16x64xi32, #tpu.memory_space<hbm>>
        tpu.enqueue_dma source(%dma_start3A_208 : memref<16x64xi32, #tpu.memory_space<hbm>>) target(%arg10 : memref<16x64xi32, #tpu.memory_space<vmem>>) target_semaphore(%run_scoped3A_202 : memref<!tpu.dma_semaphore, #tpu.memory_space<semaphore_mem>>)
        %dma_wait3A = arith.constant 0 : i32
        %dma_wait3A_209 = tpu.memref_slice %arg7[%run_scoped3A, %add3A, %mul3A_179, %dma_wait3A] : memref<2x32x64x64xi32, #tpu.memory_space<hbm>> -> memref<1x1x16x64xi32, #tpu.memory_space<hbm>>
        %dma_wait3A_210 = tpu.memref_squeeze %dma_wait3A_209 : memref<1x1x16x64xi32, #tpu.memory_space<hbm>> -> memref<16x64xi32, #tpu.memory_space<hbm>>
        %dma_wait3A_211 = arith.constant 0 : i32
        %dma_wait3A_212 = tpu.memref_slice %arg7[%run_scoped3A, %add3A, %mul3A_179, %dma_wait3A_211] : memref<2x32x64x64xi32, #tpu.memory_space<hbm>> -> memref<1x1x16x64xi32, #tpu.memory_space<hbm>>
        %dma_wait3A_213 = tpu.memref_squeeze %dma_wait3A_212 : memref<1x1x16x64xi32, #tpu.memory_space<hbm>> -> memref<16x64xi32, #tpu.memory_space<hbm>>
        tpu.wait_dma2 semaphore(%run_scoped3A_202 : memref<!tpu.dma_semaphore, #tpu.memory_space<semaphore_mem>>) src(%dma_wait3A_213 : memref<16x64xi32, #tpu.memory_space<hbm>>) dst(%arg10 : memref<16x64xi32, #tpu.memory_space<vmem>>)
        tpu.yield
      }) : () -> ()
      %mul3A_180 = arith.constant 16 : i32
      %mul3A_181 = arith.muli %scan3A_176, %mul3A_180 : i32
      %run_scoped3A_182 = arith.constant 1 : i32
      "tpu.region"() ({
        %run_scoped3A_202 = tpu.sem_alloc : memref<!tpu.dma_semaphore, #tpu.memory_space<semaphore_mem>>
        %dma_start3A_203 = arith.constant 0 : i32
        %dma_start3A_204 = tpu.memref_slice %arg7[%run_scoped3A_182, %add3A, %mul3A_181, %dma_start3A_203] : memref<2x32x64x64xi32, #tpu.memory_space<hbm>> -> memref<1x1x16x64xi32, #tpu.memory_space<hbm>>
        %dma_start3A_205 = tpu.memref_squeeze %dma_start3A_204 : memref<1x1x16x64xi32, #tpu.memory_space<hbm>> -> memref<16x64xi32, #tpu.memory_space<hbm>>
        %dma_start3A_206 = arith.constant 0 : i32
        %dma_start3A_207 = tpu.memref_slice %arg7[%run_scoped3A_182, %add3A, %mul3A_181, %dma_start3A_206] : memref<2x32x64x64xi32, #tpu.memory_space<hbm>> -> memref<1x1x16x64xi32, #tpu.memory_space<hbm>>
        %dma_start3A_208 = tpu.memref_squeeze %dma_start3A_207 : memref<1x1x16x64xi32, #tpu.memory_space<hbm>> -> memref<16x64xi32, #tpu.memory_space<hbm>>
        tpu.enqueue_dma source(%dma_start3A_208 : memref<16x64xi32, #tpu.memory_space<hbm>>) target(%arg11 : memref<16x64xi32, #tpu.memory_space<vmem>>) target_semaphore(%run_scoped3A_202 : memref<!tpu.dma_semaphore, #tpu.memory_space<semaphore_mem>>)
        %dma_wait3A = arith.constant 0 : i32
        %dma_wait3A_209 = tpu.memref_slice %arg7[%run_scoped3A_182, %add3A, %mul3A_181, %dma_wait3A] : memref<2x32x64x64xi32, #tpu.memory_space<hbm>> -> memref<1x1x16x64xi32, #tpu.memory_space<hbm>>
        %dma_wait3A_210 = tpu.memref_squeeze %dma_wait3A_209 : memref<1x1x16x64xi32, #tpu.memory_space<hbm>> -> memref<16x64xi32, #tpu.memory_space<hbm>>
        %dma_wait3A_211 = arith.constant 0 : i32
        %dma_wait3A_212 = tpu.memref_slice %arg7[%run_scoped3A_182, %add3A, %mul3A_181, %dma_wait3A_211] : memref<2x32x64x64xi32, #tpu.memory_space<hbm>> -> memref<1x1x16x64xi32, #tpu.memory_space<hbm>>
        %dma_wait3A_213 = tpu.memref_squeeze %dma_wait3A_212 : memref<1x1x16x64xi32, #tpu.memory_space<hbm>> -> memref<16x64xi32, #tpu.memory_space<hbm>>
        tpu.wait_dma2 semaphore(%run_scoped3A_202 : memref<!tpu.dma_semaphore, #tpu.memory_space<semaphore_mem>>) src(%dma_wait3A_213 : memref<16x64xi32, #tpu.memory_space<hbm>>) dst(%arg11 : memref<16x64xi32, #tpu.memory_space<vmem>>)
        tpu.yield
      }) : () -> ()
      %dma_start3A = arith.constant 0 : i32
      %dma_start3A_183 = arith.constant 0 : i32
      %dma_start3A_184 = arith.constant 0 : i32
      %dma_start3A_185 = arith.constant 0 : i32
      %dma_start3A_186 = tpu.memref_slice %arg16[%dma_start3A_183, %dma_start3A_184, %dma_start3A_185] : memref<2x64x128xf32, #tpu.memory_space<vmem>> -> memref<1x64x128xf32, #tpu.memory_space<vmem>>
      %dma_start3A_187 = tpu.memref_squeeze %dma_start3A_186 : memref<1x64x128xf32, #tpu.memory_space<vmem>> -> memref<64x128xf32, #tpu.memory_space<vmem>>
      %dma_start3A_188 = arith.constant 0 : i32
      %dma_start3A_189 = tpu.memref_slice %arg10[%dma_start3A, %dma_start3A_188] : memref<16x64xi32, #tpu.memory_space<vmem>> -> memref<1x64xi32, #tpu.memory_space<vmem>>
      %dma_start3A_190 = tpu.memref_squeeze %dma_start3A_189 : memref<1x64xi32, #tpu.memory_space<vmem>> -> memref<64xi32, #tpu.memory_space<vmem>>
      %dma_start3A_191 = arith.constant 0 : i32
      %dma_start3A_192 = arith.constant 0 : i32
      %dma_start3A_193 = tpu.memref_slice %arg2[%dma_start3A_191, %dma_start3A_192] : memref<10512x128xf32, #tpu.memory_space<hbm>> -> memref<10512x128xf32, #tpu.memory_space<hbm>>
      tpu.enqueue_indirect_dma source(%dma_start3A_193 : memref<10512x128xf32, #tpu.memory_space<hbm>>) target(%dma_start3A_187 : memref<64x128xf32, #tpu.memory_space<vmem>>) offsets(%dma_start3A_190 : memref<64xi32, #tpu.memory_space<vmem>>) semaphore(%arg20 : memref<!tpu.dma_semaphore, #tpu.memory_space<semaphore_mem>>)
      %scan3A_194 = arith.constant 0 : i32
      %scan3A_195 = arith.constant 0 : i32
      %scan3A_196 = arith.constant 8 : i32
      %scan3A_197 = arith.addi %scan3A_195, %scan3A_196 : i32
      %scan3A_198 = arith.constant 1 : i32
      %scan3A_199 = scf.for %scan3A_202 = %scan3A_195 to %scan3A_197 step %scan3A_198 iter_args(%scan3A_203 = %scan3A_194) -> (i32)  : i32 {
        %mul3A_204 = arith.constant 2 : i32
        %mul3A_205 = arith.muli %mul3A_204, %scan3A_202 : i32
        %add3A_206 = arith.constant 1 : i32
        %add3A_207 = arith.addi %mul3A_205, %add3A_206 : i32
        %dma_start3A_208 = arith.constant 1 : i32
        %dma_start3A_209 = arith.constant 0 : i32
        %dma_start3A_210 = arith.constant 0 : i32
        %dma_start3A_211 = tpu.memref_slice %arg16[%dma_start3A_208, %dma_start3A_209, %dma_start3A_210] : memref<2x64x128xf32, #tpu.memory_space<vmem>> -> memref<1x64x128xf32, #tpu.memory_space<vmem>>
        %dma_start3A_212 = tpu.memref_squeeze %dma_start3A_211 : memref<1x64x128xf32, #tpu.memory_space<vmem>> -> memref<64x128xf32, #tpu.memory_space<vmem>>
        %dma_start3A_213 = arith.constant 0 : i32
        %dma_start3A_214 = tpu.memref_slice %arg10[%add3A_207, %dma_start3A_213] : memref<16x64xi32, #tpu.memory_space<vmem>> -> memref<1x64xi32, #tpu.memory_space<vmem>>
        %dma_start3A_215 = tpu.memref_squeeze %dma_start3A_214 : memref<1x64xi32, #tpu.memory_space<vmem>> -> memref<64xi32, #tpu.memory_space<vmem>>
        %dma_start3A_216 = arith.constant 0 : i32
        %dma_start3A_217 = arith.constant 0 : i32
        %dma_start3A_218 = tpu.memref_slice %arg2[%dma_start3A_216, %dma_start3A_217] : memref<10512x128xf32, #tpu.memory_space<hbm>> -> memref<10512x128xf32, #tpu.memory_space<hbm>>
        tpu.enqueue_indirect_dma source(%dma_start3A_218 : memref<10512x128xf32, #tpu.memory_space<hbm>>) target(%dma_start3A_212 : memref<64x128xf32, #tpu.memory_space<vmem>>) offsets(%dma_start3A_215 : memref<64xi32, #tpu.memory_space<vmem>>) semaphore(%arg21 : memref<!tpu.dma_semaphore, #tpu.memory_space<semaphore_mem>>)
        %dma_wait3A = arith.constant 0 : i32
        %dma_wait3A_219 = arith.constant 0 : i32
        %dma_wait3A_220 = arith.constant 0 : i32
        %dma_wait3A_221 = tpu.memref_slice %arg16[%dma_wait3A, %dma_wait3A_219, %dma_wait3A_220] : memref<2x64x128xf32, #tpu.memory_space<vmem>> -> memref<1x64x128xf32, #tpu.memory_space<vmem>>
        %dma_wait3A_222 = tpu.memref_squeeze %dma_wait3A_221 : memref<1x64x128xf32, #tpu.memory_space<vmem>> -> memref<64x128xf32, #tpu.memory_space<vmem>>
        %dma_wait3A_223 = arith.constant 0 : i32
        %dma_wait3A_224 = tpu.memref_slice %arg10[%mul3A_205, %dma_wait3A_223] : memref<16x64xi32, #tpu.memory_space<vmem>> -> memref<1x64xi32, #tpu.memory_space<vmem>>
        %dma_wait3A_225 = tpu.memref_squeeze %dma_wait3A_224 : memref<1x64xi32, #tpu.memory_space<vmem>> -> memref<64xi32, #tpu.memory_space<vmem>>
        %dma_wait3A_226 = arith.constant 0 : i32
        %dma_wait3A_227 = arith.constant 0 : i32
        %dma_wait3A_228 = tpu.memref_slice %arg2[%dma_wait3A_226, %dma_wait3A_227] : memref<10512x128xf32, #tpu.memory_space<hbm>> -> memref<10512x128xf32, #tpu.memory_space<hbm>>
        tpu.wait_indirect_dma semaphore(%arg20 : memref<!tpu.dma_semaphore, #tpu.memory_space<semaphore_mem>>) src(%dma_wait3A_228 : memref<10512x128xf32, #tpu.memory_space<hbm>>) dst(%dma_wait3A_222 : memref<64x128xf32, #tpu.memory_space<vmem>>)
        %get3A_229 = arith.index_cast %mul3A_205 : i32 to index
        %get3A_230 = arith.constant 0 : index
        %get3A_231 = tpu.vector_load %arg10[%get3A_229, %get3A_230] {strides = array<i32>} : memref<16x64xi32, #tpu.memory_space<vmem>>, vector<16xi32>,
        %get3A_232 = arith.index_cast %mul3A_205 : i32 to index
        %get3A_233 = arith.constant 0 : index
        %get3A_234 = tpu.vector_load %arg11[%get3A_232, %get3A_233] {strides = array<i32>} : memref<16x64xi32, #tpu.memory_space<vmem>>, vector<16xi32>,
        %gather3A = tpu.vector_load_idx %arg12[%get3A_231] : memref<10512xf32, #tpu.memory_space<vmem>>[vector<16xi32>], vector<16xf32>,
        %gather3A_235 = tpu.vector_load_idx %arg13[%get3A_234] : memref<10512xf32, #tpu.memory_space<vmem>>[vector<16xi32>], vector<16xf32>,
        %add3A_236 = arith.addf %gather3A, %gather3A_235 : vector<16xf32>
        %mul3A_237 = arith.constant 2.000000e-01 : f32
        %mul3A_238 = vector.broadcast %mul3A_237 : f32 to vector<16xf32>
        %mul3A_239 = arith.mulf %mul3A_238, %add3A_236 : vector<16xf32>
        %max3A_240 = arith.maximumf %add3A_236, %mul3A_239 : vector<16xf32>
        %sub3A_241 = arith.subf %max3A_240, %max3A_65 : vector<16xf32>
        %exp3A = math.exp %sub3A_241 : vector<16xf32>
        %swap3A_242 = arith.constant 0 : index
        %swap3A_243 = tpu.vector_load %arg17[%swap3A_242] {strides = array<i32>} : memref<64xf32, #tpu.memory_space<vmem>>, vector<16xf32>,
        tpu.vector_store %arg17[%swap3A_242], %exp3A {strides = array<i32>} : memref<64xf32, #tpu.memory_space<vmem>>, vector<16xf32>,
        %get3A_244 = arith.index_cast %mul3A_205 : i32 to index
        %get3A_245 = arith.constant 16 : index
        %get3A_246 = tpu.vector_load %arg10[%get3A_244, %get3A_245] {strides = array<i32>} : memref<16x64xi32, #tpu.memory_space<vmem>>, vector<16xi32>,
        %get3A_247 = arith.index_cast %mul3A_205 : i32 to index
        %get3A_248 = arith.constant 16 : index
        %get3A_249 = tpu.vector_load %arg11[%get3A_247, %get3A_248] {strides = array<i32>} : memref<16x64xi32, #tpu.memory_space<vmem>>, vector<16xi32>,
        %gather3A_250 = tpu.vector_load_idx %arg12[%get3A_246] : memref<10512xf32, #tpu.memory_space<vmem>>[vector<16xi32>], vector<16xf32>,
        %gather3A_251 = tpu.vector_load_idx %arg13[%get3A_249] : memref<10512xf32, #tpu.memory_space<vmem>>[vector<16xi32>], vector<16xf32>,
        %add3A_252 = arith.addf %gather3A_250, %gather3A_251 : vector<16xf32>
        %mul3A_253 = arith.constant 2.000000e-01 : f32
        %mul3A_254 = vector.broadcast %mul3A_253 : f32 to vector<16xf32>
        %mul3A_255 = arith.mulf %mul3A_254, %add3A_252 : vector<16xf32>
        %max3A_256 = arith.maximumf %add3A_252, %mul3A_255 : vector<16xf32>
        %sub3A_257 = arith.subf %max3A_256, %max3A_65 : vector<16xf32>
        %exp3A_258 = math.exp %sub3A_257 : vector<16xf32>
        %swap3A_259 = arith.constant 16 : index
        %swap3A_260 = tpu.vector_load %arg17[%swap3A_259] {strides = array<i32>} : memref<64xf32, #tpu.memory_space<vmem>>, vector<16xf32>,
        tpu.vector_store %arg17[%swap3A_259], %exp3A_258 {strides = array<i32>} : memref<64xf32, #tpu.memory_space<vmem>>, vector<16xf32>,
        %get3A_261 = arith.index_cast %mul3A_205 : i32 to index
        %get3A_262 = arith.constant 32 : index
        %get3A_263 = tpu.vector_load %arg10[%get3A_261, %get3A_262] {strides = array<i32>} : memref<16x64xi32, #tpu.memory_space<vmem>>, vector<16xi32>,
        %get3A_264 = arith.index_cast %mul3A_205 : i32 to index
        %get3A_265 = arith.constant 32 : index
        %get3A_266 = tpu.vector_load %arg11[%get3A_264, %get3A_265] {strides = array<i32>} : memref<16x64xi32, #tpu.memory_space<vmem>>, vector<16xi32>,
        %gather3A_267 = tpu.vector_load_idx %arg12[%get3A_263] : memref<10512xf32, #tpu.memory_space<vmem>>[vector<16xi32>], vector<16xf32>,
        %gather3A_268 = tpu.vector_load_idx %arg13[%get3A_266] : memref<10512xf32, #tpu.memory_space<vmem>>[vector<16xi32>], vector<16xf32>,
        %add3A_269 = arith.addf %gather3A_267, %gather3A_268 : vector<16xf32>
        %mul3A_270 = arith.constant 2.000000e-01 : f32
        %mul3A_271 = vector.broadcast %mul3A_270 : f32 to vector<16xf32>
        %mul3A_272 = arith.mulf %mul3A_271, %add3A_269 : vector<16xf32>
        %max3A_273 = arith.maximumf %add3A_269, %mul3A_272 : vector<16xf32>
        %sub3A_274 = arith.subf %max3A_273, %max3A_65 : vector<16xf32>
        %exp3A_275 = math.exp %sub3A_274 : vector<16xf32>
        %swap3A_276 = arith.constant 32 : index
        %swap3A_277 = tpu.vector_load %arg17[%swap3A_276] {strides = array<i32>} : memref<64xf32, #tpu.memory_space<vmem>>, vector<16xf32>,
        tpu.vector_store %arg17[%swap3A_276], %exp3A_275 {strides = array<i32>} : memref<64xf32, #tpu.memory_space<vmem>>, vector<16xf32>,
        %get3A_278 = arith.index_cast %mul3A_205 : i32 to index
        %get3A_279 = arith.constant 48 : index
        %get3A_280 = tpu.vector_load %arg10[%get3A_278, %get3A_279] {strides = array<i32>} : memref<16x64xi32, #tpu.memory_space<vmem>>, vector<16xi32>,
        %get3A_281 = arith.index_cast %mul3A_205 : i32 to index
        %get3A_282 = arith.constant 48 : index
        %get3A_283 = tpu.vector_load %arg11[%get3A_281, %get3A_282] {strides = array<i32>} : memref<16x64xi32, #tpu.memory_space<vmem>>, vector<16xi32>,
        %gather3A_284 = tpu.vector_load_idx %arg12[%get3A_280] : memref<10512xf32, #tpu.memory_space<vmem>>[vector<16xi32>], vector<16xf32>,
        %gather3A_285 = tpu.vector_load_idx %arg13[%get3A_283] : memref<10512xf32, #tpu.memory_space<vmem>>[vector<16xi32>], vector<16xf32>,
        %add3A_286 = arith.addf %gather3A_284, %gather3A_285 : vector<16xf32>
        %mul3A_287 = arith.constant 2.000000e-01 : f32
        %mul3A_288 = vector.broadcast %mul3A_287 : f32 to vector<16xf32>
        %mul3A_289 = arith.mulf %mul3A_288, %add3A_286 : vector<16xf32>
        %max3A_290 = arith.maximumf %add3A_286, %mul3A_289 : vector<16xf32>
        %sub3A_291 = arith.subf %max3A_290, %max3A_65 : vector<16xf32>
        %exp3A_292 = math.exp %sub3A_291 : vector<16xf32>
        %swap3A_293 = arith.constant 48 : index
        %swap3A_294 = tpu.vector_load %arg17[%swap3A_293] {strides = array<i32>} : memref<64xf32, #tpu.memory_space<vmem>>, vector<16xf32>,
        tpu.vector_store %arg17[%swap3A_293], %exp3A_292 {strides = array<i32>} : memref<64xf32, #tpu.memory_space<vmem>>, vector<16xf32>,
        %scan3A_295 = arith.constant 0 : i32
        %scan3A_296 = arith.constant 0 : i32
        %scan3A_297 = arith.constant 64 : i32
        %scan3A_298 = arith.addi %scan3A_296, %scan3A_297 : i32
        %scan3A_299 = arith.constant 1 : i32
        %scan3A_300 = scf.for %scan3A_395 = %scan3A_296 to %scan3A_298 step %scan3A_299 iter_args(%scan3A_396 = %scan3A_295) -> (i32)  : i32 {
          %broadcast_in_dim3A_397 = arith.constant 0 : i32
          %broadcast_in_dim3A_398 = vector.broadcast %broadcast_in_dim3A_397 : i32 to vector<16xi32>
          %add3A_399 = vector.broadcast %scan3A_395 : i32 to vector<16xi32>
          %add3A_400 = arith.addi %broadcast_in_dim3A_398, %add3A_399 : vector<16xi32>
          %gather3A_401 = tpu.vector_load_idx %arg17[%add3A_400] : memref<64xf32, #tpu.memory_space<vmem>>[vector<16xi32>], vector<16xf32>,
          %get3A_402 = arith.constant 0 : i32
          %get3A_403 = arith.index_cast %get3A_402 : i32 to index
          %get3A_404 = arith.index_cast %scan3A_395 : i32 to index
          %get3A_405 = arith.constant 0 : index
          %get3A_406 = tpu.vector_load %arg16[%get3A_403, %get3A_404, %get3A_405] {strides = array<i32>} : memref<2x64x128xf32, #tpu.memory_space<vmem>>, vector<16xf32>,
          %mul3A_407 = arith.mulf %get3A_406, %gather3A_401 : vector<16xf32>
          %swap3A_408 = arith.constant 0 : i32
          %swap3A_409 = arith.index_cast %swap3A_408 : i32 to index
          %swap3A_410 = arith.index_cast %scan3A_395 : i32 to index
          %swap3A_411 = arith.constant 0 : index
          %swap3A_412 = tpu.vector_load %arg16[%swap3A_409, %swap3A_410, %swap3A_411] {strides = array<i32>} : memref<2x64x128xf32, #tpu.memory_space<vmem>>, vector<16xf32>,
          tpu.vector_store %arg16[%swap3A_409, %swap3A_410, %swap3A_411], %mul3A_407 {strides = array<i32>} : memref<2x64x128xf32, #tpu.memory_space<vmem>>, vector<16xf32>,
          %get3A_413 = arith.constant 0 : i32
          %get3A_414 = arith.index_cast %get3A_413 : i32 to index
          %get3A_415 = arith.index_cast %scan3A_395 : i32 to index
          %get3A_416 = arith.constant 16 : index
          %get3A_417 = tpu.vector_load %arg16[%get3A_414, %get3A_415, %get3A_416] {strides = array<i32>} : memref<2x64x128xf32, #tpu.memory_space<vmem>>, vector<16xf32>,
          %mul3A_418 = arith.mulf %get3A_417, %gather3A_401 : vector<16xf32>
          %swap3A_419 = arith.constant 0 : i32
          %swap3A_420 = arith.index_cast %swap3A_419 : i32 to index
          %swap3A_421 = arith.index_cast %scan3A_395 : i32 to index
          %swap3A_422 = arith.constant 16 : index
          %swap3A_423 = tpu.vector_load %arg16[%swap3A_420, %swap3A_421, %swap3A_422] {strides = array<i32>} : memref<2x64x128xf32, #tpu.memory_space<vmem>>, vector<16xf32>,
          tpu.vector_store %arg16[%swap3A_420, %swap3A_421, %swap3A_422], %mul3A_418 {strides = array<i32>} : memref<2x64x128xf32, #tpu.memory_space<vmem>>, vector<16xf32>,
          %get3A_424 = arith.constant 0 : i32
          %get3A_425 = arith.index_cast %get3A_424 : i32 to index
          %get3A_426 = arith.index_cast %scan3A_395 : i32 to index
          %get3A_427 = arith.constant 32 : index
          %get3A_428 = tpu.vector_load %arg16[%get3A_425, %get3A_426, %get3A_427] {strides = array<i32>} : memref<2x64x128xf32, #tpu.memory_space<vmem>>, vector<16xf32>,
          %mul3A_429 = arith.mulf %get3A_428, %gather3A_401 : vector<16xf32>
          %swap3A_430 = arith.constant 0 : i32
          %swap3A_431 = arith.index_cast %swap3A_430 : i32 to index
          %swap3A_432 = arith.index_cast %scan3A_395 : i32 to index
          %swap3A_433 = arith.constant 32 : index
          %swap3A_434 = tpu.vector_load %arg16[%swap3A_431, %swap3A_432, %swap3A_433] {strides = array<i32>} : memref<2x64x128xf32, #tpu.memory_space<vmem>>, vector<16xf32>,
          tpu.vector_store %arg16[%swap3A_431, %swap3A_432, %swap3A_433], %mul3A_429 {strides = array<i32>} : memref<2x64x128xf32, #tpu.memory_space<vmem>>, vector<16xf32>,
          %get3A_435 = arith.constant 0 : i32
          %get3A_436 = arith.index_cast %get3A_435 : i32 to index
          %get3A_437 = arith.index_cast %scan3A_395 : i32 to index
          %get3A_438 = arith.constant 48 : index
          %get3A_439 = tpu.vector_load %arg16[%get3A_436, %get3A_437, %get3A_438] {strides = array<i32>} : memref<2x64x128xf32, #tpu.memory_space<vmem>>, vector<16xf32>,
          %mul3A_440 = arith.mulf %get3A_439, %gather3A_401 : vector<16xf32>
          %swap3A_441 = arith.constant 0 : i32
          %swap3A_442 = arith.index_cast %swap3A_441 : i32 to index
          %swap3A_443 = arith.index_cast %scan3A_395 : i32 to index
          %swap3A_444 = arith.constant 48 : index
          %swap3A_445 = tpu.vector_load %arg16[%swap3A_442, %swap3A_443, %swap3A_444] {strides = array<i32>} : memref<2x64x128xf32, #tpu.memory_space<vmem>>, vector<16xf32>,
          tpu.vector_store %arg16[%swap3A_442, %swap3A_443, %swap3A_444], %mul3A_440 {strides = array<i32>} : memref<2x64x128xf32, #tpu.memory_space<vmem>>, vector<16xf32>,
          %get3A_446 = arith.constant 0 : i32
          %get3A_447 = arith.index_cast %get3A_446 : i32 to index
          %get3A_448 = arith.index_cast %scan3A_395 : i32 to index
          %get3A_449 = arith.constant 64 : index
          %get3A_450 = tpu.vector_load %arg16[%get3A_447, %get3A_448, %get3A_449] {strides = array<i32>} : memref<2x64x128xf32, #tpu.memory_space<vmem>>, vector<16xf32>,
          %mul3A_451 = arith.mulf %get3A_450, %gather3A_401 : vector<16xf32>
          %swap3A_452 = arith.constant 0 : i32
          %swap3A_453 = arith.index_cast %swap3A_452 : i32 to index
          %swap3A_454 = arith.index_cast %scan3A_395 : i32 to index
          %swap3A_455 = arith.constant 64 : index
          %swap3A_456 = tpu.vector_load %arg16[%swap3A_453, %swap3A_454, %swap3A_455] {strides = array<i32>} : memref<2x64x128xf32, #tpu.memory_space<vmem>>, vector<16xf32>,
          tpu.vector_store %arg16[%swap3A_453, %swap3A_454, %swap3A_455], %mul3A_451 {strides = array<i32>} : memref<2x64x128xf32, #tpu.memory_space<vmem>>, vector<16xf32>,
          %get3A_457 = arith.constant 0 : i32
          %get3A_458 = arith.index_cast %get3A_457 : i32 to index
          %get3A_459 = arith.index_cast %scan3A_395 : i32 to index
          %get3A_460 = arith.constant 80 : index
          %get3A_461 = tpu.vector_load %arg16[%get3A_458, %get3A_459, %get3A_460] {strides = array<i32>} : memref<2x64x128xf32, #tpu.memory_space<vmem>>, vector<16xf32>,
          %mul3A_462 = arith.mulf %get3A_461, %gather3A_401 : vector<16xf32>
          %swap3A_463 = arith.constant 0 : i32
          %swap3A_464 = arith.index_cast %swap3A_463 : i32 to index
          %swap3A_465 = arith.index_cast %scan3A_395 : i32 to index
          %swap3A_466 = arith.constant 80 : index
          %swap3A_467 = tpu.vector_load %arg16[%swap3A_464, %swap3A_465, %swap3A_466] {strides = array<i32>} : memref<2x64x128xf32, #tpu.memory_space<vmem>>, vector<16xf32>,
          tpu.vector_store %arg16[%swap3A_464, %swap3A_465, %swap3A_466], %mul3A_462 {strides = array<i32>} : memref<2x64x128xf32, #tpu.memory_space<vmem>>, vector<16xf32>,
          %get3A_468 = arith.constant 0 : i32
          %get3A_469 = arith.index_cast %get3A_468 : i32 to index
          %get3A_470 = arith.index_cast %scan3A_395 : i32 to index
          %get3A_471 = arith.constant 96 : index
          %get3A_472 = tpu.vector_load %arg16[%get3A_469, %get3A_470, %get3A_471] {strides = array<i32>} : memref<2x64x128xf32, #tpu.memory_space<vmem>>, vector<16xf32>,
          %mul3A_473 = arith.mulf %get3A_472, %gather3A_401 : vector<16xf32>
          %swap3A_474 = arith.constant 0 : i32
          %swap3A_475 = arith.index_cast %swap3A_474 : i32 to index
          %swap3A_476 = arith.index_cast %scan3A_395 : i32 to index
          %swap3A_477 = arith.constant 96 : index
          %swap3A_478 = tpu.vector_load %arg16[%swap3A_475, %swap3A_476, %swap3A_477] {strides = array<i32>} : memref<2x64x128xf32, #tpu.memory_space<vmem>>, vector<16xf32>,
          tpu.vector_store %arg16[%swap3A_475, %swap3A_476, %swap3A_477], %mul3A_473 {strides = array<i32>} : memref<2x64x128xf32, #tpu.memory_space<vmem>>, vector<16xf32>,
          %get3A_479 = arith.constant 0 : i32
          %get3A_480 = arith.index_cast %get3A_479 : i32 to index
          %get3A_481 = arith.index_cast %scan3A_395 : i32 to index
          %get3A_482 = arith.constant 112 : index
          %get3A_483 = tpu.vector_load %arg16[%get3A_480, %get3A_481, %get3A_482] {strides = array<i32>} : memref<2x64x128xf32, #tpu.memory_space<vmem>>, vector<16xf32>,
          %mul3A_484 = arith.mulf %get3A_483, %gather3A_401 : vector<16xf32>
          %swap3A_485 = arith.constant 0 : i32
          %swap3A_486 = arith.index_cast %swap3A_485 : i32 to index
          %swap3A_487 = arith.index_cast %scan3A_395 : i32 to index
          %swap3A_488 = arith.constant 112 : index
          %swap3A_489 = tpu.vector_load %arg16[%swap3A_486, %swap3A_487, %swap3A_488] {strides = array<i32>} : memref<2x64x128xf32, #tpu.memory_space<vmem>>, vector<16xf32>,
          tpu.vector_store %arg16[%swap3A_486, %swap3A_487, %swap3A_488], %mul3A_484 {strides = array<i32>} : memref<2x64x128xf32, #tpu.memory_space<vmem>>, vector<16xf32>,
          %scan3A_490 = arith.constant 0 : i32
          scf.yield %scan3A_490 : i32
        }
        %scan3A_301 = arith.constant 64 : i32
        %run_scoped3A_302 = arith.constant 0 : i32
        "tpu.region"() ({
          %run_scoped3A_395 = tpu.sem_alloc : memref<!tpu.dma_semaphore, #tpu.memory_space<semaphore_mem>>
          %dma_start3A_396 = arith.constant 0 : i32
          %dma_start3A_397 = arith.constant 0 : i32
          %dma_start3A_398 = tpu.memref_slice %arg16[%run_scoped3A_302, %dma_start3A_396, %dma_start3A_397] : memref<2x64x128xf32, #tpu.memory_space<vmem>> -> memref<1x64x128xf32, #tpu.memory_space<vmem>>
          %dma_start3A_399 = tpu.memref_squeeze %dma_start3A_398 : memref<1x64x128xf32, #tpu.memory_space<vmem>> -> memref<64x128xf32, #tpu.memory_space<vmem>>
          %dma_start3A_400 = arith.constant 0 : i32
          %dma_start3A_401 = tpu.memref_slice %arg11[%mul3A_205, %dma_start3A_400] : memref<16x64xi32, #tpu.memory_space<vmem>> -> memref<1x64xi32, #tpu.memory_space<vmem>>
          %dma_start3A_402 = tpu.memref_squeeze %dma_start3A_401 : memref<1x64xi32, #tpu.memory_space<vmem>> -> memref<64xi32, #tpu.memory_space<vmem>>
          %dma_start3A_403 = arith.constant 0 : i32
          %dma_start3A_404 = arith.constant 0 : i32
          %dma_start3A_405 = tpu.memref_slice %arg18[%dma_start3A_403, %dma_start3A_404] : memref<10512x128xf32, #tpu.memory_space<vmem_shared>> -> memref<10512x128xf32, #tpu.memory_space<vmem_shared>>
          tpu.enqueue_indirect_dma source(%dma_start3A_399 : memref<64x128xf32, #tpu.memory_space<vmem>>) target(%dma_start3A_405 : memref<10512x128xf32, #tpu.memory_space<vmem_shared>>) offsets(%dma_start3A_402 : memref<64xi32, #tpu.memory_space<vmem>>) semaphore(%run_scoped3A_395 : memref<!tpu.dma_semaphore, #tpu.memory_space<semaphore_mem>>) {add = true}
          %dma_wait3A_406 = arith.constant 0 : i32
          %dma_wait3A_407 = arith.constant 0 : i32
          %dma_wait3A_408 = tpu.memref_slice %arg16[%run_scoped3A_302, %dma_wait3A_406, %dma_wait3A_407] : memref<2x64x128xf32, #tpu.memory_space<vmem>> -> memref<1x64x128xf32, #tpu.memory_space<vmem>>
          %dma_wait3A_409 = tpu.memref_squeeze %dma_wait3A_408 : memref<1x64x128xf32, #tpu.memory_space<vmem>> -> memref<64x128xf32, #tpu.memory_space<vmem>>
          %dma_wait3A_410 = arith.constant 0 : i32
          %dma_wait3A_411 = tpu.memref_slice %arg11[%mul3A_205, %dma_wait3A_410] : memref<16x64xi32, #tpu.memory_space<vmem>> -> memref<1x64xi32, #tpu.memory_space<vmem>>
          %dma_wait3A_412 = tpu.memref_squeeze %dma_wait3A_411 : memref<1x64xi32, #tpu.memory_space<vmem>> -> memref<64xi32, #tpu.memory_space<vmem>>
          %dma_wait3A_413 = arith.constant 0 : i32
          %dma_wait3A_414 = arith.constant 0 : i32
          %dma_wait3A_415 = tpu.memref_slice %arg18[%dma_wait3A_413, %dma_wait3A_414] : memref<10512x128xf32, #tpu.memory_space<vmem_shared>> -> memref<10512x128xf32, #tpu.memory_space<vmem_shared>>
          tpu.wait_indirect_dma semaphore(%run_scoped3A_395 : memref<!tpu.dma_semaphore, #tpu.memory_space<semaphore_mem>>) src(%dma_wait3A_409 : memref<64x128xf32, #tpu.memory_space<vmem>>) dst(%dma_wait3A_415 : memref<10512x128xf32, #tpu.memory_space<vmem_shared>>)
          tpu.yield
        }) : () -> ()
        "tpu.region"() ({
          %run_scoped3A_395 = tpu.sem_alloc : memref<!tpu.dma_semaphore, #tpu.memory_space<semaphore_mem>>
          %dma_start3A_396 = arith.constant 0 : i32
          %dma_start3A_397 = tpu.memref_slice %arg11[%mul3A_205, %dma_start3A_396] : memref<16x64xi32, #tpu.memory_space<vmem>> -> memref<1x64xi32, #tpu.memory_space<vmem>>
          %dma_start3A_398 = tpu.memref_squeeze %dma_start3A_397 : memref<1x64xi32, #tpu.memory_space<vmem>> -> memref<64xi32, #tpu.memory_space<vmem>>
          %dma_start3A_399 = arith.constant 0 : i32
          %dma_start3A_400 = tpu.memref_slice %arg19[%dma_start3A_399] : memref<10512xf32, #tpu.memory_space<vmem_shared>> -> memref<10512xf32, #tpu.memory_space<vmem_shared>>
          tpu.enqueue_indirect_dma source(%arg17 : memref<64xf32, #tpu.memory_space<vmem>>) target(%dma_start3A_400 : memref<10512xf32, #tpu.memory_space<vmem_shared>>) offsets(%dma_start3A_398 : memref<64xi32, #tpu.memory_space<vmem>>) semaphore(%run_scoped3A_395 : memref<!tpu.dma_semaphore, #tpu.memory_space<semaphore_mem>>) {add = true}
          %dma_wait3A_401 = arith.constant 0 : i32
          %dma_wait3A_402 = tpu.memref_slice %arg11[%mul3A_205, %dma_wait3A_401] : memref<16x64xi32, #tpu.memory_space<vmem>> -> memref<1x64xi32, #tpu.memory_space<vmem>>
          %dma_wait3A_403 = tpu.memref_squeeze %dma_wait3A_402 : memref<1x64xi32, #tpu.memory_space<vmem>> -> memref<64xi32, #tpu.memory_space<vmem>>
          %dma_wait3A_404 = arith.constant 0 : i32
          %dma_wait3A_405 = tpu.memref_slice %arg19[%dma_wait3A_404] : memref<10512xf32, #tpu.memory_space<vmem_shared>> -> memref<10512xf32, #tpu.memory_space<vmem_shared>>
          tpu.wait_indirect_dma semaphore(%run_scoped3A_395 : memref<!tpu.dma_semaphore, #tpu.memory_space<semaphore_mem>>) src(%arg17 : memref<64xf32, #tpu.memory_space<vmem>>) dst(%dma_wait3A_405 : memref<10512xf32, #tpu.memory_space<vmem_shared>>)
          tpu.yield
        }) : () -> ()
        %add3A_303 = arith.constant 1 : i32
        %add3A_304 = arith.addi %add3A_207, %add3A_303 : i32
        %lt3A = arith.constant 16 : i32
        %lt3A_305 = arith.cmpi slt, %add3A_304, %lt3A : i32
        %convert_element_type3A = arith.extui %lt3A_305 : i1 to i32
        %cond3A = arith.constant 0 : i32
        %cond3A_306 = arith.cmpi ne, %convert_element_type3A, %cond3A : i32
        scf.if %cond3A_306 {
          %add3A_395 = arith.constant 1 : i32
          %add3A_396 = arith.addi %add3A_207, %add3A_395 : i32
          %dma_start3A_397 = arith.constant 0 : i32
          %dma_start3A_398 = arith.constant 0 : i32
          %dma_start3A_399 = arith.constant 0 : i32
          %dma_start3A_400 = tpu.memref_slice %arg16[%dma_start3A_397, %dma_start3A_398, %dma_start3A_399] : memref<2x64x128xf32, #tpu.memory_space<vmem>> -> memref<1x64x128xf32, #tpu.memory_space<vmem>>
          %dma_start3A_401 = tpu.memref_squeeze %dma_start3A_400 : memref<1x64x128xf32, #tpu.memory_space<vmem>> -> memref<64x128xf32, #tpu.memory_space<vmem>>
          %dma_start3A_402 = arith.constant 0 : i32
          %dma_start3A_403 = tpu.memref_slice %arg10[%add3A_396, %dma_start3A_402] : memref<16x64xi32, #tpu.memory_space<vmem>> -> memref<1x64xi32, #tpu.memory_space<vmem>>
          %dma_start3A_404 = tpu.memref_squeeze %dma_start3A_403 : memref<1x64xi32, #tpu.memory_space<vmem>> -> memref<64xi32, #tpu.memory_space<vmem>>
          %dma_start3A_405 = arith.constant 0 : i32
          %dma_start3A_406 = arith.constant 0 : i32
          %dma_start3A_407 = tpu.memref_slice %arg2[%dma_start3A_405, %dma_start3A_406] : memref<10512x128xf32, #tpu.memory_space<hbm>> -> memref<10512x128xf32, #tpu.memory_space<hbm>>
          tpu.enqueue_indirect_dma source(%dma_start3A_407 : memref<10512x128xf32, #tpu.memory_space<hbm>>) target(%dma_start3A_401 : memref<64x128xf32, #tpu.memory_space<vmem>>) offsets(%dma_start3A_404 : memref<64xi32, #tpu.memory_space<vmem>>) semaphore(%arg20 : memref<!tpu.dma_semaphore, #tpu.memory_space<semaphore_mem>>)
        } else {
        }
        %dma_wait3A_307 = arith.constant 1 : i32
        %dma_wait3A_308 = arith.constant 0 : i32
        %dma_wait3A_309 = arith.constant 0 : i32
        %dma_wait3A_310 = tpu.memref_slice %arg16[%dma_wait3A_307, %dma_wait3A_308, %dma_wait3A_309] : memref<2x64x128xf32, #tpu.memory_space<vmem>> -> memref<1x64x128xf32, #tpu.memory_space<vmem>>
        %dma_wait3A_311 = tpu.memref_squeeze %dma_wait3A_310 : memref<1x64x128xf32, #tpu.memory_space<vmem>> -> memref<64x128xf32, #tpu.memory_space<vmem>>
        %dma_wait3A_312 = arith.constant 0 : i32
        %dma_wait3A_313 = tpu.memref_slice %arg10[%add3A_207, %dma_wait3A_312] : memref<16x64xi32, #tpu.memory_space<vmem>> -> memref<1x64xi32, #tpu.memory_space<vmem>>
        %dma_wait3A_314 = tpu.memref_squeeze %dma_wait3A_313 : memref<1x64xi32, #tpu.memory_space<vmem>> -> memref<64xi32, #tpu.memory_space<vmem>>
        %dma_wait3A_315 = arith.constant 0 : i32
        %dma_wait3A_316 = arith.constant 0 : i32
        %dma_wait3A_317 = tpu.memref_slice %arg2[%dma_wait3A_315, %dma_wait3A_316] : memref<10512x128xf32, #tpu.memory_space<hbm>> -> memref<10512x128xf32, #tpu.memory_space<hbm>>
        tpu.wait_indirect_dma semaphore(%arg21 : memref<!tpu.dma_semaphore, #tpu.memory_space<semaphore_mem>>) src(%dma_wait3A_317 : memref<10512x128xf32, #tpu.memory_space<hbm>>) dst(%dma_wait3A_311 : memref<64x128xf32, #tpu.memory_space<vmem>>)
        %get3A_318 = arith.index_cast %add3A_207 : i32 to index
        %get3A_319 = arith.constant 0 : index
        %get3A_320 = tpu.vector_load %arg10[%get3A_318, %get3A_319] {strides = array<i32>} : memref<16x64xi32, #tpu.memory_space<vmem>>, vector<16xi32>,
        %get3A_321 = arith.index_cast %add3A_207 : i32 to index
        %get3A_322 = arith.constant 0 : index
        %get3A_323 = tpu.vector_load %arg11[%get3A_321, %get3A_322] {strides = array<i32>} : memref<16x64xi32, #tpu.memory_space<vmem>>, vector<16xi32>,
        %gather3A_324 = tpu.vector_load_idx %arg12[%get3A_320] : memref<10512xf32, #tpu.memory_space<vmem>>[vector<16xi32>], vector<16xf32>,
        %gather3A_325 = tpu.vector_load_idx %arg13[%get3A_323] : memref<10512xf32, #tpu.memory_space<vmem>>[vector<16xi32>], vector<16xf32>,
        %add3A_326 = arith.addf %gather3A_324, %gather3A_325 : vector<16xf32>
        %mul3A_327 = arith.constant 2.000000e-01 : f32
        %mul3A_328 = vector.broadcast %mul3A_327 : f32 to vector<16xf32>
        %mul3A_329 = arith.mulf %mul3A_328, %add3A_326 : vector<16xf32>
        %max3A_330 = arith.maximumf %add3A_326, %mul3A_329 : vector<16xf32>
        %sub3A_331 = arith.subf %max3A_330, %max3A_65 : vector<16xf32>
        %exp3A_332 = math.exp %sub3A_331 : vector<16xf32>
        %swap3A_333 = arith.constant 0 : index
        %swap3A_334 = tpu.vector_load %arg17[%swap3A_333] {strides = array<i32>} : memref<64xf32, #tpu.memory_space<vmem>>, vector<16xf32>,
        tpu.vector_store %arg17[%swap3A_333], %exp3A_332 {strides = array<i32>} : memref<64xf32, #tpu.memory_space<vmem>>, vector<16xf32>,
        %get3A_335 = arith.index_cast %add3A_207 : i32 to index
        %get3A_336 = arith.constant 16 : index
        %get3A_337 = tpu.vector_load %arg10[%get3A_335, %get3A_336] {strides = array<i32>} : memref<16x64xi32, #tpu.memory_space<vmem>>, vector<16xi32>,
        %get3A_338 = arith.index_cast %add3A_207 : i32 to index
        %get3A_339 = arith.constant 16 : index
        %get3A_340 = tpu.vector_load %arg11[%get3A_338, %get3A_339] {strides = array<i32>} : memref<16x64xi32, #tpu.memory_space<vmem>>, vector<16xi32>,
        %gather3A_341 = tpu.vector_load_idx %arg12[%get3A_337] : memref<10512xf32, #tpu.memory_space<vmem>>[vector<16xi32>], vector<16xf32>,
        %gather3A_342 = tpu.vector_load_idx %arg13[%get3A_340] : memref<10512xf32, #tpu.memory_space<vmem>>[vector<16xi32>], vector<16xf32>,
        %add3A_343 = arith.addf %gather3A_341, %gather3A_342 : vector<16xf32>
        %mul3A_344 = arith.constant 2.000000e-01 : f32
        %mul3A_345 = vector.broadcast %mul3A_344 : f32 to vector<16xf32>
        %mul3A_346 = arith.mulf %mul3A_345, %add3A_343 : vector<16xf32>
        %max3A_347 = arith.maximumf %add3A_343, %mul3A_346 : vector<16xf32>
        %sub3A_348 = arith.subf %max3A_347, %max3A_65 : vector<16xf32>
        %exp3A_349 = math.exp %sub3A_348 : vector<16xf32>
        %swap3A_350 = arith.constant 16 : index
        %swap3A_351 = tpu.vector_load %arg17[%swap3A_350] {strides = array<i32>} : memref<64xf32, #tpu.memory_space<vmem>>, vector<16xf32>,
        tpu.vector_store %arg17[%swap3A_350], %exp3A_349 {strides = array<i32>} : memref<64xf32, #tpu.memory_space<vmem>>, vector<16xf32>,
        %get3A_352 = arith.index_cast %add3A_207 : i32 to index
        %get3A_353 = arith.constant 32 : index
        %get3A_354 = tpu.vector_load %arg10[%get3A_352, %get3A_353] {strides = array<i32>} : memref<16x64xi32, #tpu.memory_space<vmem>>, vector<16xi32>,
        %get3A_355 = arith.index_cast %add3A_207 : i32 to index
        %get3A_356 = arith.constant 32 : index
        %get3A_357 = tpu.vector_load %arg11[%get3A_355, %get3A_356] {strides = array<i32>} : memref<16x64xi32, #tpu.memory_space<vmem>>, vector<16xi32>,
        %gather3A_358 = tpu.vector_load_idx %arg12[%get3A_354] : memref<10512xf32, #tpu.memory_space<vmem>>[vector<16xi32>], vector<16xf32>,
        %gather3A_359 = tpu.vector_load_idx %arg13[%get3A_357] : memref<10512xf32, #tpu.memory_space<vmem>>[vector<16xi32>], vector<16xf32>,
        %add3A_360 = arith.addf %gather3A_358, %gather3A_359 : vector<16xf32>
        %mul3A_361 = arith.constant 2.000000e-01 : f32
        %mul3A_362 = vector.broadcast %mul3A_361 : f32 to vector<16xf32>
        %mul3A_363 = arith.mulf %mul3A_362, %add3A_360 : vector<16xf32>
        %max3A_364 = arith.maximumf %add3A_360, %mul3A_363 : vector<16xf32>
        %sub3A_365 = arith.subf %max3A_364, %max3A_65 : vector<16xf32>
        %exp3A_366 = math.exp %sub3A_365 : vector<16xf32>
        %swap3A_367 = arith.constant 32 : index
        %swap3A_368 = tpu.vector_load %arg17[%swap3A_367] {strides = array<i32>} : memref<64xf32, #tpu.memory_space<vmem>>, vector<16xf32>,
        tpu.vector_store %arg17[%swap3A_367], %exp3A_366 {strides = array<i32>} : memref<64xf32, #tpu.memory_space<vmem>>, vector<16xf32>,
        %get3A_369 = arith.index_cast %add3A_207 : i32 to index
        %get3A_370 = arith.constant 48 : index
        %get3A_371 = tpu.vector_load %arg10[%get3A_369, %get3A_370] {strides = array<i32>} : memref<16x64xi32, #tpu.memory_space<vmem>>, vector<16xi32>,
        %get3A_372 = arith.index_cast %add3A_207 : i32 to index
        %get3A_373 = arith.constant 48 : index
        %get3A_374 = tpu.vector_load %arg11[%get3A_372, %get3A_373] {strides = array<i32>} : memref<16x64xi32, #tpu.memory_space<vmem>>, vector<16xi32>,
        %gather3A_375 = tpu.vector_load_idx %arg12[%get3A_371] : memref<10512xf32, #tpu.memory_space<vmem>>[vector<16xi32>], vector<16xf32>,
        %gather3A_376 = tpu.vector_load_idx %arg13[%get3A_374] : memref<10512xf32, #tpu.memory_space<vmem>>[vector<16xi32>], vector<16xf32>,
        %add3A_377 = arith.addf %gather3A_375, %gather3A_376 : vector<16xf32>
        %mul3A_378 = arith.constant 2.000000e-01 : f32
        %mul3A_379 = vector.broadcast %mul3A_378 : f32 to vector<16xf32>
        %mul3A_380 = arith.mulf %mul3A_379, %add3A_377 : vector<16xf32>
        %max3A_381 = arith.maximumf %add3A_377, %mul3A_380 : vector<16xf32>
        %sub3A_382 = arith.subf %max3A_381, %max3A_65 : vector<16xf32>
        %exp3A_383 = math.exp %sub3A_382 : vector<16xf32>
        %swap3A_384 = arith.constant 48 : index
        %swap3A_385 = tpu.vector_load %arg17[%swap3A_384] {strides = array<i32>} : memref<64xf32, #tpu.memory_space<vmem>>, vector<16xf32>,
        tpu.vector_store %arg17[%swap3A_384], %exp3A_383 {strides = array<i32>} : memref<64xf32, #tpu.memory_space<vmem>>, vector<16xf32>,
        %scan3A_386 = arith.constant 0 : i32
        %scan3A_387 = arith.constant 0 : i32
        %scan3A_388 = arith.constant 64 : i32
        %scan3A_389 = arith.addi %scan3A_387, %scan3A_388 : i32
        %scan3A_390 = arith.constant 1 : i32
        %scan3A_391 = scf.for %scan3A_395 = %scan3A_387 to %scan3A_389 step %scan3A_390 iter_args(%scan3A_396 = %scan3A_386) -> (i32)  : i32 {
          %broadcast_in_dim3A_397 = arith.constant 0 : i32
          %broadcast_in_dim3A_398 = vector.broadcast %broadcast_in_dim3A_397 : i32 to vector<16xi32>
          %add3A_399 = vector.broadcast %scan3A_395 : i32 to vector<16xi32>
          %add3A_400 = arith.addi %broadcast_in_dim3A_398, %add3A_399 : vector<16xi32>
          %gather3A_401 = tpu.vector_load_idx %arg17[%add3A_400] : memref<64xf32, #tpu.memory_space<vmem>>[vector<16xi32>], vector<16xf32>,
          %get3A_402 = arith.constant 1 : i32
          %get3A_403 = arith.index_cast %get3A_402 : i32 to index
          %get3A_404 = arith.index_cast %scan3A_395 : i32 to index
          %get3A_405 = arith.constant 0 : index
          %get3A_406 = tpu.vector_load %arg16[%get3A_403, %get3A_404, %get3A_405] {strides = array<i32>} : memref<2x64x128xf32, #tpu.memory_space<vmem>>, vector<16xf32>,
          %mul3A_407 = arith.mulf %get3A_406, %gather3A_401 : vector<16xf32>
          %swap3A_408 = arith.constant 1 : i32
          %swap3A_409 = arith.index_cast %swap3A_408 : i32 to index
          %swap3A_410 = arith.index_cast %scan3A_395 : i32 to index
          %swap3A_411 = arith.constant 0 : index
          %swap3A_412 = tpu.vector_load %arg16[%swap3A_409, %swap3A_410, %swap3A_411] {strides = array<i32>} : memref<2x64x128xf32, #tpu.memory_space<vmem>>, vector<16xf32>,
          tpu.vector_store %arg16[%swap3A_409, %swap3A_410, %swap3A_411], %mul3A_407 {strides = array<i32>} : memref<2x64x128xf32, #tpu.memory_space<vmem>>, vector<16xf32>,
          %get3A_413 = arith.constant 1 : i32
          %get3A_414 = arith.index_cast %get3A_413 : i32 to index
          %get3A_415 = arith.index_cast %scan3A_395 : i32 to index
          %get3A_416 = arith.constant 16 : index
          %get3A_417 = tpu.vector_load %arg16[%get3A_414, %get3A_415, %get3A_416] {strides = array<i32>} : memref<2x64x128xf32, #tpu.memory_space<vmem>>, vector<16xf32>,
          %mul3A_418 = arith.mulf %get3A_417, %gather3A_401 : vector<16xf32>
          %swap3A_419 = arith.constant 1 : i32
          %swap3A_420 = arith.index_cast %swap3A_419 : i32 to index
          %swap3A_421 = arith.index_cast %scan3A_395 : i32 to index
          %swap3A_422 = arith.constant 16 : index
          %swap3A_423 = tpu.vector_load %arg16[%swap3A_420, %swap3A_421, %swap3A_422] {strides = array<i32>} : memref<2x64x128xf32, #tpu.memory_space<vmem>>, vector<16xf32>,
          tpu.vector_store %arg16[%swap3A_420, %swap3A_421, %swap3A_422], %mul3A_418 {strides = array<i32>} : memref<2x64x128xf32, #tpu.memory_space<vmem>>, vector<16xf32>,
          %get3A_424 = arith.constant 1 : i32
          %get3A_425 = arith.index_cast %get3A_424 : i32 to index
          %get3A_426 = arith.index_cast %scan3A_395 : i32 to index
          %get3A_427 = arith.constant 32 : index
          %get3A_428 = tpu.vector_load %arg16[%get3A_425, %get3A_426, %get3A_427] {strides = array<i32>} : memref<2x64x128xf32, #tpu.memory_space<vmem>>, vector<16xf32>,
          %mul3A_429 = arith.mulf %get3A_428, %gather3A_401 : vector<16xf32>
          %swap3A_430 = arith.constant 1 : i32
          %swap3A_431 = arith.index_cast %swap3A_430 : i32 to index
          %swap3A_432 = arith.index_cast %scan3A_395 : i32 to index
          %swap3A_433 = arith.constant 32 : index
          %swap3A_434 = tpu.vector_load %arg16[%swap3A_431, %swap3A_432, %swap3A_433] {strides = array<i32>} : memref<2x64x128xf32, #tpu.memory_space<vmem>>, vector<16xf32>,
          tpu.vector_store %arg16[%swap3A_431, %swap3A_432, %swap3A_433], %mul3A_429 {strides = array<i32>} : memref<2x64x128xf32, #tpu.memory_space<vmem>>, vector<16xf32>,
          %get3A_435 = arith.constant 1 : i32
          %get3A_436 = arith.index_cast %get3A_435 : i32 to index
          %get3A_437 = arith.index_cast %scan3A_395 : i32 to index
          %get3A_438 = arith.constant 48 : index
          %get3A_439 = tpu.vector_load %arg16[%get3A_436, %get3A_437, %get3A_438] {strides = array<i32>} : memref<2x64x128xf32, #tpu.memory_space<vmem>>, vector<16xf32>,
          %mul3A_440 = arith.mulf %get3A_439, %gather3A_401 : vector<16xf32>
          %swap3A_441 = arith.constant 1 : i32
          %swap3A_442 = arith.index_cast %swap3A_441 : i32 to index
          %swap3A_443 = arith.index_cast %scan3A_395 : i32 to index
          %swap3A_444 = arith.constant 48 : index
          %swap3A_445 = tpu.vector_load %arg16[%swap3A_442, %swap3A_443, %swap3A_444] {strides = array<i32>} : memref<2x64x128xf32, #tpu.memory_space<vmem>>, vector<16xf32>,
          tpu.vector_store %arg16[%swap3A_442, %swap3A_443, %swap3A_444], %mul3A_440 {strides = array<i32>} : memref<2x64x128xf32, #tpu.memory_space<vmem>>, vector<16xf32>,
          %get3A_446 = arith.constant 1 : i32
          %get3A_447 = arith.index_cast %get3A_446 : i32 to index
          %get3A_448 = arith.index_cast %scan3A_395 : i32 to index
          %get3A_449 = arith.constant 64 : index
          %get3A_450 = tpu.vector_load %arg16[%get3A_447, %get3A_448, %get3A_449] {strides = array<i32>} : memref<2x64x128xf32, #tpu.memory_space<vmem>>, vector<16xf32>,
          %mul3A_451 = arith.mulf %get3A_450, %gather3A_401 : vector<16xf32>
          %swap3A_452 = arith.constant 1 : i32
          %swap3A_453 = arith.index_cast %swap3A_452 : i32 to index
          %swap3A_454 = arith.index_cast %scan3A_395 : i32 to index
          %swap3A_455 = arith.constant 64 : index
          %swap3A_456 = tpu.vector_load %arg16[%swap3A_453, %swap3A_454, %swap3A_455] {strides = array<i32>} : memref<2x64x128xf32, #tpu.memory_space<vmem>>, vector<16xf32>,
          tpu.vector_store %arg16[%swap3A_453, %swap3A_454, %swap3A_455], %mul3A_451 {strides = array<i32>} : memref<2x64x128xf32, #tpu.memory_space<vmem>>, vector<16xf32>,
          %get3A_457 = arith.constant 1 : i32
          %get3A_458 = arith.index_cast %get3A_457 : i32 to index
          %get3A_459 = arith.index_cast %scan3A_395 : i32 to index
          %get3A_460 = arith.constant 80 : index
          %get3A_461 = tpu.vector_load %arg16[%get3A_458, %get3A_459, %get3A_460] {strides = array<i32>} : memref<2x64x128xf32, #tpu.memory_space<vmem>>, vector<16xf32>,
          %mul3A_462 = arith.mulf %get3A_461, %gather3A_401 : vector<16xf32>
          %swap3A_463 = arith.constant 1 : i32
          %swap3A_464 = arith.index_cast %swap3A_463 : i32 to index
          %swap3A_465 = arith.index_cast %scan3A_395 : i32 to index
          %swap3A_466 = arith.constant 80 : index
          %swap3A_467 = tpu.vector_load %arg16[%swap3A_464, %swap3A_465, %swap3A_466] {strides = array<i32>} : memref<2x64x128xf32, #tpu.memory_space<vmem>>, vector<16xf32>,
          tpu.vector_store %arg16[%swap3A_464, %swap3A_465, %swap3A_466], %mul3A_462 {strides = array<i32>} : memref<2x64x128xf32, #tpu.memory_space<vmem>>, vector<16xf32>,
          %get3A_468 = arith.constant 1 : i32
          %get3A_469 = arith.index_cast %get3A_468 : i32 to index
          %get3A_470 = arith.index_cast %scan3A_395 : i32 to index
          %get3A_471 = arith.constant 96 : index
          %get3A_472 = tpu.vector_load %arg16[%get3A_469, %get3A_470, %get3A_471] {strides = array<i32>} : memref<2x64x128xf32, #tpu.memory_space<vmem>>, vector<16xf32>,
          %mul3A_473 = arith.mulf %get3A_472, %gather3A_401 : vector<16xf32>
          %swap3A_474 = arith.constant 1 : i32
          %swap3A_475 = arith.index_cast %swap3A_474 : i32 to index
          %swap3A_476 = arith.index_cast %scan3A_395 : i32 to index
          %swap3A_477 = arith.constant 96 : index
          %swap3A_478 = tpu.vector_load %arg16[%swap3A_475, %swap3A_476, %swap3A_477] {strides = array<i32>} : memref<2x64x128xf32, #tpu.memory_space<vmem>>, vector<16xf32>,
          tpu.vector_store %arg16[%swap3A_475, %swap3A_476, %swap3A_477], %mul3A_473 {strides = array<i32>} : memref<2x64x128xf32, #tpu.memory_space<vmem>>, vector<16xf32>,
          %get3A_479 = arith.constant 1 : i32
          %get3A_480 = arith.index_cast %get3A_479 : i32 to index
          %get3A_481 = arith.index_cast %scan3A_395 : i32 to index
          %get3A_482 = arith.constant 112 : index
          %get3A_483 = tpu.vector_load %arg16[%get3A_480, %get3A_481, %get3A_482] {strides = array<i32>} : memref<2x64x128xf32, #tpu.memory_space<vmem>>, vector<16xf32>,
          %mul3A_484 = arith.mulf %get3A_483, %gather3A_401 : vector<16xf32>
          %swap3A_485 = arith.constant 1 : i32
          %swap3A_486 = arith.index_cast %swap3A_485 : i32 to index
          %swap3A_487 = arith.index_cast %scan3A_395 : i32 to index
          %swap3A_488 = arith.constant 112 : index
          %swap3A_489 = tpu.vector_load %arg16[%swap3A_486, %swap3A_487, %swap3A_488] {strides = array<i32>} : memref<2x64x128xf32, #tpu.memory_space<vmem>>, vector<16xf32>,
          tpu.vector_store %arg16[%swap3A_486, %swap3A_487, %swap3A_488], %mul3A_484 {strides = array<i32>} : memref<2x64x128xf32, #tpu.memory_space<vmem>>, vector<16xf32>,
          %scan3A_490 = arith.constant 0 : i32
          scf.yield %scan3A_490 : i32
        }
        %scan3A_392 = arith.constant 64 : i32
        %run_scoped3A_393 = arith.constant 1 : i32
        "tpu.region"() ({
          %run_scoped3A_395 = tpu.sem_alloc : memref<!tpu.dma_semaphore, #tpu.memory_space<semaphore_mem>>
          %dma_start3A_396 = arith.constant 0 : i32
          %dma_start3A_397 = arith.constant 0 : i32
          %dma_start3A_398 = tpu.memref_slice %arg16[%run_scoped3A_393, %dma_start3A_396, %dma_start3A_397] : memref<2x64x128xf32, #tpu.memory_space<vmem>> -> memref<1x64x128xf32, #tpu.memory_space<vmem>>
          %dma_start3A_399 = tpu.memref_squeeze %dma_start3A_398 : memref<1x64x128xf32, #tpu.memory_space<vmem>> -> memref<64x128xf32, #tpu.memory_space<vmem>>
          %dma_start3A_400 = arith.constant 0 : i32
          %dma_start3A_401 = tpu.memref_slice %arg11[%add3A_207, %dma_start3A_400] : memref<16x64xi32, #tpu.memory_space<vmem>> -> memref<1x64xi32, #tpu.memory_space<vmem>>
          %dma_start3A_402 = tpu.memref_squeeze %dma_start3A_401 : memref<1x64xi32, #tpu.memory_space<vmem>> -> memref<64xi32, #tpu.memory_space<vmem>>
          %dma_start3A_403 = arith.constant 0 : i32
          %dma_start3A_404 = arith.constant 0 : i32
          %dma_start3A_405 = tpu.memref_slice %arg18[%dma_start3A_403, %dma_start3A_404] : memref<10512x128xf32, #tpu.memory_space<vmem_shared>> -> memref<10512x128xf32, #tpu.memory_space<vmem_shared>>
          tpu.enqueue_indirect_dma source(%dma_start3A_399 : memref<64x128xf32, #tpu.memory_space<vmem>>) target(%dma_start3A_405 : memref<10512x128xf32, #tpu.memory_space<vmem_shared>>) offsets(%dma_start3A_402 : memref<64xi32, #tpu.memory_space<vmem>>) semaphore(%run_scoped3A_395 : memref<!tpu.dma_semaphore, #tpu.memory_space<semaphore_mem>>) {add = true}
          %dma_wait3A_406 = arith.constant 0 : i32
          %dma_wait3A_407 = arith.constant 0 : i32
          %dma_wait3A_408 = tpu.memref_slice %arg16[%run_scoped3A_393, %dma_wait3A_406, %dma_wait3A_407] : memref<2x64x128xf32, #tpu.memory_space<vmem>> -> memref<1x64x128xf32, #tpu.memory_space<vmem>>
          %dma_wait3A_409 = tpu.memref_squeeze %dma_wait3A_408 : memref<1x64x128xf32, #tpu.memory_space<vmem>> -> memref<64x128xf32, #tpu.memory_space<vmem>>
          %dma_wait3A_410 = arith.constant 0 : i32
          %dma_wait3A_411 = tpu.memref_slice %arg11[%add3A_207, %dma_wait3A_410] : memref<16x64xi32, #tpu.memory_space<vmem>> -> memref<1x64xi32, #tpu.memory_space<vmem>>
          %dma_wait3A_412 = tpu.memref_squeeze %dma_wait3A_411 : memref<1x64xi32, #tpu.memory_space<vmem>> -> memref<64xi32, #tpu.memory_space<vmem>>
          %dma_wait3A_413 = arith.constant 0 : i32
          %dma_wait3A_414 = arith.constant 0 : i32
          %dma_wait3A_415 = tpu.memref_slice %arg18[%dma_wait3A_413, %dma_wait3A_414] : memref<10512x128xf32, #tpu.memory_space<vmem_shared>> -> memref<10512x128xf32, #tpu.memory_space<vmem_shared>>
          tpu.wait_indirect_dma semaphore(%run_scoped3A_395 : memref<!tpu.dma_semaphore, #tpu.memory_space<semaphore_mem>>) src(%dma_wait3A_409 : memref<64x128xf32, #tpu.memory_space<vmem>>) dst(%dma_wait3A_415 : memref<10512x128xf32, #tpu.memory_space<vmem_shared>>)
          tpu.yield
        }) : () -> ()
        "tpu.region"() ({
          %run_scoped3A_395 = tpu.sem_alloc : memref<!tpu.dma_semaphore, #tpu.memory_space<semaphore_mem>>
          %dma_start3A_396 = arith.constant 0 : i32
          %dma_start3A_397 = tpu.memref_slice %arg11[%add3A_207, %dma_start3A_396] : memref<16x64xi32, #tpu.memory_space<vmem>> -> memref<1x64xi32, #tpu.memory_space<vmem>>
          %dma_start3A_398 = tpu.memref_squeeze %dma_start3A_397 : memref<1x64xi32, #tpu.memory_space<vmem>> -> memref<64xi32, #tpu.memory_space<vmem>>
          %dma_start3A_399 = arith.constant 0 : i32
          %dma_start3A_400 = tpu.memref_slice %arg19[%dma_start3A_399] : memref<10512xf32, #tpu.memory_space<vmem_shared>> -> memref<10512xf32, #tpu.memory_space<vmem_shared>>
          tpu.enqueue_indirect_dma source(%arg17 : memref<64xf32, #tpu.memory_space<vmem>>) target(%dma_start3A_400 : memref<10512xf32, #tpu.memory_space<vmem_shared>>) offsets(%dma_start3A_398 : memref<64xi32, #tpu.memory_space<vmem>>) semaphore(%run_scoped3A_395 : memref<!tpu.dma_semaphore, #tpu.memory_space<semaphore_mem>>) {add = true}
          %dma_wait3A_401 = arith.constant 0 : i32
          %dma_wait3A_402 = tpu.memref_slice %arg11[%add3A_207, %dma_wait3A_401] : memref<16x64xi32, #tpu.memory_space<vmem>> -> memref<1x64xi32, #tpu.memory_space<vmem>>
          %dma_wait3A_403 = tpu.memref_squeeze %dma_wait3A_402 : memref<1x64xi32, #tpu.memory_space<vmem>> -> memref<64xi32, #tpu.memory_space<vmem>>
          %dma_wait3A_404 = arith.constant 0 : i32
          %dma_wait3A_405 = tpu.memref_slice %arg19[%dma_wait3A_404] : memref<10512xf32, #tpu.memory_space<vmem_shared>> -> memref<10512xf32, #tpu.memory_space<vmem_shared>>
          tpu.wait_indirect_dma semaphore(%run_scoped3A_395 : memref<!tpu.dma_semaphore, #tpu.memory_space<semaphore_mem>>) src(%arg17 : memref<64xf32, #tpu.memory_space<vmem>>) dst(%dma_wait3A_405 : memref<10512xf32, #tpu.memory_space<vmem_shared>>)
          tpu.yield
        }) : () -> ()
        %scan3A_394 = arith.constant 0 : i32
        scf.yield %scan3A_394 : i32
      }
      %scan3A_200 = arith.constant 8 : i32
      %scan3A_201 = arith.constant 0 : i32
      scf.yield %scan3A_201 : i32
    }
    %scan3A_72 = arith.constant 4 : i32
    %barrier3A_73 = arith.constant 0 : index
    tpu.barrier barrier_id(%barrier3A_73)
    %sub3A_74 = arith.constant 83 : i32
    %sub3A_75 = arith.subi %sub3A_74, %arg1 : i32
    %add3A_76 = arith.constant 16 : i32
    %add3A_77 = arith.addi %sub3A_75, %add3A_76 : i32
    %sub3A_78 = arith.constant 1 : i32
    %sub3A_79 = arith.subi %add3A_77, %sub3A_78 : i32
    %jit3A_80 = arith.constant 16 : i32
    %div3A_81 = arith.divsi %sub3A_79, %jit3A_80 : i32
    %sign3A_82 = arith.constant 0 : i32
    %sign3A_83 = arith.cmpi sgt, %sub3A_79, %sign3A_82 : i32
    %sign3A_84 = arith.extui %sign3A_83 : i1 to i32
    %sign3A_85 = arith.constant 0 : i32
    %sign3A_86 = arith.cmpi slt, %sub3A_79, %sign3A_85 : i32
    %sign3A_87 = arith.extui %sign3A_86 : i1 to i32
    %sign3A_88 = arith.subi %sign3A_84, %sign3A_87 : i32
    %sign3A_89 = arith.constant 0 : i32
    %sign3A_90 = arith.cmpi sgt, %jit3A_80, %sign3A_89 : i32
    %sign3A_91 = arith.extui %sign3A_90 : i1 to i32
    %sign3A_92 = arith.constant 0 : i32
    %sign3A_93 = arith.cmpi slt, %jit3A_80, %sign3A_92 : i32
    %sign3A_94 = arith.extui %sign3A_93 : i1 to i32
    %sign3A_95 = arith.subi %sign3A_91, %sign3A_94 : i32
    %ne3A_96 = arith.cmpi ne, %sign3A_88, %sign3A_95 : i32
    %rem3A_97 = arith.remsi %sub3A_79, %jit3A_80 : i32
    %ne3A_98 = arith.constant 0 : i32
    %ne3A_99 = arith.cmpi ne, %rem3A_97, %ne3A_98 : i32
    %and3A_100 = arith.andi %ne3A_96, %ne3A_99 : i1
    %sub3A_101 = arith.constant 1 : i32
    %sub3A_102 = arith.subi %div3A_81, %sub3A_101 : i32
    %select_n3A_103 = arith.select %and3A_100, %sub3A_102, %div3A_81 : i32
    %while3A_104 = arith.constant 0 : i32
    %while3A_105 = arith.constant 0 : i32
    %while3A_106 = arith.subi %select_n3A_103, %while3A_104 : i32
    %while3A_107 = arith.addi %while3A_104, %while3A_106 : i32
    %while3A_108 = arith.constant 1 : i32
    %while3A_109 = arith.divsi %while3A_106, %while3A_108 : i32
    %while3A_110 = arith.muli %while3A_109, %while3A_108 : i32
    %while3A_111 = arith.addi %while3A_104, %while3A_110 : i32
    %while3A_112 = arith.constant 1 : i32
    %while3A_113 = scf.for %while3A_176 = %while3A_104 to %while3A_111 step %while3A_112 iter_args(%while3A_177 = %while3A_105) -> (i32)  : i32 {
      %mul3A_178 = arith.constant 16 : i32
      %mul3A_179 = arith.muli %while3A_176, %mul3A_178 : i32
      %add3A_180 = arith.addi %arg1, %mul3A_179 : i32
      %mul3A_181 = arith.constant 128 : i32
      %mul3A_182 = arith.muli %add3A_180, %mul3A_181 : i32
      %min3A = arith.constant 10384 : i32
      %min3A_183 = arith.minsi %mul3A_182, %min3A : i32
      %dma_start3A = arith.constant 0 : i32
      %dma_start3A_184 = tpu.memref_slice %arg8[%arg0, %min3A_183, %dma_start3A] : memref<2x10512x128xf32, #tpu.memory_space<hbm>> -> memref<1x128x128xf32, #tpu.memory_space<hbm>>
      %dma_start3A_185 = tpu.memref_squeeze %dma_start3A_184 : memref<1x128x128xf32, #tpu.memory_space<hbm>> -> memref<128x128xf32, #tpu.memory_space<hbm>>
      %dma_start3A_186 = arith.constant 0 : i32
      %dma_start3A_187 = tpu.memref_slice %arg18[%min3A_183, %dma_start3A_186] : memref<10512x128xf32, #tpu.memory_space<vmem_shared>> -> memref<128x128xf32, #tpu.memory_space<vmem_shared>>
      tpu.enqueue_dma source(%dma_start3A_187 : memref<128x128xf32, #tpu.memory_space<vmem_shared>>) target(%dma_start3A_185 : memref<128x128xf32, #tpu.memory_space<hbm>>) target_semaphore(%arg20 : memref<!tpu.dma_semaphore, #tpu.memory_space<semaphore_mem>>)
      %while3A_188 = arith.constant 0 : i32
      scf.yield %while3A_188 : i32
    }
    %while3A_114 = arith.constant 1 : i32
    %while3A_115 = scf.for %while3A_176 = %while3A_111 to %while3A_107 step %while3A_114 iter_args(%while3A_177 = %while3A_113) -> (i32)  : i32 {
      %mul3A_178 = arith.constant 16 : i32
      %mul3A_179 = arith.muli %while3A_176, %mul3A_178 : i32
      %add3A_180 = arith.addi %arg1, %mul3A_179 : i32
      %mul3A_181 = arith.constant 128 : i32
      %mul3A_182 = arith.muli %add3A_180, %mul3A_181 : i32
      %min3A = arith.constant 10384 : i32
      %min3A_183 = arith.minsi %mul3A_182, %min3A : i32
      %dma_start3A = arith.constant 0 : i32
      %dma_start3A_184 = tpu.memref_slice %arg8[%arg0, %min3A_183, %dma_start3A] : memref<2x10512x128xf32, #tpu.memory_space<hbm>> -> memref<1x128x128xf32, #tpu.memory_space<hbm>>
      %dma_start3A_185 = tpu.memref_squeeze %dma_start3A_184 : memref<1x128x128xf32, #tpu.memory_space<hbm>> -> memref<128x128xf32, #tpu.memory_space<hbm>>
      %dma_start3A_186 = arith.constant 0 : i32
      %dma_start3A_187 = tpu.memref_slice %arg18[%min3A_183, %dma_start3A_186] : memref<10512x128xf32, #tpu.memory_space<vmem_shared>> -> memref<128x128xf32, #tpu.memory_space<vmem_shared>>
      tpu.enqueue_dma source(%dma_start3A_187 : memref<128x128xf32, #tpu.memory_space<vmem_shared>>) target(%dma_start3A_185 : memref<128x128xf32, #tpu.memory_space<hbm>>) target_semaphore(%arg20 : memref<!tpu.dma_semaphore, #tpu.memory_space<semaphore_mem>>)
      %while3A_188 = arith.constant 0 : i32
      scf.yield %while3A_188 : i32
    }
    %while3A_116 = arith.constant 0 : i32
    %while3A_117 = arith.constant 0 : i32
    %while3A_118 = arith.subi %select_n3A, %while3A_116 : i32
    %while3A_119 = arith.addi %while3A_116, %while3A_118 : i32
    %while3A_120 = arith.constant 1 : i32
    %while3A_121 = arith.divsi %while3A_118, %while3A_120 : i32
    %while3A_122 = arith.muli %while3A_121, %while3A_120 : i32
    %while3A_123 = arith.addi %while3A_116, %while3A_122 : i32
    %while3A_124 = arith.constant 1 : i32
    %while3A_125 = scf.for %while3A_176 = %while3A_116 to %while3A_123 step %while3A_124 iter_args(%while3A_177 = %while3A_117) -> (i32)  : i32 {
      %mul3A_178 = arith.constant 16 : i32
      %mul3A_179 = arith.muli %while3A_176, %mul3A_178 : i32
      %add3A_180 = arith.addi %arg1, %mul3A_179 : i32
      %mul3A_181 = arith.constant 64 : i32
      %mul3A_182 = arith.muli %add3A_180, %mul3A_181 : i32
      %min3A = arith.constant 10448 : i32
      %min3A_183 = arith.minsi %mul3A_182, %min3A : i32
      %rem3A_184 = arith.constant 64 : i32
      %rem3A_185 = arith.remsi %while3A_176, %rem3A_184 : i32
      %dma_start3A = arith.constant 0 : i32
      %dma_start3A_186 = arith.constant 0 : i32
      %dma_start3A_187 = tpu.memref_slice %arg16[%dma_start3A, %rem3A_185, %dma_start3A_186] : memref<2x64x128xf32, #tpu.memory_space<vmem>> -> memref<1x1x64xf32, #tpu.memory_space<vmem>>
      %dma_start3A_188 = tpu.memref_squeeze %dma_start3A_187 : memref<1x1x64xf32, #tpu.memory_space<vmem>> -> memref<64xf32, #tpu.memory_space<vmem>>
      %dma_start3A_189 = tpu.memref_slice %arg19[%min3A_183] : memref<10512xf32, #tpu.memory_space<vmem_shared>> -> memref<64xf32, #tpu.memory_space<vmem_shared>>
      %dma_start3A_190 = arith.constant 0 : i32
      %dma_start3A_191 = tpu.memref_slice %arg16[%dma_start3A, %rem3A_185, %dma_start3A_190] : memref<2x64x128xf32, #tpu.memory_space<vmem>> -> memref<1x1x64xf32, #tpu.memory_space<vmem>>
      %dma_start3A_192 = tpu.memref_squeeze %dma_start3A_191 : memref<1x1x64xf32, #tpu.memory_space<vmem>> -> memref<64xf32, #tpu.memory_space<vmem>>
      %dma_start3A_193 = tpu.memref_slice %arg19[%min3A_183] : memref<10512xf32, #tpu.memory_space<vmem_shared>> -> memref<64xf32, #tpu.memory_space<vmem_shared>>
      tpu.enqueue_dma source(%dma_start3A_193 : memref<64xf32, #tpu.memory_space<vmem_shared>>) target(%dma_start3A_192 : memref<64xf32, #tpu.memory_space<vmem>>) target_semaphore(%arg21 : memref<!tpu.dma_semaphore, #tpu.memory_space<semaphore_mem>>)
      %while3A_194 = arith.constant 0 : i32
      scf.yield %while3A_194 : i32
    }
    %while3A_126 = arith.constant 1 : i32
    %while3A_127 = scf.for %while3A_176 = %while3A_123 to %while3A_119 step %while3A_126 iter_args(%while3A_177 = %while3A_125) -> (i32)  : i32 {
      %mul3A_178 = arith.constant 16 : i32
      %mul3A_179 = arith.muli %while3A_176, %mul3A_178 : i32
      %add3A_180 = arith.addi %arg1, %mul3A_179 : i32
      %mul3A_181 = arith.constant 64 : i32
      %mul3A_182 = arith.muli %add3A_180, %mul3A_181 : i32
      %min3A = arith.constant 10448 : i32
      %min3A_183 = arith.minsi %mul3A_182, %min3A : i32
      %rem3A_184 = arith.constant 64 : i32
      %rem3A_185 = arith.remsi %while3A_176, %rem3A_184 : i32
      %dma_start3A = arith.constant 0 : i32
      %dma_start3A_186 = arith.constant 0 : i32
      %dma_start3A_187 = tpu.memref_slice %arg16[%dma_start3A, %rem3A_185, %dma_start3A_186] : memref<2x64x128xf32, #tpu.memory_space<vmem>> -> memref<1x1x64xf32, #tpu.memory_space<vmem>>
      %dma_start3A_188 = tpu.memref_squeeze %dma_start3A_187 : memref<1x1x64xf32, #tpu.memory_space<vmem>> -> memref<64xf32, #tpu.memory_space<vmem>>
      %dma_start3A_189 = tpu.memref_slice %arg19[%min3A_183] : memref<10512xf32, #tpu.memory_space<vmem_shared>> -> memref<64xf32, #tpu.memory_space<vmem_shared>>
      %dma_start3A_190 = arith.constant 0 : i32
      %dma_start3A_191 = tpu.memref_slice %arg16[%dma_start3A, %rem3A_185, %dma_start3A_190] : memref<2x64x128xf32, #tpu.memory_space<vmem>> -> memref<1x1x64xf32, #tpu.memory_space<vmem>>
      %dma_start3A_192 = tpu.memref_squeeze %dma_start3A_191 : memref<1x1x64xf32, #tpu.memory_space<vmem>> -> memref<64xf32, #tpu.memory_space<vmem>>
      %dma_start3A_193 = tpu.memref_slice %arg19[%min3A_183] : memref<10512xf32, #tpu.memory_space<vmem_shared>> -> memref<64xf32, #tpu.memory_space<vmem_shared>>
      tpu.enqueue_dma source(%dma_start3A_193 : memref<64xf32, #tpu.memory_space<vmem_shared>>) target(%dma_start3A_192 : memref<64xf32, #tpu.memory_space<vmem>>) target_semaphore(%arg21 : memref<!tpu.dma_semaphore, #tpu.memory_space<semaphore_mem>>)
      %while3A_194 = arith.constant 0 : i32
      scf.yield %while3A_194 : i32
    }
    %while3A_128 = arith.constant 0 : i32
    %while3A_129 = arith.constant 0 : i32
    %while3A_130 = arith.subi %select_n3A_103, %while3A_128 : i32
    %while3A_131 = arith.addi %while3A_128, %while3A_130 : i32
    %while3A_132 = arith.constant 1 : i32
    %while3A_133 = arith.divsi %while3A_130, %while3A_132 : i32
    %while3A_134 = arith.muli %while3A_133, %while3A_132 : i32
    %while3A_135 = arith.addi %while3A_128, %while3A_134 : i32
    %while3A_136 = arith.constant 1 : i32
    %while3A_137 = scf.for %while3A_176 = %while3A_128 to %while3A_135 step %while3A_136 iter_args(%while3A_177 = %while3A_129) -> (i32)  : i32 {
      %mul3A_178 = arith.constant 16 : i32
      %mul3A_179 = arith.muli %while3A_176, %mul3A_178 : i32
      %add3A_180 = arith.addi %arg1, %mul3A_179 : i32
      %mul3A_181 = arith.constant 128 : i32
      %mul3A_182 = arith.muli %add3A_180, %mul3A_181 : i32
      %min3A = arith.constant 10384 : i32
      %min3A_183 = arith.minsi %mul3A_182, %min3A : i32
      %dma_wait3A = arith.constant 0 : i32
      %dma_wait3A_184 = tpu.memref_slice %arg8[%arg0, %min3A_183, %dma_wait3A] : memref<2x10512x128xf32, #tpu.memory_space<hbm>> -> memref<1x128x128xf32, #tpu.memory_space<hbm>>
      %dma_wait3A_185 = tpu.memref_squeeze %dma_wait3A_184 : memref<1x128x128xf32, #tpu.memory_space<hbm>> -> memref<128x128xf32, #tpu.memory_space<hbm>>
      %dma_wait3A_186 = arith.constant 0 : i32
      %dma_wait3A_187 = tpu.memref_slice %arg18[%min3A_183, %dma_wait3A_186] : memref<10512x128xf32, #tpu.memory_space<vmem_shared>> -> memref<128x128xf32, #tpu.memory_space<vmem_shared>>
      tpu.wait_dma2 semaphore(%arg20 : memref<!tpu.dma_semaphore, #tpu.memory_space<semaphore_mem>>) src(%dma_wait3A_187 : memref<128x128xf32, #tpu.memory_space<vmem_shared>>) dst(%dma_wait3A_185 : memref<128x128xf32, #tpu.memory_space<hbm>>)
      %while3A_188 = arith.constant 0 : i32
      scf.yield %while3A_188 : i32
    }
    %while3A_138 = arith.constant 1 : i32
    %while3A_139 = scf.for %while3A_176 = %while3A_135 to %while3A_131 step %while3A_138 iter_args(%while3A_177 = %while3A_137) -> (i32)  : i32 {
      %mul3A_178 = arith.constant 16 : i32
      %mul3A_179 = arith.muli %while3A_176, %mul3A_178 : i32
      %add3A_180 = arith.addi %arg1, %mul3A_179 : i32
      %mul3A_181 = arith.constant 128 : i32
      %mul3A_182 = arith.muli %add3A_180, %mul3A_181 : i32
      %min3A = arith.constant 10384 : i32
      %min3A_183 = arith.minsi %mul3A_182, %min3A : i32
      %dma_wait3A = arith.constant 0 : i32
      %dma_wait3A_184 = tpu.memref_slice %arg8[%arg0, %min3A_183, %dma_wait3A] : memref<2x10512x128xf32, #tpu.memory_space<hbm>> -> memref<1x128x128xf32, #tpu.memory_space<hbm>>
      %dma_wait3A_185 = tpu.memref_squeeze %dma_wait3A_184 : memref<1x128x128xf32, #tpu.memory_space<hbm>> -> memref<128x128xf32, #tpu.memory_space<hbm>>
      %dma_wait3A_186 = arith.constant 0 : i32
      %dma_wait3A_187 = tpu.memref_slice %arg18[%min3A_183, %dma_wait3A_186] : memref<10512x128xf32, #tpu.memory_space<vmem_shared>> -> memref<128x128xf32, #tpu.memory_space<vmem_shared>>
      tpu.wait_dma2 semaphore(%arg20 : memref<!tpu.dma_semaphore, #tpu.memory_space<semaphore_mem>>) src(%dma_wait3A_187 : memref<128x128xf32, #tpu.memory_space<vmem_shared>>) dst(%dma_wait3A_185 : memref<128x128xf32, #tpu.memory_space<hbm>>)
      %while3A_188 = arith.constant 0 : i32
      scf.yield %while3A_188 : i32
    }
    %while3A_140 = arith.constant 0 : i32
    %while3A_141 = arith.constant 0 : i32
    %while3A_142 = arith.subi %select_n3A, %while3A_140 : i32
    %while3A_143 = arith.addi %while3A_140, %while3A_142 : i32
    %while3A_144 = arith.constant 1 : i32
    %while3A_145 = arith.divsi %while3A_142, %while3A_144 : i32
    %while3A_146 = arith.muli %while3A_145, %while3A_144 : i32
    %while3A_147 = arith.addi %while3A_140, %while3A_146 : i32
    %while3A_148 = arith.constant 1 : i32
    %while3A_149 = scf.for %while3A_176 = %while3A_140 to %while3A_147 step %while3A_148 iter_args(%while3A_177 = %while3A_141) -> (i32)  : i32 {
      %mul3A_178 = arith.constant 16 : i32
      %mul3A_179 = arith.muli %while3A_176, %mul3A_178 : i32
      %add3A_180 = arith.addi %arg1, %mul3A_179 : i32
      %mul3A_181 = arith.constant 64 : i32
      %mul3A_182 = arith.muli %add3A_180, %mul3A_181 : i32
      %min3A = arith.constant 10448 : i32
      %min3A_183 = arith.minsi %mul3A_182, %min3A : i32
      %rem3A_184 = arith.constant 64 : i32
      %rem3A_185 = arith.remsi %while3A_176, %rem3A_184 : i32
      %dma_wait3A = arith.constant 0 : i32
      %dma_wait3A_186 = arith.constant 0 : i32
      %dma_wait3A_187 = tpu.memref_slice %arg16[%dma_wait3A, %rem3A_185, %dma_wait3A_186] : memref<2x64x128xf32, #tpu.memory_space<vmem>> -> memref<1x1x64xf32, #tpu.memory_space<vmem>>
      %dma_wait3A_188 = tpu.memref_squeeze %dma_wait3A_187 : memref<1x1x64xf32, #tpu.memory_space<vmem>> -> memref<64xf32, #tpu.memory_space<vmem>>
      %dma_wait3A_189 = tpu.memref_slice %arg19[%min3A_183] : memref<10512xf32, #tpu.memory_space<vmem_shared>> -> memref<64xf32, #tpu.memory_space<vmem_shared>>
      %dma_wait3A_190 = arith.constant 0 : i32
      %dma_wait3A_191 = tpu.memref_slice %arg16[%dma_wait3A, %rem3A_185, %dma_wait3A_190] : memref<2x64x128xf32, #tpu.memory_space<vmem>> -> memref<1x1x64xf32, #tpu.memory_space<vmem>>
      %dma_wait3A_192 = tpu.memref_squeeze %dma_wait3A_191 : memref<1x1x64xf32, #tpu.memory_space<vmem>> -> memref<64xf32, #tpu.memory_space<vmem>>
      %dma_wait3A_193 = tpu.memref_slice %arg19[%min3A_183] : memref<10512xf32, #tpu.memory_space<vmem_shared>> -> memref<64xf32, #tpu.memory_space<vmem_shared>>
      tpu.wait_dma2 semaphore(%arg21 : memref<!tpu.dma_semaphore, #tpu.memory_space<semaphore_mem>>) src(%dma_wait3A_193 : memref<64xf32, #tpu.memory_space<vmem_shared>>) dst(%dma_wait3A_192 : memref<64xf32, #tpu.memory_space<vmem>>)
      %while3A_194 = arith.constant 0 : i32
      scf.yield %while3A_194 : i32
    }
    %while3A_150 = arith.constant 1 : i32
    %while3A_151 = scf.for %while3A_176 = %while3A_147 to %while3A_143 step %while3A_150 iter_args(%while3A_177 = %while3A_149) -> (i32)  : i32 {
      %mul3A_178 = arith.constant 16 : i32
      %mul3A_179 = arith.muli %while3A_176, %mul3A_178 : i32
      %add3A_180 = arith.addi %arg1, %mul3A_179 : i32
      %mul3A_181 = arith.constant 64 : i32
      %mul3A_182 = arith.muli %add3A_180, %mul3A_181 : i32
      %min3A = arith.constant 10448 : i32
      %min3A_183 = arith.minsi %mul3A_182, %min3A : i32
      %rem3A_184 = arith.constant 64 : i32
      %rem3A_185 = arith.remsi %while3A_176, %rem3A_184 : i32
      %dma_wait3A = arith.constant 0 : i32
      %dma_wait3A_186 = arith.constant 0 : i32
      %dma_wait3A_187 = tpu.memref_slice %arg16[%dma_wait3A, %rem3A_185, %dma_wait3A_186] : memref<2x64x128xf32, #tpu.memory_space<vmem>> -> memref<1x1x64xf32, #tpu.memory_space<vmem>>
      %dma_wait3A_188 = tpu.memref_squeeze %dma_wait3A_187 : memref<1x1x64xf32, #tpu.memory_space<vmem>> -> memref<64xf32, #tpu.memory_space<vmem>>
      %dma_wait3A_189 = tpu.memref_slice %arg19[%min3A_183] : memref<10512xf32, #tpu.memory_space<vmem_shared>> -> memref<64xf32, #tpu.memory_space<vmem_shared>>
      %dma_wait3A_190 = arith.constant 0 : i32
      %dma_wait3A_191 = tpu.memref_slice %arg16[%dma_wait3A, %rem3A_185, %dma_wait3A_190] : memref<2x64x128xf32, #tpu.memory_space<vmem>> -> memref<1x1x64xf32, #tpu.memory_space<vmem>>
      %dma_wait3A_192 = tpu.memref_squeeze %dma_wait3A_191 : memref<1x1x64xf32, #tpu.memory_space<vmem>> -> memref<64xf32, #tpu.memory_space<vmem>>
      %dma_wait3A_193 = tpu.memref_slice %arg19[%min3A_183] : memref<10512xf32, #tpu.memory_space<vmem_shared>> -> memref<64xf32, #tpu.memory_space<vmem_shared>>
      tpu.wait_dma2 semaphore(%arg21 : memref<!tpu.dma_semaphore, #tpu.memory_space<semaphore_mem>>) src(%dma_wait3A_193 : memref<64xf32, #tpu.memory_space<vmem_shared>>) dst(%dma_wait3A_192 : memref<64xf32, #tpu.memory_space<vmem>>)
      %while3A_194 = arith.constant 0 : i32
      scf.yield %while3A_194 : i32
    }
    %while3A_152 = arith.constant 0 : i32
    %while3A_153 = arith.constant 0 : i32
    %while3A_154 = arith.subi %select_n3A, %while3A_152 : i32
    %while3A_155 = arith.addi %while3A_152, %while3A_154 : i32
    %while3A_156 = arith.constant 1 : i32
    %while3A_157 = arith.divsi %while3A_154, %while3A_156 : i32
    %while3A_158 = arith.muli %while3A_157, %while3A_156 : i32
    %while3A_159 = arith.addi %while3A_152, %while3A_158 : i32
    %while3A_160 = arith.constant 1 : i32
    %while3A_161 = scf.for %while3A_176 = %while3A_152 to %while3A_159 step %while3A_160 iter_args(%while3A_177 = %while3A_153) -> (i32)  : i32 {
      %mul3A_178 = arith.constant 16 : i32
      %mul3A_179 = arith.muli %while3A_176, %mul3A_178 : i32
      %add3A_180 = arith.addi %arg1, %mul3A_179 : i32
      %mul3A_181 = arith.constant 64 : i32
      %mul3A_182 = arith.muli %add3A_180, %mul3A_181 : i32
      %min3A = arith.constant 10448 : i32
      %min3A_183 = arith.minsi %mul3A_182, %min3A : i32
      %rem3A_184 = arith.constant 64 : i32
      %rem3A_185 = arith.remsi %while3A_176, %rem3A_184 : i32
      %mul3A_186 = arith.constant 10512 : i32
      %mul3A_187 = arith.muli %arg0, %mul3A_186 : i32
      %add3A_188 = arith.addi %mul3A_187, %min3A_183 : i32
      %dma_start3A = arith.constant 0 : i32
      %dma_start3A_189 = arith.constant 0 : i32
      %dma_start3A_190 = tpu.memref_slice %arg16[%dma_start3A, %rem3A_185, %dma_start3A_189] : memref<2x64x128xf32, #tpu.memory_space<vmem>> -> memref<1x1x64xf32, #tpu.memory_space<vmem>>
      %dma_start3A_191 = tpu.memref_squeeze %dma_start3A_190 : memref<1x1x64xf32, #tpu.memory_space<vmem>> -> memref<64xf32, #tpu.memory_space<vmem>>
      %dma_start3A_192 = tpu.memref_slice %arg9[%add3A_188] : memref<21024xf32, #tpu.memory_space<hbm>> -> memref<64xf32, #tpu.memory_space<hbm>>
      %dma_start3A_193 = tpu.memref_slice %arg9[%add3A_188] : memref<21024xf32, #tpu.memory_space<hbm>> -> memref<64xf32, #tpu.memory_space<hbm>>
      %dma_start3A_194 = arith.constant 0 : i32
      %dma_start3A_195 = tpu.memref_slice %arg16[%dma_start3A, %rem3A_185, %dma_start3A_194] : memref<2x64x128xf32, #tpu.memory_space<vmem>> -> memref<1x1x64xf32, #tpu.memory_space<vmem>>
      %dma_start3A_196 = tpu.memref_squeeze %dma_start3A_195 : memref<1x1x64xf32, #tpu.memory_space<vmem>> -> memref<64xf32, #tpu.memory_space<vmem>>
      tpu.enqueue_dma source(%dma_start3A_196 : memref<64xf32, #tpu.memory_space<vmem>>) target(%dma_start3A_193 : memref<64xf32, #tpu.memory_space<hbm>>) target_semaphore(%arg21 : memref<!tpu.dma_semaphore, #tpu.memory_space<semaphore_mem>>)
      %while3A_197 = arith.constant 0 : i32
      scf.yield %while3A_197 : i32
    }
    %while3A_162 = arith.constant 1 : i32
    %while3A_163 = scf.for %while3A_176 = %while3A_159 to %while3A_155 step %while3A_162 iter_args(%while3A_177 = %while3A_161) -> (i32)  : i32 {
      %mul3A_178 = arith.constant 16 : i32
      %mul3A_179 = arith.muli %while3A_176, %mul3A_178 : i32
      %add3A_180 = arith.addi %arg1, %mul3A_179 : i32
      %mul3A_181 = arith.constant 64 : i32
      %mul3A_182 = arith.muli %add3A_180, %mul3A_181 : i32
      %min3A = arith.constant 10448 : i32
      %min3A_183 = arith.minsi %mul3A_182, %min3A : i32
      %rem3A_184 = arith.constant 64 : i32
      %rem3A_185 = arith.remsi %while3A_176, %rem3A_184 : i32
      %mul3A_186 = arith.constant 10512 : i32
      %mul3A_187 = arith.muli %arg0, %mul3A_186 : i32
      %add3A_188 = arith.addi %mul3A_187, %min3A_183 : i32
      %dma_start3A = arith.constant 0 : i32
      %dma_start3A_189 = arith.constant 0 : i32
      %dma_start3A_190 = tpu.memref_slice %arg16[%dma_start3A, %rem3A_185, %dma_start3A_189] : memref<2x64x128xf32, #tpu.memory_space<vmem>> -> memref<1x1x64xf32, #tpu.memory_space<vmem>>
      %dma_start3A_191 = tpu.memref_squeeze %dma_start3A_190 : memref<1x1x64xf32, #tpu.memory_space<vmem>> -> memref<64xf32, #tpu.memory_space<vmem>>
      %dma_start3A_192 = tpu.memref_slice %arg9[%add3A_188] : memref<21024xf32, #tpu.memory_space<hbm>> -> memref<64xf32, #tpu.memory_space<hbm>>
      %dma_start3A_193 = tpu.memref_slice %arg9[%add3A_188] : memref<21024xf32, #tpu.memory_space<hbm>> -> memref<64xf32, #tpu.memory_space<hbm>>
      %dma_start3A_194 = arith.constant 0 : i32
      %dma_start3A_195 = tpu.memref_slice %arg16[%dma_start3A, %rem3A_185, %dma_start3A_194] : memref<2x64x128xf32, #tpu.memory_space<vmem>> -> memref<1x1x64xf32, #tpu.memory_space<vmem>>
      %dma_start3A_196 = tpu.memref_squeeze %dma_start3A_195 : memref<1x1x64xf32, #tpu.memory_space<vmem>> -> memref<64xf32, #tpu.memory_space<vmem>>
      tpu.enqueue_dma source(%dma_start3A_196 : memref<64xf32, #tpu.memory_space<vmem>>) target(%dma_start3A_193 : memref<64xf32, #tpu.memory_space<hbm>>) target_semaphore(%arg21 : memref<!tpu.dma_semaphore, #tpu.memory_space<semaphore_mem>>)
      %while3A_197 = arith.constant 0 : i32
      scf.yield %while3A_197 : i32
    }
    %while3A_164 = arith.constant 0 : i32
    %while3A_165 = arith.constant 0 : i32
    %while3A_166 = arith.subi %select_n3A, %while3A_164 : i32
    %while3A_167 = arith.addi %while3A_164, %while3A_166 : i32
    %while3A_168 = arith.constant 1 : i32
    %while3A_169 = arith.divsi %while3A_166, %while3A_168 : i32
    %while3A_170 = arith.muli %while3A_169, %while3A_168 : i32
    %while3A_171 = arith.addi %while3A_164, %while3A_170 : i32
    %while3A_172 = arith.constant 1 : i32
    %while3A_173 = scf.for %while3A_176 = %while3A_164 to %while3A_171 step %while3A_172 iter_args(%while3A_177 = %while3A_165) -> (i32)  : i32 {
      %mul3A_178 = arith.constant 16 : i32
      %mul3A_179 = arith.muli %while3A_176, %mul3A_178 : i32
      %add3A_180 = arith.addi %arg1, %mul3A_179 : i32
      %mul3A_181 = arith.constant 64 : i32
      %mul3A_182 = arith.muli %add3A_180, %mul3A_181 : i32
      %min3A = arith.constant 10448 : i32
      %min3A_183 = arith.minsi %mul3A_182, %min3A : i32
      %rem3A_184 = arith.constant 64 : i32
      %rem3A_185 = arith.remsi %while3A_176, %rem3A_184 : i32
      %mul3A_186 = arith.constant 10512 : i32
      %mul3A_187 = arith.muli %arg0, %mul3A_186 : i32
      %add3A_188 = arith.addi %mul3A_187, %min3A_183 : i32
      %dma_wait3A = arith.constant 0 : i32
      %dma_wait3A_189 = arith.constant 0 : i32
      %dma_wait3A_190 = tpu.memref_slice %arg16[%dma_wait3A, %rem3A_185, %dma_wait3A_189] : memref<2x64x128xf32, #tpu.memory_space<vmem>> -> memref<1x1x64xf32, #tpu.memory_space<vmem>>
      %dma_wait3A_191 = tpu.memref_squeeze %dma_wait3A_190 : memref<1x1x64xf32, #tpu.memory_space<vmem>> -> memref<64xf32, #tpu.memory_space<vmem>>
      %dma_wait3A_192 = tpu.memref_slice %arg9[%add3A_188] : memref<21024xf32, #tpu.memory_space<hbm>> -> memref<64xf32, #tpu.memory_space<hbm>>
      %dma_wait3A_193 = tpu.memref_slice %arg9[%add3A_188] : memref<21024xf32, #tpu.memory_space<hbm>> -> memref<64xf32, #tpu.memory_space<hbm>>
      %dma_wait3A_194 = arith.constant 0 : i32
      %dma_wait3A_195 = tpu.memref_slice %arg16[%dma_wait3A, %rem3A_185, %dma_wait3A_194] : memref<2x64x128xf32, #tpu.memory_space<vmem>> -> memref<1x1x64xf32, #tpu.memory_space<vmem>>
      %dma_wait3A_196 = tpu.memref_squeeze %dma_wait3A_195 : memref<1x1x64xf32, #tpu.memory_space<vmem>> -> memref<64xf32, #tpu.memory_space<vmem>>
      tpu.wait_dma2 semaphore(%arg21 : memref<!tpu.dma_semaphore, #tpu.memory_space<semaphore_mem>>) src(%dma_wait3A_196 : memref<64xf32, #tpu.memory_space<vmem>>) dst(%dma_wait3A_193 : memref<64xf32, #tpu.memory_space<hbm>>)
      %while3A_197 = arith.constant 0 : i32
      scf.yield %while3A_197 : i32
    }
    %while3A_174 = arith.constant 1 : i32
    %while3A_175 = scf.for %while3A_176 = %while3A_171 to %while3A_167 step %while3A_174 iter_args(%while3A_177 = %while3A_173) -> (i32)  : i32 {
      %mul3A_178 = arith.constant 16 : i32
      %mul3A_179 = arith.muli %while3A_176, %mul3A_178 : i32
      %add3A_180 = arith.addi %arg1, %mul3A_179 : i32
      %mul3A_181 = arith.constant 64 : i32
      %mul3A_182 = arith.muli %add3A_180, %mul3A_181 : i32
      %min3A = arith.constant 10448 : i32
      %min3A_183 = arith.minsi %mul3A_182, %min3A : i32
      %rem3A_184 = arith.constant 64 : i32
      %rem3A_185 = arith.remsi %while3A_176, %rem3A_184 : i32
      %mul3A_186 = arith.constant 10512 : i32
      %mul3A_187 = arith.muli %arg0, %mul3A_186 : i32
      %add3A_188 = arith.addi %mul3A_187, %min3A_183 : i32
      %dma_wait3A = arith.constant 0 : i32
      %dma_wait3A_189 = arith.constant 0 : i32
      %dma_wait3A_190 = tpu.memref_slice %arg16[%dma_wait3A, %rem3A_185, %dma_wait3A_189] : memref<2x64x128xf32, #tpu.memory_space<vmem>> -> memref<1x1x64xf32, #tpu.memory_space<vmem>>
      %dma_wait3A_191 = tpu.memref_squeeze %dma_wait3A_190 : memref<1x1x64xf32, #tpu.memory_space<vmem>> -> memref<64xf32, #tpu.memory_space<vmem>>
      %dma_wait3A_192 = tpu.memref_slice %arg9[%add3A_188] : memref<21024xf32, #tpu.memory_space<hbm>> -> memref<64xf32, #tpu.memory_space<hbm>>
      %dma_wait3A_193 = tpu.memref_slice %arg9[%add3A_188] : memref<21024xf32, #tpu.memory_space<hbm>> -> memref<64xf32, #tpu.memory_space<hbm>>
      %dma_wait3A_194 = arith.constant 0 : i32
      %dma_wait3A_195 = tpu.memref_slice %arg16[%dma_wait3A, %rem3A_185, %dma_wait3A_194] : memref<2x64x128xf32, #tpu.memory_space<vmem>> -> memref<1x1x64xf32, #tpu.memory_space<vmem>>
      %dma_wait3A_196 = tpu.memref_squeeze %dma_wait3A_195 : memref<1x1x64xf32, #tpu.memory_space<vmem>> -> memref<64xf32, #tpu.memory_space<vmem>>
      tpu.wait_dma2 semaphore(%arg21 : memref<!tpu.dma_semaphore, #tpu.memory_space<semaphore_mem>>) src(%dma_wait3A_196 : memref<64xf32, #tpu.memory_space<vmem>>) dst(%dma_wait3A_193 : memref<64xf32, #tpu.memory_space<hbm>>)
      %while3A_197 = arith.constant 0 : i32
      scf.yield %while3A_197 : i32
    }
    return
  }
}

#map = affine_map<(d0, d1) -> (0, 0)>
#map1 = affine_map<(d0, d1) -> (0, 0, 0, 0)>
#map2 = affine_map<(d0, d1) -> (0, 0, 0)>
module attributes {stable_mosaic.version = 14 : i64} {
  func.func @segsum(%arg0: i32, %arg1: i32, %arg2: memref<10512x128xf32, #tpu.memory_space<hbm>>, %arg3: memref<2x32x80x128xi32, #tpu.memory_space<hbm>>, %arg4: memref<2x10512x128xf32, #tpu.memory_space<hbm>>, %arg5: memref<16x128xi32, #tpu.memory_space<vmem>>, %arg6: memref<16x128xi32, #tpu.memory_space<vmem>>, %arg7: memref<2x128x128xf32, #tpu.memory_space<vmem>>, %arg8: memref<10520x128xf32, #tpu.memory_space<vmem_shared>>, %arg9: memref<!tpu.dma_semaphore, #tpu.memory_space<semaphore_mem>>, %arg10: memref<!tpu.dma_semaphore, #tpu.memory_space<semaphore_mem>>) attributes {dimension_semantics = [#tpu.dimension_semantics<core_parallel>, #tpu.dimension_semantics<subcore_parallel>], iteration_bounds = array<i64: 2, 16>, scalar_prefetch = 0 : i64, scratch_operands = 6 : i64, tpu.core_type = #tpu.core_type<sc_vector_subcore>, window_params = [{transform_indices = #map}, {transform_indices = #map1}, {transform_indices = #map2}]} {
    %mul3A = arith.constant 2 : i32
    %mul3A_0 = arith.muli %arg1, %mul3A : i32
    %add3A = arith.addi %mul3A_0, %arg0 : i32
    %broadcast_in_dim3A = arith.constant 0.000000e+00 : f32
    %broadcast_in_dim3A_1 = vector.broadcast %broadcast_in_dim3A : f32 to vector<16xf32>
    %scan3A = arith.constant 0 : i32
    %scan3A_2 = arith.constant 0 : i32
    %scan3A_3 = arith.constant 128 : i32
    %scan3A_4 = arith.addi %scan3A_2, %scan3A_3 : i32
    %scan3A_5 = arith.constant 1 : i32
    %scan3A_6 = scf.for %scan3A_117 = %scan3A_2 to %scan3A_4 step %scan3A_5 iter_args(%scan3A_118 = %scan3A) -> (i32)  : i32 {
      %swap3A = arith.constant 0 : i32
      %swap3A_119 = arith.index_cast %swap3A : i32 to index
      %swap3A_120 = arith.index_cast %scan3A_117 : i32 to index
      %swap3A_121 = arith.constant 0 : index
      %swap3A_122 = tpu.vector_load %arg7[%swap3A_119, %swap3A_120, %swap3A_121] {strides = array<i32>} : memref<2x128x128xf32, #tpu.memory_space<vmem>>, vector<16xf32>,
      tpu.vector_store %arg7[%swap3A_119, %swap3A_120, %swap3A_121], %broadcast_in_dim3A_1 {strides = array<i32>} : memref<2x128x128xf32, #tpu.memory_space<vmem>>, vector<16xf32>,
      %swap3A_123 = arith.constant 0 : i32
      %swap3A_124 = arith.index_cast %swap3A_123 : i32 to index
      %swap3A_125 = arith.index_cast %scan3A_117 : i32 to index
      %swap3A_126 = arith.constant 16 : index
      %swap3A_127 = tpu.vector_load %arg7[%swap3A_124, %swap3A_125, %swap3A_126] {strides = array<i32>} : memref<2x128x128xf32, #tpu.memory_space<vmem>>, vector<16xf32>,
      tpu.vector_store %arg7[%swap3A_124, %swap3A_125, %swap3A_126], %broadcast_in_dim3A_1 {strides = array<i32>} : memref<2x128x128xf32, #tpu.memory_space<vmem>>, vector<16xf32>,
      %swap3A_128 = arith.constant 0 : i32
      %swap3A_129 = arith.index_cast %swap3A_128 : i32 to index
      %swap3A_130 = arith.index_cast %scan3A_117 : i32 to index
      %swap3A_131 = arith.constant 32 : index
      %swap3A_132 = tpu.vector_load %arg7[%swap3A_129, %swap3A_130, %swap3A_131] {strides = array<i32>} : memref<2x128x128xf32, #tpu.memory_space<vmem>>, vector<16xf32>,
      tpu.vector_store %arg7[%swap3A_129, %swap3A_130, %swap3A_131], %broadcast_in_dim3A_1 {strides = array<i32>} : memref<2x128x128xf32, #tpu.memory_space<vmem>>, vector<16xf32>,
      %swap3A_133 = arith.constant 0 : i32
      %swap3A_134 = arith.index_cast %swap3A_133 : i32 to index
      %swap3A_135 = arith.index_cast %scan3A_117 : i32 to index
      %swap3A_136 = arith.constant 48 : index
      %swap3A_137 = tpu.vector_load %arg7[%swap3A_134, %swap3A_135, %swap3A_136] {strides = array<i32>} : memref<2x128x128xf32, #tpu.memory_space<vmem>>, vector<16xf32>,
      tpu.vector_store %arg7[%swap3A_134, %swap3A_135, %swap3A_136], %broadcast_in_dim3A_1 {strides = array<i32>} : memref<2x128x128xf32, #tpu.memory_space<vmem>>, vector<16xf32>,
      %swap3A_138 = arith.constant 0 : i32
      %swap3A_139 = arith.index_cast %swap3A_138 : i32 to index
      %swap3A_140 = arith.index_cast %scan3A_117 : i32 to index
      %swap3A_141 = arith.constant 64 : index
      %swap3A_142 = tpu.vector_load %arg7[%swap3A_139, %swap3A_140, %swap3A_141] {strides = array<i32>} : memref<2x128x128xf32, #tpu.memory_space<vmem>>, vector<16xf32>,
      tpu.vector_store %arg7[%swap3A_139, %swap3A_140, %swap3A_141], %broadcast_in_dim3A_1 {strides = array<i32>} : memref<2x128x128xf32, #tpu.memory_space<vmem>>, vector<16xf32>,
      %swap3A_143 = arith.constant 0 : i32
      %swap3A_144 = arith.index_cast %swap3A_143 : i32 to index
      %swap3A_145 = arith.index_cast %scan3A_117 : i32 to index
      %swap3A_146 = arith.constant 80 : index
      %swap3A_147 = tpu.vector_load %arg7[%swap3A_144, %swap3A_145, %swap3A_146] {strides = array<i32>} : memref<2x128x128xf32, #tpu.memory_space<vmem>>, vector<16xf32>,
      tpu.vector_store %arg7[%swap3A_144, %swap3A_145, %swap3A_146], %broadcast_in_dim3A_1 {strides = array<i32>} : memref<2x128x128xf32, #tpu.memory_space<vmem>>, vector<16xf32>,
      %swap3A_148 = arith.constant 0 : i32
      %swap3A_149 = arith.index_cast %swap3A_148 : i32 to index
      %swap3A_150 = arith.index_cast %scan3A_117 : i32 to index
      %swap3A_151 = arith.constant 96 : index
      %swap3A_152 = tpu.vector_load %arg7[%swap3A_149, %swap3A_150, %swap3A_151] {strides = array<i32>} : memref<2x128x128xf32, #tpu.memory_space<vmem>>, vector<16xf32>,
      tpu.vector_store %arg7[%swap3A_149, %swap3A_150, %swap3A_151], %broadcast_in_dim3A_1 {strides = array<i32>} : memref<2x128x128xf32, #tpu.memory_space<vmem>>, vector<16xf32>,
      %swap3A_153 = arith.constant 0 : i32
      %swap3A_154 = arith.index_cast %swap3A_153 : i32 to index
      %swap3A_155 = arith.index_cast %scan3A_117 : i32 to index
      %swap3A_156 = arith.constant 112 : index
      %swap3A_157 = tpu.vector_load %arg7[%swap3A_154, %swap3A_155, %swap3A_156] {strides = array<i32>} : memref<2x128x128xf32, #tpu.memory_space<vmem>>, vector<16xf32>,
      tpu.vector_store %arg7[%swap3A_154, %swap3A_155, %swap3A_156], %broadcast_in_dim3A_1 {strides = array<i32>} : memref<2x128x128xf32, #tpu.memory_space<vmem>>, vector<16xf32>,
      %scan3A_158 = arith.constant 0 : i32
      scf.yield %scan3A_158 : i32
    }
    %scan3A_7 = arith.constant 128 : i32
    %sub3A = arith.constant 83 : i32
    %sub3A_8 = arith.subi %sub3A, %arg1 : i32
    %add3A_9 = arith.constant 16 : i32
    %add3A_10 = arith.addi %sub3A_8, %add3A_9 : i32
    %sub3A_11 = arith.constant 1 : i32
    %sub3A_12 = arith.subi %add3A_10, %sub3A_11 : i32
    %jit3A = arith.constant 16 : i32
    %div3A = arith.divsi %sub3A_12, %jit3A : i32
    %sign3A = arith.constant 0 : i32
    %sign3A_13 = arith.cmpi sgt, %sub3A_12, %sign3A : i32
    %sign3A_14 = arith.extui %sign3A_13 : i1 to i32
    %sign3A_15 = arith.constant 0 : i32
    %sign3A_16 = arith.cmpi slt, %sub3A_12, %sign3A_15 : i32
    %sign3A_17 = arith.extui %sign3A_16 : i1 to i32
    %sign3A_18 = arith.subi %sign3A_14, %sign3A_17 : i32
    %sign3A_19 = arith.constant 0 : i32
    %sign3A_20 = arith.cmpi sgt, %jit3A, %sign3A_19 : i32
    %sign3A_21 = arith.extui %sign3A_20 : i1 to i32
    %sign3A_22 = arith.constant 0 : i32
    %sign3A_23 = arith.cmpi slt, %jit3A, %sign3A_22 : i32
    %sign3A_24 = arith.extui %sign3A_23 : i1 to i32
    %sign3A_25 = arith.subi %sign3A_21, %sign3A_24 : i32
    %ne3A = arith.cmpi ne, %sign3A_18, %sign3A_25 : i32
    %rem3A = arith.remsi %sub3A_12, %jit3A : i32
    %ne3A_26 = arith.constant 0 : i32
    %ne3A_27 = arith.cmpi ne, %rem3A, %ne3A_26 : i32
    %and3A = arith.andi %ne3A, %ne3A_27 : i1
    %sub3A_28 = arith.constant 1 : i32
    %sub3A_29 = arith.subi %div3A, %sub3A_28 : i32
    %select_n3A = arith.select %and3A, %sub3A_29, %div3A : i32
    %while3A = arith.constant 0 : i32
    %while3A_30 = arith.constant 0 : i32
    %while3A_31 = arith.subi %select_n3A, %while3A : i32
    %while3A_32 = arith.addi %while3A, %while3A_31 : i32
    %while3A_33 = arith.constant 1 : i32
    %while3A_34 = arith.divsi %while3A_31, %while3A_33 : i32
    %while3A_35 = arith.muli %while3A_34, %while3A_33 : i32
    %while3A_36 = arith.addi %while3A, %while3A_35 : i32
    %while3A_37 = arith.constant 1 : i32
    %while3A_38 = scf.for %while3A_117 = %while3A to %while3A_36 step %while3A_37 iter_args(%while3A_118 = %while3A_30) -> (i32)  : i32 {
      %mul3A_119 = arith.constant 16 : i32
      %mul3A_120 = arith.muli %while3A_117, %mul3A_119 : i32
      %add3A_121 = arith.addi %arg1, %mul3A_120 : i32
      %mul3A_122 = arith.constant 128 : i32
      %mul3A_123 = arith.muli %add3A_121, %mul3A_122 : i32
      %min3A = arith.constant 10384 : i32
      %min3A_124 = arith.minsi %mul3A_123, %min3A : i32
      %dma_start3A = arith.constant 0 : i32
      %dma_start3A_125 = arith.constant 0 : i32
      %dma_start3A_126 = arith.constant 0 : i32
      %dma_start3A_127 = tpu.memref_slice %arg7[%dma_start3A, %dma_start3A_125, %dma_start3A_126] : memref<2x128x128xf32, #tpu.memory_space<vmem>> -> memref<1x128x128xf32, #tpu.memory_space<vmem>>
      %dma_start3A_128 = tpu.memref_squeeze %dma_start3A_127 : memref<1x128x128xf32, #tpu.memory_space<vmem>> -> memref<128x128xf32, #tpu.memory_space<vmem>>
      %dma_start3A_129 = arith.constant 0 : i32
      %dma_start3A_130 = tpu.memref_slice %arg8[%min3A_124, %dma_start3A_129] : memref<10520x128xf32, #tpu.memory_space<vmem_shared>> -> memref<128x128xf32, #tpu.memory_space<vmem_shared>>
      %dma_start3A_131 = arith.constant 0 : i32
      %dma_start3A_132 = tpu.memref_slice %arg8[%min3A_124, %dma_start3A_131] : memref<10520x128xf32, #tpu.memory_space<vmem_shared>> -> memref<128x128xf32, #tpu.memory_space<vmem_shared>>
      %dma_start3A_133 = arith.constant 0 : i32
      %dma_start3A_134 = arith.constant 0 : i32
      %dma_start3A_135 = tpu.memref_slice %arg7[%dma_start3A, %dma_start3A_133, %dma_start3A_134] : memref<2x128x128xf32, #tpu.memory_space<vmem>> -> memref<1x128x128xf32, #tpu.memory_space<vmem>>
      %dma_start3A_136 = tpu.memref_squeeze %dma_start3A_135 : memref<1x128x128xf32, #tpu.memory_space<vmem>> -> memref<128x128xf32, #tpu.memory_space<vmem>>
      tpu.enqueue_dma source(%dma_start3A_136 : memref<128x128xf32, #tpu.memory_space<vmem>>) target(%dma_start3A_132 : memref<128x128xf32, #tpu.memory_space<vmem_shared>>) target_semaphore(%arg10 : memref<!tpu.dma_semaphore, #tpu.memory_space<semaphore_mem>>)
      %while3A_137 = arith.constant 0 : i32
      scf.yield %while3A_137 : i32
    }
    %while3A_39 = arith.constant 1 : i32
    %while3A_40 = scf.for %while3A_117 = %while3A_36 to %while3A_32 step %while3A_39 iter_args(%while3A_118 = %while3A_38) -> (i32)  : i32 {
      %mul3A_119 = arith.constant 16 : i32
      %mul3A_120 = arith.muli %while3A_117, %mul3A_119 : i32
      %add3A_121 = arith.addi %arg1, %mul3A_120 : i32
      %mul3A_122 = arith.constant 128 : i32
      %mul3A_123 = arith.muli %add3A_121, %mul3A_122 : i32
      %min3A = arith.constant 10384 : i32
      %min3A_124 = arith.minsi %mul3A_123, %min3A : i32
      %dma_start3A = arith.constant 0 : i32
      %dma_start3A_125 = arith.constant 0 : i32
      %dma_start3A_126 = arith.constant 0 : i32
      %dma_start3A_127 = tpu.memref_slice %arg7[%dma_start3A, %dma_start3A_125, %dma_start3A_126] : memref<2x128x128xf32, #tpu.memory_space<vmem>> -> memref<1x128x128xf32, #tpu.memory_space<vmem>>
      %dma_start3A_128 = tpu.memref_squeeze %dma_start3A_127 : memref<1x128x128xf32, #tpu.memory_space<vmem>> -> memref<128x128xf32, #tpu.memory_space<vmem>>
      %dma_start3A_129 = arith.constant 0 : i32
      %dma_start3A_130 = tpu.memref_slice %arg8[%min3A_124, %dma_start3A_129] : memref<10520x128xf32, #tpu.memory_space<vmem_shared>> -> memref<128x128xf32, #tpu.memory_space<vmem_shared>>
      %dma_start3A_131 = arith.constant 0 : i32
      %dma_start3A_132 = tpu.memref_slice %arg8[%min3A_124, %dma_start3A_131] : memref<10520x128xf32, #tpu.memory_space<vmem_shared>> -> memref<128x128xf32, #tpu.memory_space<vmem_shared>>
      %dma_start3A_133 = arith.constant 0 : i32
      %dma_start3A_134 = arith.constant 0 : i32
      %dma_start3A_135 = tpu.memref_slice %arg7[%dma_start3A, %dma_start3A_133, %dma_start3A_134] : memref<2x128x128xf32, #tpu.memory_space<vmem>> -> memref<1x128x128xf32, #tpu.memory_space<vmem>>
      %dma_start3A_136 = tpu.memref_squeeze %dma_start3A_135 : memref<1x128x128xf32, #tpu.memory_space<vmem>> -> memref<128x128xf32, #tpu.memory_space<vmem>>
      tpu.enqueue_dma source(%dma_start3A_136 : memref<128x128xf32, #tpu.memory_space<vmem>>) target(%dma_start3A_132 : memref<128x128xf32, #tpu.memory_space<vmem_shared>>) target_semaphore(%arg10 : memref<!tpu.dma_semaphore, #tpu.memory_space<semaphore_mem>>)
      %while3A_137 = arith.constant 0 : i32
      scf.yield %while3A_137 : i32
    }
    %while3A_41 = arith.constant 0 : i32
    %while3A_42 = arith.constant 0 : i32
    %while3A_43 = arith.subi %select_n3A, %while3A_41 : i32
    %while3A_44 = arith.addi %while3A_41, %while3A_43 : i32
    %while3A_45 = arith.constant 1 : i32
    %while3A_46 = arith.divsi %while3A_43, %while3A_45 : i32
    %while3A_47 = arith.muli %while3A_46, %while3A_45 : i32
    %while3A_48 = arith.addi %while3A_41, %while3A_47 : i32
    %while3A_49 = arith.constant 1 : i32
    %while3A_50 = scf.for %while3A_117 = %while3A_41 to %while3A_48 step %while3A_49 iter_args(%while3A_118 = %while3A_42) -> (i32)  : i32 {
      %mul3A_119 = arith.constant 16 : i32
      %mul3A_120 = arith.muli %while3A_117, %mul3A_119 : i32
      %add3A_121 = arith.addi %arg1, %mul3A_120 : i32
      %mul3A_122 = arith.constant 128 : i32
      %mul3A_123 = arith.muli %add3A_121, %mul3A_122 : i32
      %min3A = arith.constant 10384 : i32
      %min3A_124 = arith.minsi %mul3A_123, %min3A : i32
      %dma_wait3A = arith.constant 0 : i32
      %dma_wait3A_125 = arith.constant 0 : i32
      %dma_wait3A_126 = arith.constant 0 : i32
      %dma_wait3A_127 = tpu.memref_slice %arg7[%dma_wait3A, %dma_wait3A_125, %dma_wait3A_126] : memref<2x128x128xf32, #tpu.memory_space<vmem>> -> memref<1x128x128xf32, #tpu.memory_space<vmem>>
      %dma_wait3A_128 = tpu.memref_squeeze %dma_wait3A_127 : memref<1x128x128xf32, #tpu.memory_space<vmem>> -> memref<128x128xf32, #tpu.memory_space<vmem>>
      %dma_wait3A_129 = arith.constant 0 : i32
      %dma_wait3A_130 = tpu.memref_slice %arg8[%min3A_124, %dma_wait3A_129] : memref<10520x128xf32, #tpu.memory_space<vmem_shared>> -> memref<128x128xf32, #tpu.memory_space<vmem_shared>>
      %dma_wait3A_131 = arith.constant 0 : i32
      %dma_wait3A_132 = tpu.memref_slice %arg8[%min3A_124, %dma_wait3A_131] : memref<10520x128xf32, #tpu.memory_space<vmem_shared>> -> memref<128x128xf32, #tpu.memory_space<vmem_shared>>
      %dma_wait3A_133 = arith.constant 0 : i32
      %dma_wait3A_134 = arith.constant 0 : i32
      %dma_wait3A_135 = tpu.memref_slice %arg7[%dma_wait3A, %dma_wait3A_133, %dma_wait3A_134] : memref<2x128x128xf32, #tpu.memory_space<vmem>> -> memref<1x128x128xf32, #tpu.memory_space<vmem>>
      %dma_wait3A_136 = tpu.memref_squeeze %dma_wait3A_135 : memref<1x128x128xf32, #tpu.memory_space<vmem>> -> memref<128x128xf32, #tpu.memory_space<vmem>>
      tpu.wait_dma2 semaphore(%arg10 : memref<!tpu.dma_semaphore, #tpu.memory_space<semaphore_mem>>) src(%dma_wait3A_136 : memref<128x128xf32, #tpu.memory_space<vmem>>) dst(%dma_wait3A_132 : memref<128x128xf32, #tpu.memory_space<vmem_shared>>)
      %while3A_137 = arith.constant 0 : i32
      scf.yield %while3A_137 : i32
    }
    %while3A_51 = arith.constant 1 : i32
    %while3A_52 = scf.for %while3A_117 = %while3A_48 to %while3A_44 step %while3A_51 iter_args(%while3A_118 = %while3A_50) -> (i32)  : i32 {
      %mul3A_119 = arith.constant 16 : i32
      %mul3A_120 = arith.muli %while3A_117, %mul3A_119 : i32
      %add3A_121 = arith.addi %arg1, %mul3A_120 : i32
      %mul3A_122 = arith.constant 128 : i32
      %mul3A_123 = arith.muli %add3A_121, %mul3A_122 : i32
      %min3A = arith.constant 10384 : i32
      %min3A_124 = arith.minsi %mul3A_123, %min3A : i32
      %dma_wait3A = arith.constant 0 : i32
      %dma_wait3A_125 = arith.constant 0 : i32
      %dma_wait3A_126 = arith.constant 0 : i32
      %dma_wait3A_127 = tpu.memref_slice %arg7[%dma_wait3A, %dma_wait3A_125, %dma_wait3A_126] : memref<2x128x128xf32, #tpu.memory_space<vmem>> -> memref<1x128x128xf32, #tpu.memory_space<vmem>>
      %dma_wait3A_128 = tpu.memref_squeeze %dma_wait3A_127 : memref<1x128x128xf32, #tpu.memory_space<vmem>> -> memref<128x128xf32, #tpu.memory_space<vmem>>
      %dma_wait3A_129 = arith.constant 0 : i32
      %dma_wait3A_130 = tpu.memref_slice %arg8[%min3A_124, %dma_wait3A_129] : memref<10520x128xf32, #tpu.memory_space<vmem_shared>> -> memref<128x128xf32, #tpu.memory_space<vmem_shared>>
      %dma_wait3A_131 = arith.constant 0 : i32
      %dma_wait3A_132 = tpu.memref_slice %arg8[%min3A_124, %dma_wait3A_131] : memref<10520x128xf32, #tpu.memory_space<vmem_shared>> -> memref<128x128xf32, #tpu.memory_space<vmem_shared>>
      %dma_wait3A_133 = arith.constant 0 : i32
      %dma_wait3A_134 = arith.constant 0 : i32
      %dma_wait3A_135 = tpu.memref_slice %arg7[%dma_wait3A, %dma_wait3A_133, %dma_wait3A_134] : memref<2x128x128xf32, #tpu.memory_space<vmem>> -> memref<1x128x128xf32, #tpu.memory_space<vmem>>
      %dma_wait3A_136 = tpu.memref_squeeze %dma_wait3A_135 : memref<1x128x128xf32, #tpu.memory_space<vmem>> -> memref<128x128xf32, #tpu.memory_space<vmem>>
      tpu.wait_dma2 semaphore(%arg10 : memref<!tpu.dma_semaphore, #tpu.memory_space<semaphore_mem>>) src(%dma_wait3A_136 : memref<128x128xf32, #tpu.memory_space<vmem>>) dst(%dma_wait3A_132 : memref<128x128xf32, #tpu.memory_space<vmem_shared>>)
      %while3A_137 = arith.constant 0 : i32
      scf.yield %while3A_137 : i32
    }
    %eq3A = arith.constant 0 : i32
    %eq3A_53 = arith.cmpi eq, %arg1, %eq3A : i32
    %convert_element_type3A = arith.extui %eq3A_53 : i1 to i32
    %cond3A = arith.constant 0 : i32
    %cond3A_54 = arith.cmpi ne, %convert_element_type3A, %cond3A : i32
    scf.if %cond3A_54 {
      %run_scoped3A = arith.constant 0 : i32
      "tpu.region"() ({
        %run_scoped3A_117 = tpu.sem_alloc : memref<!tpu.dma_semaphore, #tpu.memory_space<semaphore_mem>>
        %dma_start3A = arith.constant 0 : i32
        %dma_start3A_118 = arith.constant 0 : i32
        %dma_start3A_119 = tpu.memref_slice %arg7[%run_scoped3A, %dma_start3A, %dma_start3A_118] : memref<2x128x128xf32, #tpu.memory_space<vmem>> -> memref<1x8x128xf32, #tpu.memory_space<vmem>>
        %dma_start3A_120 = tpu.memref_squeeze %dma_start3A_119 : memref<1x8x128xf32, #tpu.memory_space<vmem>> -> memref<8x128xf32, #tpu.memory_space<vmem>>
        %dma_start3A_121 = arith.constant 10512 : i32
        %dma_start3A_122 = arith.constant 0 : i32
        %dma_start3A_123 = tpu.memref_slice %arg8[%dma_start3A_121, %dma_start3A_122] : memref<10520x128xf32, #tpu.memory_space<vmem_shared>> -> memref<8x128xf32, #tpu.memory_space<vmem_shared>>
        %dma_start3A_124 = arith.constant 10512 : i32
        %dma_start3A_125 = arith.constant 0 : i32
        %dma_start3A_126 = tpu.memref_slice %arg8[%dma_start3A_124, %dma_start3A_125] : memref<10520x128xf32, #tpu.memory_space<vmem_shared>> -> memref<8x128xf32, #tpu.memory_space<vmem_shared>>
        %dma_start3A_127 = arith.constant 0 : i32
        %dma_start3A_128 = arith.constant 0 : i32
        %dma_start3A_129 = tpu.memref_slice %arg7[%run_scoped3A, %dma_start3A_127, %dma_start3A_128] : memref<2x128x128xf32, #tpu.memory_space<vmem>> -> memref<1x8x128xf32, #tpu.memory_space<vmem>>
        %dma_start3A_130 = tpu.memref_squeeze %dma_start3A_129 : memref<1x8x128xf32, #tpu.memory_space<vmem>> -> memref<8x128xf32, #tpu.memory_space<vmem>>
        tpu.enqueue_dma source(%dma_start3A_130 : memref<8x128xf32, #tpu.memory_space<vmem>>) target(%dma_start3A_126 : memref<8x128xf32, #tpu.memory_space<vmem_shared>>) target_semaphore(%run_scoped3A_117 : memref<!tpu.dma_semaphore, #tpu.memory_space<semaphore_mem>>)
        %dma_wait3A = arith.constant 0 : i32
        %dma_wait3A_131 = arith.constant 0 : i32
        %dma_wait3A_132 = tpu.memref_slice %arg7[%run_scoped3A, %dma_wait3A, %dma_wait3A_131] : memref<2x128x128xf32, #tpu.memory_space<vmem>> -> memref<1x8x128xf32, #tpu.memory_space<vmem>>
        %dma_wait3A_133 = tpu.memref_squeeze %dma_wait3A_132 : memref<1x8x128xf32, #tpu.memory_space<vmem>> -> memref<8x128xf32, #tpu.memory_space<vmem>>
        %dma_wait3A_134 = arith.constant 10512 : i32
        %dma_wait3A_135 = arith.constant 0 : i32
        %dma_wait3A_136 = tpu.memref_slice %arg8[%dma_wait3A_134, %dma_wait3A_135] : memref<10520x128xf32, #tpu.memory_space<vmem_shared>> -> memref<8x128xf32, #tpu.memory_space<vmem_shared>>
        %dma_wait3A_137 = arith.constant 10512 : i32
        %dma_wait3A_138 = arith.constant 0 : i32
        %dma_wait3A_139 = tpu.memref_slice %arg8[%dma_wait3A_137, %dma_wait3A_138] : memref<10520x128xf32, #tpu.memory_space<vmem_shared>> -> memref<8x128xf32, #tpu.memory_space<vmem_shared>>
        %dma_wait3A_140 = arith.constant 0 : i32
        %dma_wait3A_141 = arith.constant 0 : i32
        %dma_wait3A_142 = tpu.memref_slice %arg7[%run_scoped3A, %dma_wait3A_140, %dma_wait3A_141] : memref<2x128x128xf32, #tpu.memory_space<vmem>> -> memref<1x8x128xf32, #tpu.memory_space<vmem>>
        %dma_wait3A_143 = tpu.memref_squeeze %dma_wait3A_142 : memref<1x8x128xf32, #tpu.memory_space<vmem>> -> memref<8x128xf32, #tpu.memory_space<vmem>>
        tpu.wait_dma2 semaphore(%run_scoped3A_117 : memref<!tpu.dma_semaphore, #tpu.memory_space<semaphore_mem>>) src(%dma_wait3A_143 : memref<8x128xf32, #tpu.memory_space<vmem>>) dst(%dma_wait3A_139 : memref<8x128xf32, #tpu.memory_space<vmem_shared>>)
        tpu.yield
      }) : () -> ()
    } else {
    }
    %barrier3A = arith.constant 0 : index
    tpu.barrier barrier_id(%barrier3A)
    %scan3A_55 = arith.constant 0 : i32
    %scan3A_56 = arith.constant 0 : i32
    %scan3A_57 = arith.constant 5 : i32
    %scan3A_58 = arith.addi %scan3A_56, %scan3A_57 : i32
    %scan3A_59 = arith.constant 1 : i32
    %scan3A_60 = scf.for %scan3A_117 = %scan3A_56 to %scan3A_58 step %scan3A_59 iter_args(%scan3A_118 = %scan3A_55) -> (i32)  : i32 {
      %mul3A_119 = arith.constant 16 : i32
      %mul3A_120 = arith.muli %scan3A_117, %mul3A_119 : i32
      %run_scoped3A = arith.constant 0 : i32
      "tpu.region"() ({
        %run_scoped3A_143 = tpu.sem_alloc : memref<!tpu.dma_semaphore, #tpu.memory_space<semaphore_mem>>
        %dma_start3A_144 = arith.constant 0 : i32
        %dma_start3A_145 = tpu.memref_slice %arg3[%run_scoped3A, %add3A, %mul3A_120, %dma_start3A_144] : memref<2x32x80x128xi32, #tpu.memory_space<hbm>> -> memref<1x1x16x128xi32, #tpu.memory_space<hbm>>
        %dma_start3A_146 = tpu.memref_squeeze %dma_start3A_145 : memref<1x1x16x128xi32, #tpu.memory_space<hbm>> -> memref<16x128xi32, #tpu.memory_space<hbm>>
        %dma_start3A_147 = arith.constant 0 : i32
        %dma_start3A_148 = tpu.memref_slice %arg3[%run_scoped3A, %add3A, %mul3A_120, %dma_start3A_147] : memref<2x32x80x128xi32, #tpu.memory_space<hbm>> -> memref<1x1x16x128xi32, #tpu.memory_space<hbm>>
        %dma_start3A_149 = tpu.memref_squeeze %dma_start3A_148 : memref<1x1x16x128xi32, #tpu.memory_space<hbm>> -> memref<16x128xi32, #tpu.memory_space<hbm>>
        tpu.enqueue_dma source(%dma_start3A_149 : memref<16x128xi32, #tpu.memory_space<hbm>>) target(%arg5 : memref<16x128xi32, #tpu.memory_space<vmem>>) target_semaphore(%run_scoped3A_143 : memref<!tpu.dma_semaphore, #tpu.memory_space<semaphore_mem>>)
        %dma_wait3A = arith.constant 0 : i32
        %dma_wait3A_150 = tpu.memref_slice %arg3[%run_scoped3A, %add3A, %mul3A_120, %dma_wait3A] : memref<2x32x80x128xi32, #tpu.memory_space<hbm>> -> memref<1x1x16x128xi32, #tpu.memory_space<hbm>>
        %dma_wait3A_151 = tpu.memref_squeeze %dma_wait3A_150 : memref<1x1x16x128xi32, #tpu.memory_space<hbm>> -> memref<16x128xi32, #tpu.memory_space<hbm>>
        %dma_wait3A_152 = arith.constant 0 : i32
        %dma_wait3A_153 = tpu.memref_slice %arg3[%run_scoped3A, %add3A, %mul3A_120, %dma_wait3A_152] : memref<2x32x80x128xi32, #tpu.memory_space<hbm>> -> memref<1x1x16x128xi32, #tpu.memory_space<hbm>>
        %dma_wait3A_154 = tpu.memref_squeeze %dma_wait3A_153 : memref<1x1x16x128xi32, #tpu.memory_space<hbm>> -> memref<16x128xi32, #tpu.memory_space<hbm>>
        tpu.wait_dma2 semaphore(%run_scoped3A_143 : memref<!tpu.dma_semaphore, #tpu.memory_space<semaphore_mem>>) src(%dma_wait3A_154 : memref<16x128xi32, #tpu.memory_space<hbm>>) dst(%arg5 : memref<16x128xi32, #tpu.memory_space<vmem>>)
        tpu.yield
      }) : () -> ()
      %mul3A_121 = arith.constant 16 : i32
      %mul3A_122 = arith.muli %scan3A_117, %mul3A_121 : i32
      %run_scoped3A_123 = arith.constant 1 : i32
      "tpu.region"() ({
        %run_scoped3A_143 = tpu.sem_alloc : memref<!tpu.dma_semaphore, #tpu.memory_space<semaphore_mem>>
        %dma_start3A_144 = arith.constant 0 : i32
        %dma_start3A_145 = tpu.memref_slice %arg3[%run_scoped3A_123, %add3A, %mul3A_122, %dma_start3A_144] : memref<2x32x80x128xi32, #tpu.memory_space<hbm>> -> memref<1x1x16x128xi32, #tpu.memory_space<hbm>>
        %dma_start3A_146 = tpu.memref_squeeze %dma_start3A_145 : memref<1x1x16x128xi32, #tpu.memory_space<hbm>> -> memref<16x128xi32, #tpu.memory_space<hbm>>
        %dma_start3A_147 = arith.constant 0 : i32
        %dma_start3A_148 = tpu.memref_slice %arg3[%run_scoped3A_123, %add3A, %mul3A_122, %dma_start3A_147] : memref<2x32x80x128xi32, #tpu.memory_space<hbm>> -> memref<1x1x16x128xi32, #tpu.memory_space<hbm>>
        %dma_start3A_149 = tpu.memref_squeeze %dma_start3A_148 : memref<1x1x16x128xi32, #tpu.memory_space<hbm>> -> memref<16x128xi32, #tpu.memory_space<hbm>>
        tpu.enqueue_dma source(%dma_start3A_149 : memref<16x128xi32, #tpu.memory_space<hbm>>) target(%arg6 : memref<16x128xi32, #tpu.memory_space<vmem>>) target_semaphore(%run_scoped3A_143 : memref<!tpu.dma_semaphore, #tpu.memory_space<semaphore_mem>>)
        %dma_wait3A = arith.constant 0 : i32
        %dma_wait3A_150 = tpu.memref_slice %arg3[%run_scoped3A_123, %add3A, %mul3A_122, %dma_wait3A] : memref<2x32x80x128xi32, #tpu.memory_space<hbm>> -> memref<1x1x16x128xi32, #tpu.memory_space<hbm>>
        %dma_wait3A_151 = tpu.memref_squeeze %dma_wait3A_150 : memref<1x1x16x128xi32, #tpu.memory_space<hbm>> -> memref<16x128xi32, #tpu.memory_space<hbm>>
        %dma_wait3A_152 = arith.constant 0 : i32
        %dma_wait3A_153 = tpu.memref_slice %arg3[%run_scoped3A_123, %add3A, %mul3A_122, %dma_wait3A_152] : memref<2x32x80x128xi32, #tpu.memory_space<hbm>> -> memref<1x1x16x128xi32, #tpu.memory_space<hbm>>
        %dma_wait3A_154 = tpu.memref_squeeze %dma_wait3A_153 : memref<1x1x16x128xi32, #tpu.memory_space<hbm>> -> memref<16x128xi32, #tpu.memory_space<hbm>>
        tpu.wait_dma2 semaphore(%run_scoped3A_143 : memref<!tpu.dma_semaphore, #tpu.memory_space<semaphore_mem>>) src(%dma_wait3A_154 : memref<16x128xi32, #tpu.memory_space<hbm>>) dst(%arg6 : memref<16x128xi32, #tpu.memory_space<vmem>>)
        tpu.yield
      }) : () -> ()
      %dma_start3A = arith.constant 0 : i32
      %dma_start3A_124 = arith.constant 0 : i32
      %dma_start3A_125 = arith.constant 0 : i32
      %dma_start3A_126 = arith.constant 0 : i32
      %dma_start3A_127 = tpu.memref_slice %arg7[%dma_start3A_124, %dma_start3A_125, %dma_start3A_126] : memref<2x128x128xf32, #tpu.memory_space<vmem>> -> memref<1x128x128xf32, #tpu.memory_space<vmem>>
      %dma_start3A_128 = tpu.memref_squeeze %dma_start3A_127 : memref<1x128x128xf32, #tpu.memory_space<vmem>> -> memref<128x128xf32, #tpu.memory_space<vmem>>
      %dma_start3A_129 = arith.constant 0 : i32
      %dma_start3A_130 = tpu.memref_slice %arg5[%dma_start3A, %dma_start3A_129] : memref<16x128xi32, #tpu.memory_space<vmem>> -> memref<1x128xi32, #tpu.memory_space<vmem>>
      %dma_start3A_131 = tpu.memref_squeeze %dma_start3A_130 : memref<1x128xi32, #tpu.memory_space<vmem>> -> memref<128xi32, #tpu.memory_space<vmem>>
      %dma_start3A_132 = arith.constant 0 : i32
      %dma_start3A_133 = arith.constant 0 : i32
      %dma_start3A_134 = tpu.memref_slice %arg2[%dma_start3A_132, %dma_start3A_133] : memref<10512x128xf32, #tpu.memory_space<hbm>> -> memref<10512x128xf32, #tpu.memory_space<hbm>>
      tpu.enqueue_indirect_dma source(%dma_start3A_134 : memref<10512x128xf32, #tpu.memory_space<hbm>>) target(%dma_start3A_128 : memref<128x128xf32, #tpu.memory_space<vmem>>) offsets(%dma_start3A_131 : memref<128xi32, #tpu.memory_space<vmem>>) semaphore(%arg9 : memref<!tpu.dma_semaphore, #tpu.memory_space<semaphore_mem>>)
      %scan3A_135 = arith.constant 0 : i32
      %scan3A_136 = arith.constant 0 : i32
      %scan3A_137 = arith.constant 8 : i32
      %scan3A_138 = arith.addi %scan3A_136, %scan3A_137 : i32
      %scan3A_139 = arith.constant 1 : i32
      %scan3A_140 = scf.for %scan3A_143 = %scan3A_136 to %scan3A_138 step %scan3A_139 iter_args(%scan3A_144 = %scan3A_135) -> (i32)  : i32 {
        %mul3A_145 = arith.constant 2 : i32
        %mul3A_146 = arith.muli %mul3A_145, %scan3A_143 : i32
        %add3A_147 = arith.constant 1 : i32
        %add3A_148 = arith.addi %mul3A_146, %add3A_147 : i32
        %dma_start3A_149 = arith.constant 1 : i32
        %dma_start3A_150 = arith.constant 0 : i32
        %dma_start3A_151 = arith.constant 0 : i32
        %dma_start3A_152 = tpu.memref_slice %arg7[%dma_start3A_149, %dma_start3A_150, %dma_start3A_151] : memref<2x128x128xf32, #tpu.memory_space<vmem>> -> memref<1x128x128xf32, #tpu.memory_space<vmem>>
        %dma_start3A_153 = tpu.memref_squeeze %dma_start3A_152 : memref<1x128x128xf32, #tpu.memory_space<vmem>> -> memref<128x128xf32, #tpu.memory_space<vmem>>
        %dma_start3A_154 = arith.constant 0 : i32
        %dma_start3A_155 = tpu.memref_slice %arg5[%add3A_148, %dma_start3A_154] : memref<16x128xi32, #tpu.memory_space<vmem>> -> memref<1x128xi32, #tpu.memory_space<vmem>>
        %dma_start3A_156 = tpu.memref_squeeze %dma_start3A_155 : memref<1x128xi32, #tpu.memory_space<vmem>> -> memref<128xi32, #tpu.memory_space<vmem>>
        %dma_start3A_157 = arith.constant 0 : i32
        %dma_start3A_158 = arith.constant 0 : i32
        %dma_start3A_159 = tpu.memref_slice %arg2[%dma_start3A_157, %dma_start3A_158] : memref<10512x128xf32, #tpu.memory_space<hbm>> -> memref<10512x128xf32, #tpu.memory_space<hbm>>
        tpu.enqueue_indirect_dma source(%dma_start3A_159 : memref<10512x128xf32, #tpu.memory_space<hbm>>) target(%dma_start3A_153 : memref<128x128xf32, #tpu.memory_space<vmem>>) offsets(%dma_start3A_156 : memref<128xi32, #tpu.memory_space<vmem>>) semaphore(%arg10 : memref<!tpu.dma_semaphore, #tpu.memory_space<semaphore_mem>>)
        %dma_wait3A = arith.constant 0 : i32
        %dma_wait3A_160 = arith.constant 0 : i32
        %dma_wait3A_161 = arith.constant 0 : i32
        %dma_wait3A_162 = tpu.memref_slice %arg7[%dma_wait3A, %dma_wait3A_160, %dma_wait3A_161] : memref<2x128x128xf32, #tpu.memory_space<vmem>> -> memref<1x128x128xf32, #tpu.memory_space<vmem>>
        %dma_wait3A_163 = tpu.memref_squeeze %dma_wait3A_162 : memref<1x128x128xf32, #tpu.memory_space<vmem>> -> memref<128x128xf32, #tpu.memory_space<vmem>>
        %dma_wait3A_164 = arith.constant 0 : i32
        %dma_wait3A_165 = tpu.memref_slice %arg5[%mul3A_146, %dma_wait3A_164] : memref<16x128xi32, #tpu.memory_space<vmem>> -> memref<1x128xi32, #tpu.memory_space<vmem>>
        %dma_wait3A_166 = tpu.memref_squeeze %dma_wait3A_165 : memref<1x128xi32, #tpu.memory_space<vmem>> -> memref<128xi32, #tpu.memory_space<vmem>>
        %dma_wait3A_167 = arith.constant 0 : i32
        %dma_wait3A_168 = arith.constant 0 : i32
        %dma_wait3A_169 = tpu.memref_slice %arg2[%dma_wait3A_167, %dma_wait3A_168] : memref<10512x128xf32, #tpu.memory_space<hbm>> -> memref<10512x128xf32, #tpu.memory_space<hbm>>
        tpu.wait_indirect_dma semaphore(%arg9 : memref<!tpu.dma_semaphore, #tpu.memory_space<semaphore_mem>>) src(%dma_wait3A_169 : memref<10512x128xf32, #tpu.memory_space<hbm>>) dst(%dma_wait3A_163 : memref<128x128xf32, #tpu.memory_space<vmem>>)
        %run_scoped3A_170 = arith.constant 0 : i32
        "tpu.region"() ({
          %run_scoped3A_190 = tpu.sem_alloc : memref<!tpu.dma_semaphore, #tpu.memory_space<semaphore_mem>>
          %dma_start3A_191 = arith.constant 0 : i32
          %dma_start3A_192 = arith.constant 0 : i32
          %dma_start3A_193 = tpu.memref_slice %arg7[%run_scoped3A_170, %dma_start3A_191, %dma_start3A_192] : memref<2x128x128xf32, #tpu.memory_space<vmem>> -> memref<1x128x128xf32, #tpu.memory_space<vmem>>
          %dma_start3A_194 = tpu.memref_squeeze %dma_start3A_193 : memref<1x128x128xf32, #tpu.memory_space<vmem>> -> memref<128x128xf32, #tpu.memory_space<vmem>>
          %dma_start3A_195 = arith.constant 0 : i32
          %dma_start3A_196 = tpu.memref_slice %arg6[%mul3A_146, %dma_start3A_195] : memref<16x128xi32, #tpu.memory_space<vmem>> -> memref<1x128xi32, #tpu.memory_space<vmem>>
          %dma_start3A_197 = tpu.memref_squeeze %dma_start3A_196 : memref<1x128xi32, #tpu.memory_space<vmem>> -> memref<128xi32, #tpu.memory_space<vmem>>
          %dma_start3A_198 = arith.constant 0 : i32
          %dma_start3A_199 = arith.constant 0 : i32
          %dma_start3A_200 = tpu.memref_slice %arg8[%dma_start3A_198, %dma_start3A_199] : memref<10520x128xf32, #tpu.memory_space<vmem_shared>> -> memref<10520x128xf32, #tpu.memory_space<vmem_shared>>
          tpu.enqueue_indirect_dma source(%dma_start3A_194 : memref<128x128xf32, #tpu.memory_space<vmem>>) target(%dma_start3A_200 : memref<10520x128xf32, #tpu.memory_space<vmem_shared>>) offsets(%dma_start3A_197 : memref<128xi32, #tpu.memory_space<vmem>>) semaphore(%run_scoped3A_190 : memref<!tpu.dma_semaphore, #tpu.memory_space<semaphore_mem>>) {add = true}
          %dma_wait3A_201 = arith.constant 0 : i32
          %dma_wait3A_202 = arith.constant 0 : i32
          %dma_wait3A_203 = tpu.memref_slice %arg7[%run_scoped3A_170, %dma_wait3A_201, %dma_wait3A_202] : memref<2x128x128xf32, #tpu.memory_space<vmem>> -> memref<1x128x128xf32, #tpu.memory_space<vmem>>
          %dma_wait3A_204 = tpu.memref_squeeze %dma_wait3A_203 : memref<1x128x128xf32, #tpu.memory_space<vmem>> -> memref<128x128xf32, #tpu.memory_space<vmem>>
          %dma_wait3A_205 = arith.constant 0 : i32
          %dma_wait3A_206 = tpu.memref_slice %arg6[%mul3A_146, %dma_wait3A_205] : memref<16x128xi32, #tpu.memory_space<vmem>> -> memref<1x128xi32, #tpu.memory_space<vmem>>
          %dma_wait3A_207 = tpu.memref_squeeze %dma_wait3A_206 : memref<1x128xi32, #tpu.memory_space<vmem>> -> memref<128xi32, #tpu.memory_space<vmem>>
          %dma_wait3A_208 = arith.constant 0 : i32
          %dma_wait3A_209 = arith.constant 0 : i32
          %dma_wait3A_210 = tpu.memref_slice %arg8[%dma_wait3A_208, %dma_wait3A_209] : memref<10520x128xf32, #tpu.memory_space<vmem_shared>> -> memref<10520x128xf32, #tpu.memory_space<vmem_shared>>
          tpu.wait_indirect_dma semaphore(%run_scoped3A_190 : memref<!tpu.dma_semaphore, #tpu.memory_space<semaphore_mem>>) src(%dma_wait3A_204 : memref<128x128xf32, #tpu.memory_space<vmem>>) dst(%dma_wait3A_210 : memref<10520x128xf32, #tpu.memory_space<vmem_shared>>)
          tpu.yield
        }) : () -> ()
        %add3A_171 = arith.constant 1 : i32
        %add3A_172 = arith.addi %add3A_148, %add3A_171 : i32
        %lt3A = arith.constant 16 : i32
        %lt3A_173 = arith.cmpi slt, %add3A_172, %lt3A : i32
        %convert_element_type3A_174 = arith.extui %lt3A_173 : i1 to i32
        %cond3A_175 = arith.constant 0 : i32
        %cond3A_176 = arith.cmpi ne, %convert_element_type3A_174, %cond3A_175 : i32
        scf.if %cond3A_176 {
          %add3A_190 = arith.constant 1 : i32
          %add3A_191 = arith.addi %add3A_148, %add3A_190 : i32
          %dma_start3A_192 = arith.constant 0 : i32
          %dma_start3A_193 = arith.constant 0 : i32
          %dma_start3A_194 = arith.constant 0 : i32
          %dma_start3A_195 = tpu.memref_slice %arg7[%dma_start3A_192, %dma_start3A_193, %dma_start3A_194] : memref<2x128x128xf32, #tpu.memory_space<vmem>> -> memref<1x128x128xf32, #tpu.memory_space<vmem>>
          %dma_start3A_196 = tpu.memref_squeeze %dma_start3A_195 : memref<1x128x128xf32, #tpu.memory_space<vmem>> -> memref<128x128xf32, #tpu.memory_space<vmem>>
          %dma_start3A_197 = arith.constant 0 : i32
          %dma_start3A_198 = tpu.memref_slice %arg5[%add3A_191, %dma_start3A_197] : memref<16x128xi32, #tpu.memory_space<vmem>> -> memref<1x128xi32, #tpu.memory_space<vmem>>
          %dma_start3A_199 = tpu.memref_squeeze %dma_start3A_198 : memref<1x128xi32, #tpu.memory_space<vmem>> -> memref<128xi32, #tpu.memory_space<vmem>>
          %dma_start3A_200 = arith.constant 0 : i32
          %dma_start3A_201 = arith.constant 0 : i32
          %dma_start3A_202 = tpu.memref_slice %arg2[%dma_start3A_200, %dma_start3A_201] : memref<10512x128xf32, #tpu.memory_space<hbm>> -> memref<10512x128xf32, #tpu.memory_space<hbm>>
          tpu.enqueue_indirect_dma source(%dma_start3A_202 : memref<10512x128xf32, #tpu.memory_space<hbm>>) target(%dma_start3A_196 : memref<128x128xf32, #tpu.memory_space<vmem>>) offsets(%dma_start3A_199 : memref<128xi32, #tpu.memory_space<vmem>>) semaphore(%arg9 : memref<!tpu.dma_semaphore, #tpu.memory_space<semaphore_mem>>)
        } else {
        }
        %dma_wait3A_177 = arith.constant 1 : i32
        %dma_wait3A_178 = arith.constant 0 : i32
        %dma_wait3A_179 = arith.constant 0 : i32
        %dma_wait3A_180 = tpu.memref_slice %arg7[%dma_wait3A_177, %dma_wait3A_178, %dma_wait3A_179] : memref<2x128x128xf32, #tpu.memory_space<vmem>> -> memref<1x128x128xf32, #tpu.memory_space<vmem>>
        %dma_wait3A_181 = tpu.memref_squeeze %dma_wait3A_180 : memref<1x128x128xf32, #tpu.memory_space<vmem>> -> memref<128x128xf32, #tpu.memory_space<vmem>>
        %dma_wait3A_182 = arith.constant 0 : i32
        %dma_wait3A_183 = tpu.memref_slice %arg5[%add3A_148, %dma_wait3A_182] : memref<16x128xi32, #tpu.memory_space<vmem>> -> memref<1x128xi32, #tpu.memory_space<vmem>>
        %dma_wait3A_184 = tpu.memref_squeeze %dma_wait3A_183 : memref<1x128xi32, #tpu.memory_space<vmem>> -> memref<128xi32, #tpu.memory_space<vmem>>
        %dma_wait3A_185 = arith.constant 0 : i32
        %dma_wait3A_186 = arith.constant 0 : i32
        %dma_wait3A_187 = tpu.memref_slice %arg2[%dma_wait3A_185, %dma_wait3A_186] : memref<10512x128xf32, #tpu.memory_space<hbm>> -> memref<10512x128xf32, #tpu.memory_space<hbm>>
        tpu.wait_indirect_dma semaphore(%arg10 : memref<!tpu.dma_semaphore, #tpu.memory_space<semaphore_mem>>) src(%dma_wait3A_187 : memref<10512x128xf32, #tpu.memory_space<hbm>>) dst(%dma_wait3A_181 : memref<128x128xf32, #tpu.memory_space<vmem>>)
        %run_scoped3A_188 = arith.constant 1 : i32
        "tpu.region"() ({
          %run_scoped3A_190 = tpu.sem_alloc : memref<!tpu.dma_semaphore, #tpu.memory_space<semaphore_mem>>
          %dma_start3A_191 = arith.constant 0 : i32
          %dma_start3A_192 = arith.constant 0 : i32
          %dma_start3A_193 = tpu.memref_slice %arg7[%run_scoped3A_188, %dma_start3A_191, %dma_start3A_192] : memref<2x128x128xf32, #tpu.memory_space<vmem>> -> memref<1x128x128xf32, #tpu.memory_space<vmem>>
          %dma_start3A_194 = tpu.memref_squeeze %dma_start3A_193 : memref<1x128x128xf32, #tpu.memory_space<vmem>> -> memref<128x128xf32, #tpu.memory_space<vmem>>
          %dma_start3A_195 = arith.constant 0 : i32
          %dma_start3A_196 = tpu.memref_slice %arg6[%add3A_148, %dma_start3A_195] : memref<16x128xi32, #tpu.memory_space<vmem>> -> memref<1x128xi32, #tpu.memory_space<vmem>>
          %dma_start3A_197 = tpu.memref_squeeze %dma_start3A_196 : memref<1x128xi32, #tpu.memory_space<vmem>> -> memref<128xi32, #tpu.memory_space<vmem>>
          %dma_start3A_198 = arith.constant 0 : i32
          %dma_start3A_199 = arith.constant 0 : i32
          %dma_start3A_200 = tpu.memref_slice %arg8[%dma_start3A_198, %dma_start3A_199] : memref<10520x128xf32, #tpu.memory_space<vmem_shared>> -> memref<10520x128xf32, #tpu.memory_space<vmem_shared>>
          tpu.enqueue_indirect_dma source(%dma_start3A_194 : memref<128x128xf32, #tpu.memory_space<vmem>>) target(%dma_start3A_200 : memref<10520x128xf32, #tpu.memory_space<vmem_shared>>) offsets(%dma_start3A_197 : memref<128xi32, #tpu.memory_space<vmem>>) semaphore(%run_scoped3A_190 : memref<!tpu.dma_semaphore, #tpu.memory_space<semaphore_mem>>) {add = true}
          %dma_wait3A_201 = arith.constant 0 : i32
          %dma_wait3A_202 = arith.constant 0 : i32
          %dma_wait3A_203 = tpu.memref_slice %arg7[%run_scoped3A_188, %dma_wait3A_201, %dma_wait3A_202] : memref<2x128x128xf32, #tpu.memory_space<vmem>> -> memref<1x128x128xf32, #tpu.memory_space<vmem>>
          %dma_wait3A_204 = tpu.memref_squeeze %dma_wait3A_203 : memref<1x128x128xf32, #tpu.memory_space<vmem>> -> memref<128x128xf32, #tpu.memory_space<vmem>>
          %dma_wait3A_205 = arith.constant 0 : i32
          %dma_wait3A_206 = tpu.memref_slice %arg6[%add3A_148, %dma_wait3A_205] : memref<16x128xi32, #tpu.memory_space<vmem>> -> memref<1x128xi32, #tpu.memory_space<vmem>>
          %dma_wait3A_207 = tpu.memref_squeeze %dma_wait3A_206 : memref<1x128xi32, #tpu.memory_space<vmem>> -> memref<128xi32, #tpu.memory_space<vmem>>
          %dma_wait3A_208 = arith.constant 0 : i32
          %dma_wait3A_209 = arith.constant 0 : i32
          %dma_wait3A_210 = tpu.memref_slice %arg8[%dma_wait3A_208, %dma_wait3A_209] : memref<10520x128xf32, #tpu.memory_space<vmem_shared>> -> memref<10520x128xf32, #tpu.memory_space<vmem_shared>>
          tpu.wait_indirect_dma semaphore(%run_scoped3A_190 : memref<!tpu.dma_semaphore, #tpu.memory_space<semaphore_mem>>) src(%dma_wait3A_204 : memref<128x128xf32, #tpu.memory_space<vmem>>) dst(%dma_wait3A_210 : memref<10520x128xf32, #tpu.memory_space<vmem_shared>>)
          tpu.yield
        }) : () -> ()
        %scan3A_189 = arith.constant 0 : i32
        scf.yield %scan3A_189 : i32
      }
      %scan3A_141 = arith.constant 8 : i32
      %scan3A_142 = arith.constant 0 : i32
      scf.yield %scan3A_142 : i32
    }
    %scan3A_61 = arith.constant 5 : i32
    %barrier3A_62 = arith.constant 0 : index
    tpu.barrier barrier_id(%barrier3A_62)
    %sub3A_63 = arith.constant 83 : i32
    %sub3A_64 = arith.subi %sub3A_63, %arg1 : i32
    %add3A_65 = arith.constant 16 : i32
    %add3A_66 = arith.addi %sub3A_64, %add3A_65 : i32
    %sub3A_67 = arith.constant 1 : i32
    %sub3A_68 = arith.subi %add3A_66, %sub3A_67 : i32
    %jit3A_69 = arith.constant 16 : i32
    %div3A_70 = arith.divsi %sub3A_68, %jit3A_69 : i32
    %sign3A_71 = arith.constant 0 : i32
    %sign3A_72 = arith.cmpi sgt, %sub3A_68, %sign3A_71 : i32
    %sign3A_73 = arith.extui %sign3A_72 : i1 to i32
    %sign3A_74 = arith.constant 0 : i32
    %sign3A_75 = arith.cmpi slt, %sub3A_68, %sign3A_74 : i32
    %sign3A_76 = arith.extui %sign3A_75 : i1 to i32
    %sign3A_77 = arith.subi %sign3A_73, %sign3A_76 : i32
    %sign3A_78 = arith.constant 0 : i32
    %sign3A_79 = arith.cmpi sgt, %jit3A_69, %sign3A_78 : i32
    %sign3A_80 = arith.extui %sign3A_79 : i1 to i32
    %sign3A_81 = arith.constant 0 : i32
    %sign3A_82 = arith.cmpi slt, %jit3A_69, %sign3A_81 : i32
    %sign3A_83 = arith.extui %sign3A_82 : i1 to i32
    %sign3A_84 = arith.subi %sign3A_80, %sign3A_83 : i32
    %ne3A_85 = arith.cmpi ne, %sign3A_77, %sign3A_84 : i32
    %rem3A_86 = arith.remsi %sub3A_68, %jit3A_69 : i32
    %ne3A_87 = arith.constant 0 : i32
    %ne3A_88 = arith.cmpi ne, %rem3A_86, %ne3A_87 : i32
    %and3A_89 = arith.andi %ne3A_85, %ne3A_88 : i1
    %sub3A_90 = arith.constant 1 : i32
    %sub3A_91 = arith.subi %div3A_70, %sub3A_90 : i32
    %select_n3A_92 = arith.select %and3A_89, %sub3A_91, %div3A_70 : i32
    %while3A_93 = arith.constant 0 : i32
    %while3A_94 = arith.constant 0 : i32
    %while3A_95 = arith.subi %select_n3A_92, %while3A_93 : i32
    %while3A_96 = arith.addi %while3A_93, %while3A_95 : i32
    %while3A_97 = arith.constant 1 : i32
    %while3A_98 = arith.divsi %while3A_95, %while3A_97 : i32
    %while3A_99 = arith.muli %while3A_98, %while3A_97 : i32
    %while3A_100 = arith.addi %while3A_93, %while3A_99 : i32
    %while3A_101 = arith.constant 1 : i32
    %while3A_102 = scf.for %while3A_117 = %while3A_93 to %while3A_100 step %while3A_101 iter_args(%while3A_118 = %while3A_94) -> (i32)  : i32 {
      %mul3A_119 = arith.constant 16 : i32
      %mul3A_120 = arith.muli %while3A_117, %mul3A_119 : i32
      %add3A_121 = arith.addi %arg1, %mul3A_120 : i32
      %mul3A_122 = arith.constant 128 : i32
      %mul3A_123 = arith.muli %add3A_121, %mul3A_122 : i32
      %min3A = arith.constant 10384 : i32
      %min3A_124 = arith.minsi %mul3A_123, %min3A : i32
      %dma_start3A = arith.constant 0 : i32
      %dma_start3A_125 = tpu.memref_slice %arg4[%arg0, %min3A_124, %dma_start3A] : memref<2x10512x128xf32, #tpu.memory_space<hbm>> -> memref<1x128x128xf32, #tpu.memory_space<hbm>>
      %dma_start3A_126 = tpu.memref_squeeze %dma_start3A_125 : memref<1x128x128xf32, #tpu.memory_space<hbm>> -> memref<128x128xf32, #tpu.memory_space<hbm>>
      %dma_start3A_127 = arith.constant 0 : i32
      %dma_start3A_128 = tpu.memref_slice %arg8[%min3A_124, %dma_start3A_127] : memref<10520x128xf32, #tpu.memory_space<vmem_shared>> -> memref<128x128xf32, #tpu.memory_space<vmem_shared>>
      tpu.enqueue_dma source(%dma_start3A_128 : memref<128x128xf32, #tpu.memory_space<vmem_shared>>) target(%dma_start3A_126 : memref<128x128xf32, #tpu.memory_space<hbm>>) target_semaphore(%arg10 : memref<!tpu.dma_semaphore, #tpu.memory_space<semaphore_mem>>)
      %while3A_129 = arith.constant 0 : i32
      scf.yield %while3A_129 : i32
    }
    %while3A_103 = arith.constant 1 : i32
    %while3A_104 = scf.for %while3A_117 = %while3A_100 to %while3A_96 step %while3A_103 iter_args(%while3A_118 = %while3A_102) -> (i32)  : i32 {
      %mul3A_119 = arith.constant 16 : i32
      %mul3A_120 = arith.muli %while3A_117, %mul3A_119 : i32
      %add3A_121 = arith.addi %arg1, %mul3A_120 : i32
      %mul3A_122 = arith.constant 128 : i32
      %mul3A_123 = arith.muli %add3A_121, %mul3A_122 : i32
      %min3A = arith.constant 10384 : i32
      %min3A_124 = arith.minsi %mul3A_123, %min3A : i32
      %dma_start3A = arith.constant 0 : i32
      %dma_start3A_125 = tpu.memref_slice %arg4[%arg0, %min3A_124, %dma_start3A] : memref<2x10512x128xf32, #tpu.memory_space<hbm>> -> memref<1x128x128xf32, #tpu.memory_space<hbm>>
      %dma_start3A_126 = tpu.memref_squeeze %dma_start3A_125 : memref<1x128x128xf32, #tpu.memory_space<hbm>> -> memref<128x128xf32, #tpu.memory_space<hbm>>
      %dma_start3A_127 = arith.constant 0 : i32
      %dma_start3A_128 = tpu.memref_slice %arg8[%min3A_124, %dma_start3A_127] : memref<10520x128xf32, #tpu.memory_space<vmem_shared>> -> memref<128x128xf32, #tpu.memory_space<vmem_shared>>
      tpu.enqueue_dma source(%dma_start3A_128 : memref<128x128xf32, #tpu.memory_space<vmem_shared>>) target(%dma_start3A_126 : memref<128x128xf32, #tpu.memory_space<hbm>>) target_semaphore(%arg10 : memref<!tpu.dma_semaphore, #tpu.memory_space<semaphore_mem>>)
      %while3A_129 = arith.constant 0 : i32
      scf.yield %while3A_129 : i32
    }
    %while3A_105 = arith.constant 0 : i32
    %while3A_106 = arith.constant 0 : i32
    %while3A_107 = arith.subi %select_n3A_92, %while3A_105 : i32
    %while3A_108 = arith.addi %while3A_105, %while3A_107 : i32
    %while3A_109 = arith.constant 1 : i32
    %while3A_110 = arith.divsi %while3A_107, %while3A_109 : i32
    %while3A_111 = arith.muli %while3A_110, %while3A_109 : i32
    %while3A_112 = arith.addi %while3A_105, %while3A_111 : i32
    %while3A_113 = arith.constant 1 : i32
    %while3A_114 = scf.for %while3A_117 = %while3A_105 to %while3A_112 step %while3A_113 iter_args(%while3A_118 = %while3A_106) -> (i32)  : i32 {
      %mul3A_119 = arith.constant 16 : i32
      %mul3A_120 = arith.muli %while3A_117, %mul3A_119 : i32
      %add3A_121 = arith.addi %arg1, %mul3A_120 : i32
      %mul3A_122 = arith.constant 128 : i32
      %mul3A_123 = arith.muli %add3A_121, %mul3A_122 : i32
      %min3A = arith.constant 10384 : i32
      %min3A_124 = arith.minsi %mul3A_123, %min3A : i32
      %dma_wait3A = arith.constant 0 : i32
      %dma_wait3A_125 = tpu.memref_slice %arg4[%arg0, %min3A_124, %dma_wait3A] : memref<2x10512x128xf32, #tpu.memory_space<hbm>> -> memref<1x128x128xf32, #tpu.memory_space<hbm>>
      %dma_wait3A_126 = tpu.memref_squeeze %dma_wait3A_125 : memref<1x128x128xf32, #tpu.memory_space<hbm>> -> memref<128x128xf32, #tpu.memory_space<hbm>>
      %dma_wait3A_127 = arith.constant 0 : i32
      %dma_wait3A_128 = tpu.memref_slice %arg8[%min3A_124, %dma_wait3A_127] : memref<10520x128xf32, #tpu.memory_space<vmem_shared>> -> memref<128x128xf32, #tpu.memory_space<vmem_shared>>
      tpu.wait_dma2 semaphore(%arg10 : memref<!tpu.dma_semaphore, #tpu.memory_space<semaphore_mem>>) src(%dma_wait3A_128 : memref<128x128xf32, #tpu.memory_space<vmem_shared>>) dst(%dma_wait3A_126 : memref<128x128xf32, #tpu.memory_space<hbm>>)
      %while3A_129 = arith.constant 0 : i32
      scf.yield %while3A_129 : i32
    }
    %while3A_115 = arith.constant 1 : i32
    %while3A_116 = scf.for %while3A_117 = %while3A_112 to %while3A_108 step %while3A_115 iter_args(%while3A_118 = %while3A_114) -> (i32)  : i32 {
      %mul3A_119 = arith.constant 16 : i32
      %mul3A_120 = arith.muli %while3A_117, %mul3A_119 : i32
      %add3A_121 = arith.addi %arg1, %mul3A_120 : i32
      %mul3A_122 = arith.constant 128 : i32
      %mul3A_123 = arith.muli %add3A_121, %mul3A_122 : i32
      %min3A = arith.constant 10384 : i32
      %min3A_124 = arith.minsi %mul3A_123, %min3A : i32
      %dma_wait3A = arith.constant 0 : i32
      %dma_wait3A_125 = tpu.memref_slice %arg4[%arg0, %min3A_124, %dma_wait3A] : memref<2x10512x128xf32, #tpu.memory_space<hbm>> -> memref<1x128x128xf32, #tpu.memory_space<hbm>>
      %dma_wait3A_126 = tpu.memref_squeeze %dma_wait3A_125 : memref<1x128x128xf32, #tpu.memory_space<hbm>> -> memref<128x128xf32, #tpu.memory_space<hbm>>
      %dma_wait3A_127 = arith.constant 0 : i32
      %dma_wait3A_128 = tpu.memref_slice %arg8[%min3A_124, %dma_wait3A_127] : memref<10520x128xf32, #tpu.memory_space<vmem_shared>> -> memref<128x128xf32, #tpu.memory_space<vmem_shared>>
      tpu.wait_dma2 semaphore(%arg10 : memref<!tpu.dma_semaphore, #tpu.memory_space<semaphore_mem>>) src(%dma_wait3A_128 : memref<128x128xf32, #tpu.memory_space<vmem_shared>>) dst(%dma_wait3A_126 : memref<128x128xf32, #tpu.memory_space<hbm>>)
      %while3A_129 = arith.constant 0 : i32
      scf.yield %while3A_129 : i32
    }
    return
  }
}

#map = affine_map<(d0, d1) -> (0, 0)>
#map1 = affine_map<(d0, d1) -> (0, 0, 0, 0)>
#map2 = affine_map<(d0, d1) -> (0, 0, 0)>
module attributes {stable_mosaic.version = 14 : i64} {
  func.func @segsum(%arg0: i32, %arg1: i32, %arg2: memref<10512x128xf32, #tpu.memory_space<hbm>>, %arg3: memref<2x32x80x128xi32, #tpu.memory_space<hbm>>, %arg4: memref<2x10512x128xf32, #tpu.memory_space<hbm>>, %arg5: memref<16x128xi32, #tpu.memory_space<vmem>>, %arg6: memref<16x128xi32, #tpu.memory_space<vmem>>, %arg7: memref<2x128x128xf32, #tpu.memory_space<vmem>>, %arg8: memref<10520x128xf32, #tpu.memory_space<vmem_shared>>, %arg9: memref<!tpu.dma_semaphore, #tpu.memory_space<semaphore_mem>>, %arg10: memref<!tpu.dma_semaphore, #tpu.memory_space<semaphore_mem>>) attributes {dimension_semantics = [#tpu.dimension_semantics<core_parallel>, #tpu.dimension_semantics<subcore_parallel>], iteration_bounds = array<i64: 2, 16>, scalar_prefetch = 0 : i64, scratch_operands = 6 : i64, tpu.core_type = #tpu.core_type<sc_vector_subcore>, window_params = [{transform_indices = #map}, {transform_indices = #map1}, {transform_indices = #map2}]} {
    %mul3A = arith.constant 2 : i32
    %mul3A_0 = arith.muli %arg1, %mul3A : i32
    %add3A = arith.addi %mul3A_0, %arg0 : i32
    %broadcast_in_dim3A = arith.constant 0.000000e+00 : f32
    %broadcast_in_dim3A_1 = vector.broadcast %broadcast_in_dim3A : f32 to vector<16xf32>
    %scan3A = arith.constant 0 : i32
    %scan3A_2 = arith.constant 0 : i32
    %scan3A_3 = arith.constant 128 : i32
    %scan3A_4 = arith.addi %scan3A_2, %scan3A_3 : i32
    %scan3A_5 = arith.constant 1 : i32
    %scan3A_6 = scf.for %scan3A_117 = %scan3A_2 to %scan3A_4 step %scan3A_5 iter_args(%scan3A_118 = %scan3A) -> (i32)  : i32 {
      %swap3A = arith.constant 0 : i32
      %swap3A_119 = arith.index_cast %swap3A : i32 to index
      %swap3A_120 = arith.index_cast %scan3A_117 : i32 to index
      %swap3A_121 = arith.constant 0 : index
      %swap3A_122 = tpu.vector_load %arg7[%swap3A_119, %swap3A_120, %swap3A_121] {strides = array<i32>} : memref<2x128x128xf32, #tpu.memory_space<vmem>>, vector<16xf32>,
      tpu.vector_store %arg7[%swap3A_119, %swap3A_120, %swap3A_121], %broadcast_in_dim3A_1 {strides = array<i32>} : memref<2x128x128xf32, #tpu.memory_space<vmem>>, vector<16xf32>,
      %swap3A_123 = arith.constant 0 : i32
      %swap3A_124 = arith.index_cast %swap3A_123 : i32 to index
      %swap3A_125 = arith.index_cast %scan3A_117 : i32 to index
      %swap3A_126 = arith.constant 16 : index
      %swap3A_127 = tpu.vector_load %arg7[%swap3A_124, %swap3A_125, %swap3A_126] {strides = array<i32>} : memref<2x128x128xf32, #tpu.memory_space<vmem>>, vector<16xf32>,
      tpu.vector_store %arg7[%swap3A_124, %swap3A_125, %swap3A_126], %broadcast_in_dim3A_1 {strides = array<i32>} : memref<2x128x128xf32, #tpu.memory_space<vmem>>, vector<16xf32>,
      %swap3A_128 = arith.constant 0 : i32
      %swap3A_129 = arith.index_cast %swap3A_128 : i32 to index
      %swap3A_130 = arith.index_cast %scan3A_117 : i32 to index
      %swap3A_131 = arith.constant 32 : index
      %swap3A_132 = tpu.vector_load %arg7[%swap3A_129, %swap3A_130, %swap3A_131] {strides = array<i32>} : memref<2x128x128xf32, #tpu.memory_space<vmem>>, vector<16xf32>,
      tpu.vector_store %arg7[%swap3A_129, %swap3A_130, %swap3A_131], %broadcast_in_dim3A_1 {strides = array<i32>} : memref<2x128x128xf32, #tpu.memory_space<vmem>>, vector<16xf32>,
      %swap3A_133 = arith.constant 0 : i32
      %swap3A_134 = arith.index_cast %swap3A_133 : i32 to index
      %swap3A_135 = arith.index_cast %scan3A_117 : i32 to index
      %swap3A_136 = arith.constant 48 : index
      %swap3A_137 = tpu.vector_load %arg7[%swap3A_134, %swap3A_135, %swap3A_136] {strides = array<i32>} : memref<2x128x128xf32, #tpu.memory_space<vmem>>, vector<16xf32>,
      tpu.vector_store %arg7[%swap3A_134, %swap3A_135, %swap3A_136], %broadcast_in_dim3A_1 {strides = array<i32>} : memref<2x128x128xf32, #tpu.memory_space<vmem>>, vector<16xf32>,
      %swap3A_138 = arith.constant 0 : i32
      %swap3A_139 = arith.index_cast %swap3A_138 : i32 to index
      %swap3A_140 = arith.index_cast %scan3A_117 : i32 to index
      %swap3A_141 = arith.constant 64 : index
      %swap3A_142 = tpu.vector_load %arg7[%swap3A_139, %swap3A_140, %swap3A_141] {strides = array<i32>} : memref<2x128x128xf32, #tpu.memory_space<vmem>>, vector<16xf32>,
      tpu.vector_store %arg7[%swap3A_139, %swap3A_140, %swap3A_141], %broadcast_in_dim3A_1 {strides = array<i32>} : memref<2x128x128xf32, #tpu.memory_space<vmem>>, vector<16xf32>,
      %swap3A_143 = arith.constant 0 : i32
      %swap3A_144 = arith.index_cast %swap3A_143 : i32 to index
      %swap3A_145 = arith.index_cast %scan3A_117 : i32 to index
      %swap3A_146 = arith.constant 80 : index
      %swap3A_147 = tpu.vector_load %arg7[%swap3A_144, %swap3A_145, %swap3A_146] {strides = array<i32>} : memref<2x128x128xf32, #tpu.memory_space<vmem>>, vector<16xf32>,
      tpu.vector_store %arg7[%swap3A_144, %swap3A_145, %swap3A_146], %broadcast_in_dim3A_1 {strides = array<i32>} : memref<2x128x128xf32, #tpu.memory_space<vmem>>, vector<16xf32>,
      %swap3A_148 = arith.constant 0 : i32
      %swap3A_149 = arith.index_cast %swap3A_148 : i32 to index
      %swap3A_150 = arith.index_cast %scan3A_117 : i32 to index
      %swap3A_151 = arith.constant 96 : index
      %swap3A_152 = tpu.vector_load %arg7[%swap3A_149, %swap3A_150, %swap3A_151] {strides = array<i32>} : memref<2x128x128xf32, #tpu.memory_space<vmem>>, vector<16xf32>,
      tpu.vector_store %arg7[%swap3A_149, %swap3A_150, %swap3A_151], %broadcast_in_dim3A_1 {strides = array<i32>} : memref<2x128x128xf32, #tpu.memory_space<vmem>>, vector<16xf32>,
      %swap3A_153 = arith.constant 0 : i32
      %swap3A_154 = arith.index_cast %swap3A_153 : i32 to index
      %swap3A_155 = arith.index_cast %scan3A_117 : i32 to index
      %swap3A_156 = arith.constant 112 : index
      %swap3A_157 = tpu.vector_load %arg7[%swap3A_154, %swap3A_155, %swap3A_156] {strides = array<i32>} : memref<2x128x128xf32, #tpu.memory_space<vmem>>, vector<16xf32>,
      tpu.vector_store %arg7[%swap3A_154, %swap3A_155, %swap3A_156], %broadcast_in_dim3A_1 {strides = array<i32>} : memref<2x128x128xf32, #tpu.memory_space<vmem>>, vector<16xf32>,
      %scan3A_158 = arith.constant 0 : i32
      scf.yield %scan3A_158 : i32
    }
    %scan3A_7 = arith.constant 128 : i32
    %sub3A = arith.constant 83 : i32
    %sub3A_8 = arith.subi %sub3A, %arg1 : i32
    %add3A_9 = arith.constant 16 : i32
    %add3A_10 = arith.addi %sub3A_8, %add3A_9 : i32
    %sub3A_11 = arith.constant 1 : i32
    %sub3A_12 = arith.subi %add3A_10, %sub3A_11 : i32
    %jit3A = arith.constant 16 : i32
    %div3A = arith.divsi %sub3A_12, %jit3A : i32
    %sign3A = arith.constant 0 : i32
    %sign3A_13 = arith.cmpi sgt, %sub3A_12, %sign3A : i32
    %sign3A_14 = arith.extui %sign3A_13 : i1 to i32
    %sign3A_15 = arith.constant 0 : i32
    %sign3A_16 = arith.cmpi slt, %sub3A_12, %sign3A_15 : i32
    %sign3A_17 = arith.extui %sign3A_16 : i1 to i32
    %sign3A_18 = arith.subi %sign3A_14, %sign3A_17 : i32
    %sign3A_19 = arith.constant 0 : i32
    %sign3A_20 = arith.cmpi sgt, %jit3A, %sign3A_19 : i32
    %sign3A_21 = arith.extui %sign3A_20 : i1 to i32
    %sign3A_22 = arith.constant 0 : i32
    %sign3A_23 = arith.cmpi slt, %jit3A, %sign3A_22 : i32
    %sign3A_24 = arith.extui %sign3A_23 : i1 to i32
    %sign3A_25 = arith.subi %sign3A_21, %sign3A_24 : i32
    %ne3A = arith.cmpi ne, %sign3A_18, %sign3A_25 : i32
    %rem3A = arith.remsi %sub3A_12, %jit3A : i32
    %ne3A_26 = arith.constant 0 : i32
    %ne3A_27 = arith.cmpi ne, %rem3A, %ne3A_26 : i32
    %and3A = arith.andi %ne3A, %ne3A_27 : i1
    %sub3A_28 = arith.constant 1 : i32
    %sub3A_29 = arith.subi %div3A, %sub3A_28 : i32
    %select_n3A = arith.select %and3A, %sub3A_29, %div3A : i32
    %while3A = arith.constant 0 : i32
    %while3A_30 = arith.constant 0 : i32
    %while3A_31 = arith.subi %select_n3A, %while3A : i32
    %while3A_32 = arith.addi %while3A, %while3A_31 : i32
    %while3A_33 = arith.constant 1 : i32
    %while3A_34 = arith.divsi %while3A_31, %while3A_33 : i32
    %while3A_35 = arith.muli %while3A_34, %while3A_33 : i32
    %while3A_36 = arith.addi %while3A, %while3A_35 : i32
    %while3A_37 = arith.constant 1 : i32
    %while3A_38 = scf.for %while3A_117 = %while3A to %while3A_36 step %while3A_37 iter_args(%while3A_118 = %while3A_30) -> (i32)  : i32 {
      %mul3A_119 = arith.constant 16 : i32
      %mul3A_120 = arith.muli %while3A_117, %mul3A_119 : i32
      %add3A_121 = arith.addi %arg1, %mul3A_120 : i32
      %mul3A_122 = arith.constant 128 : i32
      %mul3A_123 = arith.muli %add3A_121, %mul3A_122 : i32
      %min3A = arith.constant 10384 : i32
      %min3A_124 = arith.minsi %mul3A_123, %min3A : i32
      %dma_start3A = arith.constant 0 : i32
      %dma_start3A_125 = arith.constant 0 : i32
      %dma_start3A_126 = arith.constant 0 : i32
      %dma_start3A_127 = tpu.memref_slice %arg7[%dma_start3A, %dma_start3A_125, %dma_start3A_126] : memref<2x128x128xf32, #tpu.memory_space<vmem>> -> memref<1x128x128xf32, #tpu.memory_space<vmem>>
      %dma_start3A_128 = tpu.memref_squeeze %dma_start3A_127 : memref<1x128x128xf32, #tpu.memory_space<vmem>> -> memref<128x128xf32, #tpu.memory_space<vmem>>
      %dma_start3A_129 = arith.constant 0 : i32
      %dma_start3A_130 = tpu.memref_slice %arg8[%min3A_124, %dma_start3A_129] : memref<10520x128xf32, #tpu.memory_space<vmem_shared>> -> memref<128x128xf32, #tpu.memory_space<vmem_shared>>
      %dma_start3A_131 = arith.constant 0 : i32
      %dma_start3A_132 = tpu.memref_slice %arg8[%min3A_124, %dma_start3A_131] : memref<10520x128xf32, #tpu.memory_space<vmem_shared>> -> memref<128x128xf32, #tpu.memory_space<vmem_shared>>
      %dma_start3A_133 = arith.constant 0 : i32
      %dma_start3A_134 = arith.constant 0 : i32
      %dma_start3A_135 = tpu.memref_slice %arg7[%dma_start3A, %dma_start3A_133, %dma_start3A_134] : memref<2x128x128xf32, #tpu.memory_space<vmem>> -> memref<1x128x128xf32, #tpu.memory_space<vmem>>
      %dma_start3A_136 = tpu.memref_squeeze %dma_start3A_135 : memref<1x128x128xf32, #tpu.memory_space<vmem>> -> memref<128x128xf32, #tpu.memory_space<vmem>>
      tpu.enqueue_dma source(%dma_start3A_136 : memref<128x128xf32, #tpu.memory_space<vmem>>) target(%dma_start3A_132 : memref<128x128xf32, #tpu.memory_space<vmem_shared>>) target_semaphore(%arg10 : memref<!tpu.dma_semaphore, #tpu.memory_space<semaphore_mem>>)
      %while3A_137 = arith.constant 0 : i32
      scf.yield %while3A_137 : i32
    }
    %while3A_39 = arith.constant 1 : i32
    %while3A_40 = scf.for %while3A_117 = %while3A_36 to %while3A_32 step %while3A_39 iter_args(%while3A_118 = %while3A_38) -> (i32)  : i32 {
      %mul3A_119 = arith.constant 16 : i32
      %mul3A_120 = arith.muli %while3A_117, %mul3A_119 : i32
      %add3A_121 = arith.addi %arg1, %mul3A_120 : i32
      %mul3A_122 = arith.constant 128 : i32
      %mul3A_123 = arith.muli %add3A_121, %mul3A_122 : i32
      %min3A = arith.constant 10384 : i32
      %min3A_124 = arith.minsi %mul3A_123, %min3A : i32
      %dma_start3A = arith.constant 0 : i32
      %dma_start3A_125 = arith.constant 0 : i32
      %dma_start3A_126 = arith.constant 0 : i32
      %dma_start3A_127 = tpu.memref_slice %arg7[%dma_start3A, %dma_start3A_125, %dma_start3A_126] : memref<2x128x128xf32, #tpu.memory_space<vmem>> -> memref<1x128x128xf32, #tpu.memory_space<vmem>>
      %dma_start3A_128 = tpu.memref_squeeze %dma_start3A_127 : memref<1x128x128xf32, #tpu.memory_space<vmem>> -> memref<128x128xf32, #tpu.memory_space<vmem>>
      %dma_start3A_129 = arith.constant 0 : i32
      %dma_start3A_130 = tpu.memref_slice %arg8[%min3A_124, %dma_start3A_129] : memref<10520x128xf32, #tpu.memory_space<vmem_shared>> -> memref<128x128xf32, #tpu.memory_space<vmem_shared>>
      %dma_start3A_131 = arith.constant 0 : i32
      %dma_start3A_132 = tpu.memref_slice %arg8[%min3A_124, %dma_start3A_131] : memref<10520x128xf32, #tpu.memory_space<vmem_shared>> -> memref<128x128xf32, #tpu.memory_space<vmem_shared>>
      %dma_start3A_133 = arith.constant 0 : i32
      %dma_start3A_134 = arith.constant 0 : i32
      %dma_start3A_135 = tpu.memref_slice %arg7[%dma_start3A, %dma_start3A_133, %dma_start3A_134] : memref<2x128x128xf32, #tpu.memory_space<vmem>> -> memref<1x128x128xf32, #tpu.memory_space<vmem>>
      %dma_start3A_136 = tpu.memref_squeeze %dma_start3A_135 : memref<1x128x128xf32, #tpu.memory_space<vmem>> -> memref<128x128xf32, #tpu.memory_space<vmem>>
      tpu.enqueue_dma source(%dma_start3A_136 : memref<128x128xf32, #tpu.memory_space<vmem>>) target(%dma_start3A_132 : memref<128x128xf32, #tpu.memory_space<vmem_shared>>) target_semaphore(%arg10 : memref<!tpu.dma_semaphore, #tpu.memory_space<semaphore_mem>>)
      %while3A_137 = arith.constant 0 : i32
      scf.yield %while3A_137 : i32
    }
    %while3A_41 = arith.constant 0 : i32
    %while3A_42 = arith.constant 0 : i32
    %while3A_43 = arith.subi %select_n3A, %while3A_41 : i32
    %while3A_44 = arith.addi %while3A_41, %while3A_43 : i32
    %while3A_45 = arith.constant 1 : i32
    %while3A_46 = arith.divsi %while3A_43, %while3A_45 : i32
    %while3A_47 = arith.muli %while3A_46, %while3A_45 : i32
    %while3A_48 = arith.addi %while3A_41, %while3A_47 : i32
    %while3A_49 = arith.constant 1 : i32
    %while3A_50 = scf.for %while3A_117 = %while3A_41 to %while3A_48 step %while3A_49 iter_args(%while3A_118 = %while3A_42) -> (i32)  : i32 {
      %mul3A_119 = arith.constant 16 : i32
      %mul3A_120 = arith.muli %while3A_117, %mul3A_119 : i32
      %add3A_121 = arith.addi %arg1, %mul3A_120 : i32
      %mul3A_122 = arith.constant 128 : i32
      %mul3A_123 = arith.muli %add3A_121, %mul3A_122 : i32
      %min3A = arith.constant 10384 : i32
      %min3A_124 = arith.minsi %mul3A_123, %min3A : i32
      %dma_wait3A = arith.constant 0 : i32
      %dma_wait3A_125 = arith.constant 0 : i32
      %dma_wait3A_126 = arith.constant 0 : i32
      %dma_wait3A_127 = tpu.memref_slice %arg7[%dma_wait3A, %dma_wait3A_125, %dma_wait3A_126] : memref<2x128x128xf32, #tpu.memory_space<vmem>> -> memref<1x128x128xf32, #tpu.memory_space<vmem>>
      %dma_wait3A_128 = tpu.memref_squeeze %dma_wait3A_127 : memref<1x128x128xf32, #tpu.memory_space<vmem>> -> memref<128x128xf32, #tpu.memory_space<vmem>>
      %dma_wait3A_129 = arith.constant 0 : i32
      %dma_wait3A_130 = tpu.memref_slice %arg8[%min3A_124, %dma_wait3A_129] : memref<10520x128xf32, #tpu.memory_space<vmem_shared>> -> memref<128x128xf32, #tpu.memory_space<vmem_shared>>
      %dma_wait3A_131 = arith.constant 0 : i32
      %dma_wait3A_132 = tpu.memref_slice %arg8[%min3A_124, %dma_wait3A_131] : memref<10520x128xf32, #tpu.memory_space<vmem_shared>> -> memref<128x128xf32, #tpu.memory_space<vmem_shared>>
      %dma_wait3A_133 = arith.constant 0 : i32
      %dma_wait3A_134 = arith.constant 0 : i32
      %dma_wait3A_135 = tpu.memref_slice %arg7[%dma_wait3A, %dma_wait3A_133, %dma_wait3A_134] : memref<2x128x128xf32, #tpu.memory_space<vmem>> -> memref<1x128x128xf32, #tpu.memory_space<vmem>>
      %dma_wait3A_136 = tpu.memref_squeeze %dma_wait3A_135 : memref<1x128x128xf32, #tpu.memory_space<vmem>> -> memref<128x128xf32, #tpu.memory_space<vmem>>
      tpu.wait_dma2 semaphore(%arg10 : memref<!tpu.dma_semaphore, #tpu.memory_space<semaphore_mem>>) src(%dma_wait3A_136 : memref<128x128xf32, #tpu.memory_space<vmem>>) dst(%dma_wait3A_132 : memref<128x128xf32, #tpu.memory_space<vmem_shared>>)
      %while3A_137 = arith.constant 0 : i32
      scf.yield %while3A_137 : i32
    }
    %while3A_51 = arith.constant 1 : i32
    %while3A_52 = scf.for %while3A_117 = %while3A_48 to %while3A_44 step %while3A_51 iter_args(%while3A_118 = %while3A_50) -> (i32)  : i32 {
      %mul3A_119 = arith.constant 16 : i32
      %mul3A_120 = arith.muli %while3A_117, %mul3A_119 : i32
      %add3A_121 = arith.addi %arg1, %mul3A_120 : i32
      %mul3A_122 = arith.constant 128 : i32
      %mul3A_123 = arith.muli %add3A_121, %mul3A_122 : i32
      %min3A = arith.constant 10384 : i32
      %min3A_124 = arith.minsi %mul3A_123, %min3A : i32
      %dma_wait3A = arith.constant 0 : i32
      %dma_wait3A_125 = arith.constant 0 : i32
      %dma_wait3A_126 = arith.constant 0 : i32
      %dma_wait3A_127 = tpu.memref_slice %arg7[%dma_wait3A, %dma_wait3A_125, %dma_wait3A_126] : memref<2x128x128xf32, #tpu.memory_space<vmem>> -> memref<1x128x128xf32, #tpu.memory_space<vmem>>
      %dma_wait3A_128 = tpu.memref_squeeze %dma_wait3A_127 : memref<1x128x128xf32, #tpu.memory_space<vmem>> -> memref<128x128xf32, #tpu.memory_space<vmem>>
      %dma_wait3A_129 = arith.constant 0 : i32
      %dma_wait3A_130 = tpu.memref_slice %arg8[%min3A_124, %dma_wait3A_129] : memref<10520x128xf32, #tpu.memory_space<vmem_shared>> -> memref<128x128xf32, #tpu.memory_space<vmem_shared>>
      %dma_wait3A_131 = arith.constant 0 : i32
      %dma_wait3A_132 = tpu.memref_slice %arg8[%min3A_124, %dma_wait3A_131] : memref<10520x128xf32, #tpu.memory_space<vmem_shared>> -> memref<128x128xf32, #tpu.memory_space<vmem_shared>>
      %dma_wait3A_133 = arith.constant 0 : i32
      %dma_wait3A_134 = arith.constant 0 : i32
      %dma_wait3A_135 = tpu.memref_slice %arg7[%dma_wait3A, %dma_wait3A_133, %dma_wait3A_134] : memref<2x128x128xf32, #tpu.memory_space<vmem>> -> memref<1x128x128xf32, #tpu.memory_space<vmem>>
      %dma_wait3A_136 = tpu.memref_squeeze %dma_wait3A_135 : memref<1x128x128xf32, #tpu.memory_space<vmem>> -> memref<128x128xf32, #tpu.memory_space<vmem>>
      tpu.wait_dma2 semaphore(%arg10 : memref<!tpu.dma_semaphore, #tpu.memory_space<semaphore_mem>>) src(%dma_wait3A_136 : memref<128x128xf32, #tpu.memory_space<vmem>>) dst(%dma_wait3A_132 : memref<128x128xf32, #tpu.memory_space<vmem_shared>>)
      %while3A_137 = arith.constant 0 : i32
      scf.yield %while3A_137 : i32
    }
    %eq3A = arith.constant 0 : i32
    %eq3A_53 = arith.cmpi eq, %arg1, %eq3A : i32
    %convert_element_type3A = arith.extui %eq3A_53 : i1 to i32
    %cond3A = arith.constant 0 : i32
    %cond3A_54 = arith.cmpi ne, %convert_element_type3A, %cond3A : i32
    scf.if %cond3A_54 {
      %run_scoped3A = arith.constant 0 : i32
      "tpu.region"() ({
        %run_scoped3A_117 = tpu.sem_alloc : memref<!tpu.dma_semaphore, #tpu.memory_space<semaphore_mem>>
        %dma_start3A = arith.constant 0 : i32
        %dma_start3A_118 = arith.constant 0 : i32
        %dma_start3A_119 = tpu.memref_slice %arg7[%run_scoped3A, %dma_start3A, %dma_start3A_118] : memref<2x128x128xf32, #tpu.memory_space<vmem>> -> memref<1x8x128xf32, #tpu.memory_space<vmem>>
        %dma_start3A_120 = tpu.memref_squeeze %dma_start3A_119 : memref<1x8x128xf32, #tpu.memory_space<vmem>> -> memref<8x128xf32, #tpu.memory_space<vmem>>
        %dma_start3A_121 = arith.constant 10512 : i32
        %dma_start3A_122 = arith.constant 0 : i32
        %dma_start3A_123 = tpu.memref_slice %arg8[%dma_start3A_121, %dma_start3A_122] : memref<10520x128xf32, #tpu.memory_space<vmem_shared>> -> memref<8x128xf32, #tpu.memory_space<vmem_shared>>
        %dma_start3A_124 = arith.constant 10512 : i32
        %dma_start3A_125 = arith.constant 0 : i32
        %dma_start3A_126 = tpu.memref_slice %arg8[%dma_start3A_124, %dma_start3A_125] : memref<10520x128xf32, #tpu.memory_space<vmem_shared>> -> memref<8x128xf32, #tpu.memory_space<vmem_shared>>
        %dma_start3A_127 = arith.constant 0 : i32
        %dma_start3A_128 = arith.constant 0 : i32
        %dma_start3A_129 = tpu.memref_slice %arg7[%run_scoped3A, %dma_start3A_127, %dma_start3A_128] : memref<2x128x128xf32, #tpu.memory_space<vmem>> -> memref<1x8x128xf32, #tpu.memory_space<vmem>>
        %dma_start3A_130 = tpu.memref_squeeze %dma_start3A_129 : memref<1x8x128xf32, #tpu.memory_space<vmem>> -> memref<8x128xf32, #tpu.memory_space<vmem>>
        tpu.enqueue_dma source(%dma_start3A_130 : memref<8x128xf32, #tpu.memory_space<vmem>>) target(%dma_start3A_126 : memref<8x128xf32, #tpu.memory_space<vmem_shared>>) target_semaphore(%run_scoped3A_117 : memref<!tpu.dma_semaphore, #tpu.memory_space<semaphore_mem>>)
        %dma_wait3A = arith.constant 0 : i32
        %dma_wait3A_131 = arith.constant 0 : i32
        %dma_wait3A_132 = tpu.memref_slice %arg7[%run_scoped3A, %dma_wait3A, %dma_wait3A_131] : memref<2x128x128xf32, #tpu.memory_space<vmem>> -> memref<1x8x128xf32, #tpu.memory_space<vmem>>
        %dma_wait3A_133 = tpu.memref_squeeze %dma_wait3A_132 : memref<1x8x128xf32, #tpu.memory_space<vmem>> -> memref<8x128xf32, #tpu.memory_space<vmem>>
        %dma_wait3A_134 = arith.constant 10512 : i32
        %dma_wait3A_135 = arith.constant 0 : i32
        %dma_wait3A_136 = tpu.memref_slice %arg8[%dma_wait3A_134, %dma_wait3A_135] : memref<10520x128xf32, #tpu.memory_space<vmem_shared>> -> memref<8x128xf32, #tpu.memory_space<vmem_shared>>
        %dma_wait3A_137 = arith.constant 10512 : i32
        %dma_wait3A_138 = arith.constant 0 : i32
        %dma_wait3A_139 = tpu.memref_slice %arg8[%dma_wait3A_137, %dma_wait3A_138] : memref<10520x128xf32, #tpu.memory_space<vmem_shared>> -> memref<8x128xf32, #tpu.memory_space<vmem_shared>>
        %dma_wait3A_140 = arith.constant 0 : i32
        %dma_wait3A_141 = arith.constant 0 : i32
        %dma_wait3A_142 = tpu.memref_slice %arg7[%run_scoped3A, %dma_wait3A_140, %dma_wait3A_141] : memref<2x128x128xf32, #tpu.memory_space<vmem>> -> memref<1x8x128xf32, #tpu.memory_space<vmem>>
        %dma_wait3A_143 = tpu.memref_squeeze %dma_wait3A_142 : memref<1x8x128xf32, #tpu.memory_space<vmem>> -> memref<8x128xf32, #tpu.memory_space<vmem>>
        tpu.wait_dma2 semaphore(%run_scoped3A_117 : memref<!tpu.dma_semaphore, #tpu.memory_space<semaphore_mem>>) src(%dma_wait3A_143 : memref<8x128xf32, #tpu.memory_space<vmem>>) dst(%dma_wait3A_139 : memref<8x128xf32, #tpu.memory_space<vmem_shared>>)
        tpu.yield
      }) : () -> ()
    } else {
    }
    %barrier3A = arith.constant 0 : index
    tpu.barrier barrier_id(%barrier3A)
    %scan3A_55 = arith.constant 0 : i32
    %scan3A_56 = arith.constant 0 : i32
    %scan3A_57 = arith.constant 5 : i32
    %scan3A_58 = arith.addi %scan3A_56, %scan3A_57 : i32
    %scan3A_59 = arith.constant 1 : i32
    %scan3A_60 = scf.for %scan3A_117 = %scan3A_56 to %scan3A_58 step %scan3A_59 iter_args(%scan3A_118 = %scan3A_55) -> (i32)  : i32 {
      %mul3A_119 = arith.constant 16 : i32
      %mul3A_120 = arith.muli %scan3A_117, %mul3A_119 : i32
      %run_scoped3A = arith.constant 0 : i32
      "tpu.region"() ({
        %run_scoped3A_143 = tpu.sem_alloc : memref<!tpu.dma_semaphore, #tpu.memory_space<semaphore_mem>>
        %dma_start3A_144 = arith.constant 0 : i32
        %dma_start3A_145 = tpu.memref_slice %arg3[%run_scoped3A, %add3A, %mul3A_120, %dma_start3A_144] : memref<2x32x80x128xi32, #tpu.memory_space<hbm>> -> memref<1x1x16x128xi32, #tpu.memory_space<hbm>>
        %dma_start3A_146 = tpu.memref_squeeze %dma_start3A_145 : memref<1x1x16x128xi32, #tpu.memory_space<hbm>> -> memref<16x128xi32, #tpu.memory_space<hbm>>
        %dma_start3A_147 = arith.constant 0 : i32
        %dma_start3A_148 = tpu.memref_slice %arg3[%run_scoped3A, %add3A, %mul3A_120, %dma_start3A_147] : memref<2x32x80x128xi32, #tpu.memory_space<hbm>> -> memref<1x1x16x128xi32, #tpu.memory_space<hbm>>
        %dma_start3A_149 = tpu.memref_squeeze %dma_start3A_148 : memref<1x1x16x128xi32, #tpu.memory_space<hbm>> -> memref<16x128xi32, #tpu.memory_space<hbm>>
        tpu.enqueue_dma source(%dma_start3A_149 : memref<16x128xi32, #tpu.memory_space<hbm>>) target(%arg5 : memref<16x128xi32, #tpu.memory_space<vmem>>) target_semaphore(%run_scoped3A_143 : memref<!tpu.dma_semaphore, #tpu.memory_space<semaphore_mem>>)
        %dma_wait3A = arith.constant 0 : i32
        %dma_wait3A_150 = tpu.memref_slice %arg3[%run_scoped3A, %add3A, %mul3A_120, %dma_wait3A] : memref<2x32x80x128xi32, #tpu.memory_space<hbm>> -> memref<1x1x16x128xi32, #tpu.memory_space<hbm>>
        %dma_wait3A_151 = tpu.memref_squeeze %dma_wait3A_150 : memref<1x1x16x128xi32, #tpu.memory_space<hbm>> -> memref<16x128xi32, #tpu.memory_space<hbm>>
        %dma_wait3A_152 = arith.constant 0 : i32
        %dma_wait3A_153 = tpu.memref_slice %arg3[%run_scoped3A, %add3A, %mul3A_120, %dma_wait3A_152] : memref<2x32x80x128xi32, #tpu.memory_space<hbm>> -> memref<1x1x16x128xi32, #tpu.memory_space<hbm>>
        %dma_wait3A_154 = tpu.memref_squeeze %dma_wait3A_153 : memref<1x1x16x128xi32, #tpu.memory_space<hbm>> -> memref<16x128xi32, #tpu.memory_space<hbm>>
        tpu.wait_dma2 semaphore(%run_scoped3A_143 : memref<!tpu.dma_semaphore, #tpu.memory_space<semaphore_mem>>) src(%dma_wait3A_154 : memref<16x128xi32, #tpu.memory_space<hbm>>) dst(%arg5 : memref<16x128xi32, #tpu.memory_space<vmem>>)
        tpu.yield
      }) : () -> ()
      %mul3A_121 = arith.constant 16 : i32
      %mul3A_122 = arith.muli %scan3A_117, %mul3A_121 : i32
      %run_scoped3A_123 = arith.constant 1 : i32
      "tpu.region"() ({
        %run_scoped3A_143 = tpu.sem_alloc : memref<!tpu.dma_semaphore, #tpu.memory_space<semaphore_mem>>
        %dma_start3A_144 = arith.constant 0 : i32
        %dma_start3A_145 = tpu.memref_slice %arg3[%run_scoped3A_123, %add3A, %mul3A_122, %dma_start3A_144] : memref<2x32x80x128xi32, #tpu.memory_space<hbm>> -> memref<1x1x16x128xi32, #tpu.memory_space<hbm>>
        %dma_start3A_146 = tpu.memref_squeeze %dma_start3A_145 : memref<1x1x16x128xi32, #tpu.memory_space<hbm>> -> memref<16x128xi32, #tpu.memory_space<hbm>>
        %dma_start3A_147 = arith.constant 0 : i32
        %dma_start3A_148 = tpu.memref_slice %arg3[%run_scoped3A_123, %add3A, %mul3A_122, %dma_start3A_147] : memref<2x32x80x128xi32, #tpu.memory_space<hbm>> -> memref<1x1x16x128xi32, #tpu.memory_space<hbm>>
        %dma_start3A_149 = tpu.memref_squeeze %dma_start3A_148 : memref<1x1x16x128xi32, #tpu.memory_space<hbm>> -> memref<16x128xi32, #tpu.memory_space<hbm>>
        tpu.enqueue_dma source(%dma_start3A_149 : memref<16x128xi32, #tpu.memory_space<hbm>>) target(%arg6 : memref<16x128xi32, #tpu.memory_space<vmem>>) target_semaphore(%run_scoped3A_143 : memref<!tpu.dma_semaphore, #tpu.memory_space<semaphore_mem>>)
        %dma_wait3A = arith.constant 0 : i32
        %dma_wait3A_150 = tpu.memref_slice %arg3[%run_scoped3A_123, %add3A, %mul3A_122, %dma_wait3A] : memref<2x32x80x128xi32, #tpu.memory_space<hbm>> -> memref<1x1x16x128xi32, #tpu.memory_space<hbm>>
        %dma_wait3A_151 = tpu.memref_squeeze %dma_wait3A_150 : memref<1x1x16x128xi32, #tpu.memory_space<hbm>> -> memref<16x128xi32, #tpu.memory_space<hbm>>
        %dma_wait3A_152 = arith.constant 0 : i32
        %dma_wait3A_153 = tpu.memref_slice %arg3[%run_scoped3A_123, %add3A, %mul3A_122, %dma_wait3A_152] : memref<2x32x80x128xi32, #tpu.memory_space<hbm>> -> memref<1x1x16x128xi32, #tpu.memory_space<hbm>>
        %dma_wait3A_154 = tpu.memref_squeeze %dma_wait3A_153 : memref<1x1x16x128xi32, #tpu.memory_space<hbm>> -> memref<16x128xi32, #tpu.memory_space<hbm>>
        tpu.wait_dma2 semaphore(%run_scoped3A_143 : memref<!tpu.dma_semaphore, #tpu.memory_space<semaphore_mem>>) src(%dma_wait3A_154 : memref<16x128xi32, #tpu.memory_space<hbm>>) dst(%arg6 : memref<16x128xi32, #tpu.memory_space<vmem>>)
        tpu.yield
      }) : () -> ()
      %dma_start3A = arith.constant 0 : i32
      %dma_start3A_124 = arith.constant 0 : i32
      %dma_start3A_125 = arith.constant 0 : i32
      %dma_start3A_126 = arith.constant 0 : i32
      %dma_start3A_127 = tpu.memref_slice %arg7[%dma_start3A_124, %dma_start3A_125, %dma_start3A_126] : memref<2x128x128xf32, #tpu.memory_space<vmem>> -> memref<1x128x128xf32, #tpu.memory_space<vmem>>
      %dma_start3A_128 = tpu.memref_squeeze %dma_start3A_127 : memref<1x128x128xf32, #tpu.memory_space<vmem>> -> memref<128x128xf32, #tpu.memory_space<vmem>>
      %dma_start3A_129 = arith.constant 0 : i32
      %dma_start3A_130 = tpu.memref_slice %arg5[%dma_start3A, %dma_start3A_129] : memref<16x128xi32, #tpu.memory_space<vmem>> -> memref<1x128xi32, #tpu.memory_space<vmem>>
      %dma_start3A_131 = tpu.memref_squeeze %dma_start3A_130 : memref<1x128xi32, #tpu.memory_space<vmem>> -> memref<128xi32, #tpu.memory_space<vmem>>
      %dma_start3A_132 = arith.constant 0 : i32
      %dma_start3A_133 = arith.constant 0 : i32
      %dma_start3A_134 = tpu.memref_slice %arg2[%dma_start3A_132, %dma_start3A_133] : memref<10512x128xf32, #tpu.memory_space<hbm>> -> memref<10512x128xf32, #tpu.memory_space<hbm>>
      tpu.enqueue_indirect_dma source(%dma_start3A_134 : memref<10512x128xf32, #tpu.memory_space<hbm>>) target(%dma_start3A_128 : memref<128x128xf32, #tpu.memory_space<vmem>>) offsets(%dma_start3A_131 : memref<128xi32, #tpu.memory_space<vmem>>) semaphore(%arg9 : memref<!tpu.dma_semaphore, #tpu.memory_space<semaphore_mem>>)
      %scan3A_135 = arith.constant 0 : i32
      %scan3A_136 = arith.constant 0 : i32
      %scan3A_137 = arith.constant 8 : i32
      %scan3A_138 = arith.addi %scan3A_136, %scan3A_137 : i32
      %scan3A_139 = arith.constant 1 : i32
      %scan3A_140 = scf.for %scan3A_143 = %scan3A_136 to %scan3A_138 step %scan3A_139 iter_args(%scan3A_144 = %scan3A_135) -> (i32)  : i32 {
        %mul3A_145 = arith.constant 2 : i32
        %mul3A_146 = arith.muli %mul3A_145, %scan3A_143 : i32
        %add3A_147 = arith.constant 1 : i32
        %add3A_148 = arith.addi %mul3A_146, %add3A_147 : i32
        %dma_start3A_149 = arith.constant 1 : i32
        %dma_start3A_150 = arith.constant 0 : i32
        %dma_start3A_151 = arith.constant 0 : i32
        %dma_start3A_152 = tpu.memref_slice %arg7[%dma_start3A_149, %dma_start3A_150, %dma_start3A_151] : memref<2x128x128xf32, #tpu.memory_space<vmem>> -> memref<1x128x128xf32, #tpu.memory_space<vmem>>
        %dma_start3A_153 = tpu.memref_squeeze %dma_start3A_152 : memref<1x128x128xf32, #tpu.memory_space<vmem>> -> memref<128x128xf32, #tpu.memory_space<vmem>>
        %dma_start3A_154 = arith.constant 0 : i32
        %dma_start3A_155 = tpu.memref_slice %arg5[%add3A_148, %dma_start3A_154] : memref<16x128xi32, #tpu.memory_space<vmem>> -> memref<1x128xi32, #tpu.memory_space<vmem>>
        %dma_start3A_156 = tpu.memref_squeeze %dma_start3A_155 : memref<1x128xi32, #tpu.memory_space<vmem>> -> memref<128xi32, #tpu.memory_space<vmem>>
        %dma_start3A_157 = arith.constant 0 : i32
        %dma_start3A_158 = arith.constant 0 : i32
        %dma_start3A_159 = tpu.memref_slice %arg2[%dma_start3A_157, %dma_start3A_158] : memref<10512x128xf32, #tpu.memory_space<hbm>> -> memref<10512x128xf32, #tpu.memory_space<hbm>>
        tpu.enqueue_indirect_dma source(%dma_start3A_159 : memref<10512x128xf32, #tpu.memory_space<hbm>>) target(%dma_start3A_153 : memref<128x128xf32, #tpu.memory_space<vmem>>) offsets(%dma_start3A_156 : memref<128xi32, #tpu.memory_space<vmem>>) semaphore(%arg10 : memref<!tpu.dma_semaphore, #tpu.memory_space<semaphore_mem>>)
        %dma_wait3A = arith.constant 0 : i32
        %dma_wait3A_160 = arith.constant 0 : i32
        %dma_wait3A_161 = arith.constant 0 : i32
        %dma_wait3A_162 = tpu.memref_slice %arg7[%dma_wait3A, %dma_wait3A_160, %dma_wait3A_161] : memref<2x128x128xf32, #tpu.memory_space<vmem>> -> memref<1x128x128xf32, #tpu.memory_space<vmem>>
        %dma_wait3A_163 = tpu.memref_squeeze %dma_wait3A_162 : memref<1x128x128xf32, #tpu.memory_space<vmem>> -> memref<128x128xf32, #tpu.memory_space<vmem>>
        %dma_wait3A_164 = arith.constant 0 : i32
        %dma_wait3A_165 = tpu.memref_slice %arg5[%mul3A_146, %dma_wait3A_164] : memref<16x128xi32, #tpu.memory_space<vmem>> -> memref<1x128xi32, #tpu.memory_space<vmem>>
        %dma_wait3A_166 = tpu.memref_squeeze %dma_wait3A_165 : memref<1x128xi32, #tpu.memory_space<vmem>> -> memref<128xi32, #tpu.memory_space<vmem>>
        %dma_wait3A_167 = arith.constant 0 : i32
        %dma_wait3A_168 = arith.constant 0 : i32
        %dma_wait3A_169 = tpu.memref_slice %arg2[%dma_wait3A_167, %dma_wait3A_168] : memref<10512x128xf32, #tpu.memory_space<hbm>> -> memref<10512x128xf32, #tpu.memory_space<hbm>>
        tpu.wait_indirect_dma semaphore(%arg9 : memref<!tpu.dma_semaphore, #tpu.memory_space<semaphore_mem>>) src(%dma_wait3A_169 : memref<10512x128xf32, #tpu.memory_space<hbm>>) dst(%dma_wait3A_163 : memref<128x128xf32, #tpu.memory_space<vmem>>)
        %run_scoped3A_170 = arith.constant 0 : i32
        "tpu.region"() ({
          %run_scoped3A_190 = tpu.sem_alloc : memref<!tpu.dma_semaphore, #tpu.memory_space<semaphore_mem>>
          %dma_start3A_191 = arith.constant 0 : i32
          %dma_start3A_192 = arith.constant 0 : i32
          %dma_start3A_193 = tpu.memref_slice %arg7[%run_scoped3A_170, %dma_start3A_191, %dma_start3A_192] : memref<2x128x128xf32, #tpu.memory_space<vmem>> -> memref<1x128x128xf32, #tpu.memory_space<vmem>>
          %dma_start3A_194 = tpu.memref_squeeze %dma_start3A_193 : memref<1x128x128xf32, #tpu.memory_space<vmem>> -> memref<128x128xf32, #tpu.memory_space<vmem>>
          %dma_start3A_195 = arith.constant 0 : i32
          %dma_start3A_196 = tpu.memref_slice %arg6[%mul3A_146, %dma_start3A_195] : memref<16x128xi32, #tpu.memory_space<vmem>> -> memref<1x128xi32, #tpu.memory_space<vmem>>
          %dma_start3A_197 = tpu.memref_squeeze %dma_start3A_196 : memref<1x128xi32, #tpu.memory_space<vmem>> -> memref<128xi32, #tpu.memory_space<vmem>>
          %dma_start3A_198 = arith.constant 0 : i32
          %dma_start3A_199 = arith.constant 0 : i32
          %dma_start3A_200 = tpu.memref_slice %arg8[%dma_start3A_198, %dma_start3A_199] : memref<10520x128xf32, #tpu.memory_space<vmem_shared>> -> memref<10520x128xf32, #tpu.memory_space<vmem_shared>>
          tpu.enqueue_indirect_dma source(%dma_start3A_194 : memref<128x128xf32, #tpu.memory_space<vmem>>) target(%dma_start3A_200 : memref<10520x128xf32, #tpu.memory_space<vmem_shared>>) offsets(%dma_start3A_197 : memref<128xi32, #tpu.memory_space<vmem>>) semaphore(%run_scoped3A_190 : memref<!tpu.dma_semaphore, #tpu.memory_space<semaphore_mem>>) {add = true}
          %dma_wait3A_201 = arith.constant 0 : i32
          %dma_wait3A_202 = arith.constant 0 : i32
          %dma_wait3A_203 = tpu.memref_slice %arg7[%run_scoped3A_170, %dma_wait3A_201, %dma_wait3A_202] : memref<2x128x128xf32, #tpu.memory_space<vmem>> -> memref<1x128x128xf32, #tpu.memory_space<vmem>>
          %dma_wait3A_204 = tpu.memref_squeeze %dma_wait3A_203 : memref<1x128x128xf32, #tpu.memory_space<vmem>> -> memref<128x128xf32, #tpu.memory_space<vmem>>
          %dma_wait3A_205 = arith.constant 0 : i32
          %dma_wait3A_206 = tpu.memref_slice %arg6[%mul3A_146, %dma_wait3A_205] : memref<16x128xi32, #tpu.memory_space<vmem>> -> memref<1x128xi32, #tpu.memory_space<vmem>>
          %dma_wait3A_207 = tpu.memref_squeeze %dma_wait3A_206 : memref<1x128xi32, #tpu.memory_space<vmem>> -> memref<128xi32, #tpu.memory_space<vmem>>
          %dma_wait3A_208 = arith.constant 0 : i32
          %dma_wait3A_209 = arith.constant 0 : i32
          %dma_wait3A_210 = tpu.memref_slice %arg8[%dma_wait3A_208, %dma_wait3A_209] : memref<10520x128xf32, #tpu.memory_space<vmem_shared>> -> memref<10520x128xf32, #tpu.memory_space<vmem_shared>>
          tpu.wait_indirect_dma semaphore(%run_scoped3A_190 : memref<!tpu.dma_semaphore, #tpu.memory_space<semaphore_mem>>) src(%dma_wait3A_204 : memref<128x128xf32, #tpu.memory_space<vmem>>) dst(%dma_wait3A_210 : memref<10520x128xf32, #tpu.memory_space<vmem_shared>>)
          tpu.yield
        }) : () -> ()
        %add3A_171 = arith.constant 1 : i32
        %add3A_172 = arith.addi %add3A_148, %add3A_171 : i32
        %lt3A = arith.constant 16 : i32
        %lt3A_173 = arith.cmpi slt, %add3A_172, %lt3A : i32
        %convert_element_type3A_174 = arith.extui %lt3A_173 : i1 to i32
        %cond3A_175 = arith.constant 0 : i32
        %cond3A_176 = arith.cmpi ne, %convert_element_type3A_174, %cond3A_175 : i32
        scf.if %cond3A_176 {
          %add3A_190 = arith.constant 1 : i32
          %add3A_191 = arith.addi %add3A_148, %add3A_190 : i32
          %dma_start3A_192 = arith.constant 0 : i32
          %dma_start3A_193 = arith.constant 0 : i32
          %dma_start3A_194 = arith.constant 0 : i32
          %dma_start3A_195 = tpu.memref_slice %arg7[%dma_start3A_192, %dma_start3A_193, %dma_start3A_194] : memref<2x128x128xf32, #tpu.memory_space<vmem>> -> memref<1x128x128xf32, #tpu.memory_space<vmem>>
          %dma_start3A_196 = tpu.memref_squeeze %dma_start3A_195 : memref<1x128x128xf32, #tpu.memory_space<vmem>> -> memref<128x128xf32, #tpu.memory_space<vmem>>
          %dma_start3A_197 = arith.constant 0 : i32
          %dma_start3A_198 = tpu.memref_slice %arg5[%add3A_191, %dma_start3A_197] : memref<16x128xi32, #tpu.memory_space<vmem>> -> memref<1x128xi32, #tpu.memory_space<vmem>>
          %dma_start3A_199 = tpu.memref_squeeze %dma_start3A_198 : memref<1x128xi32, #tpu.memory_space<vmem>> -> memref<128xi32, #tpu.memory_space<vmem>>
          %dma_start3A_200 = arith.constant 0 : i32
          %dma_start3A_201 = arith.constant 0 : i32
          %dma_start3A_202 = tpu.memref_slice %arg2[%dma_start3A_200, %dma_start3A_201] : memref<10512x128xf32, #tpu.memory_space<hbm>> -> memref<10512x128xf32, #tpu.memory_space<hbm>>
          tpu.enqueue_indirect_dma source(%dma_start3A_202 : memref<10512x128xf32, #tpu.memory_space<hbm>>) target(%dma_start3A_196 : memref<128x128xf32, #tpu.memory_space<vmem>>) offsets(%dma_start3A_199 : memref<128xi32, #tpu.memory_space<vmem>>) semaphore(%arg9 : memref<!tpu.dma_semaphore, #tpu.memory_space<semaphore_mem>>)
        } else {
        }
        %dma_wait3A_177 = arith.constant 1 : i32
        %dma_wait3A_178 = arith.constant 0 : i32
        %dma_wait3A_179 = arith.constant 0 : i32
        %dma_wait3A_180 = tpu.memref_slice %arg7[%dma_wait3A_177, %dma_wait3A_178, %dma_wait3A_179] : memref<2x128x128xf32, #tpu.memory_space<vmem>> -> memref<1x128x128xf32, #tpu.memory_space<vmem>>
        %dma_wait3A_181 = tpu.memref_squeeze %dma_wait3A_180 : memref<1x128x128xf32, #tpu.memory_space<vmem>> -> memref<128x128xf32, #tpu.memory_space<vmem>>
        %dma_wait3A_182 = arith.constant 0 : i32
        %dma_wait3A_183 = tpu.memref_slice %arg5[%add3A_148, %dma_wait3A_182] : memref<16x128xi32, #tpu.memory_space<vmem>> -> memref<1x128xi32, #tpu.memory_space<vmem>>
        %dma_wait3A_184 = tpu.memref_squeeze %dma_wait3A_183 : memref<1x128xi32, #tpu.memory_space<vmem>> -> memref<128xi32, #tpu.memory_space<vmem>>
        %dma_wait3A_185 = arith.constant 0 : i32
        %dma_wait3A_186 = arith.constant 0 : i32
        %dma_wait3A_187 = tpu.memref_slice %arg2[%dma_wait3A_185, %dma_wait3A_186] : memref<10512x128xf32, #tpu.memory_space<hbm>> -> memref<10512x128xf32, #tpu.memory_space<hbm>>
        tpu.wait_indirect_dma semaphore(%arg10 : memref<!tpu.dma_semaphore, #tpu.memory_space<semaphore_mem>>) src(%dma_wait3A_187 : memref<10512x128xf32, #tpu.memory_space<hbm>>) dst(%dma_wait3A_181 : memref<128x128xf32, #tpu.memory_space<vmem>>)
        %run_scoped3A_188 = arith.constant 1 : i32
        "tpu.region"() ({
          %run_scoped3A_190 = tpu.sem_alloc : memref<!tpu.dma_semaphore, #tpu.memory_space<semaphore_mem>>
          %dma_start3A_191 = arith.constant 0 : i32
          %dma_start3A_192 = arith.constant 0 : i32
          %dma_start3A_193 = tpu.memref_slice %arg7[%run_scoped3A_188, %dma_start3A_191, %dma_start3A_192] : memref<2x128x128xf32, #tpu.memory_space<vmem>> -> memref<1x128x128xf32, #tpu.memory_space<vmem>>
          %dma_start3A_194 = tpu.memref_squeeze %dma_start3A_193 : memref<1x128x128xf32, #tpu.memory_space<vmem>> -> memref<128x128xf32, #tpu.memory_space<vmem>>
          %dma_start3A_195 = arith.constant 0 : i32
          %dma_start3A_196 = tpu.memref_slice %arg6[%add3A_148, %dma_start3A_195] : memref<16x128xi32, #tpu.memory_space<vmem>> -> memref<1x128xi32, #tpu.memory_space<vmem>>
          %dma_start3A_197 = tpu.memref_squeeze %dma_start3A_196 : memref<1x128xi32, #tpu.memory_space<vmem>> -> memref<128xi32, #tpu.memory_space<vmem>>
          %dma_start3A_198 = arith.constant 0 : i32
          %dma_start3A_199 = arith.constant 0 : i32
          %dma_start3A_200 = tpu.memref_slice %arg8[%dma_start3A_198, %dma_start3A_199] : memref<10520x128xf32, #tpu.memory_space<vmem_shared>> -> memref<10520x128xf32, #tpu.memory_space<vmem_shared>>
          tpu.enqueue_indirect_dma source(%dma_start3A_194 : memref<128x128xf32, #tpu.memory_space<vmem>>) target(%dma_start3A_200 : memref<10520x128xf32, #tpu.memory_space<vmem_shared>>) offsets(%dma_start3A_197 : memref<128xi32, #tpu.memory_space<vmem>>) semaphore(%run_scoped3A_190 : memref<!tpu.dma_semaphore, #tpu.memory_space<semaphore_mem>>) {add = true}
          %dma_wait3A_201 = arith.constant 0 : i32
          %dma_wait3A_202 = arith.constant 0 : i32
          %dma_wait3A_203 = tpu.memref_slice %arg7[%run_scoped3A_188, %dma_wait3A_201, %dma_wait3A_202] : memref<2x128x128xf32, #tpu.memory_space<vmem>> -> memref<1x128x128xf32, #tpu.memory_space<vmem>>
          %dma_wait3A_204 = tpu.memref_squeeze %dma_wait3A_203 : memref<1x128x128xf32, #tpu.memory_space<vmem>> -> memref<128x128xf32, #tpu.memory_space<vmem>>
          %dma_wait3A_205 = arith.constant 0 : i32
          %dma_wait3A_206 = tpu.memref_slice %arg6[%add3A_148, %dma_wait3A_205] : memref<16x128xi32, #tpu.memory_space<vmem>> -> memref<1x128xi32, #tpu.memory_space<vmem>>
          %dma_wait3A_207 = tpu.memref_squeeze %dma_wait3A_206 : memref<1x128xi32, #tpu.memory_space<vmem>> -> memref<128xi32, #tpu.memory_space<vmem>>
          %dma_wait3A_208 = arith.constant 0 : i32
          %dma_wait3A_209 = arith.constant 0 : i32
          %dma_wait3A_210 = tpu.memref_slice %arg8[%dma_wait3A_208, %dma_wait3A_209] : memref<10520x128xf32, #tpu.memory_space<vmem_shared>> -> memref<10520x128xf32, #tpu.memory_space<vmem_shared>>
          tpu.wait_indirect_dma semaphore(%run_scoped3A_190 : memref<!tpu.dma_semaphore, #tpu.memory_space<semaphore_mem>>) src(%dma_wait3A_204 : memref<128x128xf32, #tpu.memory_space<vmem>>) dst(%dma_wait3A_210 : memref<10520x128xf32, #tpu.memory_space<vmem_shared>>)
          tpu.yield
        }) : () -> ()
        %scan3A_189 = arith.constant 0 : i32
        scf.yield %scan3A_189 : i32
      }
      %scan3A_141 = arith.constant 8 : i32
      %scan3A_142 = arith.constant 0 : i32
      scf.yield %scan3A_142 : i32
    }
    %scan3A_61 = arith.constant 5 : i32
    %barrier3A_62 = arith.constant 0 : index
    tpu.barrier barrier_id(%barrier3A_62)
    %sub3A_63 = arith.constant 83 : i32
    %sub3A_64 = arith.subi %sub3A_63, %arg1 : i32
    %add3A_65 = arith.constant 16 : i32
    %add3A_66 = arith.addi %sub3A_64, %add3A_65 : i32
    %sub3A_67 = arith.constant 1 : i32
    %sub3A_68 = arith.subi %add3A_66, %sub3A_67 : i32
    %jit3A_69 = arith.constant 16 : i32
    %div3A_70 = arith.divsi %sub3A_68, %jit3A_69 : i32
    %sign3A_71 = arith.constant 0 : i32
    %sign3A_72 = arith.cmpi sgt, %sub3A_68, %sign3A_71 : i32
    %sign3A_73 = arith.extui %sign3A_72 : i1 to i32
    %sign3A_74 = arith.constant 0 : i32
    %sign3A_75 = arith.cmpi slt, %sub3A_68, %sign3A_74 : i32
    %sign3A_76 = arith.extui %sign3A_75 : i1 to i32
    %sign3A_77 = arith.subi %sign3A_73, %sign3A_76 : i32
    %sign3A_78 = arith.constant 0 : i32
    %sign3A_79 = arith.cmpi sgt, %jit3A_69, %sign3A_78 : i32
    %sign3A_80 = arith.extui %sign3A_79 : i1 to i32
    %sign3A_81 = arith.constant 0 : i32
    %sign3A_82 = arith.cmpi slt, %jit3A_69, %sign3A_81 : i32
    %sign3A_83 = arith.extui %sign3A_82 : i1 to i32
    %sign3A_84 = arith.subi %sign3A_80, %sign3A_83 : i32
    %ne3A_85 = arith.cmpi ne, %sign3A_77, %sign3A_84 : i32
    %rem3A_86 = arith.remsi %sub3A_68, %jit3A_69 : i32
    %ne3A_87 = arith.constant 0 : i32
    %ne3A_88 = arith.cmpi ne, %rem3A_86, %ne3A_87 : i32
    %and3A_89 = arith.andi %ne3A_85, %ne3A_88 : i1
    %sub3A_90 = arith.constant 1 : i32
    %sub3A_91 = arith.subi %div3A_70, %sub3A_90 : i32
    %select_n3A_92 = arith.select %and3A_89, %sub3A_91, %div3A_70 : i32
    %while3A_93 = arith.constant 0 : i32
    %while3A_94 = arith.constant 0 : i32
    %while3A_95 = arith.subi %select_n3A_92, %while3A_93 : i32
    %while3A_96 = arith.addi %while3A_93, %while3A_95 : i32
    %while3A_97 = arith.constant 1 : i32
    %while3A_98 = arith.divsi %while3A_95, %while3A_97 : i32
    %while3A_99 = arith.muli %while3A_98, %while3A_97 : i32
    %while3A_100 = arith.addi %while3A_93, %while3A_99 : i32
    %while3A_101 = arith.constant 1 : i32
    %while3A_102 = scf.for %while3A_117 = %while3A_93 to %while3A_100 step %while3A_101 iter_args(%while3A_118 = %while3A_94) -> (i32)  : i32 {
      %mul3A_119 = arith.constant 16 : i32
      %mul3A_120 = arith.muli %while3A_117, %mul3A_119 : i32
      %add3A_121 = arith.addi %arg1, %mul3A_120 : i32
      %mul3A_122 = arith.constant 128 : i32
      %mul3A_123 = arith.muli %add3A_121, %mul3A_122 : i32
      %min3A = arith.constant 10384 : i32
      %min3A_124 = arith.minsi %mul3A_123, %min3A : i32
      %dma_start3A = arith.constant 0 : i32
      %dma_start3A_125 = tpu.memref_slice %arg4[%arg0, %min3A_124, %dma_start3A] : memref<2x10512x128xf32, #tpu.memory_space<hbm>> -> memref<1x128x128xf32, #tpu.memory_space<hbm>>
      %dma_start3A_126 = tpu.memref_squeeze %dma_start3A_125 : memref<1x128x128xf32, #tpu.memory_space<hbm>> -> memref<128x128xf32, #tpu.memory_space<hbm>>
      %dma_start3A_127 = arith.constant 0 : i32
      %dma_start3A_128 = tpu.memref_slice %arg8[%min3A_124, %dma_start3A_127] : memref<10520x128xf32, #tpu.memory_space<vmem_shared>> -> memref<128x128xf32, #tpu.memory_space<vmem_shared>>
      tpu.enqueue_dma source(%dma_start3A_128 : memref<128x128xf32, #tpu.memory_space<vmem_shared>>) target(%dma_start3A_126 : memref<128x128xf32, #tpu.memory_space<hbm>>) target_semaphore(%arg10 : memref<!tpu.dma_semaphore, #tpu.memory_space<semaphore_mem>>)
      %while3A_129 = arith.constant 0 : i32
      scf.yield %while3A_129 : i32
    }
    %while3A_103 = arith.constant 1 : i32
    %while3A_104 = scf.for %while3A_117 = %while3A_100 to %while3A_96 step %while3A_103 iter_args(%while3A_118 = %while3A_102) -> (i32)  : i32 {
      %mul3A_119 = arith.constant 16 : i32
      %mul3A_120 = arith.muli %while3A_117, %mul3A_119 : i32
      %add3A_121 = arith.addi %arg1, %mul3A_120 : i32
      %mul3A_122 = arith.constant 128 : i32
      %mul3A_123 = arith.muli %add3A_121, %mul3A_122 : i32
      %min3A = arith.constant 10384 : i32
      %min3A_124 = arith.minsi %mul3A_123, %min3A : i32
      %dma_start3A = arith.constant 0 : i32
      %dma_start3A_125 = tpu.memref_slice %arg4[%arg0, %min3A_124, %dma_start3A] : memref<2x10512x128xf32, #tpu.memory_space<hbm>> -> memref<1x128x128xf32, #tpu.memory_space<hbm>>
      %dma_start3A_126 = tpu.memref_squeeze %dma_start3A_125 : memref<1x128x128xf32, #tpu.memory_space<hbm>> -> memref<128x128xf32, #tpu.memory_space<hbm>>
      %dma_start3A_127 = arith.constant 0 : i32
      %dma_start3A_128 = tpu.memref_slice %arg8[%min3A_124, %dma_start3A_127] : memref<10520x128xf32, #tpu.memory_space<vmem_shared>> -> memref<128x128xf32, #tpu.memory_space<vmem_shared>>
      tpu.enqueue_dma source(%dma_start3A_128 : memref<128x128xf32, #tpu.memory_space<vmem_shared>>) target(%dma_start3A_126 : memref<128x128xf32, #tpu.memory_space<hbm>>) target_semaphore(%arg10 : memref<!tpu.dma_semaphore, #tpu.memory_space<semaphore_mem>>)
      %while3A_129 = arith.constant 0 : i32
      scf.yield %while3A_129 : i32
    }
    %while3A_105 = arith.constant 0 : i32
    %while3A_106 = arith.constant 0 : i32
    %while3A_107 = arith.subi %select_n3A_92, %while3A_105 : i32
    %while3A_108 = arith.addi %while3A_105, %while3A_107 : i32
    %while3A_109 = arith.constant 1 : i32
    %while3A_110 = arith.divsi %while3A_107, %while3A_109 : i32
    %while3A_111 = arith.muli %while3A_110, %while3A_109 : i32
    %while3A_112 = arith.addi %while3A_105, %while3A_111 : i32
    %while3A_113 = arith.constant 1 : i32
    %while3A_114 = scf.for %while3A_117 = %while3A_105 to %while3A_112 step %while3A_113 iter_args(%while3A_118 = %while3A_106) -> (i32)  : i32 {
      %mul3A_119 = arith.constant 16 : i32
      %mul3A_120 = arith.muli %while3A_117, %mul3A_119 : i32
      %add3A_121 = arith.addi %arg1, %mul3A_120 : i32
      %mul3A_122 = arith.constant 128 : i32
      %mul3A_123 = arith.muli %add3A_121, %mul3A_122 : i32
      %min3A = arith.constant 10384 : i32
      %min3A_124 = arith.minsi %mul3A_123, %min3A : i32
      %dma_wait3A = arith.constant 0 : i32
      %dma_wait3A_125 = tpu.memref_slice %arg4[%arg0, %min3A_124, %dma_wait3A] : memref<2x10512x128xf32, #tpu.memory_space<hbm>> -> memref<1x128x128xf32, #tpu.memory_space<hbm>>
      %dma_wait3A_126 = tpu.memref_squeeze %dma_wait3A_125 : memref<1x128x128xf32, #tpu.memory_space<hbm>> -> memref<128x128xf32, #tpu.memory_space<hbm>>
      %dma_wait3A_127 = arith.constant 0 : i32
      %dma_wait3A_128 = tpu.memref_slice %arg8[%min3A_124, %dma_wait3A_127] : memref<10520x128xf32, #tpu.memory_space<vmem_shared>> -> memref<128x128xf32, #tpu.memory_space<vmem_shared>>
      tpu.wait_dma2 semaphore(%arg10 : memref<!tpu.dma_semaphore, #tpu.memory_space<semaphore_mem>>) src(%dma_wait3A_128 : memref<128x128xf32, #tpu.memory_space<vmem_shared>>) dst(%dma_wait3A_126 : memref<128x128xf32, #tpu.memory_space<hbm>>)
      %while3A_129 = arith.constant 0 : i32
      scf.yield %while3A_129 : i32
    }
    %while3A_115 = arith.constant 1 : i32
    %while3A_116 = scf.for %while3A_117 = %while3A_112 to %while3A_108 step %while3A_115 iter_args(%while3A_118 = %while3A_114) -> (i32)  : i32 {
      %mul3A_119 = arith.constant 16 : i32
      %mul3A_120 = arith.muli %while3A_117, %mul3A_119 : i32
      %add3A_121 = arith.addi %arg1, %mul3A_120 : i32
      %mul3A_122 = arith.constant 128 : i32
      %mul3A_123 = arith.muli %add3A_121, %mul3A_122 : i32
      %min3A = arith.constant 10384 : i32
      %min3A_124 = arith.minsi %mul3A_123, %min3A : i32
      %dma_wait3A = arith.constant 0 : i32
      %dma_wait3A_125 = tpu.memref_slice %arg4[%arg0, %min3A_124, %dma_wait3A] : memref<2x10512x128xf32, #tpu.memory_space<hbm>> -> memref<1x128x128xf32, #tpu.memory_space<hbm>>
      %dma_wait3A_126 = tpu.memref_squeeze %dma_wait3A_125 : memref<1x128x128xf32, #tpu.memory_space<hbm>> -> memref<128x128xf32, #tpu.memory_space<hbm>>
      %dma_wait3A_127 = arith.constant 0 : i32
      %dma_wait3A_128 = tpu.memref_slice %arg8[%min3A_124, %dma_wait3A_127] : memref<10520x128xf32, #tpu.memory_space<vmem_shared>> -> memref<128x128xf32, #tpu.memory_space<vmem_shared>>
      tpu.wait_dma2 semaphore(%arg10 : memref<!tpu.dma_semaphore, #tpu.memory_space<semaphore_mem>>) src(%dma_wait3A_128 : memref<128x128xf32, #tpu.memory_space<vmem_shared>>) dst(%dma_wait3A_126 : memref<128x128xf32, #tpu.memory_space<hbm>>)
      %while3A_129 = arith.constant 0 : i32
      scf.yield %while3A_129 : i32
    }
    return
  }
}

module attributes {stable_mosaic.version = 14 : i64} {
  func.func @body(%arg0: i32, %arg1: memref<1024x128xf32, #tpu.memory_space<vmem>>, %arg2: memref<128x128xf32, #tpu.memory_space<vmem>>, %arg3: memref<128xf32, #tpu.memory_space<vmem>>, %arg4: memref<128xf32, #tpu.memory_space<vmem>>, %arg5: memref<1024x128xf32, #tpu.memory_space<vmem>>, %arg6: memref<1024x1xf32, #tpu.memory_space<vmem>>, %arg7: memref<1024x1xf32, #tpu.memory_space<vmem>>, %arg8: memref<16xf32, #tpu.memory_space<vmem>>, %arg9: memref<16xf32, #tpu.memory_space<vmem>>) attributes {dimension_semantics = [#tpu.dimension_semantics<arbitrary>], iteration_bounds = array<i64: 11>, scalar_prefetch = 0 : i64, scratch_operands = 0 : i64, tpu.core_type = #tpu.core_type<tc>, window_params = [{transform_indices = @transform_0, window_bounds = array<i64: 1024, 128>}, {pipeline_mode = #tpu.pipeline_mode<synchronous>, transform_indices = @transform_1, window_bounds = array<i64: 128, 128>}, {pipeline_mode = #tpu.pipeline_mode<synchronous>, transform_indices = @transform_2, window_bounds = array<i64: 128>}, {pipeline_mode = #tpu.pipeline_mode<synchronous>, transform_indices = @transform_3, window_bounds = array<i64: 128>}, {transform_indices = @transform_4, window_bounds = array<i64: 1024, 128>}, {transform_indices = @transform_5, window_bounds = array<i64: 1024, 1>}, {transform_indices = @transform_6, window_bounds = array<i64: 1024, 1>}, {pipeline_mode = #tpu.pipeline_mode<synchronous>, transform_indices = @transform_7, window_bounds = array<i64: 16>}, {pipeline_mode = #tpu.pipeline_mode<synchronous>, transform_indices = @transform_8, window_bounds = array<i64: 16>}]} {
    %get3A = arith.constant 0 : index
    %get3A_0 = arith.constant 0 : index
    %get3A_1 = vector.load %arg1[%get3A, %get3A_0] : memref<1024x128xf32, #tpu.memory_space<vmem>>, vector<1024x128xf32>
    %get3A_2 = arith.constant 0 : index
    %get3A_3 = arith.constant 0 : index
    %get3A_4 = vector.load %arg2[%get3A_2, %get3A_3] : memref<128x128xf32, #tpu.memory_space<vmem>>, vector<128x128xf32>
    %dot_general3A = arith.constant dense<0.000000e+00> : vector<1024x128xf32>
    %dot_general3A_5 = tpu.matmul %get3A_1, %get3A_4, %dot_general3A {dimension_numbers = #tpu.dot_dimension_numbers<[1], [0], [0], [1], [0, 0, 1, 1], [], []>, transpose_lhs_hint = false} : vector<1024x128xf32>, vector<128x128xf32>, vector<1024x128xf32> -> vector<1024x128xf32>
    %swap3A = arith.constant 0 : index
    %swap3A_6 = arith.constant 0 : index
    %swap3A_7 = vector.load %arg5[%swap3A, %swap3A_6] : memref<1024x128xf32, #tpu.memory_space<vmem>>, vector<1024x128xf32>
    tpu.vector_store %arg5[%swap3A, %swap3A_6], %dot_general3A_5 {strides = array<i32>} : memref<1024x128xf32, #tpu.memory_space<vmem>>, vector<1024x128xf32>,
    %get3A_8 = arith.constant 0 : index
    %get3A_9 = vector.load %arg3[%get3A_8] : memref<128xf32, #tpu.memory_space<vmem>>, vector<128xf32>
    %broadcast_in_dim3A = vector.shape_cast %get3A_9 : vector<128xf32> to vector<128x1xf32>
    %dot_general3A_10 = arith.constant dense<0.000000e+00> : vector<1024x1xf32>
    %dot_general3A_11 = tpu.matmul %dot_general3A_5, %broadcast_in_dim3A, %dot_general3A_10 {dimension_numbers = #tpu.dot_dimension_numbers<[1], [0], [0], [1], [0, 0, 1, 1], [], []>, transpose_lhs_hint = false} : vector<1024x128xf32>, vector<128x1xf32>, vector<1024x1xf32> -> vector<1024x1xf32>
    %get3A_12 = arith.constant 0 : index
    %get3A_13 = vector.load %arg4[%get3A_12] : memref<128xf32, #tpu.memory_space<vmem>>, vector<128xf32>
    %broadcast_in_dim3A_14 = vector.shape_cast %get3A_13 : vector<128xf32> to vector<128x1xf32>
    %dot_general3A_15 = arith.constant dense<0.000000e+00> : vector<1024x1xf32>
    %dot_general3A_16 = tpu.matmul %dot_general3A_5, %broadcast_in_dim3A_14, %dot_general3A_15 {dimension_numbers = #tpu.dot_dimension_numbers<[1], [0], [0], [1], [0, 0, 1, 1], [], []>, transpose_lhs_hint = false} : vector<1024x128xf32>, vector<128x1xf32>, vector<1024x1xf32> -> vector<1024x1xf32>
    %swap3A_17 = arith.constant 0 : index
    %swap3A_18 = arith.constant 0 : index
    %swap3A_19 = vector.load %arg6[%swap3A_17, %swap3A_18] : memref<1024x1xf32, #tpu.memory_space<vmem>>, vector<1024x1xf32>
    tpu.vector_store %arg6[%swap3A_17, %swap3A_18], %dot_general3A_11 {strides = array<i32>} : memref<1024x1xf32, #tpu.memory_space<vmem>>, vector<1024x1xf32>,
    %swap3A_20 = arith.constant 0 : index
    %swap3A_21 = arith.constant 0 : index
    %swap3A_22 = vector.load %arg7[%swap3A_20, %swap3A_21] : memref<1024x1xf32, #tpu.memory_space<vmem>>, vector<1024x1xf32>
    tpu.vector_store %arg7[%swap3A_20, %swap3A_21], %dot_general3A_16 {strides = array<i32>} : memref<1024x1xf32, #tpu.memory_space<vmem>>, vector<1024x1xf32>,
    %mul3A = arith.constant 1024 : i32
    %mul3A_23 = arith.muli %arg0, %mul3A : i32
    %iota3A = tpu.iota {dimensions = array<i32: 0>} : vector<1024x1xi32>
    %add3A = vector.broadcast %mul3A_23 : i32 to vector<1024x1xi32>
    %add3A_24 = arith.addi %add3A, %iota3A : vector<1024x1xi32>
    %lt3A = arith.constant 10512 : i32
    %lt3A_25 = vector.broadcast %lt3A : i32 to vector<1024x1xi32>
    %lt3A_26 = arith.cmpi slt, %add3A_24, %lt3A_25 : vector<1024x1xi32>
    %jit3A = arith.constant -3.000000e+38 : f32
    %broadcast_in_dim3A_27 = vector.broadcast %jit3A : f32 to vector<1024x1xf32>
    %select_n3A = arith.select %lt3A_26, %dot_general3A_11, %broadcast_in_dim3A_27 : vector<1024x1xi1>, vector<1024x1xf32>
    %reduce_max3A = vector.shape_cast %select_n3A : vector<1024x1xf32> to vector<1x1024x1xf32>
    %reduce_max3A_28 = arith.constant dense<0xFF800000> : vector<1xf32>
    %reduce_max3A_29 = vector.multi_reduction <maximumf>, %reduce_max3A, %reduce_max3A_28 [1, 2] : vector<1x1024x1xf32> to vector<1xf32>
    %reduce_max3A_30 = vector.shape_cast %reduce_max3A_29 : vector<1xf32> to vector<1x1x1xf32>
    %reduce_max3A_31 = vector.extract %reduce_max3A_30[0, 0, 0] : f32 from vector<1x1x1xf32>
    %jit3A_32 = arith.constant -3.000000e+38 : f32
    %broadcast_in_dim3A_33 = vector.broadcast %jit3A_32 : f32 to vector<1024x1xf32>
    %select_n3A_34 = arith.select %lt3A_26, %dot_general3A_16, %broadcast_in_dim3A_33 : vector<1024x1xi1>, vector<1024x1xf32>
    %reduce_max3A_35 = vector.shape_cast %select_n3A_34 : vector<1024x1xf32> to vector<1x1024x1xf32>
    %reduce_max3A_36 = arith.constant dense<0xFF800000> : vector<1xf32>
    %reduce_max3A_37 = vector.multi_reduction <maximumf>, %reduce_max3A_35, %reduce_max3A_36 [1, 2] : vector<1x1024x1xf32> to vector<1xf32>
    %reduce_max3A_38 = vector.shape_cast %reduce_max3A_37 : vector<1xf32> to vector<1x1x1xf32>
    %reduce_max3A_39 = vector.extract %reduce_max3A_38[0, 0, 0] : f32 from vector<1x1x1xf32>
    %eq3A = arith.constant 0 : i32
    %eq3A_40 = arith.cmpi eq, %arg0, %eq3A : i32
    %convert_element_type3A = arith.extui %eq3A_40 : i1 to i32
    %cond3A = arith.constant 0 : i32
    %cond3A_41 = arith.cmpi ne, %convert_element_type3A, %cond3A : i32
    scf.if %cond3A_41 {
      %broadcast_in_dim3A_53 = arith.constant -3.000000e+38 : f32
      %broadcast_in_dim3A_54 = vector.broadcast %broadcast_in_dim3A_53 : f32 to vector<16xf32>
      %swap3A_55 = arith.constant 0 : index
      %swap3A_56 = vector.load %arg8[%swap3A_55] : memref<16xf32, #tpu.memory_space<vmem>>, vector<16xf32>
      tpu.vector_store %arg8[%swap3A_55], %broadcast_in_dim3A_54 {strides = array<i32>} : memref<16xf32, #tpu.memory_space<vmem>>, vector<16xf32>,
      %broadcast_in_dim3A_57 = arith.constant -3.000000e+38 : f32
      %broadcast_in_dim3A_58 = vector.broadcast %broadcast_in_dim3A_57 : f32 to vector<16xf32>
      %swap3A_59 = arith.constant 0 : index
      %swap3A_60 = vector.load %arg9[%swap3A_59] : memref<16xf32, #tpu.memory_space<vmem>>, vector<16xf32>
      tpu.vector_store %arg9[%swap3A_59], %broadcast_in_dim3A_58 {strides = array<i32>} : memref<16xf32, #tpu.memory_space<vmem>>, vector<16xf32>,
    } else {
    }
    %get3A_42 = arith.constant 0 : index
    %get3A_43 = vector.load %arg8[%get3A_42] : memref<16xf32, #tpu.memory_space<vmem>>, vector<16xf32>
    %max3A = vector.broadcast %reduce_max3A_31 : f32 to vector<16xf32>
    %max3A_44 = arith.maximumf %get3A_43, %max3A : vector<16xf32>
    %swap3A_45 = arith.constant 0 : index
    %swap3A_46 = vector.load %arg8[%swap3A_45] : memref<16xf32, #tpu.memory_space<vmem>>, vector<16xf32>
    tpu.vector_store %arg8[%swap3A_45], %max3A_44 {strides = array<i32>} : memref<16xf32, #tpu.memory_space<vmem>>, vector<16xf32>,
    %get3A_47 = arith.constant 0 : index
    %get3A_48 = vector.load %arg9[%get3A_47] : memref<16xf32, #tpu.memory_space<vmem>>, vector<16xf32>
    %max3A_49 = vector.broadcast %reduce_max3A_39 : f32 to vector<16xf32>
    %max3A_50 = arith.maximumf %get3A_48, %max3A_49 : vector<16xf32>
    %swap3A_51 = arith.constant 0 : index
    %swap3A_52 = vector.load %arg9[%swap3A_51] : memref<16xf32, #tpu.memory_space<vmem>>, vector<16xf32>
    tpu.vector_store %arg9[%swap3A_51], %max3A_50 {strides = array<i32>} : memref<16xf32, #tpu.memory_space<vmem>>, vector<16xf32>,
    return
  }
  func.func @transform_0(%arg0: i32) -> (i32, i32) {
    %c0_i32 = arith.constant 0 : i32
    %c0_i32_0 = arith.constant 0 : i32
    return %arg0, %c0_i32 : i32, i32
  }
  func.func @transform_1(%arg0: i32) -> (i32, i32) {
    %c0_i32 = arith.constant 0 : i32
    %c0_i32_0 = arith.constant 0 : i32
    %c0_i32_1 = arith.constant 0 : i32
    return %c0_i32, %c0_i32_0 : i32, i32
  }
  func.func @transform_2(%arg0: i32) -> i32 {
    %c0_i32 = arith.constant 0 : i32
    %c0_i32_0 = arith.constant 0 : i32
    return %c0_i32 : i32
  }
  func.func @transform_3(%arg0: i32) -> i32 {
    %c0_i32 = arith.constant 0 : i32
    %c0_i32_0 = arith.constant 0 : i32
    return %c0_i32 : i32
  }
  func.func @transform_4(%arg0: i32) -> (i32, i32) {
    %c0_i32 = arith.constant 0 : i32
    %c0_i32_0 = arith.constant 0 : i32
    return %arg0, %c0_i32 : i32, i32
  }
  func.func @transform_5(%arg0: i32) -> (i32, i32) {
    %c0_i32 = arith.constant 0 : i32
    %c0_i32_0 = arith.constant 0 : i32
    return %arg0, %c0_i32 : i32, i32
  }
  func.func @transform_6(%arg0: i32) -> (i32, i32) {
    %c0_i32 = arith.constant 0 : i32
    %c0_i32_0 = arith.constant 0 : i32
    return %arg0, %c0_i32 : i32, i32
  }
  func.func @transform_7(%arg0: i32) -> i32 {
    %c0_i32 = arith.constant 0 : i32
    %c0_i32_0 = arith.constant 0 : i32
    return %c0_i32 : i32
  }
  func.func @transform_8(%arg0: i32) -> i32 {
    %c0_i32 = arith.constant 0 : i32
    %c0_i32_0 = arith.constant 0 : i32
    return %c0_i32 : i32
  }
}

module attributes {stable_mosaic.version = 14 : i64} {
  func.func @body(%arg0: i32, %arg1: memref<512x128xf32, #tpu.memory_space<vmem>>, %arg2: memref<2x512x128xf32, #tpu.memory_space<vmem>>, %arg3: memref<128x128xf32, #tpu.memory_space<vmem>>, %arg4: memref<128xf32, #tpu.memory_space<vmem>>, %arg5: memref<128x128xf32, #tpu.memory_space<vmem>>, %arg6: memref<128xf32, #tpu.memory_space<vmem>>, %arg7: memref<128x128xf32, #tpu.memory_space<vmem>>, %arg8: memref<128xf32, #tpu.memory_space<vmem>>, %arg9: memref<128x128xf32, #tpu.memory_space<vmem>>, %arg10: memref<128xf32, #tpu.memory_space<vmem>>, %arg11: memref<512x128xf32, #tpu.memory_space<vmem>>) attributes {dimension_semantics = [#tpu.dimension_semantics<arbitrary>], iteration_bounds = array<i64: 21>, scalar_prefetch = 0 : i64, scratch_operands = 0 : i64, tpu.core_type = #tpu.core_type<tc>, window_params = [{transform_indices = @transform_0, window_bounds = array<i64: 512, 128>}, {transform_indices = @transform_1, window_bounds = array<i64: 2, 512, 128>}, {pipeline_mode = #tpu.pipeline_mode<synchronous>, transform_indices = @transform_2, window_bounds = array<i64: 128, 128>}, {pipeline_mode = #tpu.pipeline_mode<synchronous>, transform_indices = @transform_3, window_bounds = array<i64: 128>}, {pipeline_mode = #tpu.pipeline_mode<synchronous>, transform_indices = @transform_4, window_bounds = array<i64: 128, 128>}, {pipeline_mode = #tpu.pipeline_mode<synchronous>, transform_indices = @transform_5, window_bounds = array<i64: 128>}, {pipeline_mode = #tpu.pipeline_mode<synchronous>, transform_indices = @transform_6, window_bounds = array<i64: 128, 128>}, {pipeline_mode = #tpu.pipeline_mode<synchronous>, transform_indices = @transform_7, window_bounds = array<i64: 128>}, {pipeline_mode = #tpu.pipeline_mode<synchronous>, transform_indices = @transform_8, window_bounds = array<i64: 128, 128>}, {pipeline_mode = #tpu.pipeline_mode<synchronous>, transform_indices = @transform_9, window_bounds = array<i64: 128>}, {transform_indices = @transform_10, window_bounds = array<i64: 512, 128>}]} {
    %eq3A = arith.constant 0 : i32
    %eq3A_0 = arith.cmpi eq, %arg0, %eq3A : i32
    %get3A = arith.constant 0 : index
    %get3A_1 = arith.constant 0 : index
    %get3A_2 = vector.load %arg3[%get3A, %get3A_1] : memref<128x128xf32, #tpu.memory_space<vmem>>, vector<128x128xf32>
    %get3A_3 = arith.constant 0 : index
    %get3A_4 = arith.constant 0 : index
    %get3A_5 = vector.load %arg7[%get3A_3, %get3A_4] : memref<128x128xf32, #tpu.memory_space<vmem>>, vector<128x128xf32>
    %select_n3A = arith.select %eq3A_0, %get3A_2, %get3A_5 : vector<128x128xf32>
    %get3A_6 = arith.constant 0 : index
    %get3A_7 = vector.load %arg4[%get3A_6] : memref<128xf32, #tpu.memory_space<vmem>>, vector<128xf32>
    %get3A_8 = arith.constant 0 : index
    %get3A_9 = vector.load %arg8[%get3A_8] : memref<128xf32, #tpu.memory_space<vmem>>, vector<128xf32>
    %select_n3A_10 = arith.select %eq3A_0, %get3A_7, %get3A_9 : vector<128xf32>
    %get3A_11 = arith.constant 0 : index
    %get3A_12 = arith.constant 0 : index
    %get3A_13 = vector.load %arg5[%get3A_11, %get3A_12] : memref<128x128xf32, #tpu.memory_space<vmem>>, vector<128x128xf32>
    %get3A_14 = arith.constant 0 : index
    %get3A_15 = arith.constant 0 : index
    %get3A_16 = vector.load %arg9[%get3A_14, %get3A_15] : memref<128x128xf32, #tpu.memory_space<vmem>>, vector<128x128xf32>
    %select_n3A_17 = arith.select %eq3A_0, %get3A_13, %get3A_16 : vector<128x128xf32>
    %get3A_18 = arith.constant 0 : index
    %get3A_19 = vector.load %arg6[%get3A_18] : memref<128xf32, #tpu.memory_space<vmem>>, vector<128xf32>
    %get3A_20 = arith.constant 0 : index
    %get3A_21 = vector.load %arg10[%get3A_20] : memref<128xf32, #tpu.memory_space<vmem>>, vector<128xf32>
    %select_n3A_22 = arith.select %eq3A_0, %get3A_19, %get3A_21 : vector<128xf32>
    %get3A_23 = arith.constant 0 : index
    %get3A_24 = arith.constant 0 : index
    %get3A_25 = arith.constant 0 : index
    %get3A_26 = vector.load %arg2[%get3A_23, %get3A_24, %get3A_25] : memref<2x512x128xf32, #tpu.memory_space<vmem>>, vector<2x512x128xf32>
    %get3A_27 = arith.constant 0 : index
    %get3A_28 = arith.constant 0 : index
    %get3A_29 = vector.load %arg1[%get3A_27, %get3A_28] : memref<512x128xf32, #tpu.memory_space<vmem>>, vector<512x128xf32>
    %slice3A = vector.extract_strided_slice %get3A_26 {offsets = [0, 0, 0], sizes = [1, 512, 128], strides = [1, 1, 1]} : vector<2x512x128xf32> to vector<1x512x128xf32>
    %squeeze3A = vector.shape_cast %slice3A : vector<1x512x128xf32> to vector<512x128xf32>
    %add3A = arith.addf %get3A_29, %squeeze3A : vector<512x128xf32>
    %slice3A_30 = vector.extract_strided_slice %get3A_26 {offsets = [1, 0, 0], sizes = [1, 512, 128], strides = [1, 1, 1]} : vector<2x512x128xf32> to vector<1x512x128xf32>
    %squeeze3A_31 = vector.shape_cast %slice3A_30 : vector<1x512x128xf32> to vector<512x128xf32>
    %add3A_32 = arith.addf %add3A, %squeeze3A_31 : vector<512x128xf32>
    %dot_general3A = arith.constant dense<0.000000e+00> : vector<512x128xf32>
    %dot_general3A_33 = tpu.matmul %add3A_32, %select_n3A, %dot_general3A {dimension_numbers = #tpu.dot_dimension_numbers<[1], [0], [0], [1], [0, 0, 1, 1], [], []>, transpose_lhs_hint = false} : vector<512x128xf32>, vector<128x128xf32>, vector<512x128xf32> -> vector<512x128xf32>
    %broadcast_in_dim3A = vector.shape_cast %select_n3A_10 : vector<128xf32> to vector<1x128xf32>
    %add3A_34 = vector.broadcast %broadcast_in_dim3A : vector<1x128xf32> to vector<512x128xf32>
    %add3A_35 = arith.addf %dot_general3A_33, %add3A_34 : vector<512x128xf32>
    %max3A = arith.constant 0.000000e+00 : f32
    %max3A_36 = vector.broadcast %max3A : f32 to vector<512x128xf32>
    %max3A_37 = arith.maximumf %add3A_35, %max3A_36 : vector<512x128xf32>
    %dot_general3A_38 = arith.constant dense<0.000000e+00> : vector<512x128xf32>
    %dot_general3A_39 = tpu.matmul %max3A_37, %select_n3A_17, %dot_general3A_38 {dimension_numbers = #tpu.dot_dimension_numbers<[1], [0], [0], [1], [0, 0, 1, 1], [], []>, transpose_lhs_hint = false} : vector<512x128xf32>, vector<128x128xf32>, vector<512x128xf32> -> vector<512x128xf32>
    %broadcast_in_dim3A_40 = vector.shape_cast %select_n3A_22 : vector<128xf32> to vector<1x128xf32>
    %add3A_41 = vector.broadcast %broadcast_in_dim3A_40 : vector<1x128xf32> to vector<512x128xf32>
    %add3A_42 = arith.addf %dot_general3A_39, %add3A_41 : vector<512x128xf32>
    %max3A_43 = arith.constant 0.000000e+00 : f32
    %max3A_44 = vector.broadcast %max3A_43 : f32 to vector<512x128xf32>
    %max3A_45 = arith.maximumf %add3A_42, %max3A_44 : vector<512x128xf32>
    %swap3A = arith.constant 0 : index
    %swap3A_46 = arith.constant 0 : index
    %swap3A_47 = vector.load %arg11[%swap3A, %swap3A_46] : memref<512x128xf32, #tpu.memory_space<vmem>>, vector<512x128xf32>
    tpu.vector_store %arg11[%swap3A, %swap3A_46], %max3A_45 {strides = array<i32>} : memref<512x128xf32, #tpu.memory_space<vmem>>, vector<512x128xf32>,
    return
  }
  func.func @transform_0(%arg0: i32) -> (i32, i32) {
    %c0_i32 = arith.constant 0 : i32
    %c0_i32_0 = arith.constant 0 : i32
    return %arg0, %c0_i32 : i32, i32
  }
  func.func @transform_1(%arg0: i32) -> (i32, i32, i32) {
    %c0_i32 = arith.constant 0 : i32
    %c0_i32_0 = arith.constant 0 : i32
    %c0_i32_1 = arith.constant 0 : i32
    return %c0_i32, %arg0, %c0_i32_0 : i32, i32, i32
  }
  func.func @transform_2(%arg0: i32) -> (i32, i32) {
    %c0_i32 = arith.constant 0 : i32
    %c0_i32_0 = arith.constant 0 : i32
    %c0_i32_1 = arith.constant 0 : i32
    return %c0_i32, %c0_i32_0 : i32, i32
  }
  func.func @transform_3(%arg0: i32) -> i32 {
    %c0_i32 = arith.constant 0 : i32
    %c0_i32_0 = arith.constant 0 : i32
    return %c0_i32 : i32
  }
  func.func @transform_4(%arg0: i32) -> (i32, i32) {
    %c0_i32 = arith.constant 0 : i32
    %c0_i32_0 = arith.constant 0 : i32
    %c0_i32_1 = arith.constant 0 : i32
    return %c0_i32, %c0_i32_0 : i32, i32
  }
  func.func @transform_5(%arg0: i32) -> i32 {
    %c0_i32 = arith.constant 0 : i32
    %c0_i32_0 = arith.constant 0 : i32
    return %c0_i32 : i32
  }
  func.func @transform_6(%arg0: i32) -> (i32, i32) {
    %c0_i32 = arith.constant 0 : i32
    %c0_i32_0 = arith.constant 0 : i32
    %c0_i32_1 = arith.constant 0 : i32
    return %c0_i32, %c0_i32_0 : i32, i32
  }
  func.func @transform_7(%arg0: i32) -> i32 {
    %c0_i32 = arith.constant 0 : i32
    %c0_i32_0 = arith.constant 0 : i32
    return %c0_i32 : i32
  }
  func.func @transform_8(%arg0: i32) -> (i32, i32) {
    %c0_i32 = arith.constant 0 : i32
    %c0_i32_0 = arith.constant 0 : i32
    %c0_i32_1 = arith.constant 0 : i32
    return %c0_i32, %c0_i32_0 : i32, i32
  }
  func.func @transform_9(%arg0: i32) -> i32 {
    %c0_i32 = arith.constant 0 : i32
    %c0_i32_0 = arith.constant 0 : i32
    return %c0_i32 : i32
  }
  func.func @transform_10(%arg0: i32) -> (i32, i32) {
    %c0_i32 = arith.constant 0 : i32
    %c0_i32_0 = arith.constant 0 : i32
    return %arg0, %c0_i32 : i32, i32
  }
}

module attributes {stable_mosaic.version = 14 : i64} {
  func.func @body(%arg0: i32, %arg1: memref<512x128xf32, #tpu.memory_space<vmem>>, %arg2: memref<2x512x128xf32, #tpu.memory_space<vmem>>, %arg3: memref<128x128xf32, #tpu.memory_space<vmem>>, %arg4: memref<128xf32, #tpu.memory_space<vmem>>, %arg5: memref<128x128xf32, #tpu.memory_space<vmem>>, %arg6: memref<128xf32, #tpu.memory_space<vmem>>, %arg7: memref<128x128xf32, #tpu.memory_space<vmem>>, %arg8: memref<128xf32, #tpu.memory_space<vmem>>, %arg9: memref<128x128xf32, #tpu.memory_space<vmem>>, %arg10: memref<128xf32, #tpu.memory_space<vmem>>, %arg11: memref<512x128xf32, #tpu.memory_space<vmem>>, %arg12: memref<512x256xf32, #tpu.memory_space<vmem>>, %arg13: memref<512x256xf32, #tpu.memory_space<vmem>>, %arg14: memref<1x128xf32, #tpu.memory_space<vmem>>, %arg15: memref<1x128xf32, #tpu.memory_space<vmem>>) attributes {dimension_semantics = [#tpu.dimension_semantics<arbitrary>], iteration_bounds = array<i64: 21>, scalar_prefetch = 0 : i64, scratch_operands = 0 : i64, tpu.core_type = #tpu.core_type<tc>, window_params = [{transform_indices = @transform_0, window_bounds = array<i64: 512, 128>}, {transform_indices = @transform_1, window_bounds = array<i64: 2, 512, 128>}, {pipeline_mode = #tpu.pipeline_mode<synchronous>, transform_indices = @transform_2, window_bounds = array<i64: 128, 128>}, {pipeline_mode = #tpu.pipeline_mode<synchronous>, transform_indices = @transform_3, window_bounds = array<i64: 128>}, {pipeline_mode = #tpu.pipeline_mode<synchronous>, transform_indices = @transform_4, window_bounds = array<i64: 128, 128>}, {pipeline_mode = #tpu.pipeline_mode<synchronous>, transform_indices = @transform_5, window_bounds = array<i64: 128>}, {pipeline_mode = #tpu.pipeline_mode<synchronous>, transform_indices = @transform_6, window_bounds = array<i64: 128, 128>}, {pipeline_mode = #tpu.pipeline_mode<synchronous>, transform_indices = @transform_7, window_bounds = array<i64: 128>}, {pipeline_mode = #tpu.pipeline_mode<synchronous>, transform_indices = @transform_8, window_bounds = array<i64: 128, 128>}, {pipeline_mode = #tpu.pipeline_mode<synchronous>, transform_indices = @transform_9, window_bounds = array<i64: 128>}, {transform_indices = @transform_10, window_bounds = array<i64: 512, 128>}, {pipeline_mode = #tpu.pipeline_mode<synchronous>, transform_indices = @transform_11, window_bounds = array<i64: 512, 256>}, {transform_indices = @transform_12, window_bounds = array<i64: 512, 256>}, {pipeline_mode = #tpu.pipeline_mode<synchronous>, transform_indices = @transform_13, window_bounds = array<i64: 1, 128>}, {pipeline_mode = #tpu.pipeline_mode<synchronous>, transform_indices = @transform_14, window_bounds = array<i64: 1, 128>}]} {
    %eq3A = arith.constant 0 : i32
    %eq3A_0 = arith.cmpi eq, %arg0, %eq3A : i32
    %get3A = arith.constant 0 : index
    %get3A_1 = arith.constant 0 : index
    %get3A_2 = vector.load %arg3[%get3A, %get3A_1] : memref<128x128xf32, #tpu.memory_space<vmem>>, vector<128x128xf32>
    %get3A_3 = arith.constant 0 : index
    %get3A_4 = arith.constant 0 : index
    %get3A_5 = vector.load %arg7[%get3A_3, %get3A_4] : memref<128x128xf32, #tpu.memory_space<vmem>>, vector<128x128xf32>
    %select_n3A = arith.select %eq3A_0, %get3A_2, %get3A_5 : vector<128x128xf32>
    %get3A_6 = arith.constant 0 : index
    %get3A_7 = vector.load %arg4[%get3A_6] : memref<128xf32, #tpu.memory_space<vmem>>, vector<128xf32>
    %get3A_8 = arith.constant 0 : index
    %get3A_9 = vector.load %arg8[%get3A_8] : memref<128xf32, #tpu.memory_space<vmem>>, vector<128xf32>
    %select_n3A_10 = arith.select %eq3A_0, %get3A_7, %get3A_9 : vector<128xf32>
    %get3A_11 = arith.constant 0 : index
    %get3A_12 = arith.constant 0 : index
    %get3A_13 = vector.load %arg5[%get3A_11, %get3A_12] : memref<128x128xf32, #tpu.memory_space<vmem>>, vector<128x128xf32>
    %get3A_14 = arith.constant 0 : index
    %get3A_15 = arith.constant 0 : index
    %get3A_16 = vector.load %arg9[%get3A_14, %get3A_15] : memref<128x128xf32, #tpu.memory_space<vmem>>, vector<128x128xf32>
    %select_n3A_17 = arith.select %eq3A_0, %get3A_13, %get3A_16 : vector<128x128xf32>
    %get3A_18 = arith.constant 0 : index
    %get3A_19 = vector.load %arg6[%get3A_18] : memref<128xf32, #tpu.memory_space<vmem>>, vector<128xf32>
    %get3A_20 = arith.constant 0 : index
    %get3A_21 = vector.load %arg10[%get3A_20] : memref<128xf32, #tpu.memory_space<vmem>>, vector<128xf32>
    %select_n3A_22 = arith.select %eq3A_0, %get3A_19, %get3A_21 : vector<128xf32>
    %get3A_23 = arith.constant 0 : index
    %get3A_24 = arith.constant 0 : index
    %get3A_25 = arith.constant 0 : index
    %get3A_26 = vector.load %arg2[%get3A_23, %get3A_24, %get3A_25] : memref<2x512x128xf32, #tpu.memory_space<vmem>>, vector<2x512x128xf32>
    %get3A_27 = arith.constant 0 : index
    %get3A_28 = arith.constant 0 : index
    %get3A_29 = vector.load %arg1[%get3A_27, %get3A_28] : memref<512x128xf32, #tpu.memory_space<vmem>>, vector<512x128xf32>
    %slice3A = vector.extract_strided_slice %get3A_26 {offsets = [0, 0, 0], sizes = [1, 512, 128], strides = [1, 1, 1]} : vector<2x512x128xf32> to vector<1x512x128xf32>
    %squeeze3A = vector.shape_cast %slice3A : vector<1x512x128xf32> to vector<512x128xf32>
    %add3A = arith.addf %get3A_29, %squeeze3A : vector<512x128xf32>
    %slice3A_30 = vector.extract_strided_slice %get3A_26 {offsets = [1, 0, 0], sizes = [1, 512, 128], strides = [1, 1, 1]} : vector<2x512x128xf32> to vector<1x512x128xf32>
    %squeeze3A_31 = vector.shape_cast %slice3A_30 : vector<1x512x128xf32> to vector<512x128xf32>
    %add3A_32 = arith.addf %add3A, %squeeze3A_31 : vector<512x128xf32>
    %dot_general3A = arith.constant dense<0.000000e+00> : vector<512x128xf32>
    %dot_general3A_33 = tpu.matmul %add3A_32, %select_n3A, %dot_general3A {dimension_numbers = #tpu.dot_dimension_numbers<[1], [0], [0], [1], [0, 0, 1, 1], [], []>, transpose_lhs_hint = false} : vector<512x128xf32>, vector<128x128xf32>, vector<512x128xf32> -> vector<512x128xf32>
    %broadcast_in_dim3A = vector.shape_cast %select_n3A_10 : vector<128xf32> to vector<1x128xf32>
    %add3A_34 = vector.broadcast %broadcast_in_dim3A : vector<1x128xf32> to vector<512x128xf32>
    %add3A_35 = arith.addf %dot_general3A_33, %add3A_34 : vector<512x128xf32>
    %max3A = arith.constant 0.000000e+00 : f32
    %max3A_36 = vector.broadcast %max3A : f32 to vector<512x128xf32>
    %max3A_37 = arith.maximumf %add3A_35, %max3A_36 : vector<512x128xf32>
    %dot_general3A_38 = arith.constant dense<0.000000e+00> : vector<512x128xf32>
    %dot_general3A_39 = tpu.matmul %max3A_37, %select_n3A_17, %dot_general3A_38 {dimension_numbers = #tpu.dot_dimension_numbers<[1], [0], [0], [1], [0, 0, 1, 1], [], []>, transpose_lhs_hint = false} : vector<512x128xf32>, vector<128x128xf32>, vector<512x128xf32> -> vector<512x128xf32>
    %broadcast_in_dim3A_40 = vector.shape_cast %select_n3A_22 : vector<128xf32> to vector<1x128xf32>
    %add3A_41 = vector.broadcast %broadcast_in_dim3A_40 : vector<1x128xf32> to vector<512x128xf32>
    %add3A_42 = arith.addf %dot_general3A_39, %add3A_41 : vector<512x128xf32>
    %get3A_43 = arith.constant 0 : index
    %get3A_44 = arith.constant 0 : index
    %get3A_45 = vector.load %arg11[%get3A_43, %get3A_44] : memref<512x128xf32, #tpu.memory_space<vmem>>, vector<512x128xf32>
    %convert_element_type3A = arith.extui %eq3A_0 : i1 to i32
    %cond3A = arith.constant 0 : i32
    %cond3A_46 = arith.cmpi ne, %convert_element_type3A, %cond3A : i32
    scf.if %cond3A_46 {
      %swap3A = arith.constant 0 : index
      %swap3A_51 = arith.constant 0 : index
      %swap3A_52 = vector.load %arg12[%swap3A, %swap3A_51] : memref<512x256xf32, #tpu.memory_space<vmem>>, vector<512x128xf32>
      tpu.vector_store %arg12[%swap3A, %swap3A_51], %add3A_42 {strides = array<i32>} : memref<512x256xf32, #tpu.memory_space<vmem>>, vector<512x128xf32>,
      %swap3A_53 = arith.constant 0 : index
      %swap3A_54 = arith.constant 128 : index
      %swap3A_55 = vector.load %arg12[%swap3A_53, %swap3A_54] : memref<512x256xf32, #tpu.memory_space<vmem>>, vector<512x128xf32>
      tpu.vector_store %arg12[%swap3A_53, %swap3A_54], %get3A_45 {strides = array<i32>} : memref<512x256xf32, #tpu.memory_space<vmem>>, vector<512x128xf32>,
      %reduce_sum3A = arith.constant dense<0.000000e+00> : vector<128xf32>
      %reduce_sum3A_56 = vector.multi_reduction <add>, %add3A_42, %reduce_sum3A [0] : vector<512x128xf32> to vector<128xf32>
      %broadcast_in_dim3A_57 = vector.shape_cast %reduce_sum3A_56 : vector<128xf32> to vector<1x128xf32>
      %swap3A_58 = arith.constant 0 : index
      %swap3A_59 = arith.constant 0 : index
      %swap3A_60 = vector.load %arg14[%swap3A_58, %swap3A_59] : memref<1x128xf32, #tpu.memory_space<vmem>>, vector<1x128xf32>
      tpu.vector_store %arg14[%swap3A_58, %swap3A_59], %broadcast_in_dim3A_57 {strides = array<i32>} : memref<1x128xf32, #tpu.memory_space<vmem>>, vector<1x128xf32>,
      %broadcast_in_dim3A_61 = arith.constant 0.000000e+00 : f32
      %broadcast_in_dim3A_62 = vector.broadcast %broadcast_in_dim3A_61 : f32 to vector<1x128xf32>
      %swap3A_63 = arith.constant 0 : index
      %swap3A_64 = arith.constant 0 : index
      %swap3A_65 = vector.load %arg15[%swap3A_63, %swap3A_64] : memref<1x128xf32, #tpu.memory_space<vmem>>, vector<1x128xf32>
      tpu.vector_store %arg15[%swap3A_63, %swap3A_64], %broadcast_in_dim3A_62 {strides = array<i32>} : memref<1x128xf32, #tpu.memory_space<vmem>>, vector<1x128xf32>,
    } else {
    }
    %not3A = arith.constant true
    %not3A_47 = arith.xori %eq3A_0, %not3A : i1
    %convert_element_type3A_48 = arith.extui %not3A_47 : i1 to i32
    %cond3A_49 = arith.constant 0 : i32
    %cond3A_50 = arith.cmpi ne, %convert_element_type3A_48, %cond3A_49 : i32
    scf.if %cond3A_50 {
      %swap3A = arith.constant 0 : index
      %swap3A_51 = arith.constant 0 : index
      %swap3A_52 = vector.load %arg13[%swap3A, %swap3A_51] : memref<512x256xf32, #tpu.memory_space<vmem>>, vector<512x128xf32>
      tpu.vector_store %arg13[%swap3A, %swap3A_51], %add3A_42 {strides = array<i32>} : memref<512x256xf32, #tpu.memory_space<vmem>>, vector<512x128xf32>,
      %swap3A_53 = arith.constant 0 : index
      %swap3A_54 = arith.constant 128 : index
      %swap3A_55 = vector.load %arg13[%swap3A_53, %swap3A_54] : memref<512x256xf32, #tpu.memory_space<vmem>>, vector<512x128xf32>
      tpu.vector_store %arg13[%swap3A_53, %swap3A_54], %get3A_45 {strides = array<i32>} : memref<512x256xf32, #tpu.memory_space<vmem>>, vector<512x128xf32>,
      %mul3A = arith.constant 512 : i32
      %mul3A_56 = arith.muli %arg0, %mul3A : i32
      %iota3A = tpu.iota {dimensions = array<i32: 0>} : vector<512x1xi32>
      %add3A_57 = vector.broadcast %mul3A_56 : i32 to vector<512x1xi32>
      %add3A_58 = arith.addi %add3A_57, %iota3A : vector<512x1xi32>
      %get3A_59 = arith.constant 0 : index
      %get3A_60 = arith.constant 0 : index
      %get3A_61 = vector.load %arg15[%get3A_59, %get3A_60] : memref<1x128xf32, #tpu.memory_space<vmem>>, vector<1x128xf32>
      %lt3A = arith.constant 10512 : i32
      %lt3A_62 = vector.broadcast %lt3A : i32 to vector<512x1xi32>
      %lt3A_63 = arith.cmpi slt, %add3A_58, %lt3A_62 : vector<512x1xi32>
      %jit3A = arith.constant 0.000000e+00 : f32
      %broadcast_in_dim3A_64 = vector.shape_cast %lt3A_63 : vector<512x1xi1> to vector<512x1xi1>
      %broadcast_in_dim3A_65 = vector.broadcast %broadcast_in_dim3A_64 : vector<512x1xi1> to vector<512x128xi1>
      %broadcast_in_dim3A_66 = vector.broadcast %jit3A : f32 to vector<512x128xf32>
      %select_n3A_67 = arith.select %broadcast_in_dim3A_65, %add3A_42, %broadcast_in_dim3A_66 : vector<512x128xi1>, vector<512x128xf32>
      %reduce_sum3A = arith.constant dense<0.000000e+00> : vector<128xf32>
      %reduce_sum3A_68 = vector.multi_reduction <add>, %select_n3A_67, %reduce_sum3A [0] : vector<512x128xf32> to vector<128xf32>
      %broadcast_in_dim3A_69 = vector.shape_cast %reduce_sum3A_68 : vector<128xf32> to vector<1x128xf32>
      %add3A_70 = arith.addf %get3A_61, %broadcast_in_dim3A_69 : vector<1x128xf32>
      %swap3A_71 = arith.constant 0 : index
      %swap3A_72 = arith.constant 0 : index
      %swap3A_73 = vector.load %arg15[%swap3A_71, %swap3A_72] : memref<1x128xf32, #tpu.memory_space<vmem>>, vector<1x128xf32>
      tpu.vector_store %arg15[%swap3A_71, %swap3A_72], %add3A_70 {strides = array<i32>} : memref<1x128xf32, #tpu.memory_space<vmem>>, vector<1x128xf32>,
    } else {
    }
    return
  }
  func.func @transform_0(%arg0: i32) -> (i32, i32) {
    %c0_i32 = arith.constant 0 : i32
    %c0_i32_0 = arith.constant 0 : i32
    return %arg0, %c0_i32 : i32, i32
  }
  func.func @transform_1(%arg0: i32) -> (i32, i32, i32) {
    %c0_i32 = arith.constant 0 : i32
    %c0_i32_0 = arith.constant 0 : i32
    %c0_i32_1 = arith.constant 0 : i32
    return %c0_i32, %arg0, %c0_i32_0 : i32, i32, i32
  }
  func.func @transform_2(%arg0: i32) -> (i32, i32) {
    %c0_i32 = arith.constant 0 : i32
    %c0_i32_0 = arith.constant 0 : i32
    %c0_i32_1 = arith.constant 0 : i32
    return %c0_i32, %c0_i32_0 : i32, i32
  }
  func.func @transform_3(%arg0: i32) -> i32 {
    %c0_i32 = arith.constant 0 : i32
    %c0_i32_0 = arith.constant 0 : i32
    return %c0_i32 : i32
  }
  func.func @transform_4(%arg0: i32) -> (i32, i32) {
    %c0_i32 = arith.constant 0 : i32
    %c0_i32_0 = arith.constant 0 : i32
    %c0_i32_1 = arith.constant 0 : i32
    return %c0_i32, %c0_i32_0 : i32, i32
  }
  func.func @transform_5(%arg0: i32) -> i32 {
    %c0_i32 = arith.constant 0 : i32
    %c0_i32_0 = arith.constant 0 : i32
    return %c0_i32 : i32
  }
  func.func @transform_6(%arg0: i32) -> (i32, i32) {
    %c0_i32 = arith.constant 0 : i32
    %c0_i32_0 = arith.constant 0 : i32
    %c0_i32_1 = arith.constant 0 : i32
    return %c0_i32, %c0_i32_0 : i32, i32
  }
  func.func @transform_7(%arg0: i32) -> i32 {
    %c0_i32 = arith.constant 0 : i32
    %c0_i32_0 = arith.constant 0 : i32
    return %c0_i32 : i32
  }
  func.func @transform_8(%arg0: i32) -> (i32, i32) {
    %c0_i32 = arith.constant 0 : i32
    %c0_i32_0 = arith.constant 0 : i32
    %c0_i32_1 = arith.constant 0 : i32
    return %c0_i32, %c0_i32_0 : i32, i32
  }
  func.func @transform_9(%arg0: i32) -> i32 {
    %c0_i32 = arith.constant 0 : i32
    %c0_i32_0 = arith.constant 0 : i32
    return %c0_i32 : i32
  }
  func.func @transform_10(%arg0: i32) -> (i32, i32) {
    %c0_i32 = arith.constant 0 : i32
    %c0_i32_0 = arith.constant 0 : i32
    return %arg0, %c0_i32 : i32, i32
  }
  func.func @transform_11(%arg0: i32) -> (i32, i32) {
    %c0_i32 = arith.constant 0 : i32
    %c0_i32_0 = arith.constant 0 : i32
    %c0_i32_1 = arith.constant 0 : i32
    return %c0_i32, %c0_i32_0 : i32, i32
  }
  func.func @transform_12(%arg0: i32) -> (i32, i32) {
    %sub3A = arith.constant 1 : i32
    %sub3A_0 = arith.subi %arg0, %sub3A : i32
    %max3A = arith.constant 0 : i32
    %max3A_1 = arith.maxsi %sub3A_0, %max3A : i32
    %c0_i32 = arith.constant 0 : i32
    %c0_i32_2 = arith.constant 0 : i32
    return %max3A_1, %c0_i32 : i32, i32
  }
  func.func @transform_13(%arg0: i32) -> (i32, i32) {
    %c0_i32 = arith.constant 0 : i32
    %c0_i32_0 = arith.constant 0 : i32
    %c0_i32_1 = arith.constant 0 : i32
    return %c0_i32, %c0_i32_0 : i32, i32
  }
  func.func @transform_14(%arg0: i32) -> (i32, i32) {
    %c0_i32 = arith.constant 0 : i32
    %c0_i32_0 = arith.constant 0 : i32
    %c0_i32_1 = arith.constant 0 : i32
    return %c0_i32, %c0_i32_0 : i32, i32
  }
}

module attributes {stable_mosaic.version = 14 : i64} {
  func.func @body(%arg0: i32, %arg1: memref<2x1024x128xf32, #tpu.memory_space<vmem>>, %arg2: memref<2x1024xf32, #tpu.memory_space<vmem>>, %arg3: memref<128xf32, #tpu.memory_space<vmem>>, %arg4: memref<1024x128xf32, #tpu.memory_space<vmem>>, %arg5: memref<1x128xf32, #tpu.memory_space<vmem>>, %arg6: memref<1x128xf32, #tpu.memory_space<vmem>>) attributes {dimension_semantics = [#tpu.dimension_semantics<arbitrary>], iteration_bounds = array<i64: 11>, scalar_prefetch = 0 : i64, scratch_operands = 0 : i64, tpu.core_type = #tpu.core_type<tc>, window_params = [{transform_indices = @transform_0, window_bounds = array<i64: 2, 1024, 128>}, {transform_indices = @transform_1, window_bounds = array<i64: 2, 1024>}, {pipeline_mode = #tpu.pipeline_mode<synchronous>, transform_indices = @transform_2, window_bounds = array<i64: 128>}, {transform_indices = @transform_3, window_bounds = array<i64: 1024, 128>}, {pipeline_mode = #tpu.pipeline_mode<synchronous>, transform_indices = @transform_4, window_bounds = array<i64: 1, 128>}, {pipeline_mode = #tpu.pipeline_mode<synchronous>, transform_indices = @transform_5, window_bounds = array<i64: 1, 128>}]} {
    %get3A = arith.constant 0 : index
    %get3A_0 = arith.constant 0 : index
    %get3A_1 = arith.constant 0 : index
    %get3A_2 = vector.load %arg1[%get3A, %get3A_0, %get3A_1] : memref<2x1024x128xf32, #tpu.memory_space<vmem>>, vector<2x1024x128xf32>
    %slice3A = vector.extract_strided_slice %get3A_2 {offsets = [0, 0, 0], sizes = [1, 1024, 128], strides = [1, 1, 1]} : vector<2x1024x128xf32> to vector<1x1024x128xf32>
    %squeeze3A = vector.shape_cast %slice3A : vector<1x1024x128xf32> to vector<1024x128xf32>
    %get3A_3 = arith.constant 0 : index
    %get3A_4 = arith.constant 0 : index
    %get3A_5 = arith.constant 0 : index
    %get3A_6 = vector.load %arg1[%get3A_3, %get3A_4, %get3A_5] : memref<2x1024x128xf32, #tpu.memory_space<vmem>>, vector<2x1024x128xf32>
    %slice3A_7 = vector.extract_strided_slice %get3A_6 {offsets = [1, 0, 0], sizes = [1, 1024, 128], strides = [1, 1, 1]} : vector<2x1024x128xf32> to vector<1x1024x128xf32>
    %squeeze3A_8 = vector.shape_cast %slice3A_7 : vector<1x1024x128xf32> to vector<1024x128xf32>
    %add3A = arith.addf %squeeze3A, %squeeze3A_8 : vector<1024x128xf32>
    %get3A_9 = arith.constant 0 : index
    %get3A_10 = arith.constant 0 : index
    %get3A_11 = vector.load %arg2[%get3A_9, %get3A_10] : memref<2x1024xf32, #tpu.memory_space<vmem>>, vector<2x1024xf32>
    %slice3A_12 = vector.extract_strided_slice %get3A_11 {offsets = [0, 0], sizes = [1, 1024], strides = [1, 1]} : vector<2x1024xf32> to vector<1x1024xf32>
    %squeeze3A_13 = vector.shape_cast %slice3A_12 : vector<1x1024xf32> to vector<1024xf32>
    %get3A_14 = arith.constant 0 : index
    %get3A_15 = arith.constant 0 : index
    %get3A_16 = vector.load %arg2[%get3A_14, %get3A_15] : memref<2x1024xf32, #tpu.memory_space<vmem>>, vector<2x1024xf32>
    %slice3A_17 = vector.extract_strided_slice %get3A_16 {offsets = [1, 0], sizes = [1, 1024], strides = [1, 1]} : vector<2x1024xf32> to vector<1x1024xf32>
    %squeeze3A_18 = vector.shape_cast %slice3A_17 : vector<1x1024xf32> to vector<1024xf32>
    %add3A_19 = arith.addf %squeeze3A_13, %squeeze3A_18 : vector<1024xf32>
    %add3A_20 = arith.constant 1.000000e-16 : f32
    %add3A_21 = vector.broadcast %add3A_20 : f32 to vector<1024xf32>
    %add3A_22 = arith.addf %add3A_19, %add3A_21 : vector<1024xf32>
    %broadcast_in_dim3A = vector.shape_cast %add3A_22 : vector<1024xf32> to vector<1024x1xf32>
    %div3A = vector.broadcast %broadcast_in_dim3A : vector<1024x1xf32> to vector<1024x128xf32>
    %div3A_23 = arith.divf %add3A, %div3A : vector<1024x128xf32>
    %get3A_24 = arith.constant 0 : index
    %get3A_25 = vector.load %arg3[%get3A_24] : memref<128xf32, #tpu.memory_space<vmem>>, vector<128xf32>
    %broadcast_in_dim3A_26 = vector.shape_cast %get3A_25 : vector<128xf32> to vector<1x128xf32>
    %add3A_27 = vector.broadcast %broadcast_in_dim3A_26 : vector<1x128xf32> to vector<1024x128xf32>
    %add3A_28 = arith.addf %div3A_23, %add3A_27 : vector<1024x128xf32>
    %swap3A = arith.constant 0 : index
    %swap3A_29 = arith.constant 0 : index
    %swap3A_30 = vector.load %arg4[%swap3A, %swap3A_29] : memref<1024x128xf32, #tpu.memory_space<vmem>>, vector<1024x128xf32>
    tpu.vector_store %arg4[%swap3A, %swap3A_29], %add3A_28 {strides = array<i32>} : memref<1024x128xf32, #tpu.memory_space<vmem>>, vector<1024x128xf32>,
    %mul3A = arith.constant 1024 : i32
    %mul3A_31 = arith.muli %arg0, %mul3A : i32
    %iota3A = tpu.iota {dimensions = array<i32: 0>} : vector<1024x1xi32>
    %add3A_32 = vector.broadcast %mul3A_31 : i32 to vector<1024x1xi32>
    %add3A_33 = arith.addi %add3A_32, %iota3A : vector<1024x1xi32>
    %lt3A = arith.constant 10512 : i32
    %lt3A_34 = vector.broadcast %lt3A : i32 to vector<1024x1xi32>
    %lt3A_35 = arith.cmpi slt, %add3A_33, %lt3A_34 : vector<1024x1xi32>
    %jit3A = arith.constant 0.000000e+00 : f32
    %broadcast_in_dim3A_36 = vector.shape_cast %lt3A_35 : vector<1024x1xi1> to vector<1024x1xi1>
    %broadcast_in_dim3A_37 = vector.broadcast %broadcast_in_dim3A_36 : vector<1024x1xi1> to vector<1024x128xi1>
    %broadcast_in_dim3A_38 = vector.broadcast %jit3A : f32 to vector<1024x128xf32>
    %select_n3A = arith.select %broadcast_in_dim3A_37, %add3A_28, %broadcast_in_dim3A_38 : vector<1024x128xi1>, vector<1024x128xf32>
    %lt3A_39 = arith.constant 512 : i32
    %lt3A_40 = vector.broadcast %lt3A_39 : i32 to vector<1024x1xi32>
    %lt3A_41 = arith.cmpi slt, %add3A_33, %lt3A_40 : vector<1024x1xi32>
    %eq3A = arith.constant 0 : i32
    %eq3A_42 = arith.cmpi eq, %arg0, %eq3A : i32
    %convert_element_type3A = arith.extui %eq3A_42 : i1 to i32
    %cond3A = arith.constant 0 : i32
    %cond3A_43 = arith.cmpi ne, %convert_element_type3A, %cond3A : i32
    scf.if %cond3A_43 {
      %broadcast_in_dim3A_73 = arith.constant 0.000000e+00 : f32
      %broadcast_in_dim3A_74 = vector.broadcast %broadcast_in_dim3A_73 : f32 to vector<1x128xf32>
      %swap3A_75 = arith.constant 0 : index
      %swap3A_76 = arith.constant 0 : index
      %swap3A_77 = vector.load %arg5[%swap3A_75, %swap3A_76] : memref<1x128xf32, #tpu.memory_space<vmem>>, vector<1x128xf32>
      tpu.vector_store %arg5[%swap3A_75, %swap3A_76], %broadcast_in_dim3A_74 {strides = array<i32>} : memref<1x128xf32, #tpu.memory_space<vmem>>, vector<1x128xf32>,
      %broadcast_in_dim3A_78 = arith.constant 0.000000e+00 : f32
      %broadcast_in_dim3A_79 = vector.broadcast %broadcast_in_dim3A_78 : f32 to vector<1x128xf32>
      %swap3A_80 = arith.constant 0 : index
      %swap3A_81 = arith.constant 0 : index
      %swap3A_82 = vector.load %arg6[%swap3A_80, %swap3A_81] : memref<1x128xf32, #tpu.memory_space<vmem>>, vector<1x128xf32>
      tpu.vector_store %arg6[%swap3A_80, %swap3A_81], %broadcast_in_dim3A_79 {strides = array<i32>} : memref<1x128xf32, #tpu.memory_space<vmem>>, vector<1x128xf32>,
    } else {
    }
    %get3A_44 = arith.constant 0 : index
    %get3A_45 = arith.constant 0 : index
    %get3A_46 = vector.load %arg5[%get3A_44, %get3A_45] : memref<1x128xf32, #tpu.memory_space<vmem>>, vector<1x128xf32>
    %jit3A_47 = arith.constant 0.000000e+00 : f32
    %broadcast_in_dim3A_48 = vector.shape_cast %lt3A_41 : vector<1024x1xi1> to vector<1024x1xi1>
    %broadcast_in_dim3A_49 = vector.broadcast %broadcast_in_dim3A_48 : vector<1024x1xi1> to vector<1024x128xi1>
    %broadcast_in_dim3A_50 = vector.broadcast %jit3A_47 : f32 to vector<1024x128xf32>
    %select_n3A_51 = arith.select %broadcast_in_dim3A_49, %select_n3A, %broadcast_in_dim3A_50 : vector<1024x128xi1>, vector<1024x128xf32>
    %reduce_sum3A = arith.constant dense<0.000000e+00> : vector<128xf32>
    %reduce_sum3A_52 = vector.multi_reduction <add>, %select_n3A_51, %reduce_sum3A [0] : vector<1024x128xf32> to vector<128xf32>
    %broadcast_in_dim3A_53 = vector.shape_cast %reduce_sum3A_52 : vector<128xf32> to vector<1x128xf32>
    %add3A_54 = arith.addf %get3A_46, %broadcast_in_dim3A_53 : vector<1x128xf32>
    %swap3A_55 = arith.constant 0 : index
    %swap3A_56 = arith.constant 0 : index
    %swap3A_57 = vector.load %arg5[%swap3A_55, %swap3A_56] : memref<1x128xf32, #tpu.memory_space<vmem>>, vector<1x128xf32>
    tpu.vector_store %arg5[%swap3A_55, %swap3A_56], %add3A_54 {strides = array<i32>} : memref<1x128xf32, #tpu.memory_space<vmem>>, vector<1x128xf32>,
    %get3A_58 = arith.constant 0 : index
    %get3A_59 = arith.constant 0 : index
    %get3A_60 = vector.load %arg6[%get3A_58, %get3A_59] : memref<1x128xf32, #tpu.memory_space<vmem>>, vector<1x128xf32>
    %jit3A_61 = arith.constant 0.000000e+00 : f32
    %broadcast_in_dim3A_62 = vector.shape_cast %lt3A_41 : vector<1024x1xi1> to vector<1024x1xi1>
    %broadcast_in_dim3A_63 = vector.broadcast %broadcast_in_dim3A_62 : vector<1024x1xi1> to vector<1024x128xi1>
    %broadcast_in_dim3A_64 = vector.broadcast %jit3A_61 : f32 to vector<1024x128xf32>
    %select_n3A_65 = arith.select %broadcast_in_dim3A_63, %broadcast_in_dim3A_64, %select_n3A : vector<1024x128xi1>, vector<1024x128xf32>
    %reduce_sum3A_66 = arith.constant dense<0.000000e+00> : vector<128xf32>
    %reduce_sum3A_67 = vector.multi_reduction <add>, %select_n3A_65, %reduce_sum3A_66 [0] : vector<1024x128xf32> to vector<128xf32>
    %broadcast_in_dim3A_68 = vector.shape_cast %reduce_sum3A_67 : vector<128xf32> to vector<1x128xf32>
    %add3A_69 = arith.addf %get3A_60, %broadcast_in_dim3A_68 : vector<1x128xf32>
    %swap3A_70 = arith.constant 0 : index
    %swap3A_71 = arith.constant 0 : index
    %swap3A_72 = vector.load %arg6[%swap3A_70, %swap3A_71] : memref<1x128xf32, #tpu.memory_space<vmem>>, vector<1x128xf32>
    tpu.vector_store %arg6[%swap3A_70, %swap3A_71], %add3A_69 {strides = array<i32>} : memref<1x128xf32, #tpu.memory_space<vmem>>, vector<1x128xf32>,
    return
  }
  func.func @transform_0(%arg0: i32) -> (i32, i32, i32) {
    %c0_i32 = arith.constant 0 : i32
    %c0_i32_0 = arith.constant 0 : i32
    %c0_i32_1 = arith.constant 0 : i32
    return %c0_i32, %arg0, %c0_i32_0 : i32, i32, i32
  }
  func.func @transform_1(%arg0: i32) -> (i32, i32) {
    %c0_i32 = arith.constant 0 : i32
    %c0_i32_0 = arith.constant 0 : i32
    return %c0_i32, %arg0 : i32, i32
  }
  func.func @transform_2(%arg0: i32) -> i32 {
    %c0_i32 = arith.constant 0 : i32
    %c0_i32_0 = arith.constant 0 : i32
    return %c0_i32 : i32
  }
  func.func @transform_3(%arg0: i32) -> (i32, i32) {
    %c0_i32 = arith.constant 0 : i32
    %c0_i32_0 = arith.constant 0 : i32
    return %arg0, %c0_i32 : i32, i32
  }
  func.func @transform_4(%arg0: i32) -> (i32, i32) {
    %c0_i32 = arith.constant 0 : i32
    %c0_i32_0 = arith.constant 0 : i32
    %c0_i32_1 = arith.constant 0 : i32
    return %c0_i32, %c0_i32_0 : i32, i32
  }
  func.func @transform_5(%arg0: i32) -> (i32, i32) {
    %c0_i32 = arith.constant 0 : i32
    %c0_i32_0 = arith.constant 0 : i32
    %c0_i32_1 = arith.constant 0 : i32
    return %c0_i32, %c0_i32_0 : i32, i32
  }
}

module attributes {stable_mosaic.version = 14 : i64} {
  func.func @body(%arg0: memref<1x128xf32, #tpu.memory_space<vmem>>, %arg1: memref<1x128xf32, #tpu.memory_space<vmem>>, %arg2: memref<1x128xf32, #tpu.memory_space<vmem>>, %arg3: memref<1x128xf32, #tpu.memory_space<vmem>>, %arg4: memref<512x256xf32, #tpu.memory_space<vmem>>, %arg5: memref<256xf32, #tpu.memory_space<vmem>>, %arg6: memref<256x128xf32, #tpu.memory_space<vmem>>, %arg7: memref<128xf32, #tpu.memory_space<vmem>>, %arg8: memref<128x64xf32, #tpu.memory_space<vmem>>, %arg9: memref<64xf32, #tpu.memory_space<vmem>>, %arg10: memref<64x1xf32, #tpu.memory_space<vmem>>, %arg11: memref<1xf32, #tpu.memory_space<vmem>>, %arg12: memref<1x1xf32, #tpu.memory_space<vmem>>) attributes {dimension_semantics = [], scalar_prefetch = 0 : i64, scratch_operands = 0 : i64, tpu.core_type = #tpu.core_type<tc>} {
    %get3A = arith.constant 0 : index
    %get3A_0 = arith.constant 0 : index
    %get3A_1 = vector.load %arg4[%get3A, %get3A_0] : memref<512x256xf32, #tpu.memory_space<vmem>>, vector<512x256xf32>
    %get3A_2 = arith.constant 0 : index
    %get3A_3 = arith.constant 0 : index
    %get3A_4 = vector.load %arg0[%get3A_2, %get3A_3] : memref<1x128xf32, #tpu.memory_space<vmem>>, vector<1x128xf32>
    %slice3A = vector.extract_strided_slice %get3A_1 {offsets = [0, 0], sizes = [128, 256], strides = [1, 1]} : vector<512x256xf32> to vector<128x256xf32>
    %dot_general3A = arith.constant dense<0.000000e+00> : vector<1x256xf32>
    %dot_general3A_5 = tpu.matmul %get3A_4, %slice3A, %dot_general3A {dimension_numbers = #tpu.dot_dimension_numbers<[1], [0], [0], [1], [0, 0, 1, 1], [], []>, transpose_lhs_hint = false} : vector<1x128xf32>, vector<128x256xf32>, vector<1x256xf32> -> vector<1x256xf32>
    %get3A_6 = arith.constant 0 : index
    %get3A_7 = arith.constant 0 : index
    %get3A_8 = vector.load %arg1[%get3A_6, %get3A_7] : memref<1x128xf32, #tpu.memory_space<vmem>>, vector<1x128xf32>
    %slice3A_9 = vector.extract_strided_slice %get3A_1 {offsets = [128, 0], sizes = [128, 256], strides = [1, 1]} : vector<512x256xf32> to vector<128x256xf32>
    %dot_general3A_10 = arith.constant dense<0.000000e+00> : vector<1x256xf32>
    %dot_general3A_11 = tpu.matmul %get3A_8, %slice3A_9, %dot_general3A_10 {dimension_numbers = #tpu.dot_dimension_numbers<[1], [0], [0], [1], [0, 0, 1, 1], [], []>, transpose_lhs_hint = false} : vector<1x128xf32>, vector<128x256xf32>, vector<1x256xf32> -> vector<1x256xf32>
    %add3A = arith.addf %dot_general3A_5, %dot_general3A_11 : vector<1x256xf32>
    %get3A_12 = arith.constant 0 : index
    %get3A_13 = arith.constant 0 : index
    %get3A_14 = vector.load %arg2[%get3A_12, %get3A_13] : memref<1x128xf32, #tpu.memory_space<vmem>>, vector<1x128xf32>
    %slice3A_15 = vector.extract_strided_slice %get3A_1 {offsets = [256, 0], sizes = [128, 256], strides = [1, 1]} : vector<512x256xf32> to vector<128x256xf32>
    %dot_general3A_16 = arith.constant dense<0.000000e+00> : vector<1x256xf32>
    %dot_general3A_17 = tpu.matmul %get3A_14, %slice3A_15, %dot_general3A_16 {dimension_numbers = #tpu.dot_dimension_numbers<[1], [0], [0], [1], [0, 0, 1, 1], [], []>, transpose_lhs_hint = false} : vector<1x128xf32>, vector<128x256xf32>, vector<1x256xf32> -> vector<1x256xf32>
    %add3A_18 = arith.addf %add3A, %dot_general3A_17 : vector<1x256xf32>
    %get3A_19 = arith.constant 0 : index
    %get3A_20 = arith.constant 0 : index
    %get3A_21 = vector.load %arg3[%get3A_19, %get3A_20] : memref<1x128xf32, #tpu.memory_space<vmem>>, vector<1x128xf32>
    %slice3A_22 = vector.extract_strided_slice %get3A_1 {offsets = [384, 0], sizes = [128, 256], strides = [1, 1]} : vector<512x256xf32> to vector<128x256xf32>
    %dot_general3A_23 = arith.constant dense<0.000000e+00> : vector<1x256xf32>
    %dot_general3A_24 = tpu.matmul %get3A_21, %slice3A_22, %dot_general3A_23 {dimension_numbers = #tpu.dot_dimension_numbers<[1], [0], [0], [1], [0, 0, 1, 1], [], []>, transpose_lhs_hint = false} : vector<1x128xf32>, vector<128x256xf32>, vector<1x256xf32> -> vector<1x256xf32>
    %add3A_25 = arith.addf %add3A_18, %dot_general3A_24 : vector<1x256xf32>
    %get3A_26 = arith.constant 0 : index
    %get3A_27 = vector.load %arg5[%get3A_26] : memref<256xf32, #tpu.memory_space<vmem>>, vector<256xf32>
    %broadcast_in_dim3A = vector.shape_cast %get3A_27 : vector<256xf32> to vector<1x256xf32>
    %add3A_28 = arith.addf %add3A_25, %broadcast_in_dim3A : vector<1x256xf32>
    %get3A_29 = arith.constant 0 : index
    %get3A_30 = arith.constant 0 : index
    %get3A_31 = vector.load %arg6[%get3A_29, %get3A_30] : memref<256x128xf32, #tpu.memory_space<vmem>>, vector<256x128xf32>
    %dot_general3A_32 = arith.constant dense<0.000000e+00> : vector<1x128xf32>
    %dot_general3A_33 = tpu.matmul %add3A_28, %get3A_31, %dot_general3A_32 {dimension_numbers = #tpu.dot_dimension_numbers<[1], [0], [0], [1], [0, 0, 1, 1], [], []>, transpose_lhs_hint = false} : vector<1x256xf32>, vector<256x128xf32>, vector<1x128xf32> -> vector<1x128xf32>
    %get3A_34 = arith.constant 0 : index
    %get3A_35 = vector.load %arg7[%get3A_34] : memref<128xf32, #tpu.memory_space<vmem>>, vector<128xf32>
    %broadcast_in_dim3A_36 = vector.shape_cast %get3A_35 : vector<128xf32> to vector<1x128xf32>
    %add3A_37 = arith.addf %dot_general3A_33, %broadcast_in_dim3A_36 : vector<1x128xf32>
    %max3A = arith.constant 0.000000e+00 : f32
    %max3A_38 = vector.broadcast %max3A : f32 to vector<1x128xf32>
    %max3A_39 = arith.maximumf %add3A_37, %max3A_38 : vector<1x128xf32>
    %get3A_40 = arith.constant 0 : index
    %get3A_41 = arith.constant 0 : index
    %get3A_42 = vector.load %arg8[%get3A_40, %get3A_41] : memref<128x64xf32, #tpu.memory_space<vmem>>, vector<128x64xf32>
    %dot_general3A_43 = arith.constant dense<0.000000e+00> : vector<1x64xf32>
    %dot_general3A_44 = tpu.matmul %max3A_39, %get3A_42, %dot_general3A_43 {dimension_numbers = #tpu.dot_dimension_numbers<[1], [0], [0], [1], [0, 0, 1, 1], [], []>, transpose_lhs_hint = false} : vector<1x128xf32>, vector<128x64xf32>, vector<1x64xf32> -> vector<1x64xf32>
    %get3A_45 = arith.constant 0 : index
    %get3A_46 = vector.load %arg9[%get3A_45] : memref<64xf32, #tpu.memory_space<vmem>>, vector<64xf32>
    %broadcast_in_dim3A_47 = vector.shape_cast %get3A_46 : vector<64xf32> to vector<1x64xf32>
    %add3A_48 = arith.addf %dot_general3A_44, %broadcast_in_dim3A_47 : vector<1x64xf32>
    %max3A_49 = arith.constant 0.000000e+00 : f32
    %max3A_50 = vector.broadcast %max3A_49 : f32 to vector<1x64xf32>
    %max3A_51 = arith.maximumf %add3A_48, %max3A_50 : vector<1x64xf32>
    %get3A_52 = arith.constant 0 : index
    %get3A_53 = arith.constant 0 : index
    %get3A_54 = vector.load %arg10[%get3A_52, %get3A_53] : memref<64x1xf32, #tpu.memory_space<vmem>>, vector<64x1xf32>
    %dot_general3A_55 = arith.constant dense<0.000000e+00> : vector<1x1xf32>
    %dot_general3A_56 = tpu.matmul %max3A_51, %get3A_54, %dot_general3A_55 {dimension_numbers = #tpu.dot_dimension_numbers<[1], [0], [0], [1], [0, 0, 1, 1], [], []>, transpose_lhs_hint = false} : vector<1x64xf32>, vector<64x1xf32>, vector<1x1xf32> -> vector<1x1xf32>
    %get3A_57 = arith.constant 0 : index
    %get3A_58 = vector.load %arg11[%get3A_57] : memref<1xf32, #tpu.memory_space<vmem>>, vector<1xf32>
    %broadcast_in_dim3A_59 = vector.shape_cast %get3A_58 : vector<1xf32> to vector<1x1xf32>
    %add3A_60 = arith.addf %dot_general3A_56, %broadcast_in_dim3A_59 : vector<1x1xf32>
    %max3A_61 = arith.constant 0.000000e+00 : f32
    %max3A_62 = vector.broadcast %max3A_61 : f32 to vector<1x1xf32>
    %max3A_63 = arith.maximumf %add3A_60, %max3A_62 : vector<1x1xf32>
    %swap3A = arith.constant 0 : index
    %swap3A_64 = arith.constant 0 : index
    %swap3A_65 = vector.load %arg12[%swap3A, %swap3A_64] : memref<1x1xf32, #tpu.memory_space<vmem>>, vector<1x1xf32>
    tpu.vector_store %arg12[%swap3A, %swap3A_64], %max3A_63 {strides = array<i32>} : memref<1x1xf32, #tpu.memory_space<vmem>>, vector<1x1xf32>,
    return
  }
}

</mosaic_0001>

<sc_bundles>
// kernel: kernel.10.cloned.1.call-start
scs
__scs_entry_jumppad:
0x0: {  	(pc) =	sbr.rel $0x88, $3  }
0x1: {  	(tag) =	ssettag $0x0;
	lr =	simm.s32 $0x1  }
0x2: {  	[smem:$0x3F80] =	sst lr;
	_ =	strace $0xD0000000  }
0x3: {  	_ = 	snop  }
0x4: {  	_ = 	snop  }
0x5: {  	_ = 	snop  }
0x6: {  	_ = 	snop  }
0x7: {  	_ = 	snop  }
__scs_overlays_trampoline_lowered:
0x8: {  	[smem:$0x3F8F] =	sst s0  }
0x9: {  	[smem:$0x3F90] =	sst s1  }
0xa: {  	[smem:$0x3F91] =	sst s2  }
0xb: {  	[smem:$0x3F92] =	sst s3  }
0xc: {  	[smem:$0x3F93] =	sst s4  }
0xd: {  	[smem:$0x3F94] =	sst s5  }
0xe: {  	[smem:$0x3F95] =	sst s6  }
0xf: {  	[smem:$0x3F96] =	sst s7  }
0x10: {  	[smem:$0x3F97] =	sst s8  }
0x11: {  	[smem:$0x3F98] =	sst s9;
	s0 =	simm.s32 @!p0 $0x0  }
0x12: {  	s1 =	sld [smem:$0x3F7E];
	s0 =	simm.s32 @p0 $0x1  }
0x13: {  	[smem:$0x3F99] =	sst s0;
	s0 =	simm.s32 @!p1 $0x0  }
0x14: {  	s2 =	sld [smem:$0x3F7D];
	s0 =	simm.s32 @p1 $0x1  }
0x15: {  	[smem:$0x3F9A] =	sst s0;
	s0 =	simm.s32 @!p2 $0x0  }
0x16: {  	s3 =	sld [smem:$0x3FDB];
	s0 =	simm.s32 @p2 $0x1  }
0x17: {  	s4 =	simm.s32 $0x1BF5;
	[smem:$0x3F9C] =	sst s0  }
0x18: {  	s0 =	sld [smem:$0x3F7F];
	_ =	swait.ge [sflag:s4], $0x0  }
0x19: {  	s7 =	sld [smem:$0x3F80]  }
0x1a: {  	s8 =	sadd.s32 $0xFFFFE003, lr  }
0x1b: {  	s9 =	sadd.s32 $0xFFFFFEF7, lr;
	s5 =	simm.s32 $0xFFFFFFFF;
	p2 =	slt.u32 s8, $0xFFFFF086  }
0x1c: {  	p1 =	slt.u32 s9, $0xF7A;
	s5 =	simm.s32 @!p2 $0x0  }
0x1d: {  	s5 =	simm.s32 @p1 $0x1;
	p0 =	seq.s32 s7, s2  }
0x1e: {  	s7 =	smul.u32 @!p0 $0xF7A, s2;
	p2 =	seq.s32 @!p0 s5, $0x0  }
0x1f: {  	s9 =	smul.u32 $0xF7A, s1;
	s8 =	simm.s32 @!p0 $0x1BF5;
	p2 =	por !p2, p0  }
0x20: {  	[sflag:s8] =	ssyncset.s32 @!p0 $0xFFFFF086;
	s6 =	sadd.s32 @!p0 s3, s7;
	s7 =	simm.s32 @!p0 $0x108  }
0x21: {  	s3 =	sadd.s32 s3, s9;
	s6 =	sadd.s32 @!p0 $0x88, s6;
	s7 =	simm.s32 @p2 $0x1082  }
0x22: {  	[simem:s7], [sflag:s8] =	dma.local @!p0 [hbm:s6], $0xF7A  }
0x23: {  	s9 =	sor.u32 $0xD0000000, s2;
	s6 =	simm.s32 $0x108;
	_ =	swait.ge @!p0 [sflag:s8], $0x0  }
0x24: {  	s3 =	sadd.s32 $0x88, s3;
	s6 =	simm.s32 @!p1 $0x1082;
	[sflag:s4] =	ssyncset.s32 $0xFFFFF086  }
0x25: {  	[simem:s6], [sflag:s4] =	dma.local [hbm:s3], $0xF7A  }
0x26: {  	[smem:$0x3F80] =	sst s1;
	(tag) =	ssettag s2;
	_ =	strace s9  }
0x27: {  	s1 =	sld [smem:$0x3F90]  }
0x28: {  	s2 =	sld [smem:$0x3F91]  }
0x29: {  	s4 =	sld [smem:$0x3F93]  }
0x2a: {  	p0 =	seq.s32 s5, $0x0;
	s5 =	sld [smem:$0x3F94]  }
0x2b: {  	s6 =	sld [smem:$0x3F95]  }
0x2c: {  	s7 =	sld [smem:$0x3F96]  }
0x2d: {  	s3 =	simm.s32 $0x108;
	s8 =	sld [smem:$0x3F97]  }
0x2e: {  	s3 =	simm.s32 @!p0 $0x1082;
	s9 =	sld [smem:$0x3F98]  }
0x2f: {  	lr =	sadd.s32 s0, s3;
	s0 =	sld [smem:$0x3F8F]  }
0x30: {  	s3 =	sld [smem:$0x3F92]  }
0x31: {  	[smem:$0x3F9B] =	sst s10  }
0x32: {  	s10 =	sld [smem:$0x3F99];
	_ =	sdelay $0x3  }
0x33: {  	p0 =	seq.s32 s10, $0x1;
	s10 =	sld [smem:$0x3F9B];
	_ =	sdelay $0x3  }
0x34: {  	[smem:$0x3F9B] =	sst s10  }
0x35: {  	s10 =	sld [smem:$0x3F9A];
	_ =	sdelay $0x3  }
0x36: {  	p1 =	seq.s32 s10, $0x1;
	s10 =	sld [smem:$0x3F9B];
	_ =	sdelay $0x3  }
0x37: {  	[smem:$0x3F9B] =	sst s10  }
0x38: {  	s10 =	sld [smem:$0x3F9C]  }
0x39: {  	_ = 	snop;
	(pc) =	sbr.ind lr, $3  }
0x3a: {  	_ = 	snop  }
0x3b: {  	_ = 	snop  }
0x3c: {  	p2 =	seq.s32 s10, $0x1;
	s10 =	sld [smem:$0x3F9B]  }
0x3d: {  	_ =	shalt  }
0x3e: {  	_ =	shalt  }
0x3f: {  	_ =	shalt  }
0x40: {  	_ =	shalt  }
0x41: {  	_ =	shalt  }
0x42: {  	_ =	shalt  }
0x43: {  	_ =	shalt  }
0x44: {  	_ =	shalt  }
0x45: {  	_ =	shalt  }
0x46: {  	_ =	shalt  }
0x47: {  	_ =	shalt  }
0x48: {  	_ =	shalt  }
0x49: {  	_ =	shalt  }
0x4a: {  	_ =	shalt  }
0x4b: {  	_ =	shalt  }
0x4c: {  	_ =	shalt  }
0x4d: {  	_ =	shalt  }
0x4e: {  	_ =	shalt  }
0x4f: {  	_ =	shalt  }
0x50: {  	_ =	shalt  }
0x51: {  	_ =	shalt  }
0x52: {  	_ =	shalt  }
0x53: {  	_ =	shalt  }
0x54: {  	_ =	shalt  }
0x55: {  	_ =	shalt  }
0x56: {  	_ =	shalt  }
0x57: {  	_ =	shalt  }
0x58: {  	_ =	shalt  }
0x59: {  	_ =	shalt  }
0x5a: {  	_ =	shalt  }
0x5b: {  	_ =	shalt  }
0x5c: {  	_ =	shalt  }
0x5d: {  	_ =	shalt  }
0x5e: {  	_ =	shalt  }
0x5f: {  	_ =	shalt  }
0x60: {  	_ =	shalt  }
0x61: {  	_ =	shalt  }
0x62: {  	_ =	shalt  }
0x63: {  	_ =	shalt  }
0x64: {  	_ =	shalt  }
0x65: {  	_ =	shalt  }
0x66: {  	_ =	shalt  }
0x67: {  	_ =	shalt  }
0x68: {  	_ =	shalt  }
0x69: {  	_ =	shalt  }
0x6a: {  	_ =	shalt  }
0x6b: {  	_ =	shalt  }
0x6c: {  	_ =	shalt  }
0x6d: {  	_ =	shalt  }
0x6e: {  	_ =	shalt  }
0x6f: {  	_ =	shalt  }
0x70: {  	_ =	shalt  }
0x71: {  	_ =	shalt  }
0x72: {  	_ =	shalt  }
0x73: {  	_ =	shalt  }
0x74: {  	_ =	shalt  }
0x75: {  	_ =	shalt  }
0x76: {  	_ =	shalt  }
0x77: {  	_ =	shalt  }
0x78: {  	_ =	shalt  }
0x79: {  	_ =	shalt  }
0x7a: {  	_ =	shalt  }
0x7b: {  	_ =	shalt  }
0x7c: {  	_ =	shalt  }
0x7d: {  	_ =	shalt  }
0x7e: {  	_ =	shalt  }
0x7f: {  	_ =	shalt  }
0x80: {  	_ =	shalt  }
0x81: {  	_ =	shalt  }
0x82: {  	_ =	shalt  }
0x83: {  	_ =	shalt  }
0x84: {  	_ =	shalt  }
0x85: {  	_ =	shalt  }
0x86: {  	_ =	shalt  }
0x87: {  	_ =	shalt  }
.Lfunc_end0:
.L_simem_size_0:
called_computation_lowered:
.L_overlay_start_0:
0x88: {  	s2 =	sld [smem:$0x3FD9]  }
0x89: {  	s3 =	sld [smem:$0x3FFE];
	_ =	sdelay $0x1  }
0x8a: {  	s1 =	srdreg.scid  }
0x8b: {  	s0 =	sand.u32 $0x1, s1  }
0x8c: {  	s14 =	sshll.u32 s0, $0xA;
	s2 =	sadd.s32 s3, s2  }
0x8d: {  	s2 =	sadd.s32 s2, s14  }
0x8e: {  	[smem:$0x3FA7] =	sst s2  }
0x8f: {  	_ = 	snop  }
0x90: {  	s2 =	sld [smem:$0x3FD0];
	_ =	sdelay $0x2  }
0x91: {  	s15 =	simm.s32 $0xB;
	s4 =	simm.s32 $0x10  }
0x92: {  	[smem:s4], [sflag:s15] =	dma.local [hbm:s2], $0x1  }
0x93: {  	_ =	swait.eq [sflag:s15], $0x1  }
0x94: {  	[sflag:s15] =	ssyncset.done $0x0  }
0x95: {  	[sflag:s15] =	ssyncadd.s32 $0xFFFFFFFF  }
0x96: {  	s16 =	sld [smem:$0x12];
	(tm) =	ssettm $0x1  }
0x97: {  	s17 =	sld [smem:$0x3FFB];
	_ =	sdelay $0x3  }
0x98: {  	_ =	strace s17  }
0x99: {  	s3 =	sld [smem:$0x3FFC];
	_ =	sdelay $0x3  }
0x9a: {  	_ =	strace s3  }
0x9b: {  	s3 =	sld [smem:$0x3FFD];
	_ =	sdelay $0x3  }
0x9c: {  	_ =	strace s3  }
0x9d: {  	_ =	strace $0x8FFFFFFF  }
0x9e: {  	s18 =	sld [smem:$0x3FDB];
	_ =	sdelay $0x1  }
0x9f: {  	s19 =	simm.s32 $_scs_section_size  }
0xa0: {  	s5 =	simm.s32 $_size__tile_overlayer_lowered;
	s6 =	simm.s32 $_tile_overlayer_lowered  }
0xa1: {  	s22 =	simm.s32 $0x1BFF;
	s21 =	sshll.u32 s6, $0x1;
	s3 =	sadd.s32 s19, s18  }
0xa2: {  	s7 =	simm.s32 $0x0;
	s20 =	sshll.u32 s5, $0x1;
	s5 =	sadd.s32 s21, s3  }
0xa3: {  	[timem:s7], [sflag:s22] =	dma.local [hbm:s5], s20  }
0xa4: {  	_ =	swait.ge [sflag:s22], s20  }
0xa5: {  	s4 =	ssub.s32 $0x0, s20;
	[sflag:s22] =	ssyncset.done $0x0  }
0xa6: {  	[sflag:s22] =	ssyncadd.s32 s4;
	_ =	sdelay $0x1  }
0xa7: {  	s23 =	simm.s32 $0x1B8B  }
0xa8: {  	_ =	swait.ge [sflag:s23], $0x1  }
0xa9: {  	[sflag:s23] =	ssyncset.done $0x0  }
0xaa: {  	s25 =	simm.s32 $0x1B8E;
	s24 =	sld [smem:$0x3FFE];
	[sflag:s23] =	ssyncadd.s32 $0xFFFFFFFF  }
0xab: {  	s26 =	simm.s32 $execute0_lowered;
	[smem:$0x3FD2] =	sst s25  }
0xac: {  	s5 =	sshll.u32 s26, $0x1;
	_ =	strace $0x80000046;
	[dreg:$0x1] =	wrdreg $0xFFFFFFFF  }
0xad: {  	s28 =	simm.s32 $_size_execute0_lowered;
	s3 =	sadd.s32 s3, s5;
	[dreg:$0x0] =	wrdreg $0x0  }
0xae: {  	s5 =	sshll.u32 s28, $0x1;
	[dreg:$0x2] =	wrdreg s3  }
0xaf: {  	[dreg:$0x3] =	wrdreg s5  }
0xb0: {  	[dreg:$0x4] =	wrdreg $0xC0  }
0xb1: {  	_ =	task [dreg:s7], $0x5FFFF  }
0xb2: {  	[dreg:$0x1] =	wrdreg $0xFFFFFFFF  }
0xb3: {  	[dreg:$0x0] =	wrdreg $0x60  }
0xb4: {  	[dreg:$0x2] =	wrdreg s16  }
0xb5: {  	[dreg:$0x3] =	wrdreg s24  }
0xb6: {  	[dreg:$0x4] =	wrdreg $0x90000  }
0xb7: {  	[dreg:$0x5] =	wrdreg $0xA  }
0xb8: {  	_ =	task.clear_ibuf [dreg:s7], $0x6FFFF;
	_ =	strace $0x90000046  }
0xb9: {  	s29 =	simm.s32 $0xA;
	_ =	strace $0x80000048  }
0xba: {  	_ =	swait.ge [sflag:s29], $0x1  }
0xbb: {  	[sflag:s29] =	ssyncadd.s32 $0xFFFFFFFF  }
0xbc: {  	_ =	strace $0x90000048  }
0xbd: {  	_ =	sfence  }
0xbe: {  	s30 =	sld [smem:$0x0];
	_ =	sdelay $0x2  }
0xbf: {  	s31 =	sshll.u32 s1, $0xD;
	s1 =	sshrl.u32 s1, $0x2  }
0xc0: {  	s3 =	sand.u32 $0x4000, s31;
	s1 =	sadd.s32 s1, s30  }
0xc1: {  	s0 =	sor.u32 s3, s0;
	s1 =	sshll.u32 s1, $0x11  }
0xc2: {  	s0 =	sor.u32 s1, s0  }
0xc3: {  	s0 =	sadd.s32 $0x8F2B, s0  }
0xc4: {  	[sflag:s0] =	ssyncadd.remote.s32 $0x1  }
0xc5: {  	_ =	sfence.sel $0xFFFF  }
0xc6: {  	[dreg:$0x0] =	wrdreg $0xFFFFFFFF;
	(pc) =	sbr.abs _section_cstart, $3  }
0xc7: {  	[dreg:$0x1] =	wrdreg $0xFFFFFFFF  }
0xc8: {  	_ =	task.clear_ibuf [dreg:s7], $0x2FFFF;
	_ =	strace $0x9FFFFFFF  }
0xc9: {  	(tm) =	ssettm $0x7FFFFFFF  }
tec
execute0_lowered:
.L_overlay_start_1:
0x0: {  	(tag) =	ssettag $0x1  }
0x1: {  	s1 =	rddreg [dreg:$0x0]  }
0x2: {  	s0 =	rddreg [dreg:$0x1]  }
0x3: {  	s2 =	rddreg [dreg:$0x2];
	s3 =	srdreg.scid  }
0x4: {  	s20 =	stileid.u32;
	s4 =	simm.s32 $0x0;
	s11 =	simm.s32 $0x100  }
0x5: {  	s12 =	simm.s32 $0x880;
	s14 =	simm.s32 $0x180;
	s16 =	simm.s32 $0x900  }
0x6: {  	s17 =	simm.s32 $0x200;
	s19 =	simm.s32 $0x980;
	[smem:$0x7FF] =	sst s4  }
0x7: {  	s13 =	sshll.u32 s20, $0x7;
	_ =	strace $0x80000047;
	[dreg:$0x6] =	wrdreg s11  }
0x8: {  	s21 =	simm.s32 $0x280;
	s22 =	simm.s32 $0xA00;
	[dreg:$0x13] =	wrdreg s13  }
0x9: {  	s23 =	simm.s32 $0x300;
	s15 =	sadd.s32 $0x148800, s2;
	[dreg:$0x7] =	wrdreg s12  }
0xa: {  	s24 =	simm.s32 $0xA80;
	s28 =	simm.s32 $0xD00;
	[dreg:$0x14] =	wrdreg s15  }
0xb: {  	s29 =	simm.s32 $0x600;
	s30 =	simm.s32 $0xD80;
	[dreg:$0x8] =	wrdreg s14  }
0xc: {  	s31 =	simm.s32 $0x680;
	s3 =	sand.u32 $0x1, s3;
	[dreg:$0x9] =	wrdreg s16  }
0xd: {  	s6 =	smul.u32 $0x5000, s20;
	s8 =	sadd.s32 $0x6400, s0;
	[dreg:$0xa] =	wrdreg s17  }
0xe: {  	s5 =	sadd.s32 $0x1A400, s0;
	s10 =	ssub.s32 $0x62, s20;
	[dreg:$0xb] =	wrdreg s19  }
0xf: {  	p0 =	sne.s32 s20, $0x0;
	s7 =	smul.u32 $0x2800, s3;
	[dreg:$0xc] =	wrdreg s21  }
0x10: {  	s26 =	ssub.s32 $0x2, s3;
	s11 =	simm.s32 $0x1000;
	[dreg:$0xd] =	wrdreg s22  }
0x11: {  	s12 =	simm.s32 $0x2;
	s13 =	simm.s32 $0x3;
	[dreg:$0xe] =	wrdreg s23  }
0x12: {  	s14 =	simm.s32 $0x800;
	[dreg:$0xf] =	wrdreg s24;
	s15 =	simm.s32 $0x80  }
0x13: {  	s16 =	simm.s32 $0x5000;
	s17 =	simm.s32 $0x1;
	s21 =	simm.s32 $0xB80  }
0x14: {  	s22 =	simm.s32 $0x480;
	s23 =	simm.s32 $0xC00;
	s9 =	sshrl.u32 s26, $0x1  }
0x15: {  	s24 =	simm.s32 $0x500;
	s25 =	sadd.s32 s7, s6;
	s6 =	ssub.s32 s26, s9  }
0x16: {  	s9 =	smul.u32 $0x148800, s3;
	s26 =	simm.s32 $0xB00;
	s7 =	sshrl.u32 s25, $0x3  }
0x17: {  	s0 =	sadd.s32 $0x50000, s25;
	s18 =	smax.u32 s6, $0x1;
	[dreg:$0x11] =	wrdreg s26  }
0x18: {  	s25 =	simm.s32 $0x380;
	s26 =	simm.s32 $0x580;
	[dreg:$0x15] =	wrdreg s18  }
0x19: {  	s7 =	sadd.s32 s7, s8;
	s0 =	sshrl.u32 s0, $0x3;
	[dreg:$0x10] =	wrdreg s25  }
0x1a: {  	s25 =	simm.s32 $0xC80;
	[dreg:$0x4] =	wrdreg s7;
	s0 =	sadd.s32 s0, s8  }
0x1b: {  	s8 =	sshrl.u32 s10, $0x4;
	s10 =	simm.s32 $0xE80;
	[dreg:$0x5] =	wrdreg s0  }
0x1c: {  	v0 =	vimm.f32 $0.0e+00;
	s7 =	simm.s32 $0x780;
	s0 =	simm.s32 $0x0;
	[dreg:$0x12] =	wrdreg s8  }
.LBB2_1:
0x1d: {  	s3 =	simm.s32 $0x0;
	s6 =	simm.s32 $0x200  }
.LBB2_2:
0x1e: {  	p1 =	sne.s32 s6, $0xFE00;
	[tilespmem:s3+$0x1070] =	vst v0  }
0x1f: {  	[tilespmem:s3+$0x1000] =	vst v0  }
0x20: {  	[tilespmem:s3+$0x1010] =	vst v0  }
.Ltmp0:
0x21: {  	[tilespmem:s3+$0x1020] =	vst v0;
	(pc) =	sbr.rel @p1 .LBB2_2-.Ltmp0, $4  }
0x22: {  	[tilespmem:s3+$0x1030] =	vst v0  }
0x23: {  	[tilespmem:s3+$0x1040] =	vst v0  }
0x24: {  	[tilespmem:s3+$0x1050] =	vst v0  }
0x25: {  	[tilespmem:s3+$0x1060] =	vst v0;
	s3 =	sshra.s32 s6, $0x2;
	s6 =	sadd.s32 $0x200, s6  }
0x26: {  	[tilespmem:s3+$0x1070] =	vst v0  }
0x27: {  	[tilespmem:s3+$0x1000] =	vst v0  }
0x28: {  	[tilespmem:s3+$0x1010] =	vst v0;
	s19 =	rddreg [dreg:$0x13];
	p1 =	sne.s32 s8, $0x1  }
.Ltmp1:
0x29: {  	[tilespmem:s3+$0x1020] =	vst v0;
	p2 =	slt.s32 s19, $0x2890;
	s6 =	smov.u32 s19;
	(pc) =	sbr.rel @!p1 .LBB2_5-.Ltmp1, $4  }
0x2a: {  	[tilespmem:s3+$0x1030] =	vst v0;
	s6 =	simm.s32 @!p2 $0x2890  }
0x2b: {  	[tilespmem:s3+$0x1040] =	vst v0;
	s6 =	sshll.u32 s6, $0x9  }
0x2c: {  	[tilespmem:s3+$0x1050] =	vst v0;
	s6 =	sshra.s32 s6, $0x2  }
0x2d: {  	[tilespmem:s3+$0x1060] =	vst v0;
	s3 =	sadd.s32 $0xFFFFFFFF, s8;
	s18 =	sadd.s32 s6, s2;
	s6 =	sadd.s32 $0x800, s19  }
.LBB2_4:
0x2e: {  	[spmem:s18] =	stream.linear.scatter [tilespmem:s11], [sflag:$0x2], $0x4000, $0x38;
	[tilespmem:$0x1D8C0] =	vst v63  }
0x2f: {  	p4 =	sne.s32 s3, $0x1  }
.Ltmp2:
0x30: {  	p3 =	slt.s32 s6, $0x2890;
	s18 =	smov.u32 s6;
	(pc) =	sbr.rel @p4 .LBB2_4-.Ltmp2, $4  }
0x31: {  	s3 =	sadd.s32 $0xFFFFFFFF, s3;
	s18 =	simm.s32 @!p3 $0x2890  }
0x32: {  	s18 =	sshll.u32 s18, $0x9  }
0x33: {  	s18 =	sshra.s32 s18, $0x2  }
0x34: {  	s6 =	sadd.s32 $0x800, s6;
	s18 =	sadd.s32 s18, s2  }
.LBB2_5:
.Ltmp3:
0x35: {  	(pc) =	sbr.rel @!p1 .LBB2_7-.Ltmp3, $4  }
0x36: {  	[dreg:$0x16] =	wrdreg s0  }
0x37: {  	[spmem:s18] =	stream.linear.scatter [tilespmem:s11], [sflag:$0x2], $0x4000, $0x38;
	[tilespmem:$0x1D8C0] =	vst v63  }
0x38: {  	_ =	swait.ge [sflag:s12], $0x4000  }
0x39: {  	s3 =	sadd.s32 $0xFFFFFFFF, s8;
	s18 =	simm.s32 $0x400;
	[sflag:s12] =	ssyncset.done $0x0  }
.LBB2_6:
0x3a: {  	p3 =	sne.s32 s3, $0x1;
	s3 =	sadd.s32 $0xFFFFFFFF, s3;
	[sflag:s12] =	ssyncadd.s32 $0xFFFFC000  }
.Ltmp4:
0x3b: {  	(pc) =	sbr.rel @p3 .LBB2_6-.Ltmp4, $3  }
0x3c: {  	_ =	sdelay $0x1  }
0x3d: {  	_ =	swait.ge [sflag:s12], $0x4000  }
0x3e: {  	[sflag:s12] =	ssyncset.done $0x0  }
.LBB2_7:
0x3f: {  	[sflag:s12] =	ssyncadd.s32 $0xFFFFC000;
	s3 =	simm.s32 @!p0 $0x1000;
	s6 =	rddreg [dreg:$0x14]  }
0x40: {  	[spmem:s6] =	stream.linear.scatter @!p0 [tilespmem:s3], [sflag:$0x3], $0x400, $0x38;
	[tilespmem:$0x1D8C0] =	vst v63  }
0x41: {  	s3 =	simm.s32 @!p0 $0x3  }
0x42: {  	_ =	swait.ge @!p0 [sflag:s3], $0x400  }
0x43: {  	[sflag:s3] =	ssyncset.done @!p0 $0x0  }
0x44: {  	[sflag:s3] =	ssyncadd.s32 @!p0 $0xFFFFFC00  }
0x45: {  	[bflag:$0x0] =	sbarrier.arrive $0xFFFF  }
0x46: {  	s6 =	rddreg [dreg:$0x4]  }
0x47: {  	s3 =	sadd.s32 $0x0, s6  }
0x48: {  	[tilespmem:s4], [sflag:$0x3] =	stream.linear.gather [hbm4b:s3+s4], $0x800, $0x38;
	[tilespmem:$0x1D8C0] =	vst v63  }
0x49: {  	_ =	swait.ge [sflag:s13], $0x800  }
0x4a: {  	s8 =	rddreg [dreg:$0x5];
	[sflag:s13] =	ssyncset.done $0x0  }
0x4b: {  	[sflag:s13] =	ssyncadd.s32 $0xFFFFF800;
	s3 =	sadd.s32 $0x0, s8  }
0x4c: {  	[tilespmem:s14], [sflag:$0x3] =	stream.linear.gather [hbm4b:s3+s4], $0x800, $0x38;
	[tilespmem:$0x1D8C0] =	vst v63  }
0x4d: {  	_ =	swait.ge [sflag:s13], $0x800  }
0x4e: {  	[sflag:s13] =	ssyncset.done $0x0  }
0x4f: {  	[sflag:s13] =	ssyncadd.s32 $0xFFFFF800  }
0x50: {  	[tilespmem:s11], [sflag:$0x1] =	stream.indirect.gather [hbm4b:s1+s15], $0x80, s4, s15, $0xb8;
	[tilespmem:$0x1D8C0] =	vst v63  }
0x51: {  	_ = 	snop  }
0x52: {  	[tilespmem:s16], [sflag:$0x2] =	stream.indirect.gather [hbm4b:s1+s15], $0x80, s15, s15, $0xb8;
	[tilespmem:$0x1D8C0] =	vst v63  }
0x53: {  	_ =	swait.ge [sflag:s17], $0x4000  }
0x54: {  	[sflag:s17] =	ssyncset.done $0x0  }
0x55: {  	[sflag:s17] =	ssyncadd.s32 $0xFFFFC000  }
0x56: {  	[spmem:s2] =	stream.indirect.scatter.add.f32 [tilespmem:s11], [sflag:$0x3], $0x80, s14, s15, $0xb8;
	[tilespmem:$0x1D8C0] =	vst v63  }
0x57: {  	_ =	swait.ge [sflag:s13], $0x4000  }
0x58: {  	[sflag:s13] =	ssyncset.done $0x0  }
0x59: {  	s19 =	rddreg [dreg:$0x6];
	[sflag:s13] =	ssyncadd.s32 $0xFFFFC000  }
0x5a: {  	[tilespmem:s11], [sflag:$0x1] =	stream.indirect.gather [hbm4b:s1+s15], $0x80, s19, s15, $0xb8;
	[tilespmem:$0x1D8C0] =	vst v63  }
0x5b: {  	_ =	swait.ge [sflag:s12], $0x4000  }
0x5c: {  	[sflag:s12] =	ssyncset.done $0x0  }
0x5d: {  	s0 =	rddreg [dreg:$0x7];
	[sflag:s12] =	ssyncadd.s32 $0xFFFFC000  }
0x5e: {  	[spmem:s2] =	stream.indirect.scatter.add.f32 [tilespmem:s16], [sflag:$0x3], $0x80, s0, s15, $0xb8;
	[tilespmem:$0x1D8C0] =	vst v63  }
0x5f: {  	_ =	swait.ge [sflag:s13], $0x4000  }
0x60: {  	[sflag:s13] =	ssyncset.done $0x0  }
0x61: {  	s6 =	rddreg [dreg:$0x8];
	[sflag:s13] =	ssyncadd.s32 $0xFFFFC000  }
0x62: {  	[tilespmem:s16], [sflag:$0x2] =	stream.indirect.gather [hbm4b:s1+s15], $0x80, s6, s15, $0xb8;
	[tilespmem:$0x1D8C0] =	vst v63  }
0x63: {  	_ =	swait.ge [sflag:s17], $0x4000  }
0x64: {  	[sflag:s17] =	ssyncset.done $0x0  }
0x65: {  	s8 =	rddreg [dreg:$0x9];
	[sflag:s17] =	ssyncadd.s32 $0xFFFFC000  }
0x66: {  	[spmem:s2] =	stream.indirect.scatter.add.f32 [tilespmem:s11], [sflag:$0x3], $0x80, s8, s15, $0xb8;
	[tilespmem:$0x1D8C0] =	vst v63  }
0x67: {  	_ =	swait.ge [sflag:s13], $0x4000  }
0x68: {  	[sflag:s13] =	ssyncset.done $0x0  }
0x69: {  	s19 =	rddreg [dreg:$0xa];
	[sflag:s13] =	ssyncadd.s32 $0xFFFFC000  }
0x6a: {  	[tilespmem:s11], [sflag:$0x1] =	stream.indirect.gather [hbm4b:s1+s15], $0x80, s19, s15, $0xb8;
	[tilespmem:$0x1D8C0] =	vst v63  }
0x6b: {  	_ =	swait.ge [sflag:s12], $0x4000  }
0x6c: {  	[sflag:s12] =	ssyncset.done $0x0  }
0x6d: {  	s0 =	rddreg [dreg:$0xb];
	[sflag:s12] =	ssyncadd.s32 $0xFFFFC000  }
0x6e: {  	[spmem:s2] =	stream.indirect.scatter.add.f32 [tilespmem:s16], [sflag:$0x3], $0x80, s0, s15, $0xb8;
	[tilespmem:$0x1D8C0] =	vst v63  }
0x6f: {  	_ =	swait.ge [sflag:s13], $0x4000  }
0x70: {  	[sflag:s13] =	ssyncset.done $0x0  }
0x71: {  	s6 =	rddreg [dreg:$0xc];
	[sflag:s13] =	ssyncadd.s32 $0xFFFFC000  }
0x72: {  	[tilespmem:s16], [sflag:$0x2] =	stream.indirect.gather [hbm4b:s1+s15], $0x80, s6, s15, $0xb8;
	[tilespmem:$0x1D8C0] =	vst v63  }
0x73: {  	_ =	swait.ge [sflag:s17], $0x4000  }
0x74: {  	[sflag:s17] =	ssyncset.done $0x0  }
0x75: {  	s8 =	rddreg [dreg:$0xd];
	[sflag:s17] =	ssyncadd.s32 $0xFFFFC000  }
0x76: {  	[spmem:s2] =	stream.indirect.scatter.add.f32 [tilespmem:s11], [sflag:$0x3], $0x80, s8, s15, $0xb8;
	[tilespmem:$0x1D8C0] =	vst v63  }
0x77: {  	_ =	swait.ge [sflag:s13], $0x4000  }
0x78: {  	[sflag:s13] =	ssyncset.done $0x0  }
0x79: {  	s19 =	rddreg [dreg:$0xe];
	[sflag:s13] =	ssyncadd.s32 $0xFFFFC000  }
0x7a: {  	[tilespmem:s11], [sflag:$0x1] =	stream.indirect.gather [hbm4b:s1+s15], $0x80, s19, s15, $0xb8;
	[tilespmem:$0x1D8C0] =	vst v63  }
0x7b: {  	_ =	swait.ge [sflag:s12], $0x4000  }
0x7c: {  	[sflag:s12] =	ssyncset.done $0x0  }
0x7d: {  	s0 =	rddreg [dreg:$0xf];
	[sflag:s12] =	ssyncadd.s32 $0xFFFFC000  }
0x7e: {  	[spmem:s2] =	stream.indirect.scatter.add.f32 [tilespmem:s16], [sflag:$0x3], $0x80, s0, s15, $0xb8;
	[tilespmem:$0x1D8C0] =	vst v63  }
0x7f: {  	_ =	swait.ge [sflag:s13], $0x4000  }
0x80: {  	[sflag:s13] =	ssyncset.done $0x0  }
0x81: {  	s6 =	rddreg [dreg:$0x10];
	[sflag:s13] =	ssyncadd.s32 $0xFFFFC000  }
0x82: {  	[tilespmem:s16], [sflag:$0x2] =	stream.indirect.gather [hbm4b:s1+s15], $0x80, s6, s15, $0xb8;
	[tilespmem:$0x1D8C0] =	vst v63  }
0x83: {  	_ =	swait.ge [sflag:s17], $0x4000  }
0x84: {  	[sflag:s17] =	ssyncset.done $0x0  }
0x85: {  	s8 =	rddreg [dreg:$0x11];
	[sflag:s17] =	ssyncadd.s32 $0xFFFFC000  }
0x86: {  	[spmem:s2] =	stream.indirect.scatter.add.f32 [tilespmem:s11], [sflag:$0x3], $0x80, s8, s15, $0xb8;
	[tilespmem:$0x1D8C0] =	vst v63  }
0x87: {  	_ =	swait.ge [sflag:s13], $0x4000  }
0x88: {  	[sflag:s13] =	ssyncset.done $0x0  }
0x89: {  	[sflag:s13] =	ssyncadd.s32 $0xFFFFC000  }
0x8a: {  	[tilespmem:s11], [sflag:$0x1] =	stream.indirect.gather [hbm4b:s1+s15], $0x80, s18, s15, $0xb8;
	[tilespmem:$0x1D8C0] =	vst v63  }
0x8b: {  	_ =	swait.ge [sflag:s12], $0x4000  }
0x8c: {  	[sflag:s12] =	ssyncset.done $0x0  }
0x8d: {  	[sflag:s12] =	ssyncadd.s32 $0xFFFFC000  }
0x8e: {  	[spmem:s2] =	stream.indirect.scatter.add.f32 [tilespmem:s16], [sflag:$0x3], $0x80, s21, s15, $0xb8;
	[tilespmem:$0x1D8C0] =	vst v63  }
0x8f: {  	_ =	swait.ge [sflag:s13], $0x4000  }
0x90: {  	[sflag:s13] =	ssyncset.done $0x0  }
0x91: {  	[sflag:s13] =	ssyncadd.s32 $0xFFFFC000  }
0x92: {  	[tilespmem:s16], [sflag:$0x2] =	stream.indirect.gather [hbm4b:s1+s15], $0x80, s22, s15, $0xb8;
	[tilespmem:$0x1D8C0] =	vst v63  }
0x93: {  	_ =	swait.ge [sflag:s17], $0x4000  }
0x94: {  	[sflag:s17] =	ssyncset.done $0x0  }
0x95: {  	[sflag:s17] =	ssyncadd.s32 $0xFFFFC000  }
0x96: {  	[spmem:s2] =	stream.indirect.scatter.add.f32 [tilespmem:s11], [sflag:$0x3], $0x80, s23, s15, $0xb8;
	[tilespmem:$0x1D8C0] =	vst v63  }
0x97: {  	_ =	swait.ge [sflag:s13], $0x4000  }
0x98: {  	[sflag:s13] =	ssyncset.done $0x0  }
0x99: {  	[sflag:s13] =	ssyncadd.s32 $0xFFFFC000  }
0x9a: {  	[tilespmem:s11], [sflag:$0x1] =	stream.indirect.gather [hbm4b:s1+s15], $0x80, s24, s15, $0xb8;
	[tilespmem:$0x1D8C0] =	vst v63  }
0x9b: {  	_ =	swait.ge [sflag:s12], $0x4000  }
0x9c: {  	[sflag:s12] =	ssyncset.done $0x0  }
0x9d: {  	[sflag:s12] =	ssyncadd.s32 $0xFFFFC000  }
0x9e: {  	[spmem:s2] =	stream.indirect.scatter.add.f32 [tilespmem:s16], [sflag:$0x3], $0x80, s25, s15, $0xb8;
	[tilespmem:$0x1D8C0] =	vst v63  }
0x9f: {  	_ =	swait.ge [sflag:s13], $0x4000  }
0xa0: {  	[sflag:s13] =	ssyncset.done $0x0  }
0xa1: {  	[sflag:s13] =	ssyncadd.s32 $0xFFFFC000  }
0xa2: {  	[tilespmem:s16], [sflag:$0x2] =	stream.indirect.gather [hbm4b:s1+s15], $0x80, s26, s15, $0xb8;
	[tilespmem:$0x1D8C0] =	vst v63  }
0xa3: {  	_ =	swait.ge [sflag:s17], $0x4000  }
0xa4: {  	[sflag:s17] =	ssyncset.done $0x0  }
0xa5: {  	[sflag:s17] =	ssyncadd.s32 $0xFFFFC000  }
0xa6: {  	[spmem:s2] =	stream.indirect.scatter.add.f32 [tilespmem:s11], [sflag:$0x3], $0x80, s28, s15, $0xb8;
	[tilespmem:$0x1D8C0] =	vst v63  }
0xa7: {  	_ =	swait.ge [sflag:s13], $0x4000  }
0xa8: {  	[sflag:s13] =	ssyncset.done $0x0  }
0xa9: {  	[sflag:s13] =	ssyncadd.s32 $0xFFFFC000  }
0xaa: {  	[tilespmem:s11], [sflag:$0x1] =	stream.indirect.gather [hbm4b:s1+s15], $0x80, s29, s15, $0xb8;
	[tilespmem:$0x1D8C0] =	vst v63  }
0xab: {  	_ =	swait.ge [sflag:s12], $0x4000  }
0xac: {  	[sflag:s12] =	ssyncset.done $0x0  }
0xad: {  	[sflag:s12] =	ssyncadd.s32 $0xFFFFC000  }
0xae: {  	[spmem:s2] =	stream.indirect.scatter.add.f32 [tilespmem:s16], [sflag:$0x3], $0x80, s30, s15, $0xb8;
	[tilespmem:$0x1D8C0] =	vst v63  }
0xaf: {  	_ =	swait.ge [sflag:s13], $0x4000  }
0xb0: {  	[sflag:s13] =	ssyncset.done $0x0  }
0xb1: {  	[sflag:s13] =	ssyncadd.s32 $0xFFFFC000  }
0xb2: {  	[tilespmem:s16], [sflag:$0x2] =	stream.indirect.gather [hbm4b:s1+s15], $0x80, s31, s15, $0xb8;
	[tilespmem:$0x1D8C0] =	vst v63  }
0xb3: {  	_ =	swait.ge [sflag:s17], $0x4000  }
0xb4: {  	[sflag:s17] =	ssyncset.done $0x0  }
0xb5: {  	s0 =	simm.s32 $0xE00;
	[sflag:s17] =	ssyncadd.s32 $0xFFFFC000  }
0xb6: {  	[spmem:s2] =	stream.indirect.scatter.add.f32 [tilespmem:s11], [sflag:$0x3], $0x80, s0, s15, $0xb8;
	[tilespmem:$0x1D8C0] =	vst v63  }
0xb7: {  	_ =	swait.ge [sflag:s13], $0x4000  }
0xb8: {  	[sflag:s13] =	ssyncset.done $0x0  }
0xb9: {  	s8 =	simm.s32 $0x700;
	[sflag:s13] =	ssyncadd.s32 $0xFFFFC000  }
0xba: {  	[tilespmem:s11], [sflag:$0x1] =	stream.indirect.gather [hbm4b:s1+s15], $0x80, s8, s15, $0xb8;
	[tilespmem:$0x1D8C0] =	vst v63  }
0xbb: {  	_ =	swait.ge [sflag:s12], $0x4000  }
0xbc: {  	[sflag:s12] =	ssyncset.done $0x0  }
0xbd: {  	[sflag:s12] =	ssyncadd.s32 $0xFFFFC000  }
0xbe: {  	[spmem:s2] =	stream.indirect.scatter.add.f32 [tilespmem:s16], [sflag:$0x3], $0x80, s10, s15, $0xb8;
	[tilespmem:$0x1D8C0] =	vst v63  }
0xbf: {  	_ =	swait.ge [sflag:s13], $0x4000  }
0xc0: {  	[sflag:s13] =	ssyncset.done $0x0  }
0xc1: {  	[sflag:s13] =	ssyncadd.s32 $0xFFFFC000  }
0xc2: {  	[tilespmem:s16], [sflag:$0x2] =	stream.indirect.gather [hbm4b:s1+s15], $0x80, s7, s15, $0xb8;
	[tilespmem:$0x1D8C0] =	vst v63  }
0xc3: {  	_ =	swait.ge [sflag:s17], $0x4000  }
0xc4: {  	[sflag:s17] =	ssyncset.done $0x0  }
0xc5: {  	s18 =	simm.s32 $0xF00;
	[sflag:s17] =	ssyncadd.s32 $0xFFFFC000  }
0xc6: {  	[spmem:s2] =	stream.indirect.scatter.add.f32 [tilespmem:s11], [sflag:$0x3], $0x80, s18, s15, $0xb8;
	[tilespmem:$0x1D8C0] =	vst v63  }
0xc7: {  	_ =	swait.ge [sflag:s13], $0x4000  }
0xc8: {  	[sflag:s13] =	ssyncset.done $0x0  }
0xc9: {  	[sflag:s13] =	ssyncadd.s32 $0xFFFFC000  }
0xca: {  	_ =	swait.ge [sflag:s12], $0x4000  }
0xcb: {  	[sflag:s12] =	ssyncset.done $0x0  }
0xcc: {  	s19 =	simm.s32 $0xF80;
	[sflag:s12] =	ssyncadd.s32 $0xFFFFC000  }
0xcd: {  	[spmem:s2] =	stream.indirect.scatter.add.f32 [tilespmem:s16], [sflag:$0x3], $0x80, s19, s15, $0xb8;
	[tilespmem:$0x1D8C0] =	vst v63  }
0xce: {  	s3 =	simm.s32 $0x200;
	_ =	swait.ge [sflag:s13], $0x4000  }
0xcf: {  	s6 =	simm.s32 $0x100;
	s18 =	rddreg [dreg:$0x4];
	[sflag:s13] =	ssyncset.done $0x0  }
.LBB2_8:
0xd0: {  	[sflag:s13] =	ssyncadd.s32 $0xFFFFC000;
	s18 =	sadd.s32 s6, s18  }
0xd1: {  	[tilespmem:s4], [sflag:$0x3] =	stream.linear.gather [hbm4b:s18+s4], $0x800, $0x38;
	[tilespmem:$0x1D8C0] =	vst v63  }
0xd2: {  	_ =	swait.ge [sflag:s13], $0x800  }
0xd3: {  	s18 =	rddreg [dreg:$0x5];
	[sflag:s13] =	ssyncset.done $0x0  }
0xd4: {  	[sflag:s13] =	ssyncadd.s32 $0xFFFFF800;
	s18 =	sadd.s32 s6, s18  }
0xd5: {  	[tilespmem:s14], [sflag:$0x3] =	stream.linear.gather [hbm4b:s18+s4], $0x800, $0x38;
	[tilespmem:$0x1D8C0] =	vst v63  }
0xd6: {  	_ =	swait.ge [sflag:s13], $0x800  }
0xd7: {  	[sflag:s13] =	ssyncset.done $0x0  }
0xd8: {  	[sflag:s13] =	ssyncadd.s32 $0xFFFFF800  }
0xd9: {  	[tilespmem:s11], [sflag:$0x1] =	stream.indirect.gather [hbm4b:s1+s15], $0x80, s4, s15, $0xb8;
	[tilespmem:$0x1D8C0] =	vst v63  }
0xda: {  	_ = 	snop  }
0xdb: {  	[tilespmem:s16], [sflag:$0x2] =	stream.indirect.gather [hbm4b:s1+s15], $0x80, s15, s15, $0xb8;
	[tilespmem:$0x1D8C0] =	vst v63  }
0xdc: {  	_ =	swait.ge [sflag:s17], $0x4000  }
0xdd: {  	[sflag:s17] =	ssyncset.done $0x0  }
0xde: {  	[sflag:s17] =	ssyncadd.s32 $0xFFFFC000  }
0xdf: {  	[spmem:s2] =	stream.indirect.scatter.add.f32 [tilespmem:s11], [sflag:$0x3], $0x80, s14, s15, $0xb8;
	[tilespmem:$0x1D8C0] =	vst v63  }
0xe0: {  	_ =	swait.ge [sflag:s13], $0x4000  }
0xe1: {  	[sflag:s13] =	ssyncset.done $0x0  }
0xe2: {  	s18 =	rddreg [dreg:$0x6];
	[sflag:s13] =	ssyncadd.s32 $0xFFFFC000  }
0xe3: {  	[tilespmem:s11], [sflag:$0x1] =	stream.indirect.gather [hbm4b:s1+s15], $0x80, s18, s15, $0xb8;
	[tilespmem:$0x1D8C0] =	vst v63  }
0xe4: {  	_ =	swait.ge [sflag:s12], $0x4000  }
0xe5: {  	[sflag:s12] =	ssyncset.done $0x0  }
0xe6: {  	s18 =	rddreg [dreg:$0x7];
	[sflag:s12] =	ssyncadd.s32 $0xFFFFC000  }
0xe7: {  	[spmem:s2] =	stream.indirect.scatter.add.f32 [tilespmem:s16], [sflag:$0x3], $0x80, s18, s15, $0xb8;
	[tilespmem:$0x1D8C0] =	vst v63  }
0xe8: {  	_ =	swait.ge [sflag:s13], $0x4000  }
0xe9: {  	[sflag:s13] =	ssyncset.done $0x0  }
0xea: {  	s18 =	rddreg [dreg:$0x8];
	[sflag:s13] =	ssyncadd.s32 $0xFFFFC000  }
0xeb: {  	[tilespmem:s16], [sflag:$0x2] =	stream.indirect.gather [hbm4b:s1+s15], $0x80, s18, s15, $0xb8;
	[tilespmem:$0x1D8C0] =	vst v63  }
0xec: {  	_ =	swait.ge [sflag:s17], $0x4000  }
0xed: {  	[sflag:s17] =	ssyncset.done $0x0  }
0xee: {  	s18 =	rddreg [dreg:$0x9];
	[sflag:s17] =	ssyncadd.s32 $0xFFFFC000  }
0xef: {  	[spmem:s2] =	stream.indirect.scatter.add.f32 [tilespmem:s11], [sflag:$0x3], $0x80, s18, s15, $0xb8;
	[tilespmem:$0x1D8C0] =	vst v63  }
0xf0: {  	_ =	swait.ge [sflag:s13], $0x4000  }
0xf1: {  	[sflag:s13] =	ssyncset.done $0x0  }
0xf2: {  	s18 =	rddreg [dreg:$0xa];
	[sflag:s13] =	ssyncadd.s32 $0xFFFFC000  }
0xf3: {  	[tilespmem:s11], [sflag:$0x1] =	stream.indirect.gather [hbm4b:s1+s15], $0x80, s18, s15, $0xb8;
	[tilespmem:$0x1D8C0] =	vst v63  }
0xf4: {  	_ =	swait.ge [sflag:s12], $0x4000  }
0xf5: {  	[sflag:s12] =	ssyncset.done $0x0  }
0xf6: {  	s18 =	rddreg [dreg:$0xb];
	[sflag:s12] =	ssyncadd.s32 $0xFFFFC000  }
0xf7: {  	[spmem:s2] =	stream.indirect.scatter.add.f32 [tilespmem:s16], [sflag:$0x3], $0x80, s18, s15, $0xb8;
	[tilespmem:$0x1D8C0] =	vst v63  }
0xf8: {  	_ =	swait.ge [sflag:s13], $0x4000  }
0xf9: {  	[sflag:s13] =	ssyncset.done $0x0  }
0xfa: {  	s18 =	rddreg [dreg:$0xc];
	[sflag:s13] =	ssyncadd.s32 $0xFFFFC000  }
0xfb: {  	[tilespmem:s16], [sflag:$0x2] =	stream.indirect.gather [hbm4b:s1+s15], $0x80, s18, s15, $0xb8;
	[tilespmem:$0x1D8C0] =	vst v63  }
0xfc: {  	_ =	swait.ge [sflag:s17], $0x4000  }
0xfd: {  	[sflag:s17] =	ssyncset.done $0x0  }
0xfe: {  	s18 =	rddreg [dreg:$0xd];
	[sflag:s17] =	ssyncadd.s32 $0xFFFFC000  }
0xff: {  	[spmem:s2] =	stream.indirect.scatter.add.f32 [tilespmem:s11], [sflag:$0x3], $0x80, s18, s15, $0xb8;
	[tilespmem:$0x1D8C0] =	vst v63  }
0x100: {  	_ =	swait.ge [sflag:s13], $0x4000  }
0x101: {  	[sflag:s13] =	ssyncset.done $0x0  }
0x102: {  	s18 =	rddreg [dreg:$0xe];
	[sflag:s13] =	ssyncadd.s32 $0xFFFFC000  }
0x103: {  	[tilespmem:s11], [sflag:$0x1] =	stream.indirect.gather [hbm4b:s1+s15], $0x80, s18, s15, $0xb8;
	[tilespmem:$0x1D8C0] =	vst v63  }
0x104: {  	_ =	swait.ge [sflag:s12], $0x4000  }
0x105: {  	[sflag:s12] =	ssyncset.done $0x0  }
0x106: {  	s18 =	rddreg [dreg:$0xf];
	[sflag:s12] =	ssyncadd.s32 $0xFFFFC000  }
0x107: {  	[spmem:s2] =	stream.indirect.scatter.add.f32 [tilespmem:s16], [sflag:$0x3], $0x80, s18, s15, $0xb8;
	[tilespmem:$0x1D8C0] =	vst v63  }
0x108: {  	_ =	swait.ge [sflag:s13], $0x4000  }
0x109: {  	[sflag:s13] =	ssyncset.done $0x0  }
0x10a: {  	s18 =	rddreg [dreg:$0x10];
	[sflag:s13] =	ssyncadd.s32 $0xFFFFC000  }
0x10b: {  	[tilespmem:s16], [sflag:$0x2] =	stream.indirect.gather [hbm4b:s1+s15], $0x80, s18, s15, $0xb8;
	[tilespmem:$0x1D8C0] =	vst v63  }
0x10c: {  	_ =	swait.ge [sflag:s17], $0x4000  }
0x10d: {  	[sflag:s17] =	ssyncset.done $0x0  }
0x10e: {  	s18 =	rddreg [dreg:$0x11];
	[sflag:s17] =	ssyncadd.s32 $0xFFFFC000  }
0x10f: {  	[spmem:s2] =	stream.indirect.scatter.add.f32 [tilespmem:s11], [sflag:$0x3], $0x80, s18, s15, $0xb8;
	[tilespmem:$0x1D8C0] =	vst v63  }
0x110: {  	_ =	swait.ge [sflag:s13], $0x4000  }
0x111: {  	s19 =	smov.u32 s3;
	[sflag:s13] =	ssyncset.done $0x0  }
0x112: {  	s6 =	smov.u32 s19;
	s19 =	simm.s32 $0x400;
	[sflag:s13] =	ssyncadd.s32 $0xFFFFC000  }
0x113: {  	[tilespmem:s11], [sflag:$0x1] =	stream.indirect.gather [hbm4b:s1+s15], $0x80, s19, s15, $0xb8;
	[tilespmem:$0x1D8C0] =	vst v63  }
0x114: {  	_ =	swait.ge [sflag:s12], $0x4000  }
0x115: {  	[sflag:s12] =	ssyncset.done $0x0  }
0x116: {  	[sflag:s12] =	ssyncadd.s32 $0xFFFFC000  }
0x117: {  	[spmem:s2] =	stream.indirect.scatter.add.f32 [tilespmem:s16], [sflag:$0x3], $0x80, s21, s15, $0xb8;
	[tilespmem:$0x1D8C0] =	vst v63  }
0x118: {  	_ =	swait.ge [sflag:s13], $0x4000  }
0x119: {  	[sflag:s13] =	ssyncset.done $0x0  }
0x11a: {  	[sflag:s13] =	ssyncadd.s32 $0xFFFFC000  }
0x11b: {  	[tilespmem:s16], [sflag:$0x2] =	stream.indirect.gather [hbm4b:s1+s15], $0x80, s22, s15, $0xb8;
	[tilespmem:$0x1D8C0] =	vst v63  }
0x11c: {  	_ =	swait.ge [sflag:s17], $0x4000  }
0x11d: {  	[sflag:s17] =	ssyncset.done $0x0  }
0x11e: {  	[sflag:s17] =	ssyncadd.s32 $0xFFFFC000  }
0x11f: {  	[spmem:s2] =	stream.indirect.scatter.add.f32 [tilespmem:s11], [sflag:$0x3], $0x80, s23, s15, $0xb8;
	[tilespmem:$0x1D8C0] =	vst v63  }
0x120: {  	_ =	swait.ge [sflag:s13], $0x4000  }
0x121: {  	[sflag:s13] =	ssyncset.done $0x0  }
0x122: {  	[sflag:s13] =	ssyncadd.s32 $0xFFFFC000  }
0x123: {  	[tilespmem:s11], [sflag:$0x1] =	stream.indirect.gather [hbm4b:s1+s15], $0x80, s24, s15, $0xb8;
	[tilespmem:$0x1D8C0] =	vst v63  }
0x124: {  	_ =	swait.ge [sflag:s12], $0x4000  }
0x125: {  	[sflag:s12] =	ssyncset.done $0x0  }
0x126: {  	[sflag:s12] =	ssyncadd.s32 $0xFFFFC000  }
0x127: {  	[spmem:s2] =	stream.indirect.scatter.add.f32 [tilespmem:s16], [sflag:$0x3], $0x80, s25, s15, $0xb8;
	[tilespmem:$0x1D8C0] =	vst v63  }
0x128: {  	_ =	swait.ge [sflag:s13], $0x4000  }
0x129: {  	[sflag:s13] =	ssyncset.done $0x0  }
0x12a: {  	[sflag:s13] =	ssyncadd.s32 $0xFFFFC000  }
0x12b: {  	[tilespmem:s16], [sflag:$0x2] =	stream.indirect.gather [hbm4b:s1+s15], $0x80, s26, s15, $0xb8;
	[tilespmem:$0x1D8C0] =	vst v63  }
0x12c: {  	_ =	swait.ge [sflag:s17], $0x4000  }
0x12d: {  	[sflag:s17] =	ssyncset.done $0x0  }
0x12e: {  	[sflag:s17] =	ssyncadd.s32 $0xFFFFC000  }
0x12f: {  	[spmem:s2] =	stream.indirect.scatter.add.f32 [tilespmem:s11], [sflag:$0x3], $0x80, s28, s15, $0xb8;
	[tilespmem:$0x1D8C0] =	vst v63  }
0x130: {  	_ =	swait.ge [sflag:s13], $0x4000  }
0x131: {  	[sflag:s13] =	ssyncset.done $0x0  }
0x132: {  	[sflag:s13] =	ssyncadd.s32 $0xFFFFC000  }
0x133: {  	[tilespmem:s11], [sflag:$0x1] =	stream.indirect.gather [hbm4b:s1+s15], $0x80, s29, s15, $0xb8;
	[tilespmem:$0x1D8C0] =	vst v63  }
0x134: {  	_ =	swait.ge [sflag:s12], $0x4000  }
0x135: {  	[sflag:s12] =	ssyncset.done $0x0  }
0x136: {  	[sflag:s12] =	ssyncadd.s32 $0xFFFFC000  }
0x137: {  	[spmem:s2] =	stream.indirect.scatter.add.f32 [tilespmem:s16], [sflag:$0x3], $0x80, s30, s15, $0xb8;
	[tilespmem:$0x1D8C0] =	vst v63  }
0x138: {  	_ =	swait.ge [sflag:s13], $0x4000  }
0x139: {  	[sflag:s13] =	ssyncset.done $0x0  }
0x13a: {  	[sflag:s13] =	ssyncadd.s32 $0xFFFFC000  }
0x13b: {  	[tilespmem:s16], [sflag:$0x2] =	stream.indirect.gather [hbm4b:s1+s15], $0x80, s31, s15, $0xb8;
	[tilespmem:$0x1D8C0] =	vst v63  }
0x13c: {  	_ =	swait.ge [sflag:s17], $0x4000  }
0x13d: {  	[sflag:s17] =	ssyncset.done $0x0  }
0x13e: {  	[sflag:s17] =	ssyncadd.s32 $0xFFFFC000  }
0x13f: {  	[spmem:s2] =	stream.indirect.scatter.add.f32 [tilespmem:s11], [sflag:$0x3], $0x80, s0, s15, $0xb8;
	[tilespmem:$0x1D8C0] =	vst v63  }
0x140: {  	_ =	swait.ge [sflag:s13], $0x4000  }
0x141: {  	[sflag:s13] =	ssyncset.done $0x0  }
0x142: {  	[sflag:s13] =	ssyncadd.s32 $0xFFFFC000  }
0x143: {  	[tilespmem:s11], [sflag:$0x1] =	stream.indirect.gather [hbm4b:s1+s15], $0x80, s8, s15, $0xb8;
	[tilespmem:$0x1D8C0] =	vst v63  }
0x144: {  	_ =	swait.ge [sflag:s12], $0x4000  }
0x145: {  	[sflag:s12] =	ssyncset.done $0x0  }
0x146: {  	[sflag:s12] =	ssyncadd.s32 $0xFFFFC000  }
0x147: {  	[spmem:s2] =	stream.indirect.scatter.add.f32 [tilespmem:s16], [sflag:$0x3], $0x80, s10, s15, $0xb8;
	[tilespmem:$0x1D8C0] =	vst v63  }
0x148: {  	_ =	swait.ge [sflag:s13], $0x4000  }
0x149: {  	[sflag:s13] =	ssyncset.done $0x0  }
0x14a: {  	[sflag:s13] =	ssyncadd.s32 $0xFFFFC000  }
0x14b: {  	[tilespmem:s16], [sflag:$0x2] =	stream.indirect.gather [hbm4b:s1+s15], $0x80, s7, s15, $0xb8;
	[tilespmem:$0x1D8C0] =	vst v63  }
0x14c: {  	_ =	swait.ge [sflag:s17], $0x4000  }
0x14d: {  	[sflag:s17] =	ssyncset.done $0x0  }
0x14e: {  	s18 =	simm.s32 $0xF00;
	[sflag:s17] =	ssyncadd.s32 $0xFFFFC000  }
0x14f: {  	[spmem:s2] =	stream.indirect.scatter.add.f32 [tilespmem:s11], [sflag:$0x3], $0x80, s18, s15, $0xb8;
	[tilespmem:$0x1D8C0] =	vst v63  }
0x150: {  	_ =	swait.ge [sflag:s13], $0x4000  }
0x151: {  	[sflag:s13] =	ssyncset.done $0x0  }
0x152: {  	[sflag:s13] =	ssyncadd.s32 $0xFFFFC000  }
0x153: {  	p3 =	sne.s32 s3, $0x400;
	_ =	swait.ge [sflag:s12], $0x4000  }
.Ltmp5:
0x154: {  	[sflag:s12] =	ssyncset.done $0x0;
	(pc) =	sbr.rel @p3 .LBB2_8-.Ltmp5, $4  }
0x155: {  	s18 =	simm.s32 $0xF80;
	[sflag:s12] =	ssyncadd.s32 $0xFFFFC000  }
0x156: {  	[spmem:s2] =	stream.indirect.scatter.add.f32 [tilespmem:s16], [sflag:$0x3], $0x80, s18, s15, $0xb8;
	[tilespmem:$0x1D8C0] =	vst v63  }
0x157: {  	_ =	swait.ge [sflag:s13], $0x4000  }
0x158: {  	s3 =	sadd.s32 $0x100, s3;
	s18 =	rddreg [dreg:$0x4];
	[sflag:s13] =	ssyncset.done $0x0  }
0x159: {  	[sflag:s13] =	ssyncadd.s32 $0xFFFFC000;
	s3 =	sadd.s32 s6, s18  }
0x15a: {  	[tilespmem:s4], [sflag:$0x3] =	stream.linear.gather [hbm4b:s3+s4], $0x800, $0x38;
	[tilespmem:$0x1D8C0] =	vst v63  }
0x15b: {  	_ =	swait.ge [sflag:s13], $0x800  }
0x15c: {  	s18 =	rddreg [dreg:$0x5];
	[sflag:s13] =	ssyncset.done $0x0  }
0x15d: {  	[sflag:s13] =	ssyncadd.s32 $0xFFFFF800;
	s3 =	sadd.s32 s6, s18  }
0x15e: {  	[tilespmem:s14], [sflag:$0x3] =	stream.linear.gather [hbm4b:s3+s4], $0x800, $0x38;
	[tilespmem:$0x1D8C0] =	vst v63  }
0x15f: {  	_ =	swait.ge [sflag:s13], $0x800  }
0x160: {  	[sflag:s13] =	ssyncset.done $0x0  }
0x161: {  	[sflag:s13] =	ssyncadd.s32 $0xFFFFF800  }
0x162: {  	[tilespmem:s11], [sflag:$0x1] =	stream.indirect.gather [hbm4b:s1+s15], $0x80, s4, s15, $0xb8;
	[tilespmem:$0x1D8C0] =	vst v63  }
0x163: {  	_ = 	snop  }
0x164: {  	[tilespmem:s16], [sflag:$0x2] =	stream.indirect.gather [hbm4b:s1+s15], $0x80, s15, s15, $0xb8;
	[tilespmem:$0x1D8C0] =	vst v63  }
0x165: {  	_ =	swait.ge [sflag:s17], $0x4000  }
0x166: {  	[sflag:s17] =	ssyncset.done $0x0  }
0x167: {  	[sflag:s17] =	ssyncadd.s32 $0xFFFFC000  }
0x168: {  	[spmem:s2] =	stream.indirect.scatter.add.f32 [tilespmem:s11], [sflag:$0x3], $0x80, s14, s15, $0xb8;
	[tilespmem:$0x1D8C0] =	vst v63  }
0x169: {  	_ =	swait.ge [sflag:s13], $0x4000  }
0x16a: {  	[sflag:s13] =	ssyncset.done $0x0  }
0x16b: {  	s18 =	rddreg [dreg:$0x6];
	[sflag:s13] =	ssyncadd.s32 $0xFFFFC000  }
0x16c: {  	[tilespmem:s11], [sflag:$0x1] =	stream.indirect.gather [hbm4b:s1+s15], $0x80, s18, s15, $0xb8;
	[tilespmem:$0x1D8C0] =	vst v63  }
0x16d: {  	_ =	swait.ge [sflag:s12], $0x4000  }
0x16e: {  	[sflag:s12] =	ssyncset.done $0x0  }
0x16f: {  	s6 =	rddreg [dreg:$0x7];
	[sflag:s12] =	ssyncadd.s32 $0xFFFFC000  }
0x170: {  	[spmem:s2] =	stream.indirect.scatter.add.f32 [tilespmem:s16], [sflag:$0x3], $0x80, s6, s15, $0xb8;
	[tilespmem:$0x1D8C0] =	vst v63  }
0x171: {  	_ =	swait.ge [sflag:s13], $0x4000  }
0x172: {  	[sflag:s13] =	ssyncset.done $0x0  }
0x173: {  	s18 =	rddreg [dreg:$0x8];
	[sflag:s13] =	ssyncadd.s32 $0xFFFFC000  }
0x174: {  	[tilespmem:s16], [sflag:$0x2] =	stream.indirect.gather [hbm4b:s1+s15], $0x80, s18, s15, $0xb8;
	[tilespmem:$0x1D8C0] =	vst v63  }
0x175: {  	_ =	swait.ge [sflag:s17], $0x4000  }
0x176: {  	[sflag:s17] =	ssyncset.done $0x0  }
0x177: {  	s6 =	rddreg [dreg:$0x9];
	[sflag:s17] =	ssyncadd.s32 $0xFFFFC000  }
0x178: {  	[spmem:s2] =	stream.indirect.scatter.add.f32 [tilespmem:s11], [sflag:$0x3], $0x80, s6, s15, $0xb8;
	[tilespmem:$0x1D8C0] =	vst v63  }
0x179: {  	_ =	swait.ge [sflag:s13], $0x4000  }
0x17a: {  	[sflag:s13] =	ssyncset.done $0x0  }
0x17b: {  	s18 =	rddreg [dreg:$0xa];
	[sflag:s13] =	ssyncadd.s32 $0xFFFFC000  }
0x17c: {  	[tilespmem:s11], [sflag:$0x1] =	stream.indirect.gather [hbm4b:s1+s15], $0x80, s18, s15, $0xb8;
	[tilespmem:$0x1D8C0] =	vst v63  }
0x17d: {  	_ =	swait.ge [sflag:s12], $0x4000  }
0x17e: {  	[sflag:s12] =	ssyncset.done $0x0  }
0x17f: {  	s6 =	rddreg [dreg:$0xb];
	[sflag:s12] =	ssyncadd.s32 $0xFFFFC000  }
0x180: {  	[spmem:s2] =	stream.indirect.scatter.add.f32 [tilespmem:s16], [sflag:$0x3], $0x80, s6, s15, $0xb8;
	[tilespmem:$0x1D8C0] =	vst v63  }
0x181: {  	_ =	swait.ge [sflag:s13], $0x4000  }
0x182: {  	[sflag:s13] =	ssyncset.done $0x0  }
0x183: {  	s18 =	rddreg [dreg:$0xc];
	[sflag:s13] =	ssyncadd.s32 $0xFFFFC000  }
0x184: {  	[tilespmem:s16], [sflag:$0x2] =	stream.indirect.gather [hbm4b:s1+s15], $0x80, s18, s15, $0xb8;
	[tilespmem:$0x1D8C0] =	vst v63  }
0x185: {  	_ =	swait.ge [sflag:s17], $0x4000  }
0x186: {  	[sflag:s17] =	ssyncset.done $0x0  }
0x187: {  	s6 =	rddreg [dreg:$0xd];
	[sflag:s17] =	ssyncadd.s32 $0xFFFFC000  }
0x188: {  	[spmem:s2] =	stream.indirect.scatter.add.f32 [tilespmem:s11], [sflag:$0x3], $0x80, s6, s15, $0xb8;
	[tilespmem:$0x1D8C0] =	vst v63  }
0x189: {  	_ =	swait.ge [sflag:s13], $0x4000  }
0x18a: {  	[sflag:s13] =	ssyncset.done $0x0  }
0x18b: {  	s18 =	rddreg [dreg:$0xe];
	[sflag:s13] =	ssyncadd.s32 $0xFFFFC000  }
0x18c: {  	[tilespmem:s11], [sflag:$0x1] =	stream.indirect.gather [hbm4b:s1+s15], $0x80, s18, s15, $0xb8;
	[tilespmem:$0x1D8C0] =	vst v63  }
0x18d: {  	_ =	swait.ge [sflag:s12], $0x4000  }
0x18e: {  	[sflag:s12] =	ssyncset.done $0x0  }
0x18f: {  	s6 =	rddreg [dreg:$0xf];
	[sflag:s12] =	ssyncadd.s32 $0xFFFFC000  }
0x190: {  	[spmem:s2] =	stream.indirect.scatter.add.f32 [tilespmem:s16], [sflag:$0x3], $0x80, s6, s15, $0xb8;
	[tilespmem:$0x1D8C0] =	vst v63  }
0x191: {  	_ =	swait.ge [sflag:s13], $0x4000  }
0x192: {  	[sflag:s13] =	ssyncset.done $0x0  }
0x193: {  	s18 =	rddreg [dreg:$0x10];
	[sflag:s13] =	ssyncadd.s32 $0xFFFFC000  }
0x194: {  	[tilespmem:s16], [sflag:$0x2] =	stream.indirect.gather [hbm4b:s1+s15], $0x80, s18, s15, $0xb8;
	[tilespmem:$0x1D8C0] =	vst v63  }
0x195: {  	_ =	swait.ge [sflag:s17], $0x4000  }
0x196: {  	[sflag:s17] =	ssyncset.done $0x0  }
0x197: {  	s6 =	rddreg [dreg:$0x11];
	[sflag:s17] =	ssyncadd.s32 $0xFFFFC000  }
0x198: {  	[spmem:s2] =	stream.indirect.scatter.add.f32 [tilespmem:s11], [sflag:$0x3], $0x80, s6, s15, $0xb8;
	[tilespmem:$0x1D8C0] =	vst v63  }
0x199: {  	_ =	swait.ge [sflag:s13], $0x4000  }
0x19a: {  	[sflag:s13] =	ssyncset.done $0x0  }
0x19b: {  	[sflag:s13] =	ssyncadd.s32 $0xFFFFC000  }
0x19c: {  	[tilespmem:s11], [sflag:$0x1] =	stream.indirect.gather [hbm4b:s1+s15], $0x80, s19, s15, $0xb8;
	[tilespmem:$0x1D8C0] =	vst v63  }
0x19d: {  	_ =	swait.ge [sflag:s12], $0x4000  }
0x19e: {  	[sflag:s12] =	ssyncset.done $0x0  }
0x19f: {  	[sflag:s12] =	ssyncadd.s32 $0xFFFFC000  }
0x1a0: {  	[spmem:s2] =	stream.indirect.scatter.add.f32 [tilespmem:s16], [sflag:$0x3], $0x80, s21, s15, $0xb8;
	[tilespmem:$0x1D8C0] =	vst v63  }
0x1a1: {  	_ =	swait.ge [sflag:s13], $0x4000  }
0x1a2: {  	[sflag:s13] =	ssyncset.done $0x0  }
0x1a3: {  	[sflag:s13] =	ssyncadd.s32 $0xFFFFC000  }
0x1a4: {  	[tilespmem:s16], [sflag:$0x2] =	stream.indirect.gather [hbm4b:s1+s15], $0x80, s22, s15, $0xb8;
	[tilespmem:$0x1D8C0] =	vst v63  }
0x1a5: {  	_ =	swait.ge [sflag:s17], $0x4000  }
0x1a6: {  	[sflag:s17] =	ssyncset.done $0x0  }
0x1a7: {  	[sflag:s17] =	ssyncadd.s32 $0xFFFFC000  }
0x1a8: {  	[spmem:s2] =	stream.indirect.scatter.add.f32 [tilespmem:s11], [sflag:$0x3], $0x80, s23, s15, $0xb8;
	[tilespmem:$0x1D8C0] =	vst v63  }
0x1a9: {  	_ =	swait.ge [sflag:s13], $0x4000  }
0x1aa: {  	[sflag:s13] =	ssyncset.done $0x0  }
0x1ab: {  	[sflag:s13] =	ssyncadd.s32 $0xFFFFC000  }
0x1ac: {  	[tilespmem:s11], [sflag:$0x1] =	stream.indirect.gather [hbm4b:s1+s15], $0x80, s24, s15, $0xb8;
	[tilespmem:$0x1D8C0] =	vst v63  }
0x1ad: {  	_ =	swait.ge [sflag:s12], $0x4000  }
0x1ae: {  	[sflag:s12] =	ssyncset.done $0x0  }
0x1af: {  	[sflag:s12] =	ssyncadd.s32 $0xFFFFC000  }
0x1b0: {  	[spmem:s2] =	stream.indirect.scatter.add.f32 [tilespmem:s16], [sflag:$0x3], $0x80, s25, s15, $0xb8;
	[tilespmem:$0x1D8C0] =	vst v63  }
0x1b1: {  	_ =	swait.ge [sflag:s13], $0x4000  }
0x1b2: {  	[sflag:s13] =	ssyncset.done $0x0  }
0x1b3: {  	[sflag:s13] =	ssyncadd.s32 $0xFFFFC000  }
0x1b4: {  	[tilespmem:s16], [sflag:$0x2] =	stream.indirect.gather [hbm4b:s1+s15], $0x80, s26, s15, $0xb8;
	[tilespmem:$0x1D8C0] =	vst v63  }
0x1b5: {  	_ =	swait.ge [sflag:s17], $0x4000  }
0x1b6: {  	[sflag:s17] =	ssyncset.done $0x0  }
0x1b7: {  	[sflag:s17] =	ssyncadd.s32 $0xFFFFC000  }
0x1b8: {  	[spmem:s2] =	stream.indirect.scatter.add.f32 [tilespmem:s11], [sflag:$0x3], $0x80, s28, s15, $0xb8;
	[tilespmem:$0x1D8C0] =	vst v63  }
0x1b9: {  	_ =	swait.ge [sflag:s13], $0x4000  }
0x1ba: {  	[sflag:s13] =	ssyncset.done $0x0  }
0x1bb: {  	[sflag:s13] =	ssyncadd.s32 $0xFFFFC000  }
0x1bc: {  	[tilespmem:s11], [sflag:$0x1] =	stream.indirect.gather [hbm4b:s1+s15], $0x80, s29, s15, $0xb8;
	[tilespmem:$0x1D8C0] =	vst v63  }
0x1bd: {  	_ =	swait.ge [sflag:s12], $0x4000  }
0x1be: {  	[sflag:s12] =	ssyncset.done $0x0  }
0x1bf: {  	[sflag:s12] =	ssyncadd.s32 $0xFFFFC000  }
0x1c0: {  	[spmem:s2] =	stream.indirect.scatter.add.f32 [tilespmem:s16], [sflag:$0x3], $0x80, s30, s15, $0xb8;
	[tilespmem:$0x1D8C0] =	vst v63  }
0x1c1: {  	_ =	swait.ge [sflag:s13], $0x4000  }
0x1c2: {  	[sflag:s13] =	ssyncset.done $0x0  }
0x1c3: {  	[sflag:s13] =	ssyncadd.s32 $0xFFFFC000  }
0x1c4: {  	[tilespmem:s16], [sflag:$0x2] =	stream.indirect.gather [hbm4b:s1+s15], $0x80, s31, s15, $0xb8;
	[tilespmem:$0x1D8C0] =	vst v63  }
0x1c5: {  	_ =	swait.ge [sflag:s17], $0x4000  }
0x1c6: {  	[sflag:s17] =	ssyncset.done $0x0  }
0x1c7: {  	[sflag:s17] =	ssyncadd.s32 $0xFFFFC000  }
0x1c8: {  	[spmem:s2] =	stream.indirect.scatter.add.f32 [tilespmem:s11], [sflag:$0x3], $0x80, s0, s15, $0xb8;
	[tilespmem:$0x1D8C0] =	vst v63  }
0x1c9: {  	_ =	swait.ge [sflag:s13], $0x4000  }
0x1ca: {  	[sflag:s13] =	ssyncset.done $0x0  }
0x1cb: {  	[sflag:s13] =	ssyncadd.s32 $0xFFFFC000  }
0x1cc: {  	[tilespmem:s11], [sflag:$0x1] =	stream.indirect.gather [hbm4b:s1+s15], $0x80, s8, s15, $0xb8;
	[tilespmem:$0x1D8C0] =	vst v63  }
0x1cd: {  	_ =	swait.ge [sflag:s12], $0x4000  }
0x1ce: {  	[sflag:s12] =	ssyncset.done $0x0  }
0x1cf: {  	[sflag:s12] =	ssyncadd.s32 $0xFFFFC000  }
0x1d0: {  	[spmem:s2] =	stream.indirect.scatter.add.f32 [tilespmem:s16], [sflag:$0x3], $0x80, s10, s15, $0xb8;
	[tilespmem:$0x1D8C0] =	vst v63  }
0x1d1: {  	_ =	swait.ge [sflag:s13], $0x4000  }
0x1d2: {  	[sflag:s13] =	ssyncset.done $0x0  }
0x1d3: {  	[sflag:s13] =	ssyncadd.s32 $0xFFFFC000  }
0x1d4: {  	[tilespmem:s16], [sflag:$0x2] =	stream.indirect.gather [hbm4b:s1+s15], $0x80, s7, s15, $0xb8;
	[tilespmem:$0x1D8C0] =	vst v63  }
0x1d5: {  	_ =	swait.ge [sflag:s17], $0x4000  }
0x1d6: {  	[sflag:s17] =	ssyncset.done $0x0  }
0x1d7: {  	s8 =	simm.s32 $0xF00;
	[sflag:s17] =	ssyncadd.s32 $0xFFFFC000  }
0x1d8: {  	[spmem:s2] =	stream.indirect.scatter.add.f32 [tilespmem:s11], [sflag:$0x3], $0x80, s8, s15, $0xb8;
	[tilespmem:$0x1D8C0] =	vst v63  }
0x1d9: {  	_ =	swait.ge [sflag:s13], $0x4000  }
0x1da: {  	[sflag:s13] =	ssyncset.done $0x0  }
0x1db: {  	[sflag:s13] =	ssyncadd.s32 $0xFFFFC000  }
0x1dc: {  	_ =	swait.ge [sflag:s12], $0x4000  }
0x1dd: {  	[sflag:s12] =	ssyncset.done $0x0  }
0x1de: {  	s18 =	simm.s32 $0xF80;
	[sflag:s12] =	ssyncadd.s32 $0xFFFFC000  }
0x1df: {  	[spmem:s2] =	stream.indirect.scatter.add.f32 [tilespmem:s16], [sflag:$0x3], $0x80, s18, s15, $0xb8;
	[tilespmem:$0x1D8C0] =	vst v63  }
0x1e0: {  	_ =	swait.ge [sflag:s13], $0x4000  }
.Ltmp6:
0x1e1: {  	[sflag:s13] =	ssyncset.done $0x0;
	(pc) =	sbr.rel @!p1 .LBB2_11-.Ltmp6, $4  }
0x1e2: {  	[sflag:s13] =	ssyncadd.s32 $0xFFFFC000  }
0x1e3: {  	[bflag:$0x0] =	sbarrier.arrive $0xFFFF  }
0x1e4: {  	s19 =	rddreg [dreg:$0x12]  }
0x1e5: {  	s3 =	rddreg [dreg:$0x13];
	s6 =	sadd.s32 $0xFFFFFFFF, s19  }
.LBB2_10:
0x1e6: {  	s18 =	smov.u32 s3  }
0x1e7: {  	p3 =	sne.s32 s6, $0x1;
	s3 =	sadd.s32 $0x800, s3;
	s18 =	simm.s32 @!p2 $0x2890  }
0x1e8: {  	s20 =	stileid.u32;
	s19 =	sshll.u32 s18, $0x7;
	s18 =	sshll.u32 s18, $0x9  }
0x1e9: {  	s20 =	sshll.u32 s20, $0x6;
	s19 =	sadd.s32 s9, s19;
	s18 =	sshra.s32 s18, $0x2  }
.Ltmp7:
0x1ea: {  	s19 =	sshrl.u32 s19, $0x3;
	s18 =	sadd.s32 s18, s2;
	(pc) =	sbr.rel @p3 .LBB2_10-.Ltmp7, $4  }
0x1eb: {  	s20 =	sor.u32 $0x1C02, s20;
	s19 =	sadd.s32 s5, s19;
	s18 =	sshrl.u32 s18, $0x3  }
0x1ec: {  	[hbm:s19], [sflag:s20] =	dma.local [spmem:s18], $0x800  }
0x1ed: {  	s20 =	stileid.u32  }
0x1ee: {  	s6 =	sadd.s32 $0xFFFFFFFF, s6;
	p2 =	slt.s32 s3, $0x2890  }
.LBB2_11:
0x1ef: {  	s3 =	simm.s32 @!p2 $0x2890  }
0x1f0: {  	s6 =	sshll.u32 s3, $0x7;
	s3 =	sshll.u32 s3, $0x9  }
0x1f1: {  	s18 =	sshll.u32 s20, $0x6;
	s6 =	sadd.s32 s9, s6;
	s3 =	sshra.s32 s3, $0x2  }
0x1f2: {  	s18 =	sor.u32 $0x1C02, s18;
	s6 =	sshrl.u32 s6, $0x3;
	s3 =	sadd.s32 s3, s2  }
.Ltmp8:
0x1f3: {  	s6 =	sadd.s32 s5, s6;
	s3 =	sshrl.u32 s3, $0x3;
	(pc) =	sbr.rel @!p1 .LBB2_13-.Ltmp8, $4  }
0x1f4: {  	[hbm:s6], [sflag:s18] =	dma.local [spmem:s3], $0x800  }
0x1f5: {  	_ =	swait.ge [sflag:s12], $0x800  }
0x1f6: {  	s8 =	rddreg [dreg:$0x12]  }
0x1f7: {  	[sflag:s12] =	ssyncset.done $0x0;
	s0 =	rddreg [dreg:$0x16];
	s3 =	sadd.s32 $0xFFFFFFFF, s8  }
.LBB2_12:
0x1f8: {  	p1 =	sne.s32 s3, $0x1;
	s3 =	sadd.s32 $0xFFFFFFFF, s3;
	[sflag:s12] =	ssyncadd.s32 $0xFFFFF800  }
.Ltmp9:
0x1f9: {  	(pc) =	sbr.rel @p1 .LBB2_12-.Ltmp9, $3  }
0x1fa: {  	_ =	sdelay $0x1  }
0x1fb: {  	_ =	swait.ge [sflag:s12], $0x800  }
0x1fc: {  	[sflag:s12] =	ssyncset.done $0x0  }
.LBB2_13:
0x1fd: {  	s0 =	sadd.s32 $0x1, s0;
	s3 =	rddreg [dreg:$0x15]  }
0x1fe: {  	p1 =	sne.s32 s0, s3  }
.Ltmp10:
0x1ff: {  	_ = 	snop;
	(pc) =	sbr.rel @p1 .LBB2_1-.Ltmp10, $2  }
0x200: {  	_ =	sdelay $0x2  }
0x201: {  	[sflag:s12] =	ssyncadd.s32 $0xFFFFF800  }
0x202: {  	_ =	sfence.sel $0x180000  }
0x203: {  	[bflag:$0x0] =	sbarrier.arrive $0xFFFF  }
0x204: {  	_ =	strace $0x90000047  }
0x205: {  	[bflag:$0x2] =	sbarrier.arrive $0xFFFF  }
0x206: {  	s0 =	rddreg [dreg:$0x3]  }
0x207: {  	s0 =	sadd.s32 @!p0 $0x100000, s0  }
0x208: {  	[sflag:s0] =	ssyncadd.tile.s32 @!p0 $0x1;
	_ =	shalt  }
.Lfunc_end2:
_tile_overlayer_lowered:
.L_overlay_start_2:
0x209: {  	(tag) =	ssettag $0x2  }
0x20a: {  	s0 =	rddreg [dreg:$0x0];
	s2 =	stileid.u32  }
0x20b: {  	s1 =	rddreg [dreg:$0x1];
	p0 =	sne.s32 s2, $0x0  }
0x20c: {  	s3 =	rddreg [dreg:$0x2];
	[bflag:$0x3] =	sbarrier.arrive $0xFFFF;
	s2 =	simm.s32 @!p0 $0x1C03  }
0x20d: {  	[timem:s3], [sflag:s2] =	dma.local @!p0 [hbm:s0], s1  }
0x20e: {  	s0 =	simm.s32 @!p0 $0x3  }
0x20f: {  	_ =	swait.ge @!p0 [sflag:s0], s1  }
0x210: {  	s1 =	ssub.s32 @!p0 $0x0, s1;
	[sflag:s0] =	ssyncset.done @!p0 $0x0  }
0x211: {  	[sflag:s0] =	ssyncadd.s32 @!p0 s1  }
0x212: {  	[bflag:$0x3] =	sbarrier.arrive $0xFFFF  }
0x213: {  	_ =	shalt  }

// kernel: kernel.13.cloned.1.call-start
scs
__scs_entry_jumppad:
0x0: {  	(pc) =	sbr.rel $0x88, $3  }
0x1: {  	(tag) =	ssettag $0x0;
	lr =	simm.s32 $0x1  }
0x2: {  	[smem:$0x3F80] =	sst lr;
	_ =	strace $0xD0000000  }
0x3: {  	_ = 	snop  }
0x4: {  	_ = 	snop  }
0x5: {  	_ = 	snop  }
0x6: {  	_ = 	snop  }
0x7: {  	_ = 	snop  }
__scs_overlays_trampoline_lowered:
0x8: {  	[smem:$0x3F8F] =	sst s0  }
0x9: {  	[smem:$0x3F90] =	sst s1  }
0xa: {  	[smem:$0x3F91] =	sst s2  }
0xb: {  	[smem:$0x3F92] =	sst s3  }
0xc: {  	[smem:$0x3F93] =	sst s4  }
0xd: {  	[smem:$0x3F94] =	sst s5  }
0xe: {  	[smem:$0x3F95] =	sst s6  }
0xf: {  	[smem:$0x3F96] =	sst s7  }
0x10: {  	[smem:$0x3F97] =	sst s8  }
0x11: {  	[smem:$0x3F98] =	sst s9;
	s0 =	simm.s32 @!p0 $0x0  }
0x12: {  	s1 =	sld [smem:$0x3F7E];
	s0 =	simm.s32 @p0 $0x1  }
0x13: {  	[smem:$0x3F99] =	sst s0;
	s0 =	simm.s32 @!p1 $0x0  }
0x14: {  	s2 =	sld [smem:$0x3F7D];
	s0 =	simm.s32 @p1 $0x1  }
0x15: {  	[smem:$0x3F9A] =	sst s0;
	s0 =	simm.s32 @!p2 $0x0  }
0x16: {  	s3 =	sld [smem:$0x3FDB];
	s0 =	simm.s32 @p2 $0x1  }
0x17: {  	s4 =	simm.s32 $0x1BF5;
	[smem:$0x3F9C] =	sst s0  }
0x18: {  	s0 =	sld [smem:$0x3F7F];
	_ =	swait.ge [sflag:s4], $0x0  }
0x19: {  	s7 =	sld [smem:$0x3F80]  }
0x1a: {  	s8 =	sadd.s32 $0xFFFFE003, lr  }
0x1b: {  	s9 =	sadd.s32 $0xFFFFFEF7, lr;
	s5 =	simm.s32 $0xFFFFFFFF;
	p2 =	slt.u32 s8, $0xFFFFF086  }
0x1c: {  	p1 =	slt.u32 s9, $0xF7A;
	s5 =	simm.s32 @!p2 $0x0  }
0x1d: {  	s5 =	simm.s32 @p1 $0x1;
	p0 =	seq.s32 s7, s2  }
0x1e: {  	s7 =	smul.u32 @!p0 $0xF7A, s2;
	p2 =	seq.s32 @!p0 s5, $0x0  }
0x1f: {  	s9 =	smul.u32 $0xF7A, s1;
	s8 =	simm.s32 @!p0 $0x1BF5;
	p2 =	por !p2, p0  }
0x20: {  	[sflag:s8] =	ssyncset.s32 @!p0 $0xFFFFF086;
	s6 =	sadd.s32 @!p0 s3, s7;
	s7 =	simm.s32 @!p0 $0x108  }
0x21: {  	s3 =	sadd.s32 s3, s9;
	s6 =	sadd.s32 @!p0 $0x88, s6;
	s7 =	simm.s32 @p2 $0x1082  }
0x22: {  	[simem:s7], [sflag:s8] =	dma.local @!p0 [hbm:s6], $0xF7A  }
0x23: {  	s9 =	sor.u32 $0xD0000000, s2;
	s6 =	simm.s32 $0x108;
	_ =	swait.ge @!p0 [sflag:s8], $0x0  }
0x24: {  	s3 =	sadd.s32 $0x88, s3;
	s6 =	simm.s32 @!p1 $0x1082;
	[sflag:s4] =	ssyncset.s32 $0xFFFFF086  }
0x25: {  	[simem:s6], [sflag:s4] =	dma.local [hbm:s3], $0xF7A  }
0x26: {  	[smem:$0x3F80] =	sst s1;
	(tag) =	ssettag s2;
	_ =	strace s9  }
0x27: {  	s1 =	sld [smem:$0x3F90]  }
0x28: {  	s2 =	sld [smem:$0x3F91]  }
0x29: {  	s4 =	sld [smem:$0x3F93]  }
0x2a: {  	p0 =	seq.s32 s5, $0x0;
	s5 =	sld [smem:$0x3F94]  }
0x2b: {  	s6 =	sld [smem:$0x3F95]  }
0x2c: {  	s7 =	sld [smem:$0x3F96]  }
0x2d: {  	s3 =	simm.s32 $0x108;
	s8 =	sld [smem:$0x3F97]  }
0x2e: {  	s3 =	simm.s32 @!p0 $0x1082;
	s9 =	sld [smem:$0x3F98]  }
0x2f: {  	lr =	sadd.s32 s0, s3;
	s0 =	sld [smem:$0x3F8F]  }
0x30: {  	s3 =	sld [smem:$0x3F92]  }
0x31: {  	[smem:$0x3F9B] =	sst s10  }
0x32: {  	s10 =	sld [smem:$0x3F99];
	_ =	sdelay $0x3  }
0x33: {  	p0 =	seq.s32 s10, $0x1;
	s10 =	sld [smem:$0x3F9B];
	_ =	sdelay $0x3  }
0x34: {  	[smem:$0x3F9B] =	sst s10  }
0x35: {  	s10 =	sld [smem:$0x3F9A];
	_ =	sdelay $0x3  }
0x36: {  	p1 =	seq.s32 s10, $0x1;
	s10 =	sld [smem:$0x3F9B];
	_ =	sdelay $0x3  }
0x37: {  	[smem:$0x3F9B] =	sst s10  }
0x38: {  	s10 =	sld [smem:$0x3F9C]  }
0x39: {  	_ = 	snop;
	(pc) =	sbr.ind lr, $3  }
0x3a: {  	_ = 	snop  }
0x3b: {  	_ = 	snop  }
0x3c: {  	p2 =	seq.s32 s10, $0x1;
	s10 =	sld [smem:$0x3F9B]  }
0x3d: {  	_ =	shalt  }
0x3e: {  	_ =	shalt  }
0x3f: {  	_ =	shalt  }
0x40: {  	_ =	shalt  }
0x41: {  	_ =	shalt  }
0x42: {  	_ =	shalt  }
0x43: {  	_ =	shalt  }
0x44: {  	_ =	shalt  }
0x45: {  	_ =	shalt  }
0x46: {  	_ =	shalt  }
0x47: {  	_ =	shalt  }
0x48: {  	_ =	shalt  }
0x49: {  	_ =	shalt  }
0x4a: {  	_ =	shalt  }
0x4b: {  	_ =	shalt  }
0x4c: {  	_ =	shalt  }
0x4d: {  	_ =	shalt  }
0x4e: {  	_ =	shalt  }
0x4f: {  	_ =	shalt  }
0x50: {  	_ =	shalt  }
0x51: {  	_ =	shalt  }
0x52: {  	_ =	shalt  }
0x53: {  	_ =	shalt  }
0x54: {  	_ =	shalt  }
0x55: {  	_ =	shalt  }
0x56: {  	_ =	shalt  }
0x57: {  	_ =	shalt  }
0x58: {  	_ =	shalt  }
0x59: {  	_ =	shalt  }
0x5a: {  	_ =	shalt  }
0x5b: {  	_ =	shalt  }
0x5c: {  	_ =	shalt  }
0x5d: {  	_ =	shalt  }
0x5e: {  	_ =	shalt  }
0x5f: {  	_ =	shalt  }
0x60: {  	_ =	shalt  }
0x61: {  	_ =	shalt  }
0x62: {  	_ =	shalt  }
0x63: {  	_ =	shalt  }
0x64: {  	_ =	shalt  }
0x65: {  	_ =	shalt  }
0x66: {  	_ =	shalt  }
0x67: {  	_ =	shalt  }
0x68: {  	_ =	shalt  }
0x69: {  	_ =	shalt  }
0x6a: {  	_ =	shalt  }
0x6b: {  	_ =	shalt  }
0x6c: {  	_ =	shalt  }
0x6d: {  	_ =	shalt  }
0x6e: {  	_ =	shalt  }
0x6f: {  	_ =	shalt  }
0x70: {  	_ =	shalt  }
0x71: {  	_ =	shalt  }
0x72: {  	_ =	shalt  }
0x73: {  	_ =	shalt  }
0x74: {  	_ =	shalt  }
0x75: {  	_ =	shalt  }
0x76: {  	_ =	shalt  }
0x77: {  	_ =	shalt  }
0x78: {  	_ =	shalt  }
0x79: {  	_ =	shalt  }
0x7a: {  	_ =	shalt  }
0x7b: {  	_ =	shalt  }
0x7c: {  	_ =	shalt  }
0x7d: {  	_ =	shalt  }
0x7e: {  	_ =	shalt  }
0x7f: {  	_ =	shalt  }
0x80: {  	_ =	shalt  }
0x81: {  	_ =	shalt  }
0x82: {  	_ =	shalt  }
0x83: {  	_ =	shalt  }
0x84: {  	_ =	shalt  }
0x85: {  	_ =	shalt  }
0x86: {  	_ =	shalt  }
0x87: {  	_ =	shalt  }
.Lfunc_end0:
.L_simem_size_0:
called_computation.1_lowered:
.L_overlay_start_0:
0x88: {  	s2 =	sld [smem:$0x3FD9]  }
0x89: {  	s3 =	sld [smem:$0x3FFE];
	_ =	sdelay $0x1  }
0x8a: {  	s1 =	srdreg.scid  }
0x8b: {  	s0 =	sand.u32 $0x1, s1  }
0x8c: {  	s15 =	sshll.u32 s0, $0xA;
	s2 =	sadd.s32 s3, s2  }
0x8d: {  	s2 =	sadd.s32 s2, s15  }
0x8e: {  	[smem:$0x3FA7] =	sst s2  }
0x8f: {  	_ = 	snop  }
0x90: {  	s2 =	sld [smem:$0x3FD0];
	_ =	sdelay $0x2  }
0x91: {  	s4 =	simm.s32 $0xB;
	s16 =	simm.s32 $0x10  }
0x92: {  	[smem:s16], [sflag:s4] =	dma.local [hbm:s2], $0x1  }
0x93: {  	_ =	swait.eq [sflag:s4], $0x1  }
0x94: {  	[sflag:s4] =	ssyncset.done $0x0  }
0x95: {  	s17 =	sld [smem:$0x10];
	[sflag:s4] =	ssyncadd.s32 $0xFFFFFFFF  }
0x96: {  	s18 =	sld [smem:$0x11];
	(tm) =	ssettm $0x1  }
0x97: {  	s19 =	sld [smem:$0x3FFB];
	_ =	sdelay $0x3  }
0x98: {  	_ =	strace s19  }
0x99: {  	s2 =	sld [smem:$0x3FFC];
	_ =	sdelay $0x3  }
0x9a: {  	_ =	strace s2  }
0x9b: {  	s2 =	sld [smem:$0x3FFD];
	_ =	sdelay $0x3  }
0x9c: {  	_ =	strace s2  }
0x9d: {  	_ =	strace $0x8FFFFFFF  }
0x9e: {  	s20 =	sld [smem:$0x3FDB];
	_ =	sdelay $0x1  }
0x9f: {  	s5 =	simm.s32 $_scs_section_size  }
0xa0: {  	s6 =	simm.s32 $_size__tile_overlayer_lowered;
	s7 =	simm.s32 $_tile_overlayer_lowered  }
0xa1: {  	s8 =	simm.s32 $0x1BFF;
	s21 =	sshll.u32 s7, $0x1;
	s5 =	sadd.s32 s5, s20  }
0xa2: {  	s22 =	simm.s32 $0x0;
	s6 =	sshll.u32 s6, $0x1;
	s7 =	sadd.s32 s21, s5  }
0xa3: {  	[timem:s22], [sflag:s8] =	dma.local [hbm:s7], s6  }
0xa4: {  	_ =	swait.ge [sflag:s8], s6  }
0xa5: {  	s6 =	ssub.s32 $0x0, s6;
	[sflag:s8] =	ssyncset.done $0x0  }
0xa6: {  	[sflag:s8] =	ssyncadd.s32 s6;
	_ =	sdelay $0x1  }
0xa7: {  	s23 =	simm.s32 $0x1B8B  }
0xa8: {  	_ =	swait.ge [sflag:s23], $0x1  }
0xa9: {  	[sflag:s23] =	ssyncset.done $0x0  }
0xaa: {  	[sflag:s23] =	ssyncadd.s32 $0xFFFFFFFF  }
0xab: {  	s6 =	sld [smem:$0x0]  }
0xac: {  	s7 =	sand.u32 $0xFFFFFFFE, s1  }
0xad: {  	p0 =	sne.s32 s1, s7  }
0xae: {  	s7 =	sshll.u32 @p0 s7, $0xE  }
0xaf: {  	s7 =	sadd.s32 @p0 $0x11B8D, s7;
	s8 =	sshll.u32 @p0 s6, $0x11  }
0xb0: {  	s7 =	sor.u32 @p0 s8, s7  }
0xb1: {  	[sflag:s7] =	ssyncadd.remote.s32 @p0 $0x1;
	_ =	sdelay $0x1  }
0xb2: {  	s7 =	simm.s32 @p0 $0x1B8D  }
0xb3: {  	_ =	swait.eq @p0 [sflag:s7], $0x1  }
0xb4: {  	[sflag:s7] =	ssyncadd.s32 @p0 $0xFFFFFFFF  }
0xb5: {  	s8 =	sshll.u32 @!p0 s1, $0xE  }
0xb6: {  	s8 =	sor.u32 @!p0 $0x4000, s8;
	s7 =	simm.s32 @!p0 $0x1B8D  }
0xb7: {  	s6 =	sshll.u32 @!p0 s6, $0x11;
	s8 =	sadd.s32 @!p0 $0x11B8D, s8;
	_ =	swait.eq @!p0 [sflag:s7], $0x1  }
0xb8: {  	s6 =	sor.u32 @!p0 s6, s8;
	[sflag:s7] =	ssyncadd.s32 @!p0 $0xFFFFFFFF  }
0xb9: {  	s25 =	simm.s32 $0x1B8E;
	s24 =	sld [smem:$0x3FFE];
	[sflag:s6] =	ssyncadd.remote.s32 @!p0 $0x1  }
0xba: {  	s26 =	simm.s32 $execute0_lowered;
	[smem:$0x3FD2] =	sst s25  }
0xbb: {  	s7 =	sshll.u32 s26, $0x1;
	_ =	strace $0x80000049;
	[dreg:$0x1] =	wrdreg $0xFFFFFFFF  }
0xbc: {  	s28 =	simm.s32 $_size_execute0_lowered;
	s5 =	sadd.s32 s5, s7;
	[dreg:$0x0] =	wrdreg $0x0  }
0xbd: {  	s7 =	sshll.u32 s28, $0x1;
	[dreg:$0x2] =	wrdreg s5  }
0xbe: {  	[dreg:$0x3] =	wrdreg s7  }
0xbf: {  	[dreg:$0x4] =	wrdreg $0xC0  }
0xc0: {  	_ =	task [dreg:s22], $0x5FFFF  }
0xc1: {  	[dreg:$0x1] =	wrdreg $0xFFFFFFFF  }
0xc2: {  	[dreg:$0x0] =	wrdreg $0x60  }
0xc3: {  	[dreg:$0x2] =	wrdreg s24  }
0xc4: {  	[dreg:$0x3] =	wrdreg s17  }
0xc5: {  	[dreg:$0x4] =	wrdreg s18  }
0xc6: {  	[dreg:$0x5] =	wrdreg $0xA4800  }
0xc7: {  	[dreg:$0x6] =	wrdreg $0x1ED000  }
0xc8: {  	[dreg:$0x7] =	wrdreg $0x9  }
0xc9: {  	_ =	task.clear_ibuf [dreg:s22], $0x8FFFF;
	_ =	strace $0x90000049  }
0xca: {  	s29 =	simm.s32 $0x9;
	_ =	strace $0x8000004B  }
0xcb: {  	_ =	swait.ge [sflag:s29], $0x1  }
0xcc: {  	[sflag:s29] =	ssyncadd.s32 $0xFFFFFFFF  }
0xcd: {  	_ =	strace $0x9000004B  }
0xce: {  	_ =	sfence  }
0xcf: {  	s30 =	sld [smem:$0x0];
	_ =	sdelay $0x2  }
0xd0: {  	s31 =	sshll.u32 s1, $0xD;
	s1 =	sshrl.u32 s1, $0x2  }
0xd1: {  	s4 =	sand.u32 $0x4000, s31;
	s1 =	sadd.s32 s1, s30  }
0xd2: {  	s0 =	sor.u32 s4, s0;
	s1 =	sshll.u32 s1, $0x11  }
0xd3: {  	s0 =	sor.u32 s1, s0  }
0xd4: {  	s0 =	sadd.s32 $0x8F2B, s0  }
0xd5: {  	[sflag:s0] =	ssyncadd.remote.s32 $0x1  }
0xd6: {  	_ =	sfence.sel $0xFFFF  }
0xd7: {  	[dreg:$0x0] =	wrdreg $0xFFFFFFFF;
	(pc) =	sbr.abs _section_cstart, $3  }
0xd8: {  	[dreg:$0x1] =	wrdreg $0xFFFFFFFF  }
0xd9: {  	_ =	task.clear_ibuf [dreg:s22], $0x2FFFF;
	_ =	strace $0x9FFFFFFF  }
0xda: {  	(tm) =	ssettm $0x7FFFFFFF  }
0xdb: {  	_ =	shalt  }
tec
execute0_lowered:
.L_overlay_start_1:
0x0: {  	(tag) =	ssettag $0x1  }
0x1: {  	s0 =	rddreg [dreg:$0x0]  }
0x2: {  	s2 =	rddreg [dreg:$0x2]  }
0x3: {  	s3 =	rddreg [dreg:$0x3]  }
0x4: {  	s4 =	rddreg [dreg:$0x4]  }
0x5: {  	s5 =	simm.s32 $0x0;
	s1 =	srdreg.scid;
	s10 =	stileid.u32  }
0x6: {  	s28 =	simm.s32 $0x3;
	s29 =	simm.s32 $0x3980;
	[smem:$0x7FF] =	sst s5  }
0x7: {  	s6 =	sadd.s32 $0x6C600, s0;
	s7 =	sadd.s32 $0x95A00, s0;
	s21 =	sadd.s32 $0x96000, s0  }
0x8: {  	s1 =	sand.u32 $0x1, s1;
	s22 =	sadd.s32 $0x95800, s0;
	s11 =	sadd.s32 $0x96600, s0  }
0x9: {  	s9 =	ssub.s32 $0xB4, s10;
	s12 =	sadd.s32 $0xA6600, s0;
	s14 =	sshll.u32 s10, $0x6  }
0xa: {  	s24 =	sshll.u32 s10, $0xB;
	_ =	strace $0x8000004A;
	[dreg:$0x6] =	wrdreg s7  }
0xb: {  	s16 =	sadd.s32 $0x9E600, s0;
	s26 =	ssub.s32 $0x62, s10;
	[dreg:$0x7] =	wrdreg s21  }
0xc: {  	s30 =	sshll.u32 s10, $0x7;
	[dreg:$0x8] =	wrdreg s22;
	s23 =	ssub.s32 $0x2, s1  }
0xd: {  	s19 =	sshrl.u32 s9, $0x4;
	s25 =	sshll.u32 s1, $0xA;
	s18 =	smul.u32 $0x148800, s1  }
0xe: {  	s17 =	sshrl.u32 s26, $0x4;
	[dreg:$0xb] =	wrdreg s30;
	s20 =	smul.u32 $0x2910, s1  }
0xf: {  	s22 =	simm.s32 $0x6400;
	s26 =	simm.s32 $0x1000;
	s1 =	simm.s32 $0x8400  }
0x10: {  	s8 =	sshrl.u32 s23, $0x1;
	s15 =	sor.u32 s25, s24;
	s24 =	simm.s32 $0x1  }
0x11: {  	s25 =	simm.s32 $0x2;
	[dreg:$0x9] =	wrdreg s19;
	s7 =	ssub.s32 s23, s8  }
0x12: {  	[dreg:$0xa] =	wrdreg s17;
	s23 =	simm.s32 $0xA400;
	s31 =	smax.u32 s7, $0x1  }
0x13: {  	v0 =	vimm.f32 $0.0e+00;
	s8 =	simm.s32 $0x0;
	s7 =	simm.s32 $0x40;
	[dreg:$0xc] =	wrdreg s31  }
.LBB2_1:
0x14: {  	[dreg:$0xd] =	wrdreg s8;
	s8 =	simm.s32 $0x0;
	s9 =	simm.s32 $0x200  }
.LBB2_2:
0x15: {  	p0 =	sne.s32 s9, $0x7E00;
	[tilespmem:s8+$0x6470] =	vst v0  }
0x16: {  	[tilespmem:s8+$0x6400] =	vst v0  }
0x17: {  	[tilespmem:s8+$0x6410] =	vst v0  }
.Ltmp0:
0x18: {  	[tilespmem:s8+$0x6420] =	vst v0;
	(pc) =	sbr.rel @p0 .LBB2_2-.Ltmp0, $4  }
0x19: {  	[tilespmem:s8+$0x6430] =	vst v0  }
0x1a: {  	[tilespmem:s8+$0x6440] =	vst v0  }
0x1b: {  	[tilespmem:s8+$0x6450] =	vst v0  }
0x1c: {  	[tilespmem:s8+$0x6460] =	vst v0;
	s8 =	sshra.s32 s9, $0x2;
	s9 =	sadd.s32 $0x200, s9  }
0x1d: {  	[tilespmem:s8+$0x6470] =	vst v0  }
0x1e: {  	[tilespmem:s8+$0x6400] =	vst v0  }
0x1f: {  	[tilespmem:s8+$0x6410] =	vst v0  }
0x20: {  	[tilespmem:s8+$0x6420] =	vst v0  }
0x21: {  	[tilespmem:s8+$0x6430] =	vst v0  }
0x22: {  	[tilespmem:s8+$0x6440] =	vst v0;
	p0 =	slt.s32 s14, $0x28D0;
	s10 =	smov.u32 s14  }
0x23: {  	[tilespmem:s8+$0x6450] =	vst v0;
	s10 =	simm.s32 @!p0 $0x28D0;
	p0 =	sne.s32 s19, $0x1  }
.Ltmp1:
0x24: {  	[tilespmem:s8+$0x6460] =	vst v0;
	(pc) =	sbr.rel @!p0 .LBB2_5-.Ltmp1, $4  }
0x25: {  	[tilespmem:$0xA400] =	vst v0  }
0x26: {  	[tilespmem:$0xA410] =	vst v0  }
0x27: {  	s8 =	sadd.s32 $0xFFFFFFFF, s19;
	[tilespmem:$0xA420] =	vst v0  }
0x28: {  	s9 =	sadd.s32 $0x400, s14;
	[tilespmem:$0xA430] =	vst v0;
	s13 =	sshll.u32 s10, $0x9;
	[dreg:$0xe] =	wrdreg s10  }
.LBB2_4:
0x29: {  	p1 =	slt.s32 s9, $0x28D0;
	s17 =	smov.u32 s9  }
0x2a: {  	s13 =	sshra.s32 s13, $0x2;
	s17 =	simm.s32 @!p1 $0x28D0;
	p1 =	sne.s32 s8, $0x1  }
.Ltmp2:
0x2b: {  	s13 =	sadd.s32 s13, s3;
	(pc) =	sbr.rel @p1 .LBB2_4-.Ltmp2, $4  }
0x2c: {  	[spmem:s13] =	stream.linear.scatter [tilespmem:s22], [sflag:$0x1], $0x2000, $0x38;
	[tilespmem:$0x1EF98] =	vst v63  }
0x2d: {  	s10 =	sadd.s32 s10, s4;
	s8 =	sadd.s32 $0xFFFFFFFF, s8  }
0x2e: {  	[spmem:s10] =	stream.linear.scatter [tilespmem:s23], [sflag:$0x2], $0x40, $0x38;
	[tilespmem:$0x1EF98] =	vst v63  }
0x2f: {  	s9 =	sadd.s32 $0x400, s9;
	s13 =	sshll.u32 s17, $0x9;
	s10 =	smov.u32 s17  }
.LBB2_5:
0x30: {  	s8 =	sshra.s32 s13, $0x2  }
0x31: {  	s8 =	sadd.s32 s8, s3  }
0x32: {  	[spmem:s8] =	stream.linear.scatter [tilespmem:s22], [sflag:$0x1], $0x2000, $0x38;
	[tilespmem:$0x1EF98] =	vst v63  }
0x33: {  	s31 =	sadd.s32 s10, s4  }
0x34: {  	[spmem:s31] =	stream.linear.scatter [tilespmem:s23], [sflag:$0x2], $0x40, $0x38;
	[tilespmem:$0x1EF98] =	vst v63  }
.Ltmp3:
0x35: {  	_ =	swait.ge [sflag:s24], $0x2000;
	(pc) =	sbr.rel @!p0 .LBB2_7-.Ltmp3, $4  }
0x36: {  	[sflag:s24] =	ssyncset.done $0x0  }
0x37: {  	[sflag:s24] =	ssyncadd.s32 $0xFFFFE000  }
0x38: {  	_ =	swait.ge [sflag:s25], $0x40  }
0x39: {  	s8 =	sadd.s32 $0xFFFFFFFF, s19;
	[sflag:s25] =	ssyncset.done $0x0  }
.LBB2_6:
0x3a: {  	p1 =	sne.s32 s8, $0x1;
	s8 =	sadd.s32 $0xFFFFFFFF, s8;
	[sflag:s25] =	ssyncadd.s32 $0xFFFFFFC0  }
.Ltmp4:
0x3b: {  	_ =	swait.ge [sflag:s24], $0x2000;
	(pc) =	sbr.rel @p1 .LBB2_6-.Ltmp4, $4  }
0x3c: {  	[sflag:s24] =	ssyncset.done $0x0  }
0x3d: {  	[sflag:s24] =	ssyncadd.s32 $0xFFFFE000  }
0x3e: {  	_ =	swait.ge [sflag:s25], $0x40  }
0x3f: {  	[sflag:s25] =	ssyncset.done $0x0  }
.LBB2_7:
0x40: {  	[sflag:s25] =	ssyncadd.s32 $0xFFFFFFC0;
	s8 =	simm.s32 $0x0;
	s0 =	rddreg [dreg:$0x6]  }
0x41: {  	[tilespmem:s26], [sflag:$0x3] =	stream.linear.gather [hbm4b:s0+s8], $0x2980, $0x38;
	[tilespmem:$0x1EF98] =	vst v63  }
0x42: {  	_ =	swait.ge [sflag:s28], $0x2980  }
0x43: {  	[sflag:s28] =	ssyncset.done $0x0  }
0x44: {  	s19 =	rddreg [dreg:$0x7];
	[sflag:s28] =	ssyncadd.s32 $0xFFFFD680  }
0x45: {  	[tilespmem:s29], [sflag:$0x3] =	stream.linear.gather [hbm4b:s19+s8], $0x2980, $0x38;
	[tilespmem:$0x1EF98] =	vst v63  }
0x46: {  	_ =	swait.ge [sflag:s28], $0x2980  }
0x47: {  	[sflag:s28] =	ssyncset.done $0x0  }
0x48: {  	[sflag:s28] =	ssyncadd.s32 $0xFFFFD680  }
0x49: {  	s9 =	simm.s32 $0x6300;
	s21 =	rddreg [dreg:$0x1]  }
0x4a: {  	[tilespmem:s9], [sflag:$0x3] =	stream.linear.gather [hbm4b:s21+s8], $0x80, $0x38;
	[tilespmem:$0x1EF98] =	vst v63  }
0x4b: {  	_ =	swait.ge [sflag:s28], $0x80  }
0x4c: {  	[sflag:s28] =	ssyncset.done $0x0  }
0x4d: {  	s31 =	simm.s32 $0x6380;
	s30 =	rddreg [dreg:$0x8];
	[sflag:s28] =	ssyncadd.s32 $0xFFFFFF80  }
0x4e: {  	[tilespmem:s31], [sflag:$0x3] =	stream.linear.gather [hbm4b:s30+s8], $0x80, $0x38;
	[tilespmem:$0x1EF98] =	vst v63  }
0x4f: {  	_ =	swait.ge [sflag:s28], $0x80  }
0x50: {  	[sflag:s28] =	ssyncset.done $0x0  }
0x51: {  	[sflag:s28] =	ssyncadd.s32 $0xFFFFFF80  }
0x52: {  	[bflag:$0x0] =	sbarrier.arrive $0xFFFF  }
0x53: {  	v1 =	vld [tilespmem:$0x6300]  }
0x54: {  	v2 =	vld [tilespmem:$0x6380];
	_ =	sdelay $0x4  }
0x55: {  	v1 =	vadd.f32 v2, v1;
	_ =	sdelay $0x1  }
0x56: {  	s9 =	simm.s32 $0x0;
	v1 =	vmax.f32 v1, $0.0e+00  }
.LBB2_8:
0x57: {  	s10 =	sshll.u32 s9, $0x8  }
0x58: {  	s10 =	sadd.s32 s15, s10  }
0x59: {  	s13 =	sadd.s32 s11, s10  }
0x5a: {  	[tilespmem:s8], [sflag:$0x3] =	stream.linear.gather [hbm4b:s13+s8], $0x800, $0x38;
	[tilespmem:$0x1EF98] =	vst v63  }
0x5b: {  	_ =	swait.ge [sflag:s28], $0x800  }
0x5c: {  	[sflag:s28] =	ssyncset.done $0x0  }
0x5d: {  	s0 =	simm.s32 $0x800;
	s10 =	sadd.s32 s10, s16;
	[sflag:s28] =	ssyncadd.s32 $0xFFFFF800  }
0x5e: {  	[tilespmem:s0], [sflag:$0x3] =	stream.linear.gather [hbm4b:s10+s8], $0x800, $0x38;
	[tilespmem:$0x1EF98] =	vst v63  }
0x5f: {  	_ =	swait.ge [sflag:s28], $0x800  }
0x60: {  	[sflag:s28] =	ssyncset.done $0x0  }
0x61: {  	s10 =	simm.s32 $0x0;
	[sflag:s28] =	ssyncadd.s32 $0xFFFFF800  }
0x62: {  	[tilespmem:s22], [sflag:$0x1] =	stream.indirect.gather [hbm4b:s6+s7], $0x80, s8, s7, $0xb8;
	[tilespmem:$0x1EF98] =	vst v63  }
.LBB2_9:
0x63: {  	s19 =	sshll.u32 s10, $0x8  }
0x64: {  	s21 =	sor.u32 $0x80, s19  }
0x65: {  	[tilespmem:s1], [sflag:$0x2] =	stream.indirect.gather [hbm4b:s6+s7], $0x80, s21, s7, $0xb8;
	[tilespmem:$0x1EF98] =	vst v63  }
0x66: {  	_ =	swait.ge [sflag:s24], $0x2000  }
0x67: {  	[sflag:s24] =	ssyncset.done $0x0  }
0x68: {  	[sflag:s24] =	ssyncadd.s32 $0xFFFFE000  }
0x69: {  	v2 =	vld [tilespmem:s19+$0x0]  }
0x6a: {  	v3 =	vld [tilespmem:s19+$0x800];
	_ =	sdelay $0x6  }
0x6b: {  	v2 =	vld.idx.msk [tilespmem:v2+s26+$0x0], $0xffff  }
0x6c: {  	v3 =	vld.idx.msk [tilespmem:v3+s29+$0x0], $0xffff;
	_ =	sdelay $0x4  }
0x6d: {  	v2 =	vadd.f32 v3, v2;
	_ =	sdelay $0x1  }
0x6e: {  	v3 =	vmul.f32 $2.000000030e-01, v2;
	_ =	sdelay $0x1  }
0x6f: {  	v2 =	vmax.f32 v2, v3  }
0x70: {  	v2 =	vsub.f32 v2, v1;
	_ =	sdelay $0x1  }
0x71: {  	v2 =	vmul.f32 $1.442695020e+00, v2;
	_ =	sdelay $0x1  }
0x72: {  	(erf) = vpow2.f32 v2;
	_ =	sdelay $0x8  }
0x73: {  	v2 =	vpop (erf)  }
0x74: {  	[tilespmem:$0xA400] =	vst v2  }
0x75: {  	v2 =	vld [tilespmem:s19+$0x10]  }
0x76: {  	v3 =	vld [tilespmem:s19+$0x810];
	_ =	sdelay $0x6  }
0x77: {  	v2 =	vld.idx.msk [tilespmem:v2+s26+$0x0], $0xffff  }
0x78: {  	v3 =	vld.idx.msk [tilespmem:v3+s29+$0x0], $0xffff;
	_ =	sdelay $0x4  }
0x79: {  	v2 =	vadd.f32 v3, v2;
	_ =	sdelay $0x1  }
0x7a: {  	v3 =	vmul.f32 $2.000000030e-01, v2;
	_ =	sdelay $0x1  }
0x7b: {  	v2 =	vmax.f32 v2, v3  }
0x7c: {  	v2 =	vsub.f32 v2, v1;
	_ =	sdelay $0x1  }
0x7d: {  	v2 =	vmul.f32 $1.442695020e+00, v2;
	_ =	sdelay $0x1  }
0x7e: {  	(erf) = vpow2.f32 v2;
	_ =	sdelay $0x8  }
0x7f: {  	v2 =	vpop (erf)  }
0x80: {  	[tilespmem:$0xA410] =	vst v2  }
0x81: {  	v2 =	vld [tilespmem:s19+$0x20]  }
0x82: {  	v3 =	vld [tilespmem:s19+$0x820];
	_ =	sdelay $0x6  }
0x83: {  	v2 =	vld.idx.msk [tilespmem:v2+s26+$0x0], $0xffff  }
0x84: {  	v3 =	vld.idx.msk [tilespmem:v3+s29+$0x0], $0xffff;
	_ =	sdelay $0x4  }
0x85: {  	v2 =	vadd.f32 v3, v2;
	_ =	sdelay $0x1  }
0x86: {  	v3 =	vmul.f32 $2.000000030e-01, v2;
	_ =	sdelay $0x1  }
0x87: {  	v2 =	vmax.f32 v2, v3  }
0x88: {  	v2 =	vsub.f32 v2, v1;
	_ =	sdelay $0x1  }
0x89: {  	v2 =	vmul.f32 $1.442695020e+00, v2;
	_ =	sdelay $0x1  }
0x8a: {  	(erf) = vpow2.f32 v2;
	_ =	sdelay $0x8  }
0x8b: {  	v2 =	vpop (erf)  }
0x8c: {  	[tilespmem:$0xA420] =	vst v2  }
0x8d: {  	v2 =	vld [tilespmem:s19+$0x30]  }
0x8e: {  	v3 =	vld [tilespmem:s19+$0x830];
	_ =	sdelay $0x6  }
0x8f: {  	v2 =	vld.idx.msk [tilespmem:v2+s26+$0x0], $0xffff  }
0x90: {  	v3 =	vld.idx.msk [tilespmem:v3+s29+$0x0], $0xffff;
	_ =	sdelay $0x4  }
0x91: {  	v2 =	vadd.f32 v3, v2;
	_ =	sdelay $0x1  }
0x92: {  	v3 =	vmul.f32 $2.000000030e-01, v2;
	_ =	sdelay $0x1  }
0x93: {  	v2 =	vmax.f32 v2, v3  }
0x94: {  	v2 =	vsub.f32 v2, v1;
	_ =	sdelay $0x1  }
0x95: {  	v2 =	vmul.f32 $1.442695020e+00, v2;
	_ =	sdelay $0x1  }
0x96: {  	(erf) = vpow2.f32 v2;
	_ =	sdelay $0x7  }
0x97: {  	s13 =	simm.s32 $0x0  }
0x98: {  	v3 =	vmov s13;
	v2 =	vpop (erf)  }
0x99: {  	s17 =	simm.s32 $0x6440;
	[tilespmem:$0xA430] =	vst v2  }
0x9a: {  	v6 =	vld [tilespmem:s17+$0x30]  }
0x9b: {  	v9 =	vld [tilespmem:s17+$0x10]  }
0x9c: {  	v7 =	vld [tilespmem:s17+$0xFFFFFFC0]  }
0x9d: {  	v3 =	vld.idx.msk [tilespmem:v3+s23+$0x0], $0xffff  }
0x9e: {  	v11 =	vld [tilespmem:s17+$0xFFFFFFE0]  }
0x9f: {  	v2 =	vld [tilespmem:s17+$0xFFFFFFF0]  }
0xa0: {  	v4 =	vld [tilespmem:s17+$0x20]  }
0xa1: {  	v5 =	vld [tilespmem:s17+$0xFFFFFFD0]  }
0xa2: {  	v10 =	vmul.f32 v6, v3;
	v6 =	vld [tilespmem:s17+$0x0]  }
0xa3: {  	v8 =	vmul.f32 v7, v3  }
0xa4: {  	s30 =	simm.s32 $0x1;
	s31 =	simm.s32 $0x6440;
	s13 =	sadd.s32 $0x800, s19;
	v7 =	vmul.f32 v11, v3;
	v9 =	vmul.f32 v9, v3  }
.LBB2_10:
0xa5: {  	p1 =	sne.s32 s30, $0x3F  }
0xa6: {  	v5 =	vmul.f32 v5, v3;
	v4 =	vmul.f32 v4, v3;
	[tilespmem:s17+$0x30] =	vst v10;
	s31 =	sadd.s32 $0x80, s31;
	s0 =	smov.u32 s30;
	s30 =	sadd.s32 $0x1, s30  }
0xa7: {  	[tilespmem:s17+$0xFFFFFFC0] =	vst v8;
	v8 =	vmul.f32 v2, v3;
	v3 =	vmul.f32 v6, v3  }
0xa8: {  	[tilespmem:s17+$0x10] =	vst v9  }
0xa9: {  	v6 =	vmov s0;
	[tilespmem:s17+$0xFFFFFFE0] =	vst v7  }
0xaa: {  	v2 =	vld [tilespmem:s31+$0xFFFFFFF0];
	[tilespmem:s17+$0xFFFFFFF0] =	vst v8  }
0xab: {  	v7 =	vld [tilespmem:s31+$0x30];
	[tilespmem:s17+$0x0] =	vst v3  }
0xac: {  	v9 =	vld [tilespmem:s31+$0x10];
	[tilespmem:s17+$0x20] =	vst v4  }
0xad: {  	v8 =	vld [tilespmem:s31+$0xFFFFFFC0];
	[tilespmem:s17+$0xFFFFFFD0] =	vst v5;
	s17 =	smov.u32 s31  }
0xae: {  	v3 =	vld.idx.msk [tilespmem:v6+s23+$0x0], $0xffff  }
0xaf: {  	v11 =	vld [tilespmem:s31+$0xFFFFFFE0]  }
0xb0: {  	v4 =	vld [tilespmem:s31+$0x20]  }
.Ltmp5:
0xb1: {  	v5 =	vld [tilespmem:s31+$0xFFFFFFD0];
	(pc) =	sbr.rel @p1 .LBB2_10-.Ltmp5, $3  }
0xb2: {  	v6 =	vld [tilespmem:s31+$0x0];
	_ =	sdelay $0x1  }
0xb3: {  	v8 =	vmul.f32 v8, v3;
	v10 =	vmul.f32 v7, v3  }
0xb4: {  	v9 =	vmul.f32 v9, v3;
	v7 =	vmul.f32 v11, v3  }
0xb5: {  	[tilespmem:s17+$0x30] =	vst v10  }
0xb6: {  	[tilespmem:s17+$0xFFFFFFC0] =	vst v8  }
0xb7: {  	v2 =	vmul.f32 v2, v3;
	[tilespmem:s17+$0x10] =	vst v9  }
0xb8: {  	v4 =	vmul.f32 v4, v3;
	[tilespmem:s17+$0xFFFFFFE0] =	vst v7  }
0xb9: {  	v6 =	vmul.f32 v6, v3;
	[tilespmem:s17+$0xFFFFFFF0] =	vst v2  }
0xba: {  	v2 =	vmul.f32 v5, v3;
	[tilespmem:s17+$0x20] =	vst v4  }
0xbb: {  	[tilespmem:s17+$0x0] =	vst v6  }
0xbc: {  	[tilespmem:s17+$0xFFFFFFD0] =	vst v2  }
0xbd: {  	[spmem:s3] =	stream.indirect.scatter.add.f32 [tilespmem:s22], [sflag:$0x3], $0x80, s13, s7, $0xb8;
	[tilespmem:$0x1EF98] =	vst v63  }
0xbe: {  	_ =	swait.ge [sflag:s28], $0x2000  }
0xbf: {  	p1 =	seq.s32 s10, $0x7;
	[sflag:s28] =	ssyncset.done $0x0  }
0xc0: {  	s0 =	sshll.u32 @!p1 s10, $0x8;
	[sflag:s28] =	ssyncadd.s32 $0xFFFFE000  }
0xc1: {  	[spmem:s4] =	stream.indirect.scatter.add.f32 [tilespmem:s23], [sflag:$0x3], $0x1, s13, s7, $0xb8;
	[tilespmem:$0x1EF98] =	vst v63  }
0xc2: {  	s0 =	sand.u32 @!p1 $0x3FFFFF00, s0;
	_ =	swait.ge [sflag:s28], $0x40  }
0xc3: {  	s0 =	sadd.s32 @!p1 $0x100, s0;
	[sflag:s28] =	ssyncset.done $0x0  }
0xc4: {  	s17 =	simm.s32 @!p1 $0x6400;
	s13 =	simm.s32 @!p1 $0x40;
	[sflag:s28] =	ssyncadd.s32 $0xFFFFFFC0  }
0xc5: {  	[tilespmem:s17], [sflag:$0x1] =	stream.indirect.gather @!p1 [hbm4b:s6+s13], $0x80, s0, s13, $0xb8;
	[tilespmem:$0x1EF98] =	vst v63  }
0xc6: {  	_ =	swait.ge [sflag:s25], $0x2000  }
0xc7: {  	[sflag:s25] =	ssyncset.done $0x0  }
0xc8: {  	[sflag:s25] =	ssyncadd.s32 $0xFFFFE000  }
0xc9: {  	v2 =	vld [tilespmem:s21+$0x0]  }
0xca: {  	v3 =	vld [tilespmem:s21+$0x800];
	_ =	sdelay $0x6  }
0xcb: {  	v2 =	vld.idx.msk [tilespmem:v2+s26+$0x0], $0xffff  }
0xcc: {  	v3 =	vld.idx.msk [tilespmem:v3+s29+$0x0], $0xffff;
	_ =	sdelay $0x4  }
0xcd: {  	v2 =	vadd.f32 v3, v2;
	_ =	sdelay $0x1  }
0xce: {  	v3 =	vmul.f32 $2.000000030e-01, v2;
	_ =	sdelay $0x1  }
0xcf: {  	v2 =	vmax.f32 v2, v3  }
0xd0: {  	v2 =	vsub.f32 v2, v1;
	_ =	sdelay $0x1  }
0xd1: {  	v2 =	vmul.f32 $1.442695020e+00, v2;
	_ =	sdelay $0x1  }
0xd2: {  	(erf) = vpow2.f32 v2;
	_ =	sdelay $0x8  }
0xd3: {  	v2 =	vpop (erf)  }
0xd4: {  	s13 =	sor.u32 $0x90, s19;
	[tilespmem:$0xA400] =	vst v2  }
0xd5: {  	v2 =	vld [tilespmem:s13+$0x0]  }
0xd6: {  	v3 =	vld [tilespmem:s19+$0x890];
	_ =	sdelay $0x6  }
0xd7: {  	v2 =	vld.idx.msk [tilespmem:v2+s26+$0x0], $0xffff  }
0xd8: {  	v3 =	vld.idx.msk [tilespmem:v3+s29+$0x0], $0xffff;
	_ =	sdelay $0x4  }
0xd9: {  	v2 =	vadd.f32 v3, v2;
	_ =	sdelay $0x1  }
0xda: {  	v3 =	vmul.f32 $2.000000030e-01, v2;
	_ =	sdelay $0x1  }
0xdb: {  	v2 =	vmax.f32 v2, v3  }
0xdc: {  	v2 =	vsub.f32 v2, v1;
	_ =	sdelay $0x1  }
0xdd: {  	v2 =	vmul.f32 $1.442695020e+00, v2;
	_ =	sdelay $0x1  }
0xde: {  	(erf) = vpow2.f32 v2;
	_ =	sdelay $0x8  }
0xdf: {  	v2 =	vpop (erf)  }
0xe0: {  	s17 =	sor.u32 $0xA0, s19;
	[tilespmem:$0xA410] =	vst v2  }
0xe1: {  	v2 =	vld [tilespmem:s17+$0x0]  }
0xe2: {  	v3 =	vld [tilespmem:s19+$0x8A0];
	_ =	sdelay $0x6  }
0xe3: {  	v2 =	vld.idx.msk [tilespmem:v2+s26+$0x0], $0xffff  }
0xe4: {  	v3 =	vld.idx.msk [tilespmem:v3+s29+$0x0], $0xffff;
	_ =	sdelay $0x4  }
0xe5: {  	v2 =	vadd.f32 v3, v2;
	_ =	sdelay $0x1  }
0xe6: {  	v3 =	vmul.f32 $2.000000030e-01, v2;
	_ =	sdelay $0x1  }
0xe7: {  	v2 =	vmax.f32 v2, v3  }
0xe8: {  	v2 =	vsub.f32 v2, v1;
	_ =	sdelay $0x1  }
0xe9: {  	v2 =	vmul.f32 $1.442695020e+00, v2;
	_ =	sdelay $0x1  }
0xea: {  	(erf) = vpow2.f32 v2;
	_ =	sdelay $0x8  }
0xeb: {  	v2 =	vpop (erf)  }
0xec: {  	s30 =	sor.u32 $0xB0, s19;
	[tilespmem:$0xA420] =	vst v2  }
0xed: {  	v2 =	vld [tilespmem:s30+$0x0]  }
0xee: {  	v3 =	vld [tilespmem:s19+$0x8B0];
	_ =	sdelay $0x6  }
0xef: {  	v2 =	vld.idx.msk [tilespmem:v2+s26+$0x0], $0xffff  }
0xf0: {  	v3 =	vld.idx.msk [tilespmem:v3+s29+$0x0], $0xffff;
	_ =	sdelay $0x4  }
0xf1: {  	v2 =	vadd.f32 v3, v2;
	_ =	sdelay $0x1  }
0xf2: {  	v3 =	vmul.f32 $2.000000030e-01, v2;
	_ =	sdelay $0x1  }
0xf3: {  	v2 =	vmax.f32 v2, v3  }
0xf4: {  	v2 =	vsub.f32 v2, v1;
	_ =	sdelay $0x1  }
0xf5: {  	v2 =	vmul.f32 $1.442695020e+00, v2;
	_ =	sdelay $0x1  }
0xf6: {  	(erf) = vpow2.f32 v2;
	_ =	sdelay $0x6  }
0xf7: {  	s31 =	simm.s32 $0x0  }
0xf8: {  	v2 =	vmov s31  }
0xf9: {  	v3 =	vpop (erf)  }
0xfa: {  	s17 =	simm.s32 $0x8470;
	[tilespmem:$0xA430] =	vst v3  }
0xfb: {  	v6 =	vld [tilespmem:s17+$0x0]  }
0xfc: {  	v9 =	vld [tilespmem:s17+$0xFFFFFFE0]  }
0xfd: {  	v2 =	vld.idx.msk [tilespmem:v2+s23+$0x0], $0xffff  }
0xfe: {  	v7 =	vld [tilespmem:s17+$0xFFFFFF90]  }
0xff: {  	v11 =	vld [tilespmem:s17+$0xFFFFFFB0]  }
0x100: {  	v3 =	vld [tilespmem:s17+$0xFFFFFFF0]  }
0x101: {  	v4 =	vld [tilespmem:s17+$0xFFFFFFC0]  }
0x102: {  	v5 =	vld [tilespmem:s17+$0xFFFFFFA0]  }
0x103: {  	v10 =	vmul.f32 v6, v2;
	v6 =	vld [tilespmem:s17+$0xFFFFFFD0]  }
0x104: {  	v8 =	vmul.f32 v7, v2  }
0x105: {  	s13 =	sadd.s32 $0x800, s21;
	s21 =	simm.s32 $0x8470;
	s19 =	simm.s32 $0x1;
	v7 =	vmul.f32 v11, v2;
	v9 =	vmul.f32 v9, v2  }
.LBB2_12:
0x106: {  	p1 =	sne.s32 s19, $0x3F  }
0x107: {  	v5 =	vmul.f32 v5, v2;
	v11 =	vmul.f32 v3, v2;
	[tilespmem:s17+$0x0] =	vst v10;
	s21 =	sadd.s32 $0x80, s21;
	s0 =	smov.u32 s19;
	s19 =	sadd.s32 $0x1, s19  }
0x108: {  	v4 =	vmul.f32 v4, v2;
	[tilespmem:s17+$0xFFFFFF90] =	vst v8;
	v2 =	vmul.f32 v6, v2  }
0x109: {  	[tilespmem:s17+$0xFFFFFFE0] =	vst v9  }
0x10a: {  	v6 =	vmov s0;
	[tilespmem:s17+$0xFFFFFFB0] =	vst v7  }
0x10b: {  	v3 =	vld [tilespmem:s21+$0xFFFFFFF0];
	[tilespmem:s17+$0xFFFFFFC0] =	vst v4  }
0x10c: {  	v7 =	vld [tilespmem:s21+$0x0];
	[tilespmem:s17+$0xFFFFFFD0] =	vst v2  }
0x10d: {  	v4 =	vld [tilespmem:s21+$0xFFFFFFC0];
	[tilespmem:s17+$0xFFFFFFF0] =	vst v11  }
0x10e: {  	v9 =	vld [tilespmem:s21+$0xFFFFFFE0];
	[tilespmem:s17+$0xFFFFFFA0] =	vst v5;
	s17 =	smov.u32 s21  }
0x10f: {  	v2 =	vld.idx.msk [tilespmem:v6+s23+$0x0], $0xffff  }
0x110: {  	v8 =	vld [tilespmem:s21+$0xFFFFFF90]  }
0x111: {  	v11 =	vld [tilespmem:s21+$0xFFFFFFB0]  }
.Ltmp6:
0x112: {  	v5 =	vld [tilespmem:s21+$0xFFFFFFA0];
	(pc) =	sbr.rel @p1 .LBB2_12-.Ltmp6, $3  }
0x113: {  	v6 =	vld [tilespmem:s21+$0xFFFFFFD0];
	_ =	sdelay $0x1  }
0x114: {  	v10 =	vmul.f32 v7, v2;
	v8 =	vmul.f32 v8, v2  }
0x115: {  	v9 =	vmul.f32 v9, v2;
	v7 =	vmul.f32 v11, v2  }
0x116: {  	[tilespmem:s17+$0x0] =	vst v10  }
0x117: {  	[tilespmem:s17+$0xFFFFFF90] =	vst v8  }
0x118: {  	v4 =	vmul.f32 v4, v2;
	[tilespmem:s17+$0xFFFFFFE0] =	vst v9  }
0x119: {  	v3 =	vmul.f32 v3, v2;
	[tilespmem:s17+$0xFFFFFFB0] =	vst v7  }
0x11a: {  	v6 =	vmul.f32 v6, v2;
	[tilespmem:s17+$0xFFFFFFC0] =	vst v4  }
0x11b: {  	v2 =	vmul.f32 v5, v2;
	[tilespmem:s17+$0xFFFFFFF0] =	vst v3  }
0x11c: {  	[tilespmem:s17+$0xFFFFFFD0] =	vst v6  }
0x11d: {  	[tilespmem:s17+$0xFFFFFFA0] =	vst v2  }
0x11e: {  	[spmem:s3] =	stream.indirect.scatter.add.f32 [tilespmem:s1], [sflag:$0x3], $0x80, s13, s7, $0xb8;
	[tilespmem:$0x1EF98] =	vst v63  }
0x11f: {  	s10 =	sadd.s32 $0x1, s10;
	_ =	swait.ge [sflag:s28], $0x2000  }
0x120: {  	p1 =	sne.s32 s10, $0x8;
	[sflag:s28] =	ssyncset.done $0x0  }
.Ltmp7:
0x121: {  	[sflag:s28] =	ssyncadd.s32 $0xFFFFE000;
	(pc) =	sbr.rel @p1 .LBB2_9-.Ltmp7, $4  }
0x122: {  	[spmem:s4] =	stream.indirect.scatter.add.f32 [tilespmem:s23], [sflag:$0x3], $0x1, s13, s7, $0xb8;
	[tilespmem:$0x1EF98] =	vst v63  }
0x123: {  	_ =	swait.ge [sflag:s28], $0x40  }
0x124: {  	[sflag:s28] =	ssyncset.done $0x0  }
0x125: {  	[sflag:s28] =	ssyncadd.s32 $0xFFFFFFC0  }
0x126: {  	s9 =	sadd.s32 $0x1, s9  }
0x127: {  	p1 =	sne.s32 s9, $0x4  }
.Ltmp8:
0x128: {  	_ = 	snop;
	(pc) =	sbr.rel @p1 .LBB2_8-.Ltmp8, $1  }
0x129: {  	_ =	sdelay $0x3  }
0x12a: {  	s17 =	rddreg [dreg:$0xa]  }
0x12b: {  	p1 =	sne.s32 s17, $0x1  }
.Ltmp9:
0x12c: {  	_ = 	snop;
	(pc) =	sbr.rel @!p1 .LBB2_17-.Ltmp9, $4  }
0x12d: {  	_ = 	snop  }
0x12e: {  	[bflag:$0x0] =	sbarrier.arrive $0xFFFF  }
0x12f: {  	s8 =	rddreg [dreg:$0xb]  }
0x130: {  	s9 =	sadd.s32 $0xFFFFFFFF, s17;
	p3 =	slt.s32 s8, $0x2890  }
.LBB2_16:
0x131: {  	s0 =	smov.u32 s8  }
0x132: {  	p2 =	sne.s32 s9, $0x1;
	s0 =	simm.s32 @!p3 $0x2890  }
0x133: {  	s8 =	sadd.s32 $0x800, s8;
	s10 =	sshll.u32 s0, $0x7;
	s0 =	sshll.u32 s0, $0x9  }
.Ltmp10:
0x134: {  	s10 =	sadd.s32 s18, s10;
	s0 =	sshra.s32 s0, $0x2;
	(pc) =	sbr.rel @p2 .LBB2_16-.Ltmp10, $4  }
0x135: {  	s10 =	sshrl.u32 s10, $0x3;
	s0 =	sadd.s32 s0, s3  }
0x136: {  	s13 =	sor.u32 $0x1C01, s14;
	s10 =	sadd.s32 s12, s10;
	s0 =	sshrl.u32 s0, $0x3  }
0x137: {  	[hbm:s10], [sflag:s13] =	dma.local [spmem:s0], $0x800  }
0x138: {  	s9 =	sadd.s32 $0xFFFFFFFF, s9;
	p3 =	slt.s32 s8, $0x2890  }
.LBB2_17:
0x139: {  	s8 =	simm.s32 @!p3 $0x2890  }
0x13a: {  	s0 =	sshll.u32 s8, $0x7;
	s8 =	sshll.u32 s8, $0x9  }
0x13b: {  	s0 =	sadd.s32 s18, s0;
	s8 =	sshra.s32 s8, $0x2  }
0x13c: {  	s0 =	sshrl.u32 s0, $0x3;
	s8 =	sadd.s32 s8, s3  }
0x13d: {  	s9 =	sor.u32 $0x1C01, s14;
	s0 =	sadd.s32 s12, s0;
	s8 =	sshrl.u32 s8, $0x3  }
0x13e: {  	[hbm:s0], [sflag:s9] =	dma.local [spmem:s8], $0x800  }
.Ltmp11:
0x13f: {  	_ = 	snop;
	(pc) =	sbr.rel @!p0 .LBB2_19-.Ltmp11, $4  }
0x140: {  	s13 =	rddreg [dreg:$0xe]  }
0x141: {  	s10 =	sadd.s32 $0x400, s14;
	s19 =	rddreg [dreg:$0x9]  }
0x142: {  	s8 =	simm.s32 $0x6400;
	s31 =	sadd.s32 s13, s4;
	s9 =	sadd.s32 $0xFFFFFFFF, s19  }
0x143: {  	[tilespmem:s8], [sflag:$0x2] =	stream.linear.gather [spmem:s31], $0x40, $0x38;
	[tilespmem:$0x1EF98] =	vst v63  }
.LBB2_18:
0x144: {  	p2 =	slt.s32 s10, $0x28D0  }
0x145: {  	p3 =	sne.s32 s9, $0x1;
	s9 =	sadd.s32 $0xFFFFFFFF, s9;
	s0 =	smov.u32 s10  }
.Ltmp12:
0x146: {  	s0 =	simm.s32 @!p2 $0x28D0;
	(pc) =	sbr.rel @p3 .LBB2_18-.Ltmp12, $4  }
0x147: {  	s8 =	sadd.s32 $0x80, s8;
	s0 =	sadd.s32 s0, s4  }
0x148: {  	[tilespmem:s8], [sflag:$0x2] =	stream.linear.gather [spmem:s0], $0x40, $0x38;
	[tilespmem:$0x1EF98] =	vst v63  }
0x149: {  	_ = 	snop  }
0x14a: {  	s10 =	sadd.s32 $0x400, s10  }
.LBB2_19:
.Ltmp13:
0x14b: {  	(pc) =	sbr.rel @!p1 .LBB2_21-.Ltmp13, $3  }
0x14c: {  	_ =	sdelay $0x1  }
0x14d: {  	_ =	swait.ge [sflag:s24], $0x800  }
0x14e: {  	s8 =	sadd.s32 $0xFFFFFFFF, s17;
	[sflag:s24] =	ssyncset.done $0x0  }
.LBB2_20:
0x14f: {  	p1 =	sne.s32 s8, $0x1;
	s8 =	sadd.s32 $0xFFFFFFFF, s8;
	[sflag:s24] =	ssyncadd.s32 $0xFFFFF800  }
.Ltmp14:
0x150: {  	(pc) =	sbr.rel @p1 .LBB2_20-.Ltmp14, $3  }
0x151: {  	_ =	sdelay $0x1  }
0x152: {  	_ =	swait.ge [sflag:s24], $0x800  }
0x153: {  	[sflag:s24] =	ssyncset.done $0x0  }
.LBB2_21:
0x154: {  	[sflag:s24] =	ssyncadd.s32 $0xFFFFF800;
	s8 =	smov.u32 s19  }
.LBB2_22:
0x155: {  	p1 =	sne.s32 s8, $0x1  }
.Ltmp15:
0x156: {  	_ = 	snop;
	(pc) =	sbr.rel @p1 .LBB2_22-.Ltmp15, $4  }
0x157: {  	_ = 	snop  }
0x158: {  	_ =	swait.ge [sflag:s25], $0x40  }
0x159: {  	[sflag:s25] =	ssyncset.done $0x0  }
0x15a: {  	s8 =	sadd.s32 $0xFFFFFFFF, s8;
	[sflag:s25] =	ssyncadd.s32 $0xFFFFFFC0  }
.Ltmp16:
0x15b: {  	(pc) =	sbr.rel @!p0 .LBB2_25-.Ltmp16, $4  }
0x15c: {  	s0 =	sadd.s32 s20, s13  }
0x15d: {  	s8 =	simm.s32 $0x6400;
	s0 =	sshrl.u32 s0, $0x3  }
0x15e: {  	s9 =	sadd.s32 $0xFFFFFFFF, s19;
	s10 =	sadd.s32 $0x400, s14;
	s0 =	sadd.s32 s2, s0  }
0x15f: {  	[hbm4b:s0+s5] =	stream.linear.scatter [tilespmem:s8], [sflag:$0x2], $0x40, $0x38;
	[tilespmem:$0x1EF98] =	vst v63  }
.LBB2_24:
0x160: {  	p2 =	slt.s32 s10, $0x28D0  }
0x161: {  	p1 =	sne.s32 s9, $0x1;
	s9 =	sadd.s32 $0xFFFFFFFF, s9;
	s0 =	smov.u32 s10  }
.Ltmp17:
0x162: {  	s0 =	simm.s32 @!p2 $0x28D0;
	(pc) =	sbr.rel @p1 .LBB2_24-.Ltmp17, $4  }
0x163: {  	s0 =	sadd.s32 s20, s0  }
0x164: {  	s0 =	sshrl.u32 s0, $0x3  }
0x165: {  	s10 =	sadd.s32 $0x400, s10;
	s8 =	sadd.s32 $0x80, s8;
	s0 =	sadd.s32 s2, s0  }
0x166: {  	[hbm4b:s0+s5] =	stream.linear.scatter [tilespmem:s8], [sflag:$0x2], $0x40, $0x38;
	[tilespmem:$0x1EF98] =	vst v63  }
.LBB2_25:
.Ltmp18:
0x167: {  	(pc) =	sbr.rel @!p0 .LBB2_27-.Ltmp18, $3  }
0x168: {  	_ =	sdelay $0x1  }
0x169: {  	_ =	swait.ge [sflag:s25], $0x40  }
0x16a: {  	s8 =	sadd.s32 $0xFFFFFFFF, s19;
	[sflag:s25] =	ssyncset.done $0x0  }
.LBB2_26:
0x16b: {  	p0 =	sne.s32 s8, $0x1;
	s8 =	sadd.s32 $0xFFFFFFFF, s8;
	[sflag:s25] =	ssyncadd.s32 $0xFFFFFFC0  }
.Ltmp19:
0x16c: {  	(pc) =	sbr.rel @p0 .LBB2_26-.Ltmp19, $3  }
0x16d: {  	_ =	sdelay $0x1  }
0x16e: {  	_ =	swait.ge [sflag:s25], $0x40  }
0x16f: {  	[sflag:s25] =	ssyncset.done $0x0  }
.LBB2_27:
0x170: {  	s8 =	rddreg [dreg:$0xd]  }
0x171: {  	s0 =	rddreg [dreg:$0xc];
	s8 =	sadd.s32 $0x1, s8  }
0x172: {  	p0 =	sne.s32 s8, s0  }
.Ltmp20:
0x173: {  	_ = 	snop;
	(pc) =	sbr.rel @p0 .LBB2_1-.Ltmp20, $2  }
0x174: {  	_ =	sdelay $0x2  }
0x175: {  	[sflag:s25] =	ssyncadd.s32 $0xFFFFFFC0  }
0x176: {  	_ =	sfence.sel $0x180000  }
0x177: {  	[bflag:$0x0] =	sbarrier.arrive $0xFFFF  }
0x178: {  	_ =	strace $0x9000004A  }
0x179: {  	s0 =	stileid.u32;
	[bflag:$0x2] =	sbarrier.arrive $0xFFFF  }
0x17a: {  	p0 =	sne.s32 s0, $0x0;
	s0 =	rddreg [dreg:$0x5]  }
0x17b: {  	s0 =	sadd.s32 @!p0 $0x100000, s0  }
0x17c: {  	[sflag:s0] =	ssyncadd.tile.s32 @!p0 $0x1;
	_ =	shalt  }
.Lfunc_end2:
_tile_overlayer_lowered:
.L_overlay_start_2:
0x17d: {  	(tag) =	ssettag $0x2  }
0x17e: {  	s0 =	rddreg [dreg:$0x0];
	s2 =	stileid.u32  }
0x17f: {  	s1 =	rddreg [dreg:$0x1];
	p0 =	sne.s32 s2, $0x0  }
0x180: {  	s3 =	rddreg [dreg:$0x2];
	[bflag:$0x3] =	sbarrier.arrive $0xFFFF;
	s2 =	simm.s32 @!p0 $0x1C03  }
0x181: {  	[timem:s3], [sflag:s2] =	dma.local @!p0 [hbm:s0], s1  }
0x182: {  	s0 =	simm.s32 @!p0 $0x3  }
0x183: {  	_ =	swait.ge @!p0 [sflag:s0], s1  }
0x184: {  	s1 =	ssub.s32 @!p0 $0x0, s1;
	[sflag:s0] =	ssyncset.done @!p0 $0x0  }
0x185: {  	[sflag:s0] =	ssyncadd.s32 @!p0 s1  }
0x186: {  	[bflag:$0x3] =	sbarrier.arrive $0xFFFF  }
0x187: {  	_ =	shalt  }

// kernel: kernel.16.cloned.1.call-start
scs
__scs_entry_jumppad:
0x0: {  	(pc) =	sbr.rel $0x88, $3  }
0x1: {  	(tag) =	ssettag $0x0;
	lr =	simm.s32 $0x1  }
0x2: {  	[smem:$0x3F80] =	sst lr;
	_ =	strace $0xD0000000  }
0x3: {  	_ = 	snop  }
0x4: {  	_ = 	snop  }
0x5: {  	_ = 	snop  }
0x6: {  	_ = 	snop  }
0x7: {  	_ = 	snop  }
__scs_overlays_trampoline_lowered:
0x8: {  	[smem:$0x3F8F] =	sst s0  }
0x9: {  	[smem:$0x3F90] =	sst s1  }
0xa: {  	[smem:$0x3F91] =	sst s2  }
0xb: {  	[smem:$0x3F92] =	sst s3  }
0xc: {  	[smem:$0x3F93] =	sst s4  }
0xd: {  	[smem:$0x3F94] =	sst s5  }
0xe: {  	[smem:$0x3F95] =	sst s6  }
0xf: {  	[smem:$0x3F96] =	sst s7  }
0x10: {  	[smem:$0x3F97] =	sst s8  }
0x11: {  	[smem:$0x3F98] =	sst s9;
	s0 =	simm.s32 @!p0 $0x0  }
0x12: {  	s1 =	sld [smem:$0x3F7E];
	s0 =	simm.s32 @p0 $0x1  }
0x13: {  	[smem:$0x3F99] =	sst s0;
	s0 =	simm.s32 @!p1 $0x0  }
0x14: {  	s2 =	sld [smem:$0x3F7D];
	s0 =	simm.s32 @p1 $0x1  }
0x15: {  	[smem:$0x3F9A] =	sst s0;
	s0 =	simm.s32 @!p2 $0x0  }
0x16: {  	s3 =	sld [smem:$0x3FDB];
	s0 =	simm.s32 @p2 $0x1  }
0x17: {  	s4 =	simm.s32 $0x1BF5;
	[smem:$0x3F9C] =	sst s0  }
0x18: {  	s0 =	sld [smem:$0x3F7F];
	_ =	swait.ge [sflag:s4], $0x0  }
0x19: {  	s7 =	sld [smem:$0x3F80]  }
0x1a: {  	s8 =	sadd.s32 $0xFFFFE003, lr  }
0x1b: {  	s9 =	sadd.s32 $0xFFFFFEF7, lr;
	s5 =	simm.s32 $0xFFFFFFFF;
	p2 =	slt.u32 s8, $0xFFFFF086  }
0x1c: {  	p1 =	slt.u32 s9, $0xF7A;
	s5 =	simm.s32 @!p2 $0x0  }
0x1d: {  	s5 =	simm.s32 @p1 $0x1;
	p0 =	seq.s32 s7, s2  }
0x1e: {  	s7 =	smul.u32 @!p0 $0xF7A, s2;
	p2 =	seq.s32 @!p0 s5, $0x0  }
0x1f: {  	s9 =	smul.u32 $0xF7A, s1;
	s8 =	simm.s32 @!p0 $0x1BF5;
	p2 =	por !p2, p0  }
0x20: {  	[sflag:s8] =	ssyncset.s32 @!p0 $0xFFFFF086;
	s6 =	sadd.s32 @!p0 s3, s7;
	s7 =	simm.s32 @!p0 $0x108  }
0x21: {  	s3 =	sadd.s32 s3, s9;
	s6 =	sadd.s32 @!p0 $0x88, s6;
	s7 =	simm.s32 @p2 $0x1082  }
0x22: {  	[simem:s7], [sflag:s8] =	dma.local @!p0 [hbm:s6], $0xF7A  }
0x23: {  	s9 =	sor.u32 $0xD0000000, s2;
	s6 =	simm.s32 $0x108;
	_ =	swait.ge @!p0 [sflag:s8], $0x0  }
0x24: {  	s3 =	sadd.s32 $0x88, s3;
	s6 =	simm.s32 @!p1 $0x1082;
	[sflag:s4] =	ssyncset.s32 $0xFFFFF086  }
0x25: {  	[simem:s6], [sflag:s4] =	dma.local [hbm:s3], $0xF7A  }
0x26: {  	[smem:$0x3F80] =	sst s1;
	(tag) =	ssettag s2;
	_ =	strace s9  }
0x27: {  	s1 =	sld [smem:$0x3F90]  }
0x28: {  	s2 =	sld [smem:$0x3F91]  }
0x29: {  	s4 =	sld [smem:$0x3F93]  }
0x2a: {  	p0 =	seq.s32 s5, $0x0;
	s5 =	sld [smem:$0x3F94]  }
0x2b: {  	s6 =	sld [smem:$0x3F95]  }
0x2c: {  	s7 =	sld [smem:$0x3F96]  }
0x2d: {  	s3 =	simm.s32 $0x108;
	s8 =	sld [smem:$0x3F97]  }
0x2e: {  	s3 =	simm.s32 @!p0 $0x1082;
	s9 =	sld [smem:$0x3F98]  }
0x2f: {  	lr =	sadd.s32 s0, s3;
	s0 =	sld [smem:$0x3F8F]  }
0x30: {  	s3 =	sld [smem:$0x3F92]  }
0x31: {  	[smem:$0x3F9B] =	sst s10  }
0x32: {  	s10 =	sld [smem:$0x3F99];
	_ =	sdelay $0x3  }
0x33: {  	p0 =	seq.s32 s10, $0x1;
	s10 =	sld [smem:$0x3F9B];
	_ =	sdelay $0x3  }
0x34: {  	[smem:$0x3F9B] =	sst s10  }
0x35: {  	s10 =	sld [smem:$0x3F9A];
	_ =	sdelay $0x3  }
0x36: {  	p1 =	seq.s32 s10, $0x1;
	s10 =	sld [smem:$0x3F9B];
	_ =	sdelay $0x3  }
0x37: {  	[smem:$0x3F9B] =	sst s10  }
0x38: {  	s10 =	sld [smem:$0x3F9C]  }
0x39: {  	_ = 	snop;
	(pc) =	sbr.ind lr, $3  }
0x3a: {  	_ = 	snop  }
0x3b: {  	_ = 	snop  }
0x3c: {  	p2 =	seq.s32 s10, $0x1;
	s10 =	sld [smem:$0x3F9B]  }
0x3d: {  	_ =	shalt  }
0x3e: {  	_ =	shalt  }
0x3f: {  	_ =	shalt  }
0x40: {  	_ =	shalt  }
0x41: {  	_ =	shalt  }
0x42: {  	_ =	shalt  }
0x43: {  	_ =	shalt  }
0x44: {  	_ =	shalt  }
0x45: {  	_ =	shalt  }
0x46: {  	_ =	shalt  }
0x47: {  	_ =	shalt  }
0x48: {  	_ =	shalt  }
0x49: {  	_ =	shalt  }
0x4a: {  	_ =	shalt  }
0x4b: {  	_ =	shalt  }
0x4c: {  	_ =	shalt  }
0x4d: {  	_ =	shalt  }
0x4e: {  	_ =	shalt  }
0x4f: {  	_ =	shalt  }
0x50: {  	_ =	shalt  }
0x51: {  	_ =	shalt  }
0x52: {  	_ =	shalt  }
0x53: {  	_ =	shalt  }
0x54: {  	_ =	shalt  }
0x55: {  	_ =	shalt  }
0x56: {  	_ =	shalt  }
0x57: {  	_ =	shalt  }
0x58: {  	_ =	shalt  }
0x59: {  	_ =	shalt  }
0x5a: {  	_ =	shalt  }
0x5b: {  	_ =	shalt  }
0x5c: {  	_ =	shalt  }
0x5d: {  	_ =	shalt  }
0x5e: {  	_ =	shalt  }
0x5f: {  	_ =	shalt  }
0x60: {  	_ =	shalt  }
0x61: {  	_ =	shalt  }
0x62: {  	_ =	shalt  }
0x63: {  	_ =	shalt  }
0x64: {  	_ =	shalt  }
0x65: {  	_ =	shalt  }
0x66: {  	_ =	shalt  }
0x67: {  	_ =	shalt  }
0x68: {  	_ =	shalt  }
0x69: {  	_ =	shalt  }
0x6a: {  	_ =	shalt  }
0x6b: {  	_ =	shalt  }
0x6c: {  	_ =	shalt  }
0x6d: {  	_ =	shalt  }
0x6e: {  	_ =	shalt  }
0x6f: {  	_ =	shalt  }
0x70: {  	_ =	shalt  }
0x71: {  	_ =	shalt  }
0x72: {  	_ =	shalt  }
0x73: {  	_ =	shalt  }
0x74: {  	_ =	shalt  }
0x75: {  	_ =	shalt  }
0x76: {  	_ =	shalt  }
0x77: {  	_ =	shalt  }
0x78: {  	_ =	shalt  }
0x79: {  	_ =	shalt  }
0x7a: {  	_ =	shalt  }
0x7b: {  	_ =	shalt  }
0x7c: {  	_ =	shalt  }
0x7d: {  	_ =	shalt  }
0x7e: {  	_ =	shalt  }
0x7f: {  	_ =	shalt  }
0x80: {  	_ =	shalt  }
0x81: {  	_ =	shalt  }
0x82: {  	_ =	shalt  }
0x83: {  	_ =	shalt  }
0x84: {  	_ =	shalt  }
0x85: {  	_ =	shalt  }
0x86: {  	_ =	shalt  }
0x87: {  	_ =	shalt  }
.Lfunc_end0:
.L_simem_size_0:
called_computation.2_lowered:
.L_overlay_start_0:
0x88: {  	s2 =	sld [smem:$0x3FD9]  }
0x89: {  	s3 =	sld [smem:$0x3FFE];
	_ =	sdelay $0x1  }
0x8a: {  	s1 =	srdreg.scid  }
0x8b: {  	s0 =	sand.u32 $0x1, s1  }
0x8c: {  	s15 =	sshll.u32 s0, $0xA;
	s2 =	sadd.s32 s3, s2  }
0x8d: {  	s2 =	sadd.s32 s2, s15  }
0x8e: {  	[smem:$0x3FA7] =	sst s2  }
0x8f: {  	_ = 	snop  }
0x90: {  	s2 =	sld [smem:$0x3FD0];
	_ =	sdelay $0x2  }
0x91: {  	s16 =	simm.s32 $0xB;
	s4 =	simm.s32 $0x10  }
0x92: {  	[smem:s4], [sflag:s16] =	dma.local [hbm:s2], $0x1  }
0x93: {  	_ =	swait.eq [sflag:s16], $0x1  }
0x94: {  	[sflag:s16] =	ssyncset.done $0x0  }
0x95: {  	[sflag:s16] =	ssyncadd.s32 $0xFFFFFFFF  }
0x96: {  	s17 =	sld [smem:$0x12];
	(tm) =	ssettm $0x1  }
0x97: {  	s18 =	sld [smem:$0x3FFB];
	_ =	sdelay $0x3  }
0x98: {  	_ =	strace s18  }
0x99: {  	s2 =	sld [smem:$0x3FFC];
	_ =	sdelay $0x3  }
0x9a: {  	_ =	strace s2  }
0x9b: {  	s2 =	sld [smem:$0x3FFD];
	_ =	sdelay $0x3  }
0x9c: {  	_ =	strace s2  }
0x9d: {  	_ =	strace $0x8FFFFFFF  }
0x9e: {  	s19 =	sld [smem:$0x3FDB];
	_ =	sdelay $0x1  }
0x9f: {  	s20 =	simm.s32 $_scs_section_size  }
0xa0: {  	s5 =	simm.s32 $_size__tile_overlayer_lowered;
	s6 =	simm.s32 $_tile_overlayer_lowered  }
0xa1: {  	s7 =	simm.s32 $0x1BFF;
	s21 =	sshll.u32 s6, $0x1;
	s4 =	sadd.s32 s20, s19  }
0xa2: {  	s22 =	simm.s32 $0x0;
	s5 =	sshll.u32 s5, $0x1;
	s6 =	sadd.s32 s21, s4  }
0xa3: {  	[timem:s22], [sflag:s7] =	dma.local [hbm:s6], s5  }
0xa4: {  	_ =	swait.ge [sflag:s7], s5  }
0xa5: {  	s5 =	ssub.s32 $0x0, s5;
	[sflag:s7] =	ssyncset.done $0x0  }
0xa6: {  	[sflag:s7] =	ssyncadd.s32 s5;
	_ =	sdelay $0x1  }
0xa7: {  	s23 =	simm.s32 $0x1B8B  }
0xa8: {  	_ =	swait.ge [sflag:s23], $0x1  }
0xa9: {  	[sflag:s23] =	ssyncset.done $0x0  }
0xaa: {  	[sflag:s23] =	ssyncadd.s32 $0xFFFFFFFF  }
0xab: {  	s5 =	sld [smem:$0x0]  }
0xac: {  	s6 =	sand.u32 $0xFFFFFFFE, s1  }
0xad: {  	p0 =	sne.s32 s1, s6  }
0xae: {  	s6 =	sshll.u32 @p0 s6, $0xE  }
0xaf: {  	s6 =	sadd.s32 @p0 $0x11B8D, s6;
	s7 =	sshll.u32 @p0 s5, $0x11  }
0xb0: {  	s6 =	sor.u32 @p0 s7, s6  }
0xb1: {  	[sflag:s6] =	ssyncadd.remote.s32 @p0 $0x1;
	_ =	sdelay $0x1  }
0xb2: {  	s6 =	simm.s32 @p0 $0x1B8D  }
0xb3: {  	_ =	swait.eq @p0 [sflag:s6], $0x1  }
0xb4: {  	[sflag:s6] =	ssyncadd.s32 @p0 $0xFFFFFFFF  }
0xb5: {  	s7 =	sshll.u32 @!p0 s1, $0xE  }
0xb6: {  	s7 =	sor.u32 @!p0 $0x4000, s7;
	s6 =	simm.s32 @!p0 $0x1B8D  }
0xb7: {  	s5 =	sshll.u32 @!p0 s5, $0x11;
	s7 =	sadd.s32 @!p0 $0x11B8D, s7;
	_ =	swait.eq @!p0 [sflag:s6], $0x1  }
0xb8: {  	s5 =	sor.u32 @!p0 s5, s7;
	[sflag:s6] =	ssyncadd.s32 @!p0 $0xFFFFFFFF  }
0xb9: {  	s25 =	simm.s32 $0x1B8E;
	s24 =	sld [smem:$0x3FFE];
	[sflag:s5] =	ssyncadd.remote.s32 @!p0 $0x1  }
0xba: {  	s26 =	simm.s32 $execute0_lowered;
	[smem:$0x3FD2] =	sst s25  }
0xbb: {  	s6 =	sshll.u32 s26, $0x1;
	_ =	strace $0x8000004C;
	[dreg:$0x1] =	wrdreg $0xFFFFFFFF  }
0xbc: {  	s28 =	simm.s32 $_size_execute0_lowered;
	s4 =	sadd.s32 s4, s6;
	[dreg:$0x0] =	wrdreg $0x0  }
0xbd: {  	s6 =	sshll.u32 s28, $0x1;
	[dreg:$0x2] =	wrdreg s4  }
0xbe: {  	[dreg:$0x3] =	wrdreg s6  }
0xbf: {  	[dreg:$0x4] =	wrdreg $0xC0  }
0xc0: {  	_ =	task [dreg:s22], $0x5FFFF  }
0xc1: {  	[dreg:$0x1] =	wrdreg $0xFFFFFFFF  }
0xc2: {  	[dreg:$0x0] =	wrdreg $0x60  }
0xc3: {  	[dreg:$0x2] =	wrdreg s17  }
0xc4: {  	[dreg:$0x3] =	wrdreg s24  }
0xc5: {  	[dreg:$0x4] =	wrdreg $0x90000  }
0xc6: {  	[dreg:$0x5] =	wrdreg $0xA  }
0xc7: {  	_ =	task.clear_ibuf [dreg:s22], $0x6FFFF;
	_ =	strace $0x9000004C  }
0xc8: {  	s29 =	simm.s32 $0xA;
	_ =	strace $0x8000004E  }
0xc9: {  	_ =	swait.ge [sflag:s29], $0x1  }
0xca: {  	[sflag:s29] =	ssyncadd.s32 $0xFFFFFFFF  }
0xcb: {  	_ =	strace $0x9000004E  }
0xcc: {  	_ =	sfence  }
0xcd: {  	s30 =	sld [smem:$0x0];
	_ =	sdelay $0x2  }
0xce: {  	s31 =	sshll.u32 s1, $0xD;
	s1 =	sshrl.u32 s1, $0x2  }
0xcf: {  	s4 =	sand.u32 $0x4000, s31;
	s1 =	sadd.s32 s1, s30  }
0xd0: {  	s0 =	sor.u32 s4, s0;
	s1 =	sshll.u32 s1, $0x11  }
0xd1: {  	s0 =	sor.u32 s1, s0  }
0xd2: {  	s0 =	sadd.s32 $0x8F2B, s0  }
0xd3: {  	[sflag:s0] =	ssyncadd.remote.s32 $0x1  }
0xd4: {  	_ =	sfence.sel $0xFFFF  }
0xd5: {  	[dreg:$0x0] =	wrdreg $0xFFFFFFFF;
	(pc) =	sbr.abs _section_cstart, $3  }
0xd6: {  	[dreg:$0x1] =	wrdreg $0xFFFFFFFF  }
0xd7: {  	_ =	task.clear_ibuf [dreg:s22], $0x2FFFF;
	_ =	strace $0x9FFFFFFF  }
0xd8: {  	(tm) =	ssettm $0x7FFFFFFF  }
0xd9: {  	_ =	shalt  }
tec
execute0_lowered:
.L_overlay_start_1:
0x0: {  	(tag) =	ssettag $0x1  }
0x1: {  	s1 =	rddreg [dreg:$0x0]  }
0x2: {  	s0 =	rddreg [dreg:$0x1]  }
0x3: {  	s2 =	rddreg [dreg:$0x2];
	s3 =	srdreg.scid  }
0x4: {  	s20 =	stileid.u32;
	s4 =	simm.s32 $0x0;
	s11 =	simm.s32 $0x100  }
0x5: {  	s12 =	simm.s32 $0x880;
	s14 =	simm.s32 $0x180;
	s16 =	simm.s32 $0x900  }
0x6: {  	s17 =	simm.s32 $0x200;
	s19 =	simm.s32 $0x980;
	[smem:$0x7FF] =	sst s4  }
0x7: {  	s13 =	sshll.u32 s20, $0x7;
	_ =	strace $0x8000004D;
	[dreg:$0x6] =	wrdreg s11  }
0x8: {  	s21 =	simm.s32 $0x280;
	s22 =	simm.s32 $0xA00;
	[dreg:$0x13] =	wrdreg s13  }
0x9: {  	s23 =	simm.s32 $0x300;
	s15 =	sadd.s32 $0x148800, s2;
	[dreg:$0x7] =	wrdreg s12  }
0xa: {  	s24 =	simm.s32 $0xA80;
	s28 =	simm.s32 $0xD00;
	[dreg:$0x14] =	wrdreg s15  }
0xb: {  	s29 =	simm.s32 $0x600;
	s30 =	simm.s32 $0xD80;
	[dreg:$0x8] =	wrdreg s14  }
0xc: {  	s31 =	simm.s32 $0x680;
	s3 =	sand.u32 $0x1, s3;
	[dreg:$0x9] =	wrdreg s16  }
0xd: {  	s6 =	smul.u32 $0x5000, s20;
	s8 =	sadd.s32 $0x6400, s0;
	[dreg:$0xa] =	wrdreg s17  }
0xe: {  	s5 =	sadd.s32 $0x1A400, s0;
	s10 =	ssub.s32 $0x62, s20;
	[dreg:$0xb] =	wrdreg s19  }
0xf: {  	p0 =	sne.s32 s20, $0x0;
	s7 =	smul.u32 $0x2800, s3;
	[dreg:$0xc] =	wrdreg s21  }
0x10: {  	s26 =	ssub.s32 $0x2, s3;
	s11 =	simm.s32 $0x1000;
	[dreg:$0xd] =	wrdreg s22  }
0x11: {  	s12 =	simm.s32 $0x2;
	s13 =	simm.s32 $0x3;
	[dreg:$0xe] =	wrdreg s23  }
0x12: {  	s14 =	simm.s32 $0x800;
	[dreg:$0xf] =	wrdreg s24;
	s15 =	simm.s32 $0x80  }
0x13: {  	s16 =	simm.s32 $0x5000;
	s17 =	simm.s32 $0x1;
	s21 =	simm.s32 $0xB80  }
0x14: {  	s22 =	simm.s32 $0x480;
	s23 =	simm.s32 $0xC00;
	s9 =	sshrl.u32 s26, $0x1  }
0x15: {  	s24 =	simm.s32 $0x500;
	s25 =	sadd.s32 s7, s6;
	s6 =	ssub.s32 s26, s9  }
0x16: {  	s9 =	smul.u32 $0x148800, s3;
	s26 =	simm.s32 $0xB00;
	s7 =	sshrl.u32 s25, $0x3  }
0x17: {  	s0 =	sadd.s32 $0x50000, s25;
	s18 =	smax.u32 s6, $0x1;
	[dreg:$0x11] =	wrdreg s26  }
0x18: {  	s25 =	simm.s32 $0x380;
	s26 =	simm.s32 $0x580;
	[dreg:$0x15] =	wrdreg s18  }
0x19: {  	s7 =	sadd.s32 s7, s8;
	s0 =	sshrl.u32 s0, $0x3;
	[dreg:$0x10] =	wrdreg s25  }
0x1a: {  	s25 =	simm.s32 $0xC80;
	[dreg:$0x4] =	wrdreg s7;
	s0 =	sadd.s32 s0, s8  }
0x1b: {  	s8 =	sshrl.u32 s10, $0x4;
	s10 =	simm.s32 $0xE80;
	[dreg:$0x5] =	wrdreg s0  }
0x1c: {  	v0 =	vimm.f32 $0.0e+00;
	s7 =	simm.s32 $0x780;
	s0 =	simm.s32 $0x0;
	[dreg:$0x12] =	wrdreg s8  }
.LBB2_1:
0x1d: {  	s3 =	simm.s32 $0x0;
	s6 =	simm.s32 $0x200  }
.LBB2_2:
0x1e: {  	p1 =	sne.s32 s6, $0xFE00;
	[tilespmem:s3+$0x1070] =	vst v0  }
0x1f: {  	[tilespmem:s3+$0x1000] =	vst v0  }
0x20: {  	[tilespmem:s3+$0x1010] =	vst v0  }
.Ltmp0:
0x21: {  	[tilespmem:s3+$0x1020] =	vst v0;
	(pc) =	sbr.rel @p1 .LBB2_2-.Ltmp0, $4  }
0x22: {  	[tilespmem:s3+$0x1030] =	vst v0  }
0x23: {  	[tilespmem:s3+$0x1040] =	vst v0  }
0x24: {  	[tilespmem:s3+$0x1050] =	vst v0  }
0x25: {  	[tilespmem:s3+$0x1060] =	vst v0;
	s3 =	sshra.s32 s6, $0x2;
	s6 =	sadd.s32 $0x200, s6  }
0x26: {  	[tilespmem:s3+$0x1070] =	vst v0  }
0x27: {  	[tilespmem:s3+$0x1000] =	vst v0  }
0x28: {  	[tilespmem:s3+$0x1010] =	vst v0;
	s19 =	rddreg [dreg:$0x13];
	p1 =	sne.s32 s8, $0x1  }
.Ltmp1:
0x29: {  	[tilespmem:s3+$0x1020] =	vst v0;
	p2 =	slt.s32 s19, $0x2890;
	s6 =	smov.u32 s19;
	(pc) =	sbr.rel @!p1 .LBB2_5-.Ltmp1, $4  }
0x2a: {  	[tilespmem:s3+$0x1030] =	vst v0;
	s6 =	simm.s32 @!p2 $0x2890  }
0x2b: {  	[tilespmem:s3+$0x1040] =	vst v0;
	s6 =	sshll.u32 s6, $0x9  }
0x2c: {  	[tilespmem:s3+$0x1050] =	vst v0;
	s6 =	sshra.s32 s6, $0x2  }
0x2d: {  	[tilespmem:s3+$0x1060] =	vst v0;
	s3 =	sadd.s32 $0xFFFFFFFF, s8;
	s18 =	sadd.s32 s6, s2;
	s6 =	sadd.s32 $0x800, s19  }
.LBB2_4:
0x2e: {  	[spmem:s18] =	stream.linear.scatter [tilespmem:s11], [sflag:$0x2], $0x4000, $0x38;
	[tilespmem:$0x1D8C0] =	vst v63  }
0x2f: {  	p4 =	sne.s32 s3, $0x1  }
.Ltmp2:
0x30: {  	p3 =	slt.s32 s6, $0x2890;
	s18 =	smov.u32 s6;
	(pc) =	sbr.rel @p4 .LBB2_4-.Ltmp2, $4  }
0x31: {  	s3 =	sadd.s32 $0xFFFFFFFF, s3;
	s18 =	simm.s32 @!p3 $0x2890  }
0x32: {  	s18 =	sshll.u32 s18, $0x9  }
0x33: {  	s18 =	sshra.s32 s18, $0x2  }
0x34: {  	s6 =	sadd.s32 $0x800, s6;
	s18 =	sadd.s32 s18, s2  }
.LBB2_5:
.Ltmp3:
0x35: {  	(pc) =	sbr.rel @!p1 .LBB2_7-.Ltmp3, $4  }
0x36: {  	[dreg:$0x16] =	wrdreg s0  }
0x37: {  	[spmem:s18] =	stream.linear.scatter [tilespmem:s11], [sflag:$0x2], $0x4000, $0x38;
	[tilespmem:$0x1D8C0] =	vst v63  }
0x38: {  	_ =	swait.ge [sflag:s12], $0x4000  }
0x39: {  	s3 =	sadd.s32 $0xFFFFFFFF, s8;
	s18 =	simm.s32 $0x400;
	[sflag:s12] =	ssyncset.done $0x0  }
.LBB2_6:
0x3a: {  	p3 =	sne.s32 s3, $0x1;
	s3 =	sadd.s32 $0xFFFFFFFF, s3;
	[sflag:s12] =	ssyncadd.s32 $0xFFFFC000  }
.Ltmp4:
0x3b: {  	(pc) =	sbr.rel @p3 .LBB2_6-.Ltmp4, $3  }
0x3c: {  	_ =	sdelay $0x1  }
0x3d: {  	_ =	swait.ge [sflag:s12], $0x4000  }
0x3e: {  	[sflag:s12] =	ssyncset.done $0x0  }
.LBB2_7:
0x3f: {  	[sflag:s12] =	ssyncadd.s32 $0xFFFFC000;
	s3 =	simm.s32 @!p0 $0x1000;
	s6 =	rddreg [dreg:$0x14]  }
0x40: {  	[spmem:s6] =	stream.linear.scatter @!p0 [tilespmem:s3], [sflag:$0x3], $0x400, $0x38;
	[tilespmem:$0x1D8C0] =	vst v63  }
0x41: {  	s3 =	simm.s32 @!p0 $0x3  }
0x42: {  	_ =	swait.ge @!p0 [sflag:s3], $0x400  }
0x43: {  	[sflag:s3] =	ssyncset.done @!p0 $0x0  }
0x44: {  	[sflag:s3] =	ssyncadd.s32 @!p0 $0xFFFFFC00  }
0x45: {  	[bflag:$0x0] =	sbarrier.arrive $0xFFFF  }
0x46: {  	s6 =	rddreg [dreg:$0x4]  }
0x47: {  	s3 =	sadd.s32 $0x0, s6  }
0x48: {  	[tilespmem:s4], [sflag:$0x3] =	stream.linear.gather [hbm4b:s3+s4], $0x800, $0x38;
	[tilespmem:$0x1D8C0] =	vst v63  }
0x49: {  	_ =	swait.ge [sflag:s13], $0x800  }
0x4a: {  	s8 =	rddreg [dreg:$0x5];
	[sflag:s13] =	ssyncset.done $0x0  }
0x4b: {  	[sflag:s13] =	ssyncadd.s32 $0xFFFFF800;
	s3 =	sadd.s32 $0x0, s8  }
0x4c: {  	[tilespmem:s14], [sflag:$0x3] =	stream.linear.gather [hbm4b:s3+s4], $0x800, $0x38;
	[tilespmem:$0x1D8C0] =	vst v63  }
0x4d: {  	_ =	swait.ge [sflag:s13], $0x800  }
0x4e: {  	[sflag:s13] =	ssyncset.done $0x0  }
0x4f: {  	[sflag:s13] =	ssyncadd.s32 $0xFFFFF800  }
0x50: {  	[tilespmem:s11], [sflag:$0x1] =	stream.indirect.gather [hbm4b:s1+s15], $0x80, s4, s15, $0xb8;
	[tilespmem:$0x1D8C0] =	vst v63  }
0x51: {  	_ = 	snop  }
0x52: {  	[tilespmem:s16], [sflag:$0x2] =	stream.indirect.gather [hbm4b:s1+s15], $0x80, s15, s15, $0xb8;
	[tilespmem:$0x1D8C0] =	vst v63  }
0x53: {  	_ =	swait.ge [sflag:s17], $0x4000  }
0x54: {  	[sflag:s17] =	ssyncset.done $0x0  }
0x55: {  	[sflag:s17] =	ssyncadd.s32 $0xFFFFC000  }
0x56: {  	[spmem:s2] =	stream.indirect.scatter.add.f32 [tilespmem:s11], [sflag:$0x3], $0x80, s14, s15, $0xb8;
	[tilespmem:$0x1D8C0] =	vst v63  }
0x57: {  	_ =	swait.ge [sflag:s13], $0x4000  }
0x58: {  	[sflag:s13] =	ssyncset.done $0x0  }
0x59: {  	s19 =	rddreg [dreg:$0x6];
	[sflag:s13] =	ssyncadd.s32 $0xFFFFC000  }
0x5a: {  	[tilespmem:s11], [sflag:$0x1] =	stream.indirect.gather [hbm4b:s1+s15], $0x80, s19, s15, $0xb8;
	[tilespmem:$0x1D8C0] =	vst v63  }
0x5b: {  	_ =	swait.ge [sflag:s12], $0x4000  }
0x5c: {  	[sflag:s12] =	ssyncset.done $0x0  }
0x5d: {  	s0 =	rddreg [dreg:$0x7];
	[sflag:s12] =	ssyncadd.s32 $0xFFFFC000  }
0x5e: {  	[spmem:s2] =	stream.indirect.scatter.add.f32 [tilespmem:s16], [sflag:$0x3], $0x80, s0, s15, $0xb8;
	[tilespmem:$0x1D8C0] =	vst v63  }
0x5f: {  	_ =	swait.ge [sflag:s13], $0x4000  }
0x60: {  	[sflag:s13] =	ssyncset.done $0x0  }
0x61: {  	s6 =	rddreg [dreg:$0x8];
	[sflag:s13] =	ssyncadd.s32 $0xFFFFC000  }
0x62: {  	[tilespmem:s16], [sflag:$0x2] =	stream.indirect.gather [hbm4b:s1+s15], $0x80, s6, s15, $0xb8;
	[tilespmem:$0x1D8C0] =	vst v63  }
0x63: {  	_ =	swait.ge [sflag:s17], $0x4000  }
0x64: {  	[sflag:s17] =	ssyncset.done $0x0  }
0x65: {  	s8 =	rddreg [dreg:$0x9];
	[sflag:s17] =	ssyncadd.s32 $0xFFFFC000  }
0x66: {  	[spmem:s2] =	stream.indirect.scatter.add.f32 [tilespmem:s11], [sflag:$0x3], $0x80, s8, s15, $0xb8;
	[tilespmem:$0x1D8C0] =	vst v63  }
0x67: {  	_ =	swait.ge [sflag:s13], $0x4000  }
0x68: {  	[sflag:s13] =	ssyncset.done $0x0  }
0x69: {  	s19 =	rddreg [dreg:$0xa];
	[sflag:s13] =	ssyncadd.s32 $0xFFFFC000  }
0x6a: {  	[tilespmem:s11], [sflag:$0x1] =	stream.indirect.gather [hbm4b:s1+s15], $0x80, s19, s15, $0xb8;
	[tilespmem:$0x1D8C0] =	vst v63  }
0x6b: {  	_ =	swait.ge [sflag:s12], $0x4000  }
0x6c: {  	[sflag:s12] =	ssyncset.done $0x0  }
0x6d: {  	s0 =	rddreg [dreg:$0xb];
	[sflag:s12] =	ssyncadd.s32 $0xFFFFC000  }
0x6e: {  	[spmem:s2] =	stream.indirect.scatter.add.f32 [tilespmem:s16], [sflag:$0x3], $0x80, s0, s15, $0xb8;
	[tilespmem:$0x1D8C0] =	vst v63  }
0x6f: {  	_ =	swait.ge [sflag:s13], $0x4000  }
0x70: {  	[sflag:s13] =	ssyncset.done $0x0  }
0x71: {  	s6 =	rddreg [dreg:$0xc];
	[sflag:s13] =	ssyncadd.s32 $0xFFFFC000  }
0x72: {  	[tilespmem:s16], [sflag:$0x2] =	stream.indirect.gather [hbm4b:s1+s15], $0x80, s6, s15, $0xb8;
	[tilespmem:$0x1D8C0] =	vst v63  }
0x73: {  	_ =	swait.ge [sflag:s17], $0x4000  }
0x74: {  	[sflag:s17] =	ssyncset.done $0x0  }
0x75: {  	s8 =	rddreg [dreg:$0xd];
	[sflag:s17] =	ssyncadd.s32 $0xFFFFC000  }
0x76: {  	[spmem:s2] =	stream.indirect.scatter.add.f32 [tilespmem:s11], [sflag:$0x3], $0x80, s8, s15, $0xb8;
	[tilespmem:$0x1D8C0] =	vst v63  }
0x77: {  	_ =	swait.ge [sflag:s13], $0x4000  }
0x78: {  	[sflag:s13] =	ssyncset.done $0x0  }
0x79: {  	s19 =	rddreg [dreg:$0xe];
	[sflag:s13] =	ssyncadd.s32 $0xFFFFC000  }
0x7a: {  	[tilespmem:s11], [sflag:$0x1] =	stream.indirect.gather [hbm4b:s1+s15], $0x80, s19, s15, $0xb8;
	[tilespmem:$0x1D8C0] =	vst v63  }
0x7b: {  	_ =	swait.ge [sflag:s12], $0x4000  }
0x7c: {  	[sflag:s12] =	ssyncset.done $0x0  }
0x7d: {  	s0 =	rddreg [dreg:$0xf];
	[sflag:s12] =	ssyncadd.s32 $0xFFFFC000  }
0x7e: {  	[spmem:s2] =	stream.indirect.scatter.add.f32 [tilespmem:s16], [sflag:$0x3], $0x80, s0, s15, $0xb8;
	[tilespmem:$0x1D8C0] =	vst v63  }
0x7f: {  	_ =	swait.ge [sflag:s13], $0x4000  }
0x80: {  	[sflag:s13] =	ssyncset.done $0x0  }
0x81: {  	s6 =	rddreg [dreg:$0x10];
	[sflag:s13] =	ssyncadd.s32 $0xFFFFC000  }
0x82: {  	[tilespmem:s16], [sflag:$0x2] =	stream.indirect.gather [hbm4b:s1+s15], $0x80, s6, s15, $0xb8;
	[tilespmem:$0x1D8C0] =	vst v63  }
0x83: {  	_ =	swait.ge [sflag:s17], $0x4000  }
0x84: {  	[sflag:s17] =	ssyncset.done $0x0  }
0x85: {  	s8 =	rddreg [dreg:$0x11];
	[sflag:s17] =	ssyncadd.s32 $0xFFFFC000  }
0x86: {  	[spmem:s2] =	stream.indirect.scatter.add.f32 [tilespmem:s11], [sflag:$0x3], $0x80, s8, s15, $0xb8;
	[tilespmem:$0x1D8C0] =	vst v63  }
0x87: {  	_ =	swait.ge [sflag:s13], $0x4000  }
0x88: {  	[sflag:s13] =	ssyncset.done $0x0  }
0x89: {  	[sflag:s13] =	ssyncadd.s32 $0xFFFFC000  }
0x8a: {  	[tilespmem:s11], [sflag:$0x1] =	stream.indirect.gather [hbm4b:s1+s15], $0x80, s18, s15, $0xb8;
	[tilespmem:$0x1D8C0] =	vst v63  }
0x8b: {  	_ =	swait.ge [sflag:s12], $0x4000  }
0x8c: {  	[sflag:s12] =	ssyncset.done $0x0  }
0x8d: {  	[sflag:s12] =	ssyncadd.s32 $0xFFFFC000  }
0x8e: {  	[spmem:s2] =	stream.indirect.scatter.add.f32 [tilespmem:s16], [sflag:$0x3], $0x80, s21, s15, $0xb8;
	[tilespmem:$0x1D8C0] =	vst v63  }
0x8f: {  	_ =	swait.ge [sflag:s13], $0x4000  }
0x90: {  	[sflag:s13] =	ssyncset.done $0x0  }
0x91: {  	[sflag:s13] =	ssyncadd.s32 $0xFFFFC000  }
0x92: {  	[tilespmem:s16], [sflag:$0x2] =	stream.indirect.gather [hbm4b:s1+s15], $0x80, s22, s15, $0xb8;
	[tilespmem:$0x1D8C0] =	vst v63  }
0x93: {  	_ =	swait.ge [sflag:s17], $0x4000  }
0x94: {  	[sflag:s17] =	ssyncset.done $0x0  }
0x95: {  	[sflag:s17] =	ssyncadd.s32 $0xFFFFC000  }
0x96: {  	[spmem:s2] =	stream.indirect.scatter.add.f32 [tilespmem:s11], [sflag:$0x3], $0x80, s23, s15, $0xb8;
	[tilespmem:$0x1D8C0] =	vst v63  }
0x97: {  	_ =	swait.ge [sflag:s13], $0x4000  }
0x98: {  	[sflag:s13] =	ssyncset.done $0x0  }
0x99: {  	[sflag:s13] =	ssyncadd.s32 $0xFFFFC000  }
0x9a: {  	[tilespmem:s11], [sflag:$0x1] =	stream.indirect.gather [hbm4b:s1+s15], $0x80, s24, s15, $0xb8;
	[tilespmem:$0x1D8C0] =	vst v63  }
0x9b: {  	_ =	swait.ge [sflag:s12], $0x4000  }
0x9c: {  	[sflag:s12] =	ssyncset.done $0x0  }
0x9d: {  	[sflag:s12] =	ssyncadd.s32 $0xFFFFC000  }
0x9e: {  	[spmem:s2] =	stream.indirect.scatter.add.f32 [tilespmem:s16], [sflag:$0x3], $0x80, s25, s15, $0xb8;
	[tilespmem:$0x1D8C0] =	vst v63  }
0x9f: {  	_ =	swait.ge [sflag:s13], $0x4000  }
0xa0: {  	[sflag:s13] =	ssyncset.done $0x0  }
0xa1: {  	[sflag:s13] =	ssyncadd.s32 $0xFFFFC000  }
0xa2: {  	[tilespmem:s16], [sflag:$0x2] =	stream.indirect.gather [hbm4b:s1+s15], $0x80, s26, s15, $0xb8;
	[tilespmem:$0x1D8C0] =	vst v63  }
0xa3: {  	_ =	swait.ge [sflag:s17], $0x4000  }
0xa4: {  	[sflag:s17] =	ssyncset.done $0x0  }
0xa5: {  	[sflag:s17] =	ssyncadd.s32 $0xFFFFC000  }
0xa6: {  	[spmem:s2] =	stream.indirect.scatter.add.f32 [tilespmem:s11], [sflag:$0x3], $0x80, s28, s15, $0xb8;
	[tilespmem:$0x1D8C0] =	vst v63  }
0xa7: {  	_ =	swait.ge [sflag:s13], $0x4000  }
0xa8: {  	[sflag:s13] =	ssyncset.done $0x0  }
0xa9: {  	[sflag:s13] =	ssyncadd.s32 $0xFFFFC000  }
0xaa: {  	[tilespmem:s11], [sflag:$0x1] =	stream.indirect.gather [hbm4b:s1+s15], $0x80, s29, s15, $0xb8;
	[tilespmem:$0x1D8C0] =	vst v63  }
0xab: {  	_ =	swait.ge [sflag:s12], $0x4000  }
0xac: {  	[sflag:s12] =	ssyncset.done $0x0  }
0xad: {  	[sflag:s12] =	ssyncadd.s32 $0xFFFFC000  }
0xae: {  	[spmem:s2] =	stream.indirect.scatter.add.f32 [tilespmem:s16], [sflag:$0x3], $0x80, s30, s15, $0xb8;
	[tilespmem:$0x1D8C0] =	vst v63  }
0xaf: {  	_ =	swait.ge [sflag:s13], $0x4000  }
0xb0: {  	[sflag:s13] =	ssyncset.done $0x0  }
0xb1: {  	[sflag:s13] =	ssyncadd.s32 $0xFFFFC000  }
0xb2: {  	[tilespmem:s16], [sflag:$0x2] =	stream.indirect.gather [hbm4b:s1+s15], $0x80, s31, s15, $0xb8;
	[tilespmem:$0x1D8C0] =	vst v63  }
0xb3: {  	_ =	swait.ge [sflag:s17], $0x4000  }
0xb4: {  	[sflag:s17] =	ssyncset.done $0x0  }
0xb5: {  	s0 =	simm.s32 $0xE00;
	[sflag:s17] =	ssyncadd.s32 $0xFFFFC000  }
0xb6: {  	[spmem:s2] =	stream.indirect.scatter.add.f32 [tilespmem:s11], [sflag:$0x3], $0x80, s0, s15, $0xb8;
	[tilespmem:$0x1D8C0] =	vst v63  }
0xb7: {  	_ =	swait.ge [sflag:s13], $0x4000  }
0xb8: {  	[sflag:s13] =	ssyncset.done $0x0  }
0xb9: {  	s8 =	simm.s32 $0x700;
	[sflag:s13] =	ssyncadd.s32 $0xFFFFC000  }
0xba: {  	[tilespmem:s11], [sflag:$0x1] =	stream.indirect.gather [hbm4b:s1+s15], $0x80, s8, s15, $0xb8;
	[tilespmem:$0x1D8C0] =	vst v63  }
0xbb: {  	_ =	swait.ge [sflag:s12], $0x4000  }
0xbc: {  	[sflag:s12] =	ssyncset.done $0x0  }
0xbd: {  	[sflag:s12] =	ssyncadd.s32 $0xFFFFC000  }
0xbe: {  	[spmem:s2] =	stream.indirect.scatter.add.f32 [tilespmem:s16], [sflag:$0x3], $0x80, s10, s15, $0xb8;
	[tilespmem:$0x1D8C0] =	vst v63  }
0xbf: {  	_ =	swait.ge [sflag:s13], $0x4000  }
0xc0: {  	[sflag:s13] =	ssyncset.done $0x0  }
0xc1: {  	[sflag:s13] =	ssyncadd.s32 $0xFFFFC000  }
0xc2: {  	[tilespmem:s16], [sflag:$0x2] =	stream.indirect.gather [hbm4b:s1+s15], $0x80, s7, s15, $0xb8;
	[tilespmem:$0x1D8C0] =	vst v63  }
0xc3: {  	_ =	swait.ge [sflag:s17], $0x4000  }
0xc4: {  	[sflag:s17] =	ssyncset.done $0x0  }
0xc5: {  	s18 =	simm.s32 $0xF00;
	[sflag:s17] =	ssyncadd.s32 $0xFFFFC000  }
0xc6: {  	[spmem:s2] =	stream.indirect.scatter.add.f32 [tilespmem:s11], [sflag:$0x3], $0x80, s18, s15, $0xb8;
	[tilespmem:$0x1D8C0] =	vst v63  }
0xc7: {  	_ =	swait.ge [sflag:s13], $0x4000  }
0xc8: {  	[sflag:s13] =	ssyncset.done $0x0  }
0xc9: {  	[sflag:s13] =	ssyncadd.s32 $0xFFFFC000  }
0xca: {  	_ =	swait.ge [sflag:s12], $0x4000  }
0xcb: {  	[sflag:s12] =	ssyncset.done $0x0  }
0xcc: {  	s19 =	simm.s32 $0xF80;
	[sflag:s12] =	ssyncadd.s32 $0xFFFFC000  }
0xcd: {  	[spmem:s2] =	stream.indirect.scatter.add.f32 [tilespmem:s16], [sflag:$0x3], $0x80, s19, s15, $0xb8;
	[tilespmem:$0x1D8C0] =	vst v63  }
0xce: {  	s3 =	simm.s32 $0x200;
	_ =	swait.ge [sflag:s13], $0x4000  }
0xcf: {  	s6 =	simm.s32 $0x100;
	s18 =	rddreg [dreg:$0x4];
	[sflag:s13] =	ssyncset.done $0x0  }
.LBB2_8:
0xd0: {  	[sflag:s13] =	ssyncadd.s32 $0xFFFFC000;
	s18 =	sadd.s32 s6, s18  }
0xd1: {  	[tilespmem:s4], [sflag:$0x3] =	stream.linear.gather [hbm4b:s18+s4], $0x800, $0x38;
	[tilespmem:$0x1D8C0] =	vst v63  }
0xd2: {  	_ =	swait.ge [sflag:s13], $0x800  }
0xd3: {  	s18 =	rddreg [dreg:$0x5];
	[sflag:s13] =	ssyncset.done $0x0  }
0xd4: {  	[sflag:s13] =	ssyncadd.s32 $0xFFFFF800;
	s18 =	sadd.s32 s6, s18  }
0xd5: {  	[tilespmem:s14], [sflag:$0x3] =	stream.linear.gather [hbm4b:s18+s4], $0x800, $0x38;
	[tilespmem:$0x1D8C0] =	vst v63  }
0xd6: {  	_ =	swait.ge [sflag:s13], $0x800  }
0xd7: {  	[sflag:s13] =	ssyncset.done $0x0  }
0xd8: {  	[sflag:s13] =	ssyncadd.s32 $0xFFFFF800  }
0xd9: {  	[tilespmem:s11], [sflag:$0x1] =	stream.indirect.gather [hbm4b:s1+s15], $0x80, s4, s15, $0xb8;
	[tilespmem:$0x1D8C0] =	vst v63  }
0xda: {  	_ = 	snop  }
0xdb: {  	[tilespmem:s16], [sflag:$0x2] =	stream.indirect.gather [hbm4b:s1+s15], $0x80, s15, s15, $0xb8;
	[tilespmem:$0x1D8C0] =	vst v63  }
0xdc: {  	_ =	swait.ge [sflag:s17], $0x4000  }
0xdd: {  	[sflag:s17] =	ssyncset.done $0x0  }
0xde: {  	[sflag:s17] =	ssyncadd.s32 $0xFFFFC000  }
0xdf: {  	[spmem:s2] =	stream.indirect.scatter.add.f32 [tilespmem:s11], [sflag:$0x3], $0x80, s14, s15, $0xb8;
	[tilespmem:$0x1D8C0] =	vst v63  }
0xe0: {  	_ =	swait.ge [sflag:s13], $0x4000  }
0xe1: {  	[sflag:s13] =	ssyncset.done $0x0  }
0xe2: {  	s18 =	rddreg [dreg:$0x6];
	[sflag:s13] =	ssyncadd.s32 $0xFFFFC000  }
0xe3: {  	[tilespmem:s11], [sflag:$0x1] =	stream.indirect.gather [hbm4b:s1+s15], $0x80, s18, s15, $0xb8;
	[tilespmem:$0x1D8C0] =	vst v63  }
0xe4: {  	_ =	swait.ge [sflag:s12], $0x4000  }
0xe5: {  	[sflag:s12] =	ssyncset.done $0x0  }
0xe6: {  	s18 =	rddreg [dreg:$0x7];
	[sflag:s12] =	ssyncadd.s32 $0xFFFFC000  }
0xe7: {  	[spmem:s2] =	stream.indirect.scatter.add.f32 [tilespmem:s16], [sflag:$0x3], $0x80, s18, s15, $0xb8;
	[tilespmem:$0x1D8C0] =	vst v63  }
0xe8: {  	_ =	swait.ge [sflag:s13], $0x4000  }
0xe9: {  	[sflag:s13] =	ssyncset.done $0x0  }
0xea: {  	s18 =	rddreg [dreg:$0x8];
	[sflag:s13] =	ssyncadd.s32 $0xFFFFC000  }
0xeb: {  	[tilespmem:s16], [sflag:$0x2] =	stream.indirect.gather [hbm4b:s1+s15], $0x80, s18, s15, $0xb8;
	[tilespmem:$0x1D8C0] =	vst v63  }
0xec: {  	_ =	swait.ge [sflag:s17], $0x4000  }
0xed: {  	[sflag:s17] =	ssyncset.done $0x0  }
0xee: {  	s18 =	rddreg [dreg:$0x9];
	[sflag:s17] =	ssyncadd.s32 $0xFFFFC000  }
0xef: {  	[spmem:s2] =	stream.indirect.scatter.add.f32 [tilespmem:s11], [sflag:$0x3], $0x80, s18, s15, $0xb8;
	[tilespmem:$0x1D8C0] =	vst v63  }
0xf0: {  	_ =	swait.ge [sflag:s13], $0x4000  }
0xf1: {  	[sflag:s13] =	ssyncset.done $0x0  }
0xf2: {  	s18 =	rddreg [dreg:$0xa];
	[sflag:s13] =	ssyncadd.s32 $0xFFFFC000  }
0xf3: {  	[tilespmem:s11], [sflag:$0x1] =	stream.indirect.gather [hbm4b:s1+s15], $0x80, s18, s15, $0xb8;
	[tilespmem:$0x1D8C0] =	vst v63  }
0xf4: {  	_ =	swait.ge [sflag:s12], $0x4000  }
0xf5: {  	[sflag:s12] =	ssyncset.done $0x0  }
0xf6: {  	s18 =	rddreg [dreg:$0xb];
	[sflag:s12] =	ssyncadd.s32 $0xFFFFC000  }
0xf7: {  	[spmem:s2] =	stream.indirect.scatter.add.f32 [tilespmem:s16], [sflag:$0x3], $0x80, s18, s15, $0xb8;
	[tilespmem:$0x1D8C0] =	vst v63  }
0xf8: {  	_ =	swait.ge [sflag:s13], $0x4000  }
0xf9: {  	[sflag:s13] =	ssyncset.done $0x0  }
0xfa: {  	s18 =	rddreg [dreg:$0xc];
	[sflag:s13] =	ssyncadd.s32 $0xFFFFC000  }
0xfb: {  	[tilespmem:s16], [sflag:$0x2] =	stream.indirect.gather [hbm4b:s1+s15], $0x80, s18, s15, $0xb8;
	[tilespmem:$0x1D8C0] =	vst v63  }
0xfc: {  	_ =	swait.ge [sflag:s17], $0x4000  }
0xfd: {  	[sflag:s17] =	ssyncset.done $0x0  }
0xfe: {  	s18 =	rddreg [dreg:$0xd];
	[sflag:s17] =	ssyncadd.s32 $0xFFFFC000  }
0xff: {  	[spmem:s2] =	stream.indirect.scatter.add.f32 [tilespmem:s11], [sflag:$0x3], $0x80, s18, s15, $0xb8;
	[tilespmem:$0x1D8C0] =	vst v63  }
0x100: {  	_ =	swait.ge [sflag:s13], $0x4000  }
0x101: {  	[sflag:s13] =	ssyncset.done $0x0  }
0x102: {  	s18 =	rddreg [dreg:$0xe];
	[sflag:s13] =	ssyncadd.s32 $0xFFFFC000  }
0x103: {  	[tilespmem:s11], [sflag:$0x1] =	stream.indirect.gather [hbm4b:s1+s15], $0x80, s18, s15, $0xb8;
	[tilespmem:$0x1D8C0] =	vst v63  }
0x104: {  	_ =	swait.ge [sflag:s12], $0x4000  }
0x105: {  	[sflag:s12] =	ssyncset.done $0x0  }
0x106: {  	s18 =	rddreg [dreg:$0xf];
	[sflag:s12] =	ssyncadd.s32 $0xFFFFC000  }
0x107: {  	[spmem:s2] =	stream.indirect.scatter.add.f32 [tilespmem:s16], [sflag:$0x3], $0x80, s18, s15, $0xb8;
	[tilespmem:$0x1D8C0] =	vst v63  }
0x108: {  	_ =	swait.ge [sflag:s13], $0x4000  }
0x109: {  	[sflag:s13] =	ssyncset.done $0x0  }
0x10a: {  	s18 =	rddreg [dreg:$0x10];
	[sflag:s13] =	ssyncadd.s32 $0xFFFFC000  }
0x10b: {  	[tilespmem:s16], [sflag:$0x2] =	stream.indirect.gather [hbm4b:s1+s15], $0x80, s18, s15, $0xb8;
	[tilespmem:$0x1D8C0] =	vst v63  }
0x10c: {  	_ =	swait.ge [sflag:s17], $0x4000  }
0x10d: {  	[sflag:s17] =	ssyncset.done $0x0  }
0x10e: {  	s18 =	rddreg [dreg:$0x11];
	[sflag:s17] =	ssyncadd.s32 $0xFFFFC000  }
0x10f: {  	[spmem:s2] =	stream.indirect.scatter.add.f32 [tilespmem:s11], [sflag:$0x3], $0x80, s18, s15, $0xb8;
	[tilespmem:$0x1D8C0] =	vst v63  }
0x110: {  	_ =	swait.ge [sflag:s13], $0x4000  }
0x111: {  	s19 =	smov.u32 s3;
	[sflag:s13] =	ssyncset.done $0x0  }
0x112: {  	s6 =	smov.u32 s19;
	s19 =	simm.s32 $0x400;
	[sflag:s13] =	ssyncadd.s32 $0xFFFFC000  }
0x113: {  	[tilespmem:s11], [sflag:$0x1] =	stream.indirect.gather [hbm4b:s1+s15], $0x80, s19, s15, $0xb8;
	[tilespmem:$0x1D8C0] =	vst v63  }
0x114: {  	_ =	swait.ge [sflag:s12], $0x4000  }
0x115: {  	[sflag:s12] =	ssyncset.done $0x0  }
0x116: {  	[sflag:s12] =	ssyncadd.s32 $0xFFFFC000  }
0x117: {  	[spmem:s2] =	stream.indirect.scatter.add.f32 [tilespmem:s16], [sflag:$0x3], $0x80, s21, s15, $0xb8;
	[tilespmem:$0x1D8C0] =	vst v63  }
0x118: {  	_ =	swait.ge [sflag:s13], $0x4000  }
0x119: {  	[sflag:s13] =	ssyncset.done $0x0  }
0x11a: {  	[sflag:s13] =	ssyncadd.s32 $0xFFFFC000  }
0x11b: {  	[tilespmem:s16], [sflag:$0x2] =	stream.indirect.gather [hbm4b:s1+s15], $0x80, s22, s15, $0xb8;
	[tilespmem:$0x1D8C0] =	vst v63  }
0x11c: {  	_ =	swait.ge [sflag:s17], $0x4000  }
0x11d: {  	[sflag:s17] =	ssyncset.done $0x0  }
0x11e: {  	[sflag:s17] =	ssyncadd.s32 $0xFFFFC000  }
0x11f: {  	[spmem:s2] =	stream.indirect.scatter.add.f32 [tilespmem:s11], [sflag:$0x3], $0x80, s23, s15, $0xb8;
	[tilespmem:$0x1D8C0] =	vst v63  }
0x120: {  	_ =	swait.ge [sflag:s13], $0x4000  }
0x121: {  	[sflag:s13] =	ssyncset.done $0x0  }
0x122: {  	[sflag:s13] =	ssyncadd.s32 $0xFFFFC000  }
0x123: {  	[tilespmem:s11], [sflag:$0x1] =	stream.indirect.gather [hbm4b:s1+s15], $0x80, s24, s15, $0xb8;
	[tilespmem:$0x1D8C0] =	vst v63  }
0x124: {  	_ =	swait.ge [sflag:s12], $0x4000  }
0x125: {  	[sflag:s12] =	ssyncset.done $0x0  }
0x126: {  	[sflag:s12] =	ssyncadd.s32 $0xFFFFC000  }
0x127: {  	[spmem:s2] =	stream.indirect.scatter.add.f32 [tilespmem:s16], [sflag:$0x3], $0x80, s25, s15, $0xb8;
	[tilespmem:$0x1D8C0] =	vst v63  }
0x128: {  	_ =	swait.ge [sflag:s13], $0x4000  }
0x129: {  	[sflag:s13] =	ssyncset.done $0x0  }
0x12a: {  	[sflag:s13] =	ssyncadd.s32 $0xFFFFC000  }
0x12b: {  	[tilespmem:s16], [sflag:$0x2] =	stream.indirect.gather [hbm4b:s1+s15], $0x80, s26, s15, $0xb8;
	[tilespmem:$0x1D8C0] =	vst v63  }
0x12c: {  	_ =	swait.ge [sflag:s17], $0x4000  }
0x12d: {  	[sflag:s17] =	ssyncset.done $0x0  }
0x12e: {  	[sflag:s17] =	ssyncadd.s32 $0xFFFFC000  }
0x12f: {  	[spmem:s2] =	stream.indirect.scatter.add.f32 [tilespmem:s11], [sflag:$0x3], $0x80, s28, s15, $0xb8;
	[tilespmem:$0x1D8C0] =	vst v63  }
0x130: {  	_ =	swait.ge [sflag:s13], $0x4000  }
0x131: {  	[sflag:s13] =	ssyncset.done $0x0  }
0x132: {  	[sflag:s13] =	ssyncadd.s32 $0xFFFFC000  }
0x133: {  	[tilespmem:s11], [sflag:$0x1] =	stream.indirect.gather [hbm4b:s1+s15], $0x80, s29, s15, $0xb8;
	[tilespmem:$0x1D8C0] =	vst v63  }
0x134: {  	_ =	swait.ge [sflag:s12], $0x4000  }
0x135: {  	[sflag:s12] =	ssyncset.done $0x0  }
0x136: {  	[sflag:s12] =	ssyncadd.s32 $0xFFFFC000  }
0x137: {  	[spmem:s2] =	stream.indirect.scatter.add.f32 [tilespmem:s16], [sflag:$0x3], $0x80, s30, s15, $0xb8;
	[tilespmem:$0x1D8C0] =	vst v63  }
0x138: {  	_ =	swait.ge [sflag:s13], $0x4000  }
0x139: {  	[sflag:s13] =	ssyncset.done $0x0  }
0x13a: {  	[sflag:s13] =	ssyncadd.s32 $0xFFFFC000  }
0x13b: {  	[tilespmem:s16], [sflag:$0x2] =	stream.indirect.gather [hbm4b:s1+s15], $0x80, s31, s15, $0xb8;
	[tilespmem:$0x1D8C0] =	vst v63  }
0x13c: {  	_ =	swait.ge [sflag:s17], $0x4000  }
0x13d: {  	[sflag:s17] =	ssyncset.done $0x0  }
0x13e: {  	[sflag:s17] =	ssyncadd.s32 $0xFFFFC000  }
0x13f: {  	[spmem:s2] =	stream.indirect.scatter.add.f32 [tilespmem:s11], [sflag:$0x3], $0x80, s0, s15, $0xb8;
	[tilespmem:$0x1D8C0] =	vst v63  }
0x140: {  	_ =	swait.ge [sflag:s13], $0x4000  }
0x141: {  	[sflag:s13] =	ssyncset.done $0x0  }
0x142: {  	[sflag:s13] =	ssyncadd.s32 $0xFFFFC000  }
0x143: {  	[tilespmem:s11], [sflag:$0x1] =	stream.indirect.gather [hbm4b:s1+s15], $0x80, s8, s15, $0xb8;
	[tilespmem:$0x1D8C0] =	vst v63  }
0x144: {  	_ =	swait.ge [sflag:s12], $0x4000  }
0x145: {  	[sflag:s12] =	ssyncset.done $0x0  }
0x146: {  	[sflag:s12] =	ssyncadd.s32 $0xFFFFC000  }
0x147: {  	[spmem:s2] =	stream.indirect.scatter.add.f32 [tilespmem:s16], [sflag:$0x3], $0x80, s10, s15, $0xb8;
	[tilespmem:$0x1D8C0] =	vst v63  }
0x148: {  	_ =	swait.ge [sflag:s13], $0x4000  }
0x149: {  	[sflag:s13] =	ssyncset.done $0x0  }
0x14a: {  	[sflag:s13] =	ssyncadd.s32 $0xFFFFC000  }
0x14b: {  	[tilespmem:s16], [sflag:$0x2] =	stream.indirect.gather [hbm4b:s1+s15], $0x80, s7, s15, $0xb8;
	[tilespmem:$0x1D8C0] =	vst v63  }
0x14c: {  	_ =	swait.ge [sflag:s17], $0x4000  }
0x14d: {  	[sflag:s17] =	ssyncset.done $0x0  }
0x14e: {  	s18 =	simm.s32 $0xF00;
	[sflag:s17] =	ssyncadd.s32 $0xFFFFC000  }
0x14f: {  	[spmem:s2] =	stream.indirect.scatter.add.f32 [tilespmem:s11], [sflag:$0x3], $0x80, s18, s15, $0xb8;
	[tilespmem:$0x1D8C0] =	vst v63  }
0x150: {  	_ =	swait.ge [sflag:s13], $0x4000  }
0x151: {  	[sflag:s13] =	ssyncset.done $0x0  }
0x152: {  	[sflag:s13] =	ssyncadd.s32 $0xFFFFC000  }
0x153: {  	p3 =	sne.s32 s3, $0x400;
	_ =	swait.ge [sflag:s12], $0x4000  }
.Ltmp5:
0x154: {  	[sflag:s12] =	ssyncset.done $0x0;
	(pc) =	sbr.rel @p3 .LBB2_8-.Ltmp5, $4  }
0x155: {  	s18 =	simm.s32 $0xF80;
	[sflag:s12] =	ssyncadd.s32 $0xFFFFC000  }
0x156: {  	[spmem:s2] =	stream.indirect.scatter.add.f32 [tilespmem:s16], [sflag:$0x3], $0x80, s18, s15, $0xb8;
	[tilespmem:$0x1D8C0] =	vst v63  }
0x157: {  	_ =	swait.ge [sflag:s13], $0x4000  }
0x158: {  	s3 =	sadd.s32 $0x100, s3;
	s18 =	rddreg [dreg:$0x4];
	[sflag:s13] =	ssyncset.done $0x0  }
0x159: {  	[sflag:s13] =	ssyncadd.s32 $0xFFFFC000;
	s3 =	sadd.s32 s6, s18  }
0x15a: {  	[tilespmem:s4], [sflag:$0x3] =	stream.linear.gather [hbm4b:s3+s4], $0x800, $0x38;
	[tilespmem:$0x1D8C0] =	vst v63  }
0x15b: {  	_ =	swait.ge [sflag:s13], $0x800  }
0x15c: {  	s18 =	rddreg [dreg:$0x5];
	[sflag:s13] =	ssyncset.done $0x0  }
0x15d: {  	[sflag:s13] =	ssyncadd.s32 $0xFFFFF800;
	s3 =	sadd.s32 s6, s18  }
0x15e: {  	[tilespmem:s14], [sflag:$0x3] =	stream.linear.gather [hbm4b:s3+s4], $0x800, $0x38;
	[tilespmem:$0x1D8C0] =	vst v63  }
0x15f: {  	_ =	swait.ge [sflag:s13], $0x800  }
0x160: {  	[sflag:s13] =	ssyncset.done $0x0  }
0x161: {  	[sflag:s13] =	ssyncadd.s32 $0xFFFFF800  }
0x162: {  	[tilespmem:s11], [sflag:$0x1] =	stream.indirect.gather [hbm4b:s1+s15], $0x80, s4, s15, $0xb8;
	[tilespmem:$0x1D8C0] =	vst v63  }
0x163: {  	_ = 	snop  }
0x164: {  	[tilespmem:s16], [sflag:$0x2] =	stream.indirect.gather [hbm4b:s1+s15], $0x80, s15, s15, $0xb8;
	[tilespmem:$0x1D8C0] =	vst v63  }
0x165: {  	_ =	swait.ge [sflag:s17], $0x4000  }
0x166: {  	[sflag:s17] =	ssyncset.done $0x0  }
0x167: {  	[sflag:s17] =	ssyncadd.s32 $0xFFFFC000  }
0x168: {  	[spmem:s2] =	stream.indirect.scatter.add.f32 [tilespmem:s11], [sflag:$0x3], $0x80, s14, s15, $0xb8;
	[tilespmem:$0x1D8C0] =	vst v63  }
0x169: {  	_ =	swait.ge [sflag:s13], $0x4000  }
0x16a: {  	[sflag:s13] =	ssyncset.done $0x0  }
0x16b: {  	s18 =	rddreg [dreg:$0x6];
	[sflag:s13] =	ssyncadd.s32 $0xFFFFC000  }
0x16c: {  	[tilespmem:s11], [sflag:$0x1] =	stream.indirect.gather [hbm4b:s1+s15], $0x80, s18, s15, $0xb8;
	[tilespmem:$0x1D8C0] =	vst v63  }
0x16d: {  	_ =	swait.ge [sflag:s12], $0x4000  }
0x16e: {  	[sflag:s12] =	ssyncset.done $0x0  }
0x16f: {  	s6 =	rddreg [dreg:$0x7];
	[sflag:s12] =	ssyncadd.s32 $0xFFFFC000  }
0x170: {  	[spmem:s2] =	stream.indirect.scatter.add.f32 [tilespmem:s16], [sflag:$0x3], $0x80, s6, s15, $0xb8;
	[tilespmem:$0x1D8C0] =	vst v63  }
0x171: {  	_ =	swait.ge [sflag:s13], $0x4000  }
0x172: {  	[sflag:s13] =	ssyncset.done $0x0  }
0x173: {  	s18 =	rddreg [dreg:$0x8];
	[sflag:s13] =	ssyncadd.s32 $0xFFFFC000  }
0x174: {  	[tilespmem:s16], [sflag:$0x2] =	stream.indirect.gather [hbm4b:s1+s15], $0x80, s18, s15, $0xb8;
	[tilespmem:$0x1D8C0] =	vst v63  }
0x175: {  	_ =	swait.ge [sflag:s17], $0x4000  }
0x176: {  	[sflag:s17] =	ssyncset.done $0x0  }
0x177: {  	s6 =	rddreg [dreg:$0x9];
	[sflag:s17] =	ssyncadd.s32 $0xFFFFC000  }
0x178: {  	[spmem:s2] =	stream.indirect.scatter.add.f32 [tilespmem:s11], [sflag:$0x3], $0x80, s6, s15, $0xb8;
	[tilespmem:$0x1D8C0] =	vst v63  }
0x179: {  	_ =	swait.ge [sflag:s13], $0x4000  }
0x17a: {  	[sflag:s13] =	ssyncset.done $0x0  }
0x17b: {  	s18 =	rddreg [dreg:$0xa];
	[sflag:s13] =	ssyncadd.s32 $0xFFFFC000  }
0x17c: {  	[tilespmem:s11], [sflag:$0x1] =	stream.indirect.gather [hbm4b:s1+s15], $0x80, s18, s15, $0xb8;
	[tilespmem:$0x1D8C0] =	vst v63  }
0x17d: {  	_ =	swait.ge [sflag:s12], $0x4000  }
0x17e: {  	[sflag:s12] =	ssyncset.done $0x0  }
0x17f: {  	s6 =	rddreg [dreg:$0xb];
	[sflag:s12] =	ssyncadd.s32 $0xFFFFC000  }
0x180: {  	[spmem:s2] =	stream.indirect.scatter.add.f32 [tilespmem:s16], [sflag:$0x3], $0x80, s6, s15, $0xb8;
	[tilespmem:$0x1D8C0] =	vst v63  }
0x181: {  	_ =	swait.ge [sflag:s13], $0x4000  }
0x182: {  	[sflag:s13] =	ssyncset.done $0x0  }
0x183: {  	s18 =	rddreg [dreg:$0xc];
	[sflag:s13] =	ssyncadd.s32 $0xFFFFC000  }
0x184: {  	[tilespmem:s16], [sflag:$0x2] =	stream.indirect.gather [hbm4b:s1+s15], $0x80, s18, s15, $0xb8;
	[tilespmem:$0x1D8C0] =	vst v63  }
0x185: {  	_ =	swait.ge [sflag:s17], $0x4000  }
0x186: {  	[sflag:s17] =	ssyncset.done $0x0  }
0x187: {  	s6 =	rddreg [dreg:$0xd];
	[sflag:s17] =	ssyncadd.s32 $0xFFFFC000  }
0x188: {  	[spmem:s2] =	stream.indirect.scatter.add.f32 [tilespmem:s11], [sflag:$0x3], $0x80, s6, s15, $0xb8;
	[tilespmem:$0x1D8C0] =	vst v63  }
0x189: {  	_ =	swait.ge [sflag:s13], $0x4000  }
0x18a: {  	[sflag:s13] =	ssyncset.done $0x0  }
0x18b: {  	s18 =	rddreg [dreg:$0xe];
	[sflag:s13] =	ssyncadd.s32 $0xFFFFC000  }
0x18c: {  	[tilespmem:s11], [sflag:$0x1] =	stream.indirect.gather [hbm4b:s1+s15], $0x80, s18, s15, $0xb8;
	[tilespmem:$0x1D8C0] =	vst v63  }
0x18d: {  	_ =	swait.ge [sflag:s12], $0x4000  }
0x18e: {  	[sflag:s12] =	ssyncset.done $0x0  }
0x18f: {  	s6 =	rddreg [dreg:$0xf];
	[sflag:s12] =	ssyncadd.s32 $0xFFFFC000  }
0x190: {  	[spmem:s2] =	stream.indirect.scatter.add.f32 [tilespmem:s16], [sflag:$0x3], $0x80, s6, s15, $0xb8;
	[tilespmem:$0x1D8C0] =	vst v63  }
0x191: {  	_ =	swait.ge [sflag:s13], $0x4000  }
0x192: {  	[sflag:s13] =	ssyncset.done $0x0  }
0x193: {  	s18 =	rddreg [dreg:$0x10];
	[sflag:s13] =	ssyncadd.s32 $0xFFFFC000  }
0x194: {  	[tilespmem:s16], [sflag:$0x2] =	stream.indirect.gather [hbm4b:s1+s15], $0x80, s18, s15, $0xb8;
	[tilespmem:$0x1D8C0] =	vst v63  }
0x195: {  	_ =	swait.ge [sflag:s17], $0x4000  }
0x196: {  	[sflag:s17] =	ssyncset.done $0x0  }
0x197: {  	s6 =	rddreg [dreg:$0x11];
	[sflag:s17] =	ssyncadd.s32 $0xFFFFC000  }
0x198: {  	[spmem:s2] =	stream.indirect.scatter.add.f32 [tilespmem:s11], [sflag:$0x3], $0x80, s6, s15, $0xb8;
	[tilespmem:$0x1D8C0] =	vst v63  }
0x199: {  	_ =	swait.ge [sflag:s13], $0x4000  }
0x19a: {  	[sflag:s13] =	ssyncset.done $0x0  }
0x19b: {  	[sflag:s13] =	ssyncadd.s32 $0xFFFFC000  }
0x19c: {  	[tilespmem:s11], [sflag:$0x1] =	stream.indirect.gather [hbm4b:s1+s15], $0x80, s19, s15, $0xb8;
	[tilespmem:$0x1D8C0] =	vst v63  }
0x19d: {  	_ =	swait.ge [sflag:s12], $0x4000  }
0x19e: {  	[sflag:s12] =	ssyncset.done $0x0  }
0x19f: {  	[sflag:s12] =	ssyncadd.s32 $0xFFFFC000  }
0x1a0: {  	[spmem:s2] =	stream.indirect.scatter.add.f32 [tilespmem:s16], [sflag:$0x3], $0x80, s21, s15, $0xb8;
	[tilespmem:$0x1D8C0] =	vst v63  }
0x1a1: {  	_ =	swait.ge [sflag:s13], $0x4000  }
0x1a2: {  	[sflag:s13] =	ssyncset.done $0x0  }
0x1a3: {  	[sflag:s13] =	ssyncadd.s32 $0xFFFFC000  }
0x1a4: {  	[tilespmem:s16], [sflag:$0x2] =	stream.indirect.gather [hbm4b:s1+s15], $0x80, s22, s15, $0xb8;
	[tilespmem:$0x1D8C0] =	vst v63  }
0x1a5: {  	_ =	swait.ge [sflag:s17], $0x4000  }
0x1a6: {  	[sflag:s17] =	ssyncset.done $0x0  }
0x1a7: {  	[sflag:s17] =	ssyncadd.s32 $0xFFFFC000  }
0x1a8: {  	[spmem:s2] =	stream.indirect.scatter.add.f32 [tilespmem:s11], [sflag:$0x3], $0x80, s23, s15, $0xb8;
	[tilespmem:$0x1D8C0] =	vst v63  }
0x1a9: {  	_ =	swait.ge [sflag:s13], $0x4000  }
0x1aa: {  	[sflag:s13] =	ssyncset.done $0x0  }
0x1ab: {  	[sflag:s13] =	ssyncadd.s32 $0xFFFFC000  }
0x1ac: {  	[tilespmem:s11], [sflag:$0x1] =	stream.indirect.gather [hbm4b:s1+s15], $0x80, s24, s15, $0xb8;
	[tilespmem:$0x1D8C0] =	vst v63  }
0x1ad: {  	_ =	swait.ge [sflag:s12], $0x4000  }
0x1ae: {  	[sflag:s12] =	ssyncset.done $0x0  }
0x1af: {  	[sflag:s12] =	ssyncadd.s32 $0xFFFFC000  }
0x1b0: {  	[spmem:s2] =	stream.indirect.scatter.add.f32 [tilespmem:s16], [sflag:$0x3], $0x80, s25, s15, $0xb8;
	[tilespmem:$0x1D8C0] =	vst v63  }
0x1b1: {  	_ =	swait.ge [sflag:s13], $0x4000  }
0x1b2: {  	[sflag:s13] =	ssyncset.done $0x0  }
0x1b3: {  	[sflag:s13] =	ssyncadd.s32 $0xFFFFC000  }
0x1b4: {  	[tilespmem:s16], [sflag:$0x2] =	stream.indirect.gather [hbm4b:s1+s15], $0x80, s26, s15, $0xb8;
	[tilespmem:$0x1D8C0] =	vst v63  }
0x1b5: {  	_ =	swait.ge [sflag:s17], $0x4000  }
0x1b6: {  	[sflag:s17] =	ssyncset.done $0x0  }
0x1b7: {  	[sflag:s17] =	ssyncadd.s32 $0xFFFFC000  }
0x1b8: {  	[spmem:s2] =	stream.indirect.scatter.add.f32 [tilespmem:s11], [sflag:$0x3], $0x80, s28, s15, $0xb8;
	[tilespmem:$0x1D8C0] =	vst v63  }
0x1b9: {  	_ =	swait.ge [sflag:s13], $0x4000  }
0x1ba: {  	[sflag:s13] =	ssyncset.done $0x0  }
0x1bb: {  	[sflag:s13] =	ssyncadd.s32 $0xFFFFC000  }
0x1bc: {  	[tilespmem:s11], [sflag:$0x1] =	stream.indirect.gather [hbm4b:s1+s15], $0x80, s29, s15, $0xb8;
	[tilespmem:$0x1D8C0] =	vst v63  }
0x1bd: {  	_ =	swait.ge [sflag:s12], $0x4000  }
0x1be: {  	[sflag:s12] =	ssyncset.done $0x0  }
0x1bf: {  	[sflag:s12] =	ssyncadd.s32 $0xFFFFC000  }
0x1c0: {  	[spmem:s2] =	stream.indirect.scatter.add.f32 [tilespmem:s16], [sflag:$0x3], $0x80, s30, s15, $0xb8;
	[tilespmem:$0x1D8C0] =	vst v63  }
0x1c1: {  	_ =	swait.ge [sflag:s13], $0x4000  }
0x1c2: {  	[sflag:s13] =	ssyncset.done $0x0  }
0x1c3: {  	[sflag:s13] =	ssyncadd.s32 $0xFFFFC000  }
0x1c4: {  	[tilespmem:s16], [sflag:$0x2] =	stream.indirect.gather [hbm4b:s1+s15], $0x80, s31, s15, $0xb8;
	[tilespmem:$0x1D8C0] =	vst v63  }
0x1c5: {  	_ =	swait.ge [sflag:s17], $0x4000  }
0x1c6: {  	[sflag:s17] =	ssyncset.done $0x0  }
0x1c7: {  	[sflag:s17] =	ssyncadd.s32 $0xFFFFC000  }
0x1c8: {  	[spmem:s2] =	stream.indirect.scatter.add.f32 [tilespmem:s11], [sflag:$0x3], $0x80, s0, s15, $0xb8;
	[tilespmem:$0x1D8C0] =	vst v63  }
0x1c9: {  	_ =	swait.ge [sflag:s13], $0x4000  }
0x1ca: {  	[sflag:s13] =	ssyncset.done $0x0  }
0x1cb: {  	[sflag:s13] =	ssyncadd.s32 $0xFFFFC000  }
0x1cc: {  	[tilespmem:s11], [sflag:$0x1] =	stream.indirect.gather [hbm4b:s1+s15], $0x80, s8, s15, $0xb8;
	[tilespmem:$0x1D8C0] =	vst v63  }
0x1cd: {  	_ =	swait.ge [sflag:s12], $0x4000  }
0x1ce: {  	[sflag:s12] =	ssyncset.done $0x0  }
0x1cf: {  	[sflag:s12] =	ssyncadd.s32 $0xFFFFC000  }
0x1d0: {  	[spmem:s2] =	stream.indirect.scatter.add.f32 [tilespmem:s16], [sflag:$0x3], $0x80, s10, s15, $0xb8;
	[tilespmem:$0x1D8C0] =	vst v63  }
0x1d1: {  	_ =	swait.ge [sflag:s13], $0x4000  }
0x1d2: {  	[sflag:s13] =	ssyncset.done $0x0  }
0x1d3: {  	[sflag:s13] =	ssyncadd.s32 $0xFFFFC000  }
0x1d4: {  	[tilespmem:s16], [sflag:$0x2] =	stream.indirect.gather [hbm4b:s1+s15], $0x80, s7, s15, $0xb8;
	[tilespmem:$0x1D8C0] =	vst v63  }
0x1d5: {  	_ =	swait.ge [sflag:s17], $0x4000  }
0x1d6: {  	[sflag:s17] =	ssyncset.done $0x0  }
0x1d7: {  	s8 =	simm.s32 $0xF00;
	[sflag:s17] =	ssyncadd.s32 $0xFFFFC000  }
0x1d8: {  	[spmem:s2] =	stream.indirect.scatter.add.f32 [tilespmem:s11], [sflag:$0x3], $0x80, s8, s15, $0xb8;
	[tilespmem:$0x1D8C0] =	vst v63  }
0x1d9: {  	_ =	swait.ge [sflag:s13], $0x4000  }
0x1da: {  	[sflag:s13] =	ssyncset.done $0x0  }
0x1db: {  	[sflag:s13] =	ssyncadd.s32 $0xFFFFC000  }
0x1dc: {  	_ =	swait.ge [sflag:s12], $0x4000  }
0x1dd: {  	[sflag:s12] =	ssyncset.done $0x0  }
0x1de: {  	s18 =	simm.s32 $0xF80;
	[sflag:s12] =	ssyncadd.s32 $0xFFFFC000  }
0x1df: {  	[spmem:s2] =	stream.indirect.scatter.add.f32 [tilespmem:s16], [sflag:$0x3], $0x80, s18, s15, $0xb8;
	[tilespmem:$0x1D8C0] =	vst v63  }
0x1e0: {  	_ =	swait.ge [sflag:s13], $0x4000  }
.Ltmp6:
0x1e1: {  	[sflag:s13] =	ssyncset.done $0x0;
	(pc) =	sbr.rel @!p1 .LBB2_11-.Ltmp6, $4  }
0x1e2: {  	[sflag:s13] =	ssyncadd.s32 $0xFFFFC000  }
0x1e3: {  	[bflag:$0x0] =	sbarrier.arrive $0xFFFF  }
0x1e4: {  	s19 =	rddreg [dreg:$0x12]  }
0x1e5: {  	s3 =	rddreg [dreg:$0x13];
	s6 =	sadd.s32 $0xFFFFFFFF, s19  }
.LBB2_10:
0x1e6: {  	s18 =	smov.u32 s3  }
0x1e7: {  	p3 =	sne.s32 s6, $0x1;
	s3 =	sadd.s32 $0x800, s3;
	s18 =	simm.s32 @!p2 $0x2890  }
0x1e8: {  	s20 =	stileid.u32;
	s19 =	sshll.u32 s18, $0x7;
	s18 =	sshll.u32 s18, $0x9  }
0x1e9: {  	s20 =	sshll.u32 s20, $0x6;
	s19 =	sadd.s32 s9, s19;
	s18 =	sshra.s32 s18, $0x2  }
.Ltmp7:
0x1ea: {  	s19 =	sshrl.u32 s19, $0x3;
	s18 =	sadd.s32 s18, s2;
	(pc) =	sbr.rel @p3 .LBB2_10-.Ltmp7, $4  }
0x1eb: {  	s20 =	sor.u32 $0x1C02, s20;
	s19 =	sadd.s32 s5, s19;
	s18 =	sshrl.u32 s18, $0x3  }
0x1ec: {  	[hbm:s19], [sflag:s20] =	dma.local [spmem:s18], $0x800  }
0x1ed: {  	s20 =	stileid.u32  }
0x1ee: {  	s6 =	sadd.s32 $0xFFFFFFFF, s6;
	p2 =	slt.s32 s3, $0x2890  }
.LBB2_11:
0x1ef: {  	s3 =	simm.s32 @!p2 $0x2890  }
0x1f0: {  	s6 =	sshll.u32 s3, $0x7;
	s3 =	sshll.u32 s3, $0x9  }
0x1f1: {  	s18 =	sshll.u32 s20, $0x6;
	s6 =	sadd.s32 s9, s6;
	s3 =	sshra.s32 s3, $0x2  }
0x1f2: {  	s18 =	sor.u32 $0x1C02, s18;
	s6 =	sshrl.u32 s6, $0x3;
	s3 =	sadd.s32 s3, s2  }
.Ltmp8:
0x1f3: {  	s6 =	sadd.s32 s5, s6;
	s3 =	sshrl.u32 s3, $0x3;
	(pc) =	sbr.rel @!p1 .LBB2_13-.Ltmp8, $4  }
0x1f4: {  	[hbm:s6], [sflag:s18] =	dma.local [spmem:s3], $0x800  }
0x1f5: {  	_ =	swait.ge [sflag:s12], $0x800  }
0x1f6: {  	s8 =	rddreg [dreg:$0x12]  }
0x1f7: {  	[sflag:s12] =	ssyncset.done $0x0;
	s0 =	rddreg [dreg:$0x16];
	s3 =	sadd.s32 $0xFFFFFFFF, s8  }
.LBB2_12:
0x1f8: {  	p1 =	sne.s32 s3, $0x1;
	s3 =	sadd.s32 $0xFFFFFFFF, s3;
	[sflag:s12] =	ssyncadd.s32 $0xFFFFF800  }
.Ltmp9:
0x1f9: {  	(pc) =	sbr.rel @p1 .LBB2_12-.Ltmp9, $3  }
0x1fa: {  	_ =	sdelay $0x1  }
0x1fb: {  	_ =	swait.ge [sflag:s12], $0x800  }
0x1fc: {  	[sflag:s12] =	ssyncset.done $0x0  }
.LBB2_13:
0x1fd: {  	s0 =	sadd.s32 $0x1, s0;
	s3 =	rddreg [dreg:$0x15]  }
0x1fe: {  	p1 =	sne.s32 s0, s3  }
.Ltmp10:
0x1ff: {  	_ = 	snop;
	(pc) =	sbr.rel @p1 .LBB2_1-.Ltmp10, $2  }
0x200: {  	_ =	sdelay $0x2  }
0x201: {  	[sflag:s12] =	ssyncadd.s32 $0xFFFFF800  }
0x202: {  	_ =	sfence.sel $0x180000  }
0x203: {  	[bflag:$0x0] =	sbarrier.arrive $0xFFFF  }
0x204: {  	_ =	strace $0x9000004D  }
0x205: {  	[bflag:$0x2] =	sbarrier.arrive $0xFFFF  }
0x206: {  	s0 =	rddreg [dreg:$0x3]  }
0x207: {  	s0 =	sadd.s32 @!p0 $0x100000, s0  }
0x208: {  	[sflag:s0] =	ssyncadd.tile.s32 @!p0 $0x1;
	_ =	shalt  }
.Lfunc_end2:
_tile_overlayer_lowered:
.L_overlay_start_2:
0x209: {  	(tag) =	ssettag $0x2  }
0x20a: {  	s0 =	rddreg [dreg:$0x0];
	s2 =	stileid.u32  }
0x20b: {  	s1 =	rddreg [dreg:$0x1];
	p0 =	sne.s32 s2, $0x0  }
0x20c: {  	s3 =	rddreg [dreg:$0x2];
	[bflag:$0x3] =	sbarrier.arrive $0xFFFF;
	s2 =	simm.s32 @!p0 $0x1C03  }
0x20d: {  	[timem:s3], [sflag:s2] =	dma.local @!p0 [hbm:s0], s1  }
0x20e: {  	s0 =	simm.s32 @!p0 $0x3  }
0x20f: {  	_ =	swait.ge @!p0 [sflag:s0], s1  }
0x210: {  	s1 =	ssub.s32 @!p0 $0x0, s1;
	[sflag:s0] =	ssyncset.done @!p0 $0x0  }
0x211: {  	[sflag:s0] =	ssyncadd.s32 @!p0 s1  }
0x212: {  	[bflag:$0x3] =	sbarrier.arrive $0xFFFF  }
0x213: {  	_ =	shalt  }

</sc_bundles>
